<compile_context>
chip_gen: v7x
topology: tpu7x:2x2x1
jax: 0.10.2.dev20260603
libtpu: 0.0.44.dev20260713+nightly
codegen_flags: <defaults>
</compile_context>

<pallas_src>
import jax
import jax.numpy as jnp
from jax import lax
from jax.experimental import pallas as pl
from jax.experimental.pallas import tpu as pltpu
from jax.experimental.pallas import tpu_sc as plsc

NN = 10000
EE = 320000
DD = 128
HH = 4
CC = 32
HC = HH * CC
NEG = 0.2

NCORE = 2
NSUB = 16
NTILE = NCORE * NSUB

CHUNK = 32
ETOT = EE + NN
NCHUNK = -(-ETOT // (NTILE * CHUNK * 2)) * 2
EPT = NCHUNK * CHUNK
EPAD = NTILE * EPT
WB = 64

NUM_ROWS = 10240
DEN_ROWS = 1280
ACC_T = NUM_ROWS + DEN_ROWS
NRPT = NUM_ROWS // NSUB
DRPT = DEN_ROWS // NSUB



def _mm_body(x_ref, ws_ref, wd_ref, xs_ref, xd_ref):
    x = x_ref[...]
    xs_ref[...] = jnp.dot(x, ws_ref[...], preferred_element_type=jnp.float32)
    xd_ref[...] = jnp.dot(x, wd_ref[...], preferred_element_type=jnp.float32)


def _project(x, w_src, w_dst):
    rows = 1000
    grid = NN // rows
    return pl.pallas_call(
        _mm_body,
        grid=(grid,),
        in_specs=[
            pl.BlockSpec((rows, DD), lambda i: (i, 0)),
            pl.BlockSpec((DD, HC), lambda i: (0, 0)),
            pl.BlockSpec((DD, HC), lambda i: (0, 0)),
        ],
        out_specs=[
            pl.BlockSpec((rows, HC), lambda i: (i, 0)),
            pl.BlockSpec((rows, HC), lambda i: (i, 0)),
        ],
        out_shape=[jax.ShapeDtypeStruct((NN, HC), jnp.float32)] * 2,
    )(x, w_src, w_dst)



def _sc_edges_body(xs_hbm, xd_hbm, pk_hbm, att_hbm,
                   num_out, den_out,
                   pidx0, pidx1, cidx0, cidx1, xs0, xs1, xd0, xd1,
                   md0, md1, att_v,
                   acc, sgx0, sgx1, sgd0, sgd1, ssc0, ssc1):
    cid = lax.axis_index("c")
    sid = lax.axis_index("s")
    zero16 = jnp.zeros((16,), jnp.float32)
    pidx = (pidx0, pidx1)
    cidx = (cidx0, cidx1)
    xsb = (xs0, xs1)
    xdb = (xd0, xd1)
    mdb = (md0, md1)
    sgx = (sgx0, sgx1)
    sgd = (sgd0, sgd1)
    ssc = (ssc0, ssc1)

    def _zrow(r, c):
        for j in range(HC // 16):
            md0[r, pl.ds(16 * j, 16)] = zero16
        return c
    lax.fori_loop(0, WB, _zrow, 0)

    row0 = sid * NRPT
    for j in range(NRPT // WB):
        pltpu.sync_copy(md0, acc.at[pl.ds(row0 + j * WB, WB)])
    d0 = NUM_ROWS + sid * DRPT
    pltpu.sync_copy(md0, acc.at[pl.ds(d0, WB)])
    pltpu.sync_copy(md0, acc.at[pl.ds(d0 + DRPT - WB, WB)])
    plsc.subcore_barrier()

    pltpu.sync_copy(att_hbm, att_v)
    att_regs = [att_v[pl.ds(16 * j, 16)] for j in range(HC // 16)]
    lane = lax.broadcasted_iota(jnp.int32, (16,), 0)

    tile = cid * NSUB + sid
    base_w = tile * NCHUNK * 2 * CHUNK

    def _load_issue(n, p):
        off = pl.multiple_of(base_w + n * 2 * CHUNK, 2 * CHUNK)
        pltpu.sync_copy(pk_hbm.at[pl.ds(off, 2 * CHUNK)], pidx[p])
        pltpu.async_copy(xs_hbm.at[pidx[p].at[pl.ds(0, CHUNK)]], xsb[p],
                         sgx[p])
        pltpu.async_copy(xd_hbm.at[pidx[p].at[pl.ds(CHUNK, CHUNK)]], xdb[p],
                         sgd[p])

    def _wait_gathers(p):
        pltpu.make_async_copy(xs_hbm.at[pidx[p].at[pl.ds(0, CHUNK)]],
                              xsb[p], sgx[p]).wait()
        pltpu.make_async_copy(xd_hbm.at[pidx[p].at[pl.ds(CHUNK, CHUNK)]],
                              xdb[p], sgd[p]).wait()

    def _wait_scatter(p):
        pltpu.make_async_copy(mdb[p], acc.at[cidx[p]], ssc[p]).wait()

    def _compute(n, p):
        xs_b, xd_b, md_b, pidx_p, cidx_p = xsb[p], xdb[p], mdb[p], pidx[p], cidx[p]
        for j in range(CHUNK // 16):
            d = pidx_p[pl.ds(CHUNK + 16 * j, 16)]
            cidx_p[pl.ds(16 * j, 16)] = d
            cidx_p[pl.ds(CHUNK + 16 * j, 16)] = NUM_ROWS + (d >> 3)

        @plsc.parallel_loop(0, CHUNK, 1, unroll=4)
        def _edge(e):
            rs = [xs_b[e, pl.ds(16 * j, 16)] for j in range(HC // 16)]
            rd = [xd_b[e, pl.ds(16 * j, 16)] for j in range(HC // 16)]
            ps = []
            for h in range(HH):
                acc_h = None
                for k in (2 * h, 2 * h + 1):
                    sv = rs[k] + rd[k]
                    lv = jnp.where(sv >= 0.0, sv, sv * NEG) * att_regs[k]
                    acc_h = lv if acc_h is None else acc_h + lv
                for sh in (1, 2, 4, 8):
                    acc_h = acc_h + acc_h.at[lane ^ sh].get(
                        mode="promise_in_bounds")
                ps.append(jnp.exp(acc_h))
            for j in range(HC // 16):
                md_b[e, pl.ds(16 * j, 16)] = rs[j] * ps[j // 2]
            dv = jnp.where(lane == 0, ps[0], 0.0)
            dv = jnp.where(lane == 1, ps[1], dv)
            dv = jnp.where(lane == 2, ps[2], dv)
            dv = jnp.where(lane == 3, ps[3], dv)
            dsts = pidx_p[pl.ds(CHUNK + 16 * (e // 16), 16)]
            m8f = (dsts.at[jnp.full((16,), e % 16, jnp.int32)].get(
                mode="promise_in_bounds") & 7).astype(jnp.float32)
            for j in range(HC // 16):
                fac = jnp.maximum(1.0 - jnp.abs(m8f - float(j)), 0.0)
                md_b[CHUNK + e, pl.ds(16 * j, 16)] = dv * fac

    _load_issue(0, 0)

    def _pair(k, c):
        for p in (0, 1):
            n = 2 * k + p

            @pl.when(n + 1 < NCHUNK)
            def _():
                _load_issue(n + 1, 1 - p)

            _wait_gathers(p)

            @pl.when(n >= 2)
            def _():
                _wait_scatter(p)

            _compute(n, p)
            pltpu.async_copy(mdb[p], acc.at[cidx[p]], ssc[p], add=True)
        return c
    lax.fori_loop(0, NCHUNK // 2, _pair, 0)
    _wait_scatter(0)
    _wait_scatter(1)

    plsc.subcore_barrier()
    def _wb(j, c):
        r = pl.multiple_of(row0 + j * WB, WB)
        pltpu.sync_copy(acc.at[pl.ds(r, WB)], md0)
        pltpu.sync_copy(md0, num_out.at[cid, pl.ds(r, WB)])
        return c
    lax.fori_loop(0, NRPT // WB, _wb, 0)
    dr0 = sid * DRPT
    for j in (0, DRPT - WB):
        pltpu.sync_copy(acc.at[pl.ds(NUM_ROWS + dr0 + j, WB)], md0)
        pltpu.sync_copy(md0, den_out.at[cid, pl.ds(dr0 + j, WB)])


def _sc_edges(xs, xd, pk, att_flat):
    mesh = plsc.VectorSubcoreMesh(core_axis_name="c", subcore_axis_name="s")
    return pl.kernel(
        _sc_edges_body,
        out_type=[
            jax.ShapeDtypeStruct((NCORE, NUM_ROWS, HC), jnp.float32),
            jax.ShapeDtypeStruct((NCORE, DEN_ROWS, HC), jnp.float32),
        ],
        mesh=mesh,
        scratch_types=[
            pltpu.VMEM((2 * CHUNK,), jnp.int32),
            pltpu.VMEM((2 * CHUNK,), jnp.int32),
            pltpu.VMEM((2 * CHUNK,), jnp.int32),
            pltpu.VMEM((2 * CHUNK,), jnp.int32),
            pltpu.VMEM((CHUNK, HC), jnp.float32),
            pltpu.VMEM((CHUNK, HC), jnp.float32),
            pltpu.VMEM((CHUNK, HC), jnp.float32),
            pltpu.VMEM((CHUNK, HC), jnp.float32),
            pltpu.VMEM((2 * CHUNK, HC), jnp.float32),
            pltpu.VMEM((2 * CHUNK, HC), jnp.float32),
            pltpu.VMEM((HC,), jnp.float32),
            pltpu.VMEM_SHARED((ACC_T, HC), jnp.float32),
            pltpu.SemaphoreType.DMA,
            pltpu.SemaphoreType.DMA,
            pltpu.SemaphoreType.DMA,
            pltpu.SemaphoreType.DMA,
            pltpu.SemaphoreType.DMA,
            pltpu.SemaphoreType.DMA,
        ],
    )(xs, xd, pk, att_flat)



def _combine_body(num_ref, den_ref, bias_ref, out_ref):
    num = num_ref[0] + num_ref[1]
    den = den_ref[0] + den_ref[1]
    row = lax.broadcasted_iota(jnp.int32, (16, HC), 0)
    col = lax.broadcasted_iota(jnp.int32, (16, HC), 1)
    sel = jnp.where(row == col // CC, 1.0, 0.0)
    den_b = jnp.dot(den, sel, preferred_element_type=jnp.float32)
    out_ref[...] = num / den_b + bias_ref[...]


def _combine(num, den16, bias2d):
    rows = 400
    grid = NN // rows
    return pl.pallas_call(
        _combine_body,
        grid=(grid,),
        in_specs=[
            pl.BlockSpec((NCORE, rows, HC), lambda i: (0, i, 0)),
            pl.BlockSpec((NCORE, rows, 16), lambda i: (0, i, 0)),
            pl.BlockSpec((1, HC), lambda i: (0, 0)),
        ],
        out_specs=pl.BlockSpec((rows, HC), lambda i: (i, 0)),
        out_shape=jax.ShapeDtypeStruct((NN, HC), jnp.float32),
    )(num, den16, bias2d)



@jax.jit
def kernel(x, edge_index, W_src, W_dst, att, bias):
    xs, xd = _project(x, W_src, W_dst)
    loops = jnp.arange(NN, dtype=jnp.int32)
    pad = EPAD - ETOT
    src = jnp.concatenate(
        [edge_index[0].astype(jnp.int32), loops,
         jnp.zeros((pad,), jnp.int32)])
    dst = jnp.concatenate(
        [edge_index[1].astype(jnp.int32), loops,
         jnp.full((pad,), NN, jnp.int32)])
    pk = jnp.stack([src.reshape(-1, CHUNK), dst.reshape(-1, CHUNK)],
                   axis=1).reshape(-1)
    att_flat = att.reshape(HC)
    num, den = _sc_edges(xs, xd, pk, att_flat)
    den16 = den.reshape(NCORE, NUM_ROWS, 16)
    out = _combine(num, den16, bias.reshape(1, HC))
    return out

# --- scband reference (transcript-rebuilt; emitter-appended) ---
"""Pipeline reference for scband-gatv2-encoder-33861522162252 (READ-ONLY COPY).

The authoritative reference and input builder live on the scoring server;
editing this copy changes nothing except your own understanding.
"""

import jax, jax.numpy as jnp
import numpy as np

N = 10000
E = 320000
D = 128
H = 4
C = 32
NEG_SLOPE = 0.2


def setup_inputs(seed: int = 0) -> dict:
    key = jax.random.key(seed)
    k1, k2, k3, k4, k5 = jax.random.split(key, 5)
    x = jax.random.normal(k1, (N, D), dtype=jnp.float32)
    edge_index = jax.random.randint(k2, (2, E), 0, N, dtype=jnp.int32)
    W_src = jax.random.normal(k3, (D, H * C), dtype=jnp.float32) * (1.0 / np.sqrt(D))
    W_dst = jax.random.normal(k4, (D, H * C), dtype=jnp.float32) * (1.0 / np.sqrt(D))
    att = jax.random.normal(k5, (H, C), dtype=jnp.float32) * (1.0 / np.sqrt(C))
    bias = jnp.zeros((H * C,), dtype=jnp.float32)
    return {"x": x, "edge_index": edge_index, "W_src": W_src, "W_dst": W_dst, "att": att, "bias": bias}


def reference(x, edge_index, W_src, W_dst, att, bias):
    # GATv2Conv (PyG semantics, share_weights=False, add_self_loops=True,
    # negative_slope=0.2, concat=True)
    n = x.shape[0]
    loops = jnp.arange(n, dtype=edge_index.dtype)
    src = jnp.concatenate([edge_index[0], loops])
    dst = jnp.concatenate([edge_index[1], loops])

    x_src = (x @ W_src).reshape(n, H, C)
    x_dst = (x @ W_dst).reshape(n, H, C)

    # per-edge GATv2 attention: a^T LeakyReLU(W_src x_i + W_dst x_j)
    e = x_src[src] + x_dst[dst]                      # [E+N, H, C] gather
    e = jax.nn.leaky_relu(e, NEG_SLOPE)
    logits = jnp.sum(e * att[None, :, :], axis=-1)   # [E+N, H]

    # softmax over incoming edges per destination node (numerically stable)
    m = jax.ops.segment_max(logits, dst, num_segments=n)
    m = jax.lax.stop_gradient(m)
    alpha = jnp.exp(logits - m[dst])
    denom = jax.ops.segment_sum(alpha, dst, num_segments=n)
    alpha = alpha / denom[dst]

    msg = x_src[src] * alpha[:, :, None]             # [E+N, H, C]
    out = jax.ops.segment_sum(msg, dst, num_segments=n)  # scatter-add [N, H, C]
    out = out.reshape(n, H * C) + bias[None, :]
    return out

if __name__ == "__main__":
    import jax
    _d = setup_inputs()
    print(jax.jit(kernel)(*tuple(_d.values())))

</pallas_src>

<mosaic_0001>
#map = affine_map<(d0, d1) -> (0, 0)>
#map1 = affine_map<(d0, d1) -> (0)>
#map2 = affine_map<(d0, d1) -> (0, 0, 0)>
module attributes {stable_mosaic.version = 14 : i64} {
  func.func @_sc_edges_body(%arg0: i32, %arg1: i32, %arg2: memref<10000x128xf32, #tpu.memory_space<hbm>>, %arg3: memref<10000x128xf32, #tpu.memory_space<hbm>>, %arg4: memref<663552xi32, #tpu.memory_space<hbm>>, %arg5: memref<128xf32, #tpu.memory_space<hbm>>, %arg6: memref<2x10240x128xf32, #tpu.memory_space<hbm>>, %arg7: memref<2x1280x128xf32, #tpu.memory_space<hbm>>, %arg8: memref<64xi32, #tpu.memory_space<vmem>>, %arg9: memref<64xi32, #tpu.memory_space<vmem>>, %arg10: memref<64xi32, #tpu.memory_space<vmem>>, %arg11: memref<64xi32, #tpu.memory_space<vmem>>, %arg12: memref<32x128xf32, #tpu.memory_space<vmem>>, %arg13: memref<32x128xf32, #tpu.memory_space<vmem>>, %arg14: memref<32x128xf32, #tpu.memory_space<vmem>>, %arg15: memref<32x128xf32, #tpu.memory_space<vmem>>, %arg16: memref<64x128xf32, #tpu.memory_space<vmem>>, %arg17: memref<64x128xf32, #tpu.memory_space<vmem>>, %arg18: memref<128xf32, #tpu.memory_space<vmem>>, %arg19: memref<11520x128xf32, #tpu.memory_space<vmem_shared>>, %arg20: memref<!tpu.dma_semaphore, #tpu.memory_space<semaphore_mem>>, %arg21: memref<!tpu.dma_semaphore, #tpu.memory_space<semaphore_mem>>, %arg22: memref<!tpu.dma_semaphore, #tpu.memory_space<semaphore_mem>>, %arg23: memref<!tpu.dma_semaphore, #tpu.memory_space<semaphore_mem>>, %arg24: memref<!tpu.dma_semaphore, #tpu.memory_space<semaphore_mem>>, %arg25: memref<!tpu.dma_semaphore, #tpu.memory_space<semaphore_mem>>) attributes {dimension_semantics = [#tpu.dimension_semantics<core_parallel>, #tpu.dimension_semantics<subcore_parallel>], iteration_bounds = array<i64: 2, 16>, scalar_prefetch = 0 : i64, scratch_operands = 18 : i64, tpu.core_type = #tpu.core_type<sc_vector_subcore>, window_params = [{transform_indices = #map}, {transform_indices = #map}, {transform_indices = #map1}, {transform_indices = #map1}, {transform_indices = #map2}, {transform_indices = #map2}]} {
    %broadcast_in_dim3A = arith.constant 0.000000e+00 : f32
    %broadcast_in_dim3A_0 = vector.broadcast %broadcast_in_dim3A : f32 to vector<16xf32>
    %scan3A = arith.constant 0 : i32
    %scan3A_1 = arith.constant 0 : i32
    %scan3A_2 = arith.constant 64 : i32
    %scan3A_3 = arith.addi %scan3A_1, %scan3A_2 : i32
    %scan3A_4 = arith.constant 1 : i32
    scf.for %scan3A_108 = %scan3A_1 to %scan3A_3 step %scan3A_4  : i32 {
      %swap3A = arith.index_cast %scan3A_108 : i32 to index
      %swap3A_109 = arith.constant 0 : index
      %swap3A_110 = tpu.vector_load %arg16[%swap3A, %swap3A_109] {strides = array<i32>} : memref<64x128xf32, #tpu.memory_space<vmem>>, vector<1x16xf32>,
      %swap3A_111 = vector.shape_cast %swap3A_110 : vector<1x16xf32> to vector<16xf32>
      %swap3A_112 = vector.shape_cast %broadcast_in_dim3A_0 : vector<16xf32> to vector<1x16xf32>
      tpu.vector_store %arg16[%swap3A, %swap3A_109], %swap3A_112 {strides = array<i32>} : memref<64x128xf32, #tpu.memory_space<vmem>>, vector<1x16xf32>,
      %swap3A_113 = arith.index_cast %scan3A_108 : i32 to index
      %swap3A_114 = arith.constant 16 : index
      %swap3A_115 = tpu.vector_load %arg16[%swap3A_113, %swap3A_114] {strides = array<i32>} : memref<64x128xf32, #tpu.memory_space<vmem>>, vector<1x16xf32>,
      %swap3A_116 = vector.shape_cast %swap3A_115 : vector<1x16xf32> to vector<16xf32>
      %swap3A_117 = vector.shape_cast %broadcast_in_dim3A_0 : vector<16xf32> to vector<1x16xf32>
      tpu.vector_store %arg16[%swap3A_113, %swap3A_114], %swap3A_117 {strides = array<i32>} : memref<64x128xf32, #tpu.memory_space<vmem>>, vector<1x16xf32>,
      %swap3A_118 = arith.index_cast %scan3A_108 : i32 to index
      %swap3A_119 = arith.constant 32 : index
      %swap3A_120 = tpu.vector_load %arg16[%swap3A_118, %swap3A_119] {strides = array<i32>} : memref<64x128xf32, #tpu.memory_space<vmem>>, vector<1x16xf32>,
      %swap3A_121 = vector.shape_cast %swap3A_120 : vector<1x16xf32> to vector<16xf32>
      %swap3A_122 = vector.shape_cast %broadcast_in_dim3A_0 : vector<16xf32> to vector<1x16xf32>
      tpu.vector_store %arg16[%swap3A_118, %swap3A_119], %swap3A_122 {strides = array<i32>} : memref<64x128xf32, #tpu.memory_space<vmem>>, vector<1x16xf32>,
      %swap3A_123 = arith.index_cast %scan3A_108 : i32 to index
      %swap3A_124 = arith.constant 48 : index
      %swap3A_125 = tpu.vector_load %arg16[%swap3A_123, %swap3A_124] {strides = array<i32>} : memref<64x128xf32, #tpu.memory_space<vmem>>, vector<1x16xf32>,
      %swap3A_126 = vector.shape_cast %swap3A_125 : vector<1x16xf32> to vector<16xf32>
      %swap3A_127 = vector.shape_cast %broadcast_in_dim3A_0 : vector<16xf32> to vector<1x16xf32>
      tpu.vector_store %arg16[%swap3A_123, %swap3A_124], %swap3A_127 {strides = array<i32>} : memref<64x128xf32, #tpu.memory_space<vmem>>, vector<1x16xf32>,
      %swap3A_128 = arith.index_cast %scan3A_108 : i32 to index
      %swap3A_129 = arith.constant 64 : index
      %swap3A_130 = tpu.vector_load %arg16[%swap3A_128, %swap3A_129] {strides = array<i32>} : memref<64x128xf32, #tpu.memory_space<vmem>>, vector<1x16xf32>,
      %swap3A_131 = vector.shape_cast %swap3A_130 : vector<1x16xf32> to vector<16xf32>
      %swap3A_132 = vector.shape_cast %broadcast_in_dim3A_0 : vector<16xf32> to vector<1x16xf32>
      tpu.vector_store %arg16[%swap3A_128, %swap3A_129], %swap3A_132 {strides = array<i32>} : memref<64x128xf32, #tpu.memory_space<vmem>>, vector<1x16xf32>,
      %swap3A_133 = arith.index_cast %scan3A_108 : i32 to index
      %swap3A_134 = arith.constant 80 : index
      %swap3A_135 = tpu.vector_load %arg16[%swap3A_133, %swap3A_134] {strides = array<i32>} : memref<64x128xf32, #tpu.memory_space<vmem>>, vector<1x16xf32>,
      %swap3A_136 = vector.shape_cast %swap3A_135 : vector<1x16xf32> to vector<16xf32>
      %swap3A_137 = vector.shape_cast %broadcast_in_dim3A_0 : vector<16xf32> to vector<1x16xf32>
      tpu.vector_store %arg16[%swap3A_133, %swap3A_134], %swap3A_137 {strides = array<i32>} : memref<64x128xf32, #tpu.memory_space<vmem>>, vector<1x16xf32>,
      %swap3A_138 = arith.index_cast %scan3A_108 : i32 to index
      %swap3A_139 = arith.constant 96 : index
      %swap3A_140 = tpu.vector_load %arg16[%swap3A_138, %swap3A_139] {strides = array<i32>} : memref<64x128xf32, #tpu.memory_space<vmem>>, vector<1x16xf32>,
      %swap3A_141 = vector.shape_cast %swap3A_140 : vector<1x16xf32> to vector<16xf32>
      %swap3A_142 = vector.shape_cast %broadcast_in_dim3A_0 : vector<16xf32> to vector<1x16xf32>
      tpu.vector_store %arg16[%swap3A_138, %swap3A_139], %swap3A_142 {strides = array<i32>} : memref<64x128xf32, #tpu.memory_space<vmem>>, vector<1x16xf32>,
      %swap3A_143 = arith.index_cast %scan3A_108 : i32 to index
      %swap3A_144 = arith.constant 112 : index
      %swap3A_145 = tpu.vector_load %arg16[%swap3A_143, %swap3A_144] {strides = array<i32>} : memref<64x128xf32, #tpu.memory_space<vmem>>, vector<1x16xf32>,
      %swap3A_146 = vector.shape_cast %swap3A_145 : vector<1x16xf32> to vector<16xf32>
      %swap3A_147 = vector.shape_cast %broadcast_in_dim3A_0 : vector<16xf32> to vector<1x16xf32>
      tpu.vector_store %arg16[%swap3A_143, %swap3A_144], %swap3A_147 {strides = array<i32>} : memref<64x128xf32, #tpu.memory_space<vmem>>, vector<1x16xf32>,
    }
    %scan3A_5 = arith.constant 64 : i32
    %mul3A = arith.constant 640 : i32
    %mul3A_6 = arith.muli %arg1, %mul3A : i32
    %add3A = arith.constant 0 : i32
    %add3A_7 = arith.addi %mul3A_6, %add3A : i32
    "tpu.region"() ({
      %run_scoped3A = tpu.sem_alloc : memref<!tpu.dma_semaphore, #tpu.memory_space<semaphore_mem>>
      %dma_start3A_108 = arith.constant 0 : i32
      %dma_start3A_109 = tpu.memref_slice %arg19[%add3A_7, %dma_start3A_108] : memref<11520x128xf32, #tpu.memory_space<vmem_shared>> -> memref<64x128xf32, #tpu.memory_space<vmem_shared>>
      %dma_start3A_110 = arith.constant 0 : i32
      %dma_start3A_111 = tpu.memref_slice %arg19[%add3A_7, %dma_start3A_110] : memref<11520x128xf32, #tpu.memory_space<vmem_shared>> -> memref<64x128xf32, #tpu.memory_space<vmem_shared>>
      tpu.enqueue_dma source(%arg16 : memref<64x128xf32, #tpu.memory_space<vmem>>) target(%dma_start3A_111 : memref<64x128xf32, #tpu.memory_space<vmem_shared>>) target_semaphore(%run_scoped3A : memref<!tpu.dma_semaphore, #tpu.memory_space<semaphore_mem>>)
      %dma_wait3A_112 = arith.constant 0 : i32
      %dma_wait3A_113 = tpu.memref_slice %arg19[%add3A_7, %dma_wait3A_112] : memref<11520x128xf32, #tpu.memory_space<vmem_shared>> -> memref<64x128xf32, #tpu.memory_space<vmem_shared>>
      %dma_wait3A_114 = arith.constant 0 : i32
      %dma_wait3A_115 = tpu.memref_slice %arg19[%add3A_7, %dma_wait3A_114] : memref<11520x128xf32, #tpu.memory_space<vmem_shared>> -> memref<64x128xf32, #tpu.memory_space<vmem_shared>>
      tpu.wait_dma2 semaphore(%run_scoped3A : memref<!tpu.dma_semaphore, #tpu.memory_space<semaphore_mem>>) src(%arg16 : memref<64x128xf32, #tpu.memory_space<vmem>>) dst(%dma_wait3A_115 : memref<64x128xf32, #tpu.memory_space<vmem_shared>>)
      tpu.yield
    }) : () -> ()
    %add3A_8 = arith.constant 64 : i32
    %add3A_9 = arith.addi %mul3A_6, %add3A_8 : i32
    "tpu.region"() ({
      %run_scoped3A = tpu.sem_alloc : memref<!tpu.dma_semaphore, #tpu.memory_space<semaphore_mem>>
      %dma_start3A_108 = arith.constant 0 : i32
      %dma_start3A_109 = tpu.memref_slice %arg19[%add3A_9, %dma_start3A_108] : memref<11520x128xf32, #tpu.memory_space<vmem_shared>> -> memref<64x128xf32, #tpu.memory_space<vmem_shared>>
      %dma_start3A_110 = arith.constant 0 : i32
      %dma_start3A_111 = tpu.memref_slice %arg19[%add3A_9, %dma_start3A_110] : memref<11520x128xf32, #tpu.memory_space<vmem_shared>> -> memref<64x128xf32, #tpu.memory_space<vmem_shared>>
      tpu.enqueue_dma source(%arg16 : memref<64x128xf32, #tpu.memory_space<vmem>>) target(%dma_start3A_111 : memref<64x128xf32, #tpu.memory_space<vmem_shared>>) target_semaphore(%run_scoped3A : memref<!tpu.dma_semaphore, #tpu.memory_space<semaphore_mem>>)
      %dma_wait3A_112 = arith.constant 0 : i32
      %dma_wait3A_113 = tpu.memref_slice %arg19[%add3A_9, %dma_wait3A_112] : memref<11520x128xf32, #tpu.memory_space<vmem_shared>> -> memref<64x128xf32, #tpu.memory_space<vmem_shared>>
      %dma_wait3A_114 = arith.constant 0 : i32
      %dma_wait3A_115 = tpu.memref_slice %arg19[%add3A_9, %dma_wait3A_114] : memref<11520x128xf32, #tpu.memory_space<vmem_shared>> -> memref<64x128xf32, #tpu.memory_space<vmem_shared>>
      tpu.wait_dma2 semaphore(%run_scoped3A : memref<!tpu.dma_semaphore, #tpu.memory_space<semaphore_mem>>) src(%arg16 : memref<64x128xf32, #tpu.memory_space<vmem>>) dst(%dma_wait3A_115 : memref<64x128xf32, #tpu.memory_space<vmem_shared>>)
      tpu.yield
    }) : () -> ()
    %add3A_10 = arith.constant 128 : i32
    %add3A_11 = arith.addi %mul3A_6, %add3A_10 : i32
    "tpu.region"() ({
      %run_scoped3A = tpu.sem_alloc : memref<!tpu.dma_semaphore, #tpu.memory_space<semaphore_mem>>
      %dma_start3A_108 = arith.constant 0 : i32
      %dma_start3A_109 = tpu.memref_slice %arg19[%add3A_11, %dma_start3A_108] : memref<11520x128xf32, #tpu.memory_space<vmem_shared>> -> memref<64x128xf32, #tpu.memory_space<vmem_shared>>
      %dma_start3A_110 = arith.constant 0 : i32
      %dma_start3A_111 = tpu.memref_slice %arg19[%add3A_11, %dma_start3A_110] : memref<11520x128xf32, #tpu.memory_space<vmem_shared>> -> memref<64x128xf32, #tpu.memory_space<vmem_shared>>
      tpu.enqueue_dma source(%arg16 : memref<64x128xf32, #tpu.memory_space<vmem>>) target(%dma_start3A_111 : memref<64x128xf32, #tpu.memory_space<vmem_shared>>) target_semaphore(%run_scoped3A : memref<!tpu.dma_semaphore, #tpu.memory_space<semaphore_mem>>)
      %dma_wait3A_112 = arith.constant 0 : i32
      %dma_wait3A_113 = tpu.memref_slice %arg19[%add3A_11, %dma_wait3A_112] : memref<11520x128xf32, #tpu.memory_space<vmem_shared>> -> memref<64x128xf32, #tpu.memory_space<vmem_shared>>
      %dma_wait3A_114 = arith.constant 0 : i32
      %dma_wait3A_115 = tpu.memref_slice %arg19[%add3A_11, %dma_wait3A_114] : memref<11520x128xf32, #tpu.memory_space<vmem_shared>> -> memref<64x128xf32, #tpu.memory_space<vmem_shared>>
      tpu.wait_dma2 semaphore(%run_scoped3A : memref<!tpu.dma_semaphore, #tpu.memory_space<semaphore_mem>>) src(%arg16 : memref<64x128xf32, #tpu.memory_space<vmem>>) dst(%dma_wait3A_115 : memref<64x128xf32, #tpu.memory_space<vmem_shared>>)
      tpu.yield
    }) : () -> ()
    %add3A_12 = arith.constant 192 : i32
    %add3A_13 = arith.addi %mul3A_6, %add3A_12 : i32
    "tpu.region"() ({
      %run_scoped3A = tpu.sem_alloc : memref<!tpu.dma_semaphore, #tpu.memory_space<semaphore_mem>>
      %dma_start3A_108 = arith.constant 0 : i32
      %dma_start3A_109 = tpu.memref_slice %arg19[%add3A_13, %dma_start3A_108] : memref<11520x128xf32, #tpu.memory_space<vmem_shared>> -> memref<64x128xf32, #tpu.memory_space<vmem_shared>>
      %dma_start3A_110 = arith.constant 0 : i32
      %dma_start3A_111 = tpu.memref_slice %arg19[%add3A_13, %dma_start3A_110] : memref<11520x128xf32, #tpu.memory_space<vmem_shared>> -> memref<64x128xf32, #tpu.memory_space<vmem_shared>>
      tpu.enqueue_dma source(%arg16 : memref<64x128xf32, #tpu.memory_space<vmem>>) target(%dma_start3A_111 : memref<64x128xf32, #tpu.memory_space<vmem_shared>>) target_semaphore(%run_scoped3A : memref<!tpu.dma_semaphore, #tpu.memory_space<semaphore_mem>>)
      %dma_wait3A_112 = arith.constant 0 : i32
      %dma_wait3A_113 = tpu.memref_slice %arg19[%add3A_13, %dma_wait3A_112] : memref<11520x128xf32, #tpu.memory_space<vmem_shared>> -> memref<64x128xf32, #tpu.memory_space<vmem_shared>>
      %dma_wait3A_114 = arith.constant 0 : i32
      %dma_wait3A_115 = tpu.memref_slice %arg19[%add3A_13, %dma_wait3A_114] : memref<11520x128xf32, #tpu.memory_space<vmem_shared>> -> memref<64x128xf32, #tpu.memory_space<vmem_shared>>
      tpu.wait_dma2 semaphore(%run_scoped3A : memref<!tpu.dma_semaphore, #tpu.memory_space<semaphore_mem>>) src(%arg16 : memref<64x128xf32, #tpu.memory_space<vmem>>) dst(%dma_wait3A_115 : memref<64x128xf32, #tpu.memory_space<vmem_shared>>)
      tpu.yield
    }) : () -> ()
    %add3A_14 = arith.constant 256 : i32
    %add3A_15 = arith.addi %mul3A_6, %add3A_14 : i32
    "tpu.region"() ({
      %run_scoped3A = tpu.sem_alloc : memref<!tpu.dma_semaphore, #tpu.memory_space<semaphore_mem>>
      %dma_start3A_108 = arith.constant 0 : i32
      %dma_start3A_109 = tpu.memref_slice %arg19[%add3A_15, %dma_start3A_108] : memref<11520x128xf32, #tpu.memory_space<vmem_shared>> -> memref<64x128xf32, #tpu.memory_space<vmem_shared>>
      %dma_start3A_110 = arith.constant 0 : i32
      %dma_start3A_111 = tpu.memref_slice %arg19[%add3A_15, %dma_start3A_110] : memref<11520x128xf32, #tpu.memory_space<vmem_shared>> -> memref<64x128xf32, #tpu.memory_space<vmem_shared>>
      tpu.enqueue_dma source(%arg16 : memref<64x128xf32, #tpu.memory_space<vmem>>) target(%dma_start3A_111 : memref<64x128xf32, #tpu.memory_space<vmem_shared>>) target_semaphore(%run_scoped3A : memref<!tpu.dma_semaphore, #tpu.memory_space<semaphore_mem>>)
      %dma_wait3A_112 = arith.constant 0 : i32
      %dma_wait3A_113 = tpu.memref_slice %arg19[%add3A_15, %dma_wait3A_112] : memref<11520x128xf32, #tpu.memory_space<vmem_shared>> -> memref<64x128xf32, #tpu.memory_space<vmem_shared>>
      %dma_wait3A_114 = arith.constant 0 : i32
      %dma_wait3A_115 = tpu.memref_slice %arg19[%add3A_15, %dma_wait3A_114] : memref<11520x128xf32, #tpu.memory_space<vmem_shared>> -> memref<64x128xf32, #tpu.memory_space<vmem_shared>>
      tpu.wait_dma2 semaphore(%run_scoped3A : memref<!tpu.dma_semaphore, #tpu.memory_space<semaphore_mem>>) src(%arg16 : memref<64x128xf32, #tpu.memory_space<vmem>>) dst(%dma_wait3A_115 : memref<64x128xf32, #tpu.memory_space<vmem_shared>>)
      tpu.yield
    }) : () -> ()
    %add3A_16 = arith.constant 320 : i32
    %add3A_17 = arith.addi %mul3A_6, %add3A_16 : i32
    "tpu.region"() ({
      %run_scoped3A = tpu.sem_alloc : memref<!tpu.dma_semaphore, #tpu.memory_space<semaphore_mem>>
      %dma_start3A_108 = arith.constant 0 : i32
      %dma_start3A_109 = tpu.memref_slice %arg19[%add3A_17, %dma_start3A_108] : memref<11520x128xf32, #tpu.memory_space<vmem_shared>> -> memref<64x128xf32, #tpu.memory_space<vmem_shared>>
      %dma_start3A_110 = arith.constant 0 : i32
      %dma_start3A_111 = tpu.memref_slice %arg19[%add3A_17, %dma_start3A_110] : memref<11520x128xf32, #tpu.memory_space<vmem_shared>> -> memref<64x128xf32, #tpu.memory_space<vmem_shared>>
      tpu.enqueue_dma source(%arg16 : memref<64x128xf32, #tpu.memory_space<vmem>>) target(%dma_start3A_111 : memref<64x128xf32, #tpu.memory_space<vmem_shared>>) target_semaphore(%run_scoped3A : memref<!tpu.dma_semaphore, #tpu.memory_space<semaphore_mem>>)
      %dma_wait3A_112 = arith.constant 0 : i32
      %dma_wait3A_113 = tpu.memref_slice %arg19[%add3A_17, %dma_wait3A_112] : memref<11520x128xf32, #tpu.memory_space<vmem_shared>> -> memref<64x128xf32, #tpu.memory_space<vmem_shared>>
      %dma_wait3A_114 = arith.constant 0 : i32
      %dma_wait3A_115 = tpu.memref_slice %arg19[%add3A_17, %dma_wait3A_114] : memref<11520x128xf32, #tpu.memory_space<vmem_shared>> -> memref<64x128xf32, #tpu.memory_space<vmem_shared>>
      tpu.wait_dma2 semaphore(%run_scoped3A : memref<!tpu.dma_semaphore, #tpu.memory_space<semaphore_mem>>) src(%arg16 : memref<64x128xf32, #tpu.memory_space<vmem>>) dst(%dma_wait3A_115 : memref<64x128xf32, #tpu.memory_space<vmem_shared>>)
      tpu.yield
    }) : () -> ()
    %add3A_18 = arith.constant 384 : i32
    %add3A_19 = arith.addi %mul3A_6, %add3A_18 : i32
    "tpu.region"() ({
      %run_scoped3A = tpu.sem_alloc : memref<!tpu.dma_semaphore, #tpu.memory_space<semaphore_mem>>
      %dma_start3A_108 = arith.constant 0 : i32
      %dma_start3A_109 = tpu.memref_slice %arg19[%add3A_19, %dma_start3A_108] : memref<11520x128xf32, #tpu.memory_space<vmem_shared>> -> memref<64x128xf32, #tpu.memory_space<vmem_shared>>
      %dma_start3A_110 = arith.constant 0 : i32
      %dma_start3A_111 = tpu.memref_slice %arg19[%add3A_19, %dma_start3A_110] : memref<11520x128xf32, #tpu.memory_space<vmem_shared>> -> memref<64x128xf32, #tpu.memory_space<vmem_shared>>
      tpu.enqueue_dma source(%arg16 : memref<64x128xf32, #tpu.memory_space<vmem>>) target(%dma_start3A_111 : memref<64x128xf32, #tpu.memory_space<vmem_shared>>) target_semaphore(%run_scoped3A : memref<!tpu.dma_semaphore, #tpu.memory_space<semaphore_mem>>)
      %dma_wait3A_112 = arith.constant 0 : i32
      %dma_wait3A_113 = tpu.memref_slice %arg19[%add3A_19, %dma_wait3A_112] : memref<11520x128xf32, #tpu.memory_space<vmem_shared>> -> memref<64x128xf32, #tpu.memory_space<vmem_shared>>
      %dma_wait3A_114 = arith.constant 0 : i32
      %dma_wait3A_115 = tpu.memref_slice %arg19[%add3A_19, %dma_wait3A_114] : memref<11520x128xf32, #tpu.memory_space<vmem_shared>> -> memref<64x128xf32, #tpu.memory_space<vmem_shared>>
      tpu.wait_dma2 semaphore(%run_scoped3A : memref<!tpu.dma_semaphore, #tpu.memory_space<semaphore_mem>>) src(%arg16 : memref<64x128xf32, #tpu.memory_space<vmem>>) dst(%dma_wait3A_115 : memref<64x128xf32, #tpu.memory_space<vmem_shared>>)
      tpu.yield
    }) : () -> ()
    %add3A_20 = arith.constant 448 : i32
    %add3A_21 = arith.addi %mul3A_6, %add3A_20 : i32
    "tpu.region"() ({
      %run_scoped3A = tpu.sem_alloc : memref<!tpu.dma_semaphore, #tpu.memory_space<semaphore_mem>>
      %dma_start3A_108 = arith.constant 0 : i32
      %dma_start3A_109 = tpu.memref_slice %arg19[%add3A_21, %dma_start3A_108] : memref<11520x128xf32, #tpu.memory_space<vmem_shared>> -> memref<64x128xf32, #tpu.memory_space<vmem_shared>>
      %dma_start3A_110 = arith.constant 0 : i32
      %dma_start3A_111 = tpu.memref_slice %arg19[%add3A_21, %dma_start3A_110] : memref<11520x128xf32, #tpu.memory_space<vmem_shared>> -> memref<64x128xf32, #tpu.memory_space<vmem_shared>>
      tpu.enqueue_dma source(%arg16 : memref<64x128xf32, #tpu.memory_space<vmem>>) target(%dma_start3A_111 : memref<64x128xf32, #tpu.memory_space<vmem_shared>>) target_semaphore(%run_scoped3A : memref<!tpu.dma_semaphore, #tpu.memory_space<semaphore_mem>>)
      %dma_wait3A_112 = arith.constant 0 : i32
      %dma_wait3A_113 = tpu.memref_slice %arg19[%add3A_21, %dma_wait3A_112] : memref<11520x128xf32, #tpu.memory_space<vmem_shared>> -> memref<64x128xf32, #tpu.memory_space<vmem_shared>>
      %dma_wait3A_114 = arith.constant 0 : i32
      %dma_wait3A_115 = tpu.memref_slice %arg19[%add3A_21, %dma_wait3A_114] : memref<11520x128xf32, #tpu.memory_space<vmem_shared>> -> memref<64x128xf32, #tpu.memory_space<vmem_shared>>
      tpu.wait_dma2 semaphore(%run_scoped3A : memref<!tpu.dma_semaphore, #tpu.memory_space<semaphore_mem>>) src(%arg16 : memref<64x128xf32, #tpu.memory_space<vmem>>) dst(%dma_wait3A_115 : memref<64x128xf32, #tpu.memory_space<vmem_shared>>)
      tpu.yield
    }) : () -> ()
    %add3A_22 = arith.constant 512 : i32
    %add3A_23 = arith.addi %mul3A_6, %add3A_22 : i32
    "tpu.region"() ({
      %run_scoped3A = tpu.sem_alloc : memref<!tpu.dma_semaphore, #tpu.memory_space<semaphore_mem>>
      %dma_start3A_108 = arith.constant 0 : i32
      %dma_start3A_109 = tpu.memref_slice %arg19[%add3A_23, %dma_start3A_108] : memref<11520x128xf32, #tpu.memory_space<vmem_shared>> -> memref<64x128xf32, #tpu.memory_space<vmem_shared>>
      %dma_start3A_110 = arith.constant 0 : i32
      %dma_start3A_111 = tpu.memref_slice %arg19[%add3A_23, %dma_start3A_110] : memref<11520x128xf32, #tpu.memory_space<vmem_shared>> -> memref<64x128xf32, #tpu.memory_space<vmem_shared>>
      tpu.enqueue_dma source(%arg16 : memref<64x128xf32, #tpu.memory_space<vmem>>) target(%dma_start3A_111 : memref<64x128xf32, #tpu.memory_space<vmem_shared>>) target_semaphore(%run_scoped3A : memref<!tpu.dma_semaphore, #tpu.memory_space<semaphore_mem>>)
      %dma_wait3A_112 = arith.constant 0 : i32
      %dma_wait3A_113 = tpu.memref_slice %arg19[%add3A_23, %dma_wait3A_112] : memref<11520x128xf32, #tpu.memory_space<vmem_shared>> -> memref<64x128xf32, #tpu.memory_space<vmem_shared>>
      %dma_wait3A_114 = arith.constant 0 : i32
      %dma_wait3A_115 = tpu.memref_slice %arg19[%add3A_23, %dma_wait3A_114] : memref<11520x128xf32, #tpu.memory_space<vmem_shared>> -> memref<64x128xf32, #tpu.memory_space<vmem_shared>>
      tpu.wait_dma2 semaphore(%run_scoped3A : memref<!tpu.dma_semaphore, #tpu.memory_space<semaphore_mem>>) src(%arg16 : memref<64x128xf32, #tpu.memory_space<vmem>>) dst(%dma_wait3A_115 : memref<64x128xf32, #tpu.memory_space<vmem_shared>>)
      tpu.yield
    }) : () -> ()
    %add3A_24 = arith.constant 576 : i32
    %add3A_25 = arith.addi %mul3A_6, %add3A_24 : i32
    "tpu.region"() ({
      %run_scoped3A = tpu.sem_alloc : memref<!tpu.dma_semaphore, #tpu.memory_space<semaphore_mem>>
      %dma_start3A_108 = arith.constant 0 : i32
      %dma_start3A_109 = tpu.memref_slice %arg19[%add3A_25, %dma_start3A_108] : memref<11520x128xf32, #tpu.memory_space<vmem_shared>> -> memref<64x128xf32, #tpu.memory_space<vmem_shared>>
      %dma_start3A_110 = arith.constant 0 : i32
      %dma_start3A_111 = tpu.memref_slice %arg19[%add3A_25, %dma_start3A_110] : memref<11520x128xf32, #tpu.memory_space<vmem_shared>> -> memref<64x128xf32, #tpu.memory_space<vmem_shared>>
      tpu.enqueue_dma source(%arg16 : memref<64x128xf32, #tpu.memory_space<vmem>>) target(%dma_start3A_111 : memref<64x128xf32, #tpu.memory_space<vmem_shared>>) target_semaphore(%run_scoped3A : memref<!tpu.dma_semaphore, #tpu.memory_space<semaphore_mem>>)
      %dma_wait3A_112 = arith.constant 0 : i32
      %dma_wait3A_113 = tpu.memref_slice %arg19[%add3A_25, %dma_wait3A_112] : memref<11520x128xf32, #tpu.memory_space<vmem_shared>> -> memref<64x128xf32, #tpu.memory_space<vmem_shared>>
      %dma_wait3A_114 = arith.constant 0 : i32
      %dma_wait3A_115 = tpu.memref_slice %arg19[%add3A_25, %dma_wait3A_114] : memref<11520x128xf32, #tpu.memory_space<vmem_shared>> -> memref<64x128xf32, #tpu.memory_space<vmem_shared>>
      tpu.wait_dma2 semaphore(%run_scoped3A : memref<!tpu.dma_semaphore, #tpu.memory_space<semaphore_mem>>) src(%arg16 : memref<64x128xf32, #tpu.memory_space<vmem>>) dst(%dma_wait3A_115 : memref<64x128xf32, #tpu.memory_space<vmem_shared>>)
      tpu.yield
    }) : () -> ()
    %mul3A_26 = arith.constant 80 : i32
    %mul3A_27 = arith.muli %arg1, %mul3A_26 : i32
    %add3A_28 = arith.constant 10240 : i32
    %add3A_29 = arith.addi %add3A_28, %mul3A_27 : i32
    "tpu.region"() ({
      %run_scoped3A = tpu.sem_alloc : memref<!tpu.dma_semaphore, #tpu.memory_space<semaphore_mem>>
      %dma_start3A_108 = arith.constant 0 : i32
      %dma_start3A_109 = tpu.memref_slice %arg19[%add3A_29, %dma_start3A_108] : memref<11520x128xf32, #tpu.memory_space<vmem_shared>> -> memref<64x128xf32, #tpu.memory_space<vmem_shared>>
      %dma_start3A_110 = arith.constant 0 : i32
      %dma_start3A_111 = tpu.memref_slice %arg19[%add3A_29, %dma_start3A_110] : memref<11520x128xf32, #tpu.memory_space<vmem_shared>> -> memref<64x128xf32, #tpu.memory_space<vmem_shared>>
      tpu.enqueue_dma source(%arg16 : memref<64x128xf32, #tpu.memory_space<vmem>>) target(%dma_start3A_111 : memref<64x128xf32, #tpu.memory_space<vmem_shared>>) target_semaphore(%run_scoped3A : memref<!tpu.dma_semaphore, #tpu.memory_space<semaphore_mem>>)
      %dma_wait3A_112 = arith.constant 0 : i32
      %dma_wait3A_113 = tpu.memref_slice %arg19[%add3A_29, %dma_wait3A_112] : memref<11520x128xf32, #tpu.memory_space<vmem_shared>> -> memref<64x128xf32, #tpu.memory_space<vmem_shared>>
      %dma_wait3A_114 = arith.constant 0 : i32
      %dma_wait3A_115 = tpu.memref_slice %arg19[%add3A_29, %dma_wait3A_114] : memref<11520x128xf32, #tpu.memory_space<vmem_shared>> -> memref<64x128xf32, #tpu.memory_space<vmem_shared>>
      tpu.wait_dma2 semaphore(%run_scoped3A : memref<!tpu.dma_semaphore, #tpu.memory_space<semaphore_mem>>) src(%arg16 : memref<64x128xf32, #tpu.memory_space<vmem>>) dst(%dma_wait3A_115 : memref<64x128xf32, #tpu.memory_space<vmem_shared>>)
      tpu.yield
    }) : () -> ()
    %add3A_30 = arith.constant 80 : i32
    %add3A_31 = arith.addi %add3A_29, %add3A_30 : i32
    %sub3A = arith.constant 64 : i32
    %sub3A_32 = arith.subi %add3A_31, %sub3A : i32
    "tpu.region"() ({
      %run_scoped3A = tpu.sem_alloc : memref<!tpu.dma_semaphore, #tpu.memory_space<semaphore_mem>>
      %dma_start3A_108 = arith.constant 0 : i32
      %dma_start3A_109 = tpu.memref_slice %arg19[%sub3A_32, %dma_start3A_108] : memref<11520x128xf32, #tpu.memory_space<vmem_shared>> -> memref<64x128xf32, #tpu.memory_space<vmem_shared>>
      %dma_start3A_110 = arith.constant 0 : i32
      %dma_start3A_111 = tpu.memref_slice %arg19[%sub3A_32, %dma_start3A_110] : memref<11520x128xf32, #tpu.memory_space<vmem_shared>> -> memref<64x128xf32, #tpu.memory_space<vmem_shared>>
      tpu.enqueue_dma source(%arg16 : memref<64x128xf32, #tpu.memory_space<vmem>>) target(%dma_start3A_111 : memref<64x128xf32, #tpu.memory_space<vmem_shared>>) target_semaphore(%run_scoped3A : memref<!tpu.dma_semaphore, #tpu.memory_space<semaphore_mem>>)
      %dma_wait3A_112 = arith.constant 0 : i32
      %dma_wait3A_113 = tpu.memref_slice %arg19[%sub3A_32, %dma_wait3A_112] : memref<11520x128xf32, #tpu.memory_space<vmem_shared>> -> memref<64x128xf32, #tpu.memory_space<vmem_shared>>
      %dma_wait3A_114 = arith.constant 0 : i32
      %dma_wait3A_115 = tpu.memref_slice %arg19[%sub3A_32, %dma_wait3A_114] : memref<11520x128xf32, #tpu.memory_space<vmem_shared>> -> memref<64x128xf32, #tpu.memory_space<vmem_shared>>
      tpu.wait_dma2 semaphore(%run_scoped3A : memref<!tpu.dma_semaphore, #tpu.memory_space<semaphore_mem>>) src(%arg16 : memref<64x128xf32, #tpu.memory_space<vmem>>) dst(%dma_wait3A_115 : memref<64x128xf32, #tpu.memory_space<vmem_shared>>)
      tpu.yield
    }) : () -> ()
    %barrier3A = arith.constant 0 : index
    tpu.barrier barrier_id(%barrier3A)
    "tpu.region"() ({
      %run_scoped3A = tpu.sem_alloc : memref<!tpu.dma_semaphore, #tpu.memory_space<semaphore_mem>>
      tpu.enqueue_dma source(%arg5 : memref<128xf32, #tpu.memory_space<hbm>>) target(%arg18 : memref<128xf32, #tpu.memory_space<vmem>>) target_semaphore(%run_scoped3A : memref<!tpu.dma_semaphore, #tpu.memory_space<semaphore_mem>>)
      tpu.wait_dma2 semaphore(%run_scoped3A : memref<!tpu.dma_semaphore, #tpu.memory_space<semaphore_mem>>) src(%arg5 : memref<128xf32, #tpu.memory_space<hbm>>) dst(%arg18 : memref<128xf32, #tpu.memory_space<vmem>>)
      tpu.yield
    }) : () -> ()
    %get3A = arith.constant 0 : index
    %get3A_33 = tpu.vector_load %arg18[%get3A] {strides = array<i32>} : memref<128xf32, #tpu.memory_space<vmem>>, vector<16xf32>,
    %get3A_34 = vector.shape_cast %get3A_33 : vector<16xf32> to vector<16xf32>
    %get3A_35 = arith.constant 16 : index
    %get3A_36 = tpu.vector_load %arg18[%get3A_35] {strides = array<i32>} : memref<128xf32, #tpu.memory_space<vmem>>, vector<16xf32>,
    %get3A_37 = vector.shape_cast %get3A_36 : vector<16xf32> to vector<16xf32>
    %get3A_38 = arith.constant 32 : index
    %get3A_39 = tpu.vector_load %arg18[%get3A_38] {strides = array<i32>} : memref<128xf32, #tpu.memory_space<vmem>>, vector<16xf32>,
    %get3A_40 = vector.shape_cast %get3A_39 : vector<16xf32> to vector<16xf32>
    %get3A_41 = arith.constant 48 : index
    %get3A_42 = tpu.vector_load %arg18[%get3A_41] {strides = array<i32>} : memref<128xf32, #tpu.memory_space<vmem>>, vector<16xf32>,
    %get3A_43 = vector.shape_cast %get3A_42 : vector<16xf32> to vector<16xf32>
    %get3A_44 = arith.constant 64 : index
    %get3A_45 = tpu.vector_load %arg18[%get3A_44] {strides = array<i32>} : memref<128xf32, #tpu.memory_space<vmem>>, vector<16xf32>,
    %get3A_46 = vector.shape_cast %get3A_45 : vector<16xf32> to vector<16xf32>
    %get3A_47 = arith.constant 80 : index
    %get3A_48 = tpu.vector_load %arg18[%get3A_47] {strides = array<i32>} : memref<128xf32, #tpu.memory_space<vmem>>, vector<16xf32>,
    %get3A_49 = vector.shape_cast %get3A_48 : vector<16xf32> to vector<16xf32>
    %get3A_50 = arith.constant 96 : index
    %get3A_51 = tpu.vector_load %arg18[%get3A_50] {strides = array<i32>} : memref<128xf32, #tpu.memory_space<vmem>>, vector<16xf32>,
    %get3A_52 = vector.shape_cast %get3A_51 : vector<16xf32> to vector<16xf32>
    %get3A_53 = arith.constant 112 : index
    %get3A_54 = tpu.vector_load %arg18[%get3A_53] {strides = array<i32>} : memref<128xf32, #tpu.memory_space<vmem>>, vector<16xf32>,
    %get3A_55 = vector.shape_cast %get3A_54 : vector<16xf32> to vector<16xf32>
    %iota3A = tpu.iota {dimensions = array<i32: 0>} : vector<16xi32>
    %mul3A_56 = arith.constant 16 : i32
    %mul3A_57 = arith.muli %arg0, %mul3A_56 : i32
    %add3A_58 = arith.addi %mul3A_57, %arg1 : i32
    %mul3A_59 = arith.constant 324 : i32
    %mul3A_60 = arith.muli %add3A_58, %mul3A_59 : i32
    %mul3A_61 = arith.constant 2 : i32
    %mul3A_62 = arith.muli %mul3A_60, %mul3A_61 : i32
    %mul3A_63 = arith.constant 32 : i32
    %mul3A_64 = arith.muli %mul3A_62, %mul3A_63 : i32
    %add3A_65 = arith.constant 0 : i32
    %add3A_66 = arith.addi %mul3A_64, %add3A_65 : i32
    %multiple_of3A = tpu.assume_multiple %add3A_66, 64 : i32
    "tpu.region"() ({
      %run_scoped3A = tpu.sem_alloc : memref<!tpu.dma_semaphore, #tpu.memory_space<semaphore_mem>>
      %dma_start3A_108 = tpu.memref_slice %arg4[%multiple_of3A] : memref<663552xi32, #tpu.memory_space<hbm>> -> memref<64xi32, #tpu.memory_space<hbm>>
      %dma_start3A_109 = tpu.memref_slice %arg4[%multiple_of3A] : memref<663552xi32, #tpu.memory_space<hbm>> -> memref<64xi32, #tpu.memory_space<hbm>>
      tpu.enqueue_dma source(%dma_start3A_109 : memref<64xi32, #tpu.memory_space<hbm>>) target(%arg8 : memref<64xi32, #tpu.memory_space<vmem>>) target_semaphore(%run_scoped3A : memref<!tpu.dma_semaphore, #tpu.memory_space<semaphore_mem>>)
      %dma_wait3A_110 = tpu.memref_slice %arg4[%multiple_of3A] : memref<663552xi32, #tpu.memory_space<hbm>> -> memref<64xi32, #tpu.memory_space<hbm>>
      %dma_wait3A_111 = tpu.memref_slice %arg4[%multiple_of3A] : memref<663552xi32, #tpu.memory_space<hbm>> -> memref<64xi32, #tpu.memory_space<hbm>>
      tpu.wait_dma2 semaphore(%run_scoped3A : memref<!tpu.dma_semaphore, #tpu.memory_space<semaphore_mem>>) src(%dma_wait3A_111 : memref<64xi32, #tpu.memory_space<hbm>>) dst(%arg8 : memref<64xi32, #tpu.memory_space<vmem>>)
      tpu.yield
    }) : () -> ()
    %dma_start3A = arith.constant 0 : i32
    %dma_start3A_67 = tpu.memref_slice %arg8[%dma_start3A] : memref<64xi32, #tpu.memory_space<vmem>> -> memref<32xi32, #tpu.memory_space<vmem>>
    %dma_start3A_68 = arith.constant 0 : i32
    %dma_start3A_69 = arith.constant 0 : i32
    %dma_start3A_70 = tpu.memref_slice %arg2[%dma_start3A_68, %dma_start3A_69] : memref<10000x128xf32, #tpu.memory_space<hbm>> -> memref<10000x128xf32, #tpu.memory_space<hbm>>
    tpu.enqueue_indirect_dma source(%dma_start3A_70 : memref<10000x128xf32, #tpu.memory_space<hbm>>) target(%arg12 : memref<32x128xf32, #tpu.memory_space<vmem>>) offsets(%dma_start3A_67 : memref<32xi32, #tpu.memory_space<vmem>>) semaphore(%arg20 : memref<!tpu.dma_semaphore, #tpu.memory_space<semaphore_mem>>)
    %dma_start3A_71 = arith.constant 32 : i32
    %dma_start3A_72 = tpu.memref_slice %arg8[%dma_start3A_71] : memref<64xi32, #tpu.memory_space<vmem>> -> memref<32xi32, #tpu.memory_space<vmem>>
    %dma_start3A_73 = arith.constant 0 : i32
    %dma_start3A_74 = arith.constant 0 : i32
    %dma_start3A_75 = tpu.memref_slice %arg3[%dma_start3A_73, %dma_start3A_74] : memref<10000x128xf32, #tpu.memory_space<hbm>> -> memref<10000x128xf32, #tpu.memory_space<hbm>>
    tpu.enqueue_indirect_dma source(%dma_start3A_75 : memref<10000x128xf32, #tpu.memory_space<hbm>>) target(%arg14 : memref<32x128xf32, #tpu.memory_space<vmem>>) offsets(%dma_start3A_72 : memref<32xi32, #tpu.memory_space<vmem>>) semaphore(%arg22 : memref<!tpu.dma_semaphore, #tpu.memory_space<semaphore_mem>>)
    %scan3A_76 = arith.constant 0 : i32
    %scan3A_77 = arith.constant 0 : i32
    %scan3A_78 = arith.constant 162 : i32
    %scan3A_79 = arith.addi %scan3A_77, %scan3A_78 : i32
    %scan3A_80 = arith.constant 1 : i32
    scf.for %scan3A_108 = %scan3A_77 to %scan3A_79 step %scan3A_80  : i32 {
      %mul3A_109 = arith.constant 2 : i32
      %mul3A_110 = arith.muli %mul3A_109, %scan3A_108 : i32
      %add3A_111 = arith.constant 0 : i32
      %add3A_112 = arith.addi %mul3A_110, %add3A_111 : i32
      %add3A_113 = arith.constant 1 : i32
      %add3A_114 = arith.addi %add3A_112, %add3A_113 : i32
      %lt3A = arith.constant 324 : i32
      %lt3A_115 = arith.cmpi slt, %add3A_114, %lt3A : i32
      %convert_element_type3A = arith.extui %lt3A_115 : i1 to i32
      %cond3A = arith.constant 0 : i32
      %cond3A_116 = arith.cmpi ne, %convert_element_type3A, %cond3A : i32
      scf.if %cond3A_116 {
        %add3A_234 = arith.constant 1 : i32
        %add3A_235 = arith.addi %add3A_112, %add3A_234 : i32
        %mul3A_236 = arith.constant 2 : i32
        %mul3A_237 = arith.muli %add3A_235, %mul3A_236 : i32
        %mul3A_238 = arith.constant 32 : i32
        %mul3A_239 = arith.muli %mul3A_237, %mul3A_238 : i32
        %add3A_240 = arith.addi %mul3A_64, %mul3A_239 : i32
        %multiple_of3A_241 = tpu.assume_multiple %add3A_240, 64 : i32
        "tpu.region"() ({
          %run_scoped3A = tpu.sem_alloc : memref<!tpu.dma_semaphore, #tpu.memory_space<semaphore_mem>>
          %dma_start3A_252 = tpu.memref_slice %arg4[%multiple_of3A_241] : memref<663552xi32, #tpu.memory_space<hbm>> -> memref<64xi32, #tpu.memory_space<hbm>>
          %dma_start3A_253 = tpu.memref_slice %arg4[%multiple_of3A_241] : memref<663552xi32, #tpu.memory_space<hbm>> -> memref<64xi32, #tpu.memory_space<hbm>>
          tpu.enqueue_dma source(%dma_start3A_253 : memref<64xi32, #tpu.memory_space<hbm>>) target(%arg9 : memref<64xi32, #tpu.memory_space<vmem>>) target_semaphore(%run_scoped3A : memref<!tpu.dma_semaphore, #tpu.memory_space<semaphore_mem>>)
          %dma_wait3A_254 = tpu.memref_slice %arg4[%multiple_of3A_241] : memref<663552xi32, #tpu.memory_space<hbm>> -> memref<64xi32, #tpu.memory_space<hbm>>
          %dma_wait3A_255 = tpu.memref_slice %arg4[%multiple_of3A_241] : memref<663552xi32, #tpu.memory_space<hbm>> -> memref<64xi32, #tpu.memory_space<hbm>>
          tpu.wait_dma2 semaphore(%run_scoped3A : memref<!tpu.dma_semaphore, #tpu.memory_space<semaphore_mem>>) src(%dma_wait3A_255 : memref<64xi32, #tpu.memory_space<hbm>>) dst(%arg9 : memref<64xi32, #tpu.memory_space<vmem>>)
          tpu.yield
        }) : () -> ()
        %dma_start3A_242 = arith.constant 0 : i32
        %dma_start3A_243 = tpu.memref_slice %arg9[%dma_start3A_242] : memref<64xi32, #tpu.memory_space<vmem>> -> memref<32xi32, #tpu.memory_space<vmem>>
        %dma_start3A_244 = arith.constant 0 : i32
        %dma_start3A_245 = arith.constant 0 : i32
        %dma_start3A_246 = tpu.memref_slice %arg2[%dma_start3A_244, %dma_start3A_245] : memref<10000x128xf32, #tpu.memory_space<hbm>> -> memref<10000x128xf32, #tpu.memory_space<hbm>>
        tpu.enqueue_indirect_dma source(%dma_start3A_246 : memref<10000x128xf32, #tpu.memory_space<hbm>>) target(%arg13 : memref<32x128xf32, #tpu.memory_space<vmem>>) offsets(%dma_start3A_243 : memref<32xi32, #tpu.memory_space<vmem>>) semaphore(%arg21 : memref<!tpu.dma_semaphore, #tpu.memory_space<semaphore_mem>>)
        %dma_start3A_247 = arith.constant 32 : i32
        %dma_start3A_248 = tpu.memref_slice %arg9[%dma_start3A_247] : memref<64xi32, #tpu.memory_space<vmem>> -> memref<32xi32, #tpu.memory_space<vmem>>
        %dma_start3A_249 = arith.constant 0 : i32
        %dma_start3A_250 = arith.constant 0 : i32
        %dma_start3A_251 = tpu.memref_slice %arg3[%dma_start3A_249, %dma_start3A_250] : memref<10000x128xf32, #tpu.memory_space<hbm>> -> memref<10000x128xf32, #tpu.memory_space<hbm>>
        tpu.enqueue_indirect_dma source(%dma_start3A_251 : memref<10000x128xf32, #tpu.memory_space<hbm>>) target(%arg15 : memref<32x128xf32, #tpu.memory_space<vmem>>) offsets(%dma_start3A_248 : memref<32xi32, #tpu.memory_space<vmem>>) semaphore(%arg23 : memref<!tpu.dma_semaphore, #tpu.memory_space<semaphore_mem>>)
      } else {
      }
      %dma_wait3A_117 = arith.constant 0 : i32
      %dma_wait3A_118 = tpu.memref_slice %arg8[%dma_wait3A_117] : memref<64xi32, #tpu.memory_space<vmem>> -> memref<32xi32, #tpu.memory_space<vmem>>
      %dma_wait3A_119 = arith.constant 0 : i32
      %dma_wait3A_120 = arith.constant 0 : i32
      %dma_wait3A_121 = tpu.memref_slice %arg2[%dma_wait3A_119, %dma_wait3A_120] : memref<10000x128xf32, #tpu.memory_space<hbm>> -> memref<10000x128xf32, #tpu.memory_space<hbm>>
      tpu.wait_indirect_dma semaphore(%arg20 : memref<!tpu.dma_semaphore, #tpu.memory_space<semaphore_mem>>) src(%dma_wait3A_121 : memref<10000x128xf32, #tpu.memory_space<hbm>>) dst(%arg12 : memref<32x128xf32, #tpu.memory_space<vmem>>)
      %dma_wait3A_122 = arith.constant 32 : i32
      %dma_wait3A_123 = tpu.memref_slice %arg8[%dma_wait3A_122] : memref<64xi32, #tpu.memory_space<vmem>> -> memref<32xi32, #tpu.memory_space<vmem>>
      %dma_wait3A_124 = arith.constant 0 : i32
      %dma_wait3A_125 = arith.constant 0 : i32
      %dma_wait3A_126 = tpu.memref_slice %arg3[%dma_wait3A_124, %dma_wait3A_125] : memref<10000x128xf32, #tpu.memory_space<hbm>> -> memref<10000x128xf32, #tpu.memory_space<hbm>>
      tpu.wait_indirect_dma semaphore(%arg22 : memref<!tpu.dma_semaphore, #tpu.memory_space<semaphore_mem>>) src(%dma_wait3A_126 : memref<10000x128xf32, #tpu.memory_space<hbm>>) dst(%arg14 : memref<32x128xf32, #tpu.memory_space<vmem>>)
      %ge3A = arith.constant 2 : i32
      %ge3A_127 = arith.cmpi sge, %add3A_112, %ge3A : i32
      %convert_element_type3A_128 = arith.extui %ge3A_127 : i1 to i32
      %cond3A_129 = arith.constant 0 : i32
      %cond3A_130 = arith.cmpi ne, %convert_element_type3A_128, %cond3A_129 : i32
      scf.if %cond3A_130 {
        %dma_wait3A_234 = arith.constant 0 : i32
        %dma_wait3A_235 = arith.constant 0 : i32
        %dma_wait3A_236 = tpu.memref_slice %arg19[%dma_wait3A_234, %dma_wait3A_235] : memref<11520x128xf32, #tpu.memory_space<vmem_shared>> -> memref<11520x128xf32, #tpu.memory_space<vmem_shared>>
        tpu.wait_indirect_dma semaphore(%arg24 : memref<!tpu.dma_semaphore, #tpu.memory_space<semaphore_mem>>) src(%arg16 : memref<64x128xf32, #tpu.memory_space<vmem>>) dst(%dma_wait3A_236 : memref<11520x128xf32, #tpu.memory_space<vmem_shared>>)
      } else {
      }
      %get3A_131 = arith.constant 32 : index
      %get3A_132 = tpu.vector_load %arg8[%get3A_131] {strides = array<i32>} : memref<64xi32, #tpu.memory_space<vmem>>, vector<16xi32>,
      %get3A_133 = vector.shape_cast %get3A_132 : vector<16xi32> to vector<16xi32>
      %swap3A = arith.constant 0 : index
      %swap3A_134 = tpu.vector_load %arg10[%swap3A] {strides = array<i32>} : memref<64xi32, #tpu.memory_space<vmem>>, vector<16xi32>,
      %swap3A_135 = vector.shape_cast %swap3A_134 : vector<16xi32> to vector<16xi32>
      %swap3A_136 = vector.shape_cast %get3A_133 : vector<16xi32> to vector<16xi32>
      tpu.vector_store %arg10[%swap3A], %swap3A_136 {strides = array<i32>} : memref<64xi32, #tpu.memory_space<vmem>>, vector<16xi32>,
      %shift_right_arithmetic3A = arith.constant 3 : i32
      %shift_right_arithmetic3A_137 = vector.broadcast %shift_right_arithmetic3A : i32 to vector<16xi32>
      %shift_right_arithmetic3A_138 = arith.shrsi %get3A_133, %shift_right_arithmetic3A_137 : vector<16xi32>
      %add3A_139 = arith.constant 10240 : i32
      %add3A_140 = vector.broadcast %add3A_139 : i32 to vector<16xi32>
      %add3A_141 = arith.addi %add3A_140, %shift_right_arithmetic3A_138 : vector<16xi32>
      %swap3A_142 = arith.constant 32 : index
      %swap3A_143 = tpu.vector_load %arg10[%swap3A_142] {strides = array<i32>} : memref<64xi32, #tpu.memory_space<vmem>>, vector<16xi32>,
      %swap3A_144 = vector.shape_cast %swap3A_143 : vector<16xi32> to vector<16xi32>
      %swap3A_145 = vector.shape_cast %add3A_141 : vector<16xi32> to vector<16xi32>
      tpu.vector_store %arg10[%swap3A_142], %swap3A_145 {strides = array<i32>} : memref<64xi32, #tpu.memory_space<vmem>>, vector<16xi32>,
      %get3A_146 = arith.constant 48 : index
      %get3A_147 = tpu.vector_load %arg8[%get3A_146] {strides = array<i32>} : memref<64xi32, #tpu.memory_space<vmem>>, vector<16xi32>,
      %get3A_148 = vector.shape_cast %get3A_147 : vector<16xi32> to vector<16xi32>
      %swap3A_149 = arith.constant 16 : index
      %swap3A_150 = tpu.vector_load %arg10[%swap3A_149] {strides = array<i32>} : memref<64xi32, #tpu.memory_space<vmem>>, vector<16xi32>,
      %swap3A_151 = vector.shape_cast %swap3A_150 : vector<16xi32> to vector<16xi32>
      %swap3A_152 = vector.shape_cast %get3A_148 : vector<16xi32> to vector<16xi32>
      tpu.vector_store %arg10[%swap3A_149], %swap3A_152 {strides = array<i32>} : memref<64xi32, #tpu.memory_space<vmem>>, vector<16xi32>,
      %shift_right_arithmetic3A_153 = arith.constant 3 : i32
      %shift_right_arithmetic3A_154 = vector.broadcast %shift_right_arithmetic3A_153 : i32 to vector<16xi32>
      %shift_right_arithmetic3A_155 = arith.shrsi %get3A_148, %shift_right_arithmetic3A_154 : vector<16xi32>
      %add3A_156 = arith.constant 10240 : i32
      %add3A_157 = vector.broadcast %add3A_156 : i32 to vector<16xi32>
      %add3A_158 = arith.addi %add3A_157, %shift_right_arithmetic3A_155 : vector<16xi32>
      %swap3A_159 = arith.constant 48 : index
      %swap3A_160 = tpu.vector_load %arg10[%swap3A_159] {strides = array<i32>} : memref<64xi32, #tpu.memory_space<vmem>>, vector<16xi32>,
      %swap3A_161 = vector.shape_cast %swap3A_160 : vector<16xi32> to vector<16xi32>
      %swap3A_162 = vector.shape_cast %add3A_158 : vector<16xi32> to vector<16xi32>
      tpu.vector_store %arg10[%swap3A_159], %swap3A_162 {strides = array<i32>} : memref<64xi32, #tpu.memory_space<vmem>>, vector<16xi32>,
      %parallel_loop3A = arith.constant 0 : i32
      %parallel_loop3A_163 = arith.constant 32 : i32
      %parallel_loop3A_164 = arith.constant 1 : i32
      scf.for %parallel_loop3A_234 = %parallel_loop3A to %parallel_loop3A_163 step %parallel_loop3A_164  : i32 {
        %parallel_loop3A_235 = arith.index_cast %parallel_loop3A_234 : i32 to index
        %parallel_loop3A_236 = arith.constant 0 : index
        %parallel_loop3A_237 = tpu.vector_load %arg12[%parallel_loop3A_235, %parallel_loop3A_236] {strides = array<i32>} : memref<32x128xf32, #tpu.memory_space<vmem>>, vector<1x16xf32>,
        %parallel_loop3A_238 = vector.shape_cast %parallel_loop3A_237 : vector<1x16xf32> to vector<16xf32>
        %parallel_loop3A_239 = arith.index_cast %parallel_loop3A_234 : i32 to index
        %parallel_loop3A_240 = arith.constant 16 : index
        %parallel_loop3A_241 = tpu.vector_load %arg12[%parallel_loop3A_239, %parallel_loop3A_240] {strides = array<i32>} : memref<32x128xf32, #tpu.memory_space<vmem>>, vector<1x16xf32>,
        %parallel_loop3A_242 = vector.shape_cast %parallel_loop3A_241 : vector<1x16xf32> to vector<16xf32>
        %parallel_loop3A_243 = arith.index_cast %parallel_loop3A_234 : i32 to index
        %parallel_loop3A_244 = arith.constant 32 : index
        %parallel_loop3A_245 = tpu.vector_load %arg12[%parallel_loop3A_243, %parallel_loop3A_244] {strides = array<i32>} : memref<32x128xf32, #tpu.memory_space<vmem>>, vector<1x16xf32>,
        %parallel_loop3A_246 = vector.shape_cast %parallel_loop3A_245 : vector<1x16xf32> to vector<16xf32>
        %parallel_loop3A_247 = arith.index_cast %parallel_loop3A_234 : i32 to index
        %parallel_loop3A_248 = arith.constant 48 : index
        %parallel_loop3A_249 = tpu.vector_load %arg12[%parallel_loop3A_247, %parallel_loop3A_248] {strides = array<i32>} : memref<32x128xf32, #tpu.memory_space<vmem>>, vector<1x16xf32>,
        %parallel_loop3A_250 = vector.shape_cast %parallel_loop3A_249 : vector<1x16xf32> to vector<16xf32>
        %parallel_loop3A_251 = arith.index_cast %parallel_loop3A_234 : i32 to index
        %parallel_loop3A_252 = arith.constant 64 : index
        %parallel_loop3A_253 = tpu.vector_load %arg12[%parallel_loop3A_251, %parallel_loop3A_252] {strides = array<i32>} : memref<32x128xf32, #tpu.memory_space<vmem>>, vector<1x16xf32>,
        %parallel_loop3A_254 = vector.shape_cast %parallel_loop3A_253 : vector<1x16xf32> to vector<16xf32>
        %parallel_loop3A_255 = arith.index_cast %parallel_loop3A_234 : i32 to index
        %parallel_loop3A_256 = arith.constant 80 : index
        %parallel_loop3A_257 = tpu.vector_load %arg12[%parallel_loop3A_255, %parallel_loop3A_256] {strides = array<i32>} : memref<32x128xf32, #tpu.memory_space<vmem>>, vector<1x16xf32>,
        %parallel_loop3A_258 = vector.shape_cast %parallel_loop3A_257 : vector<1x16xf32> to vector<16xf32>
        %parallel_loop3A_259 = arith.index_cast %parallel_loop3A_234 : i32 to index
        %parallel_loop3A_260 = arith.constant 96 : index
        %parallel_loop3A_261 = tpu.vector_load %arg12[%parallel_loop3A_259, %parallel_loop3A_260] {strides = array<i32>} : memref<32x128xf32, #tpu.memory_space<vmem>>, vector<1x16xf32>,
        %parallel_loop3A_262 = vector.shape_cast %parallel_loop3A_261 : vector<1x16xf32> to vector<16xf32>
        %parallel_loop3A_263 = arith.index_cast %parallel_loop3A_234 : i32 to index
        %parallel_loop3A_264 = arith.constant 112 : index
        %parallel_loop3A_265 = tpu.vector_load %arg12[%parallel_loop3A_263, %parallel_loop3A_264] {strides = array<i32>} : memref<32x128xf32, #tpu.memory_space<vmem>>, vector<1x16xf32>,
        %parallel_loop3A_266 = vector.shape_cast %parallel_loop3A_265 : vector<1x16xf32> to vector<16xf32>
        %parallel_loop3A_267 = arith.index_cast %parallel_loop3A_234 : i32 to index
        %parallel_loop3A_268 = arith.constant 0 : index
        %parallel_loop3A_269 = tpu.vector_load %arg14[%parallel_loop3A_267, %parallel_loop3A_268] {strides = array<i32>} : memref<32x128xf32, #tpu.memory_space<vmem>>, vector<1x16xf32>,
        %parallel_loop3A_270 = vector.shape_cast %parallel_loop3A_269 : vector<1x16xf32> to vector<16xf32>
        %parallel_loop3A_271 = arith.index_cast %parallel_loop3A_234 : i32 to index
        %parallel_loop3A_272 = arith.constant 16 : index
        %parallel_loop3A_273 = tpu.vector_load %arg14[%parallel_loop3A_271, %parallel_loop3A_272] {strides = array<i32>} : memref<32x128xf32, #tpu.memory_space<vmem>>, vector<1x16xf32>,
        %parallel_loop3A_274 = vector.shape_cast %parallel_loop3A_273 : vector<1x16xf32> to vector<16xf32>
        %parallel_loop3A_275 = arith.index_cast %parallel_loop3A_234 : i32 to index
        %parallel_loop3A_276 = arith.constant 32 : index
        %parallel_loop3A_277 = tpu.vector_load %arg14[%parallel_loop3A_275, %parallel_loop3A_276] {strides = array<i32>} : memref<32x128xf32, #tpu.memory_space<vmem>>, vector<1x16xf32>,
        %parallel_loop3A_278 = vector.shape_cast %parallel_loop3A_277 : vector<1x16xf32> to vector<16xf32>
        %parallel_loop3A_279 = arith.index_cast %parallel_loop3A_234 : i32 to index
        %parallel_loop3A_280 = arith.constant 48 : index
        %parallel_loop3A_281 = tpu.vector_load %arg14[%parallel_loop3A_279, %parallel_loop3A_280] {strides = array<i32>} : memref<32x128xf32, #tpu.memory_space<vmem>>, vector<1x16xf32>,
        %parallel_loop3A_282 = vector.shape_cast %parallel_loop3A_281 : vector<1x16xf32> to vector<16xf32>
        %parallel_loop3A_283 = arith.index_cast %parallel_loop3A_234 : i32 to index
        %parallel_loop3A_284 = arith.constant 64 : index
        %parallel_loop3A_285 = tpu.vector_load %arg14[%parallel_loop3A_283, %parallel_loop3A_284] {strides = array<i32>} : memref<32x128xf32, #tpu.memory_space<vmem>>, vector<1x16xf32>,
        %parallel_loop3A_286 = vector.shape_cast %parallel_loop3A_285 : vector<1x16xf32> to vector<16xf32>
        %parallel_loop3A_287 = arith.index_cast %parallel_loop3A_234 : i32 to index
        %parallel_loop3A_288 = arith.constant 80 : index
        %parallel_loop3A_289 = tpu.vector_load %arg14[%parallel_loop3A_287, %parallel_loop3A_288] {strides = array<i32>} : memref<32x128xf32, #tpu.memory_space<vmem>>, vector<1x16xf32>,
        %parallel_loop3A_290 = vector.shape_cast %parallel_loop3A_289 : vector<1x16xf32> to vector<16xf32>
        %parallel_loop3A_291 = arith.index_cast %parallel_loop3A_234 : i32 to index
        %parallel_loop3A_292 = arith.constant 96 : index
        %parallel_loop3A_293 = tpu.vector_load %arg14[%parallel_loop3A_291, %parallel_loop3A_292] {strides = array<i32>} : memref<32x128xf32, #tpu.memory_space<vmem>>, vector<1x16xf32>,
        %parallel_loop3A_294 = vector.shape_cast %parallel_loop3A_293 : vector<1x16xf32> to vector<16xf32>
        %parallel_loop3A_295 = arith.index_cast %parallel_loop3A_234 : i32 to index
        %parallel_loop3A_296 = arith.constant 112 : index
        %parallel_loop3A_297 = tpu.vector_load %arg14[%parallel_loop3A_295, %parallel_loop3A_296] {strides = array<i32>} : memref<32x128xf32, #tpu.memory_space<vmem>>, vector<1x16xf32>,
        %parallel_loop3A_298 = vector.shape_cast %parallel_loop3A_297 : vector<1x16xf32> to vector<16xf32>
        %parallel_loop3A_299 = arith.addf %parallel_loop3A_238, %parallel_loop3A_270 : vector<16xf32>
        %parallel_loop3A_300 = arith.constant 0.000000e+00 : f32
        %parallel_loop3A_301 = vector.broadcast %parallel_loop3A_300 : f32 to vector<16xf32>
        %parallel_loop3A_302 = arith.cmpf oge, %parallel_loop3A_299, %parallel_loop3A_301 : vector<16xf32>
        %parallel_loop3A_303 = arith.constant 2.000000e-01 : f32
        %parallel_loop3A_304 = vector.broadcast %parallel_loop3A_303 : f32 to vector<16xf32>
        %parallel_loop3A_305 = arith.mulf %parallel_loop3A_299, %parallel_loop3A_304 : vector<16xf32>
        %parallel_loop3A_306 = arith.select %parallel_loop3A_302, %parallel_loop3A_299, %parallel_loop3A_305 : vector<16xi1>, vector<16xf32>
        %parallel_loop3A_307 = arith.mulf %parallel_loop3A_306, %get3A_34 : vector<16xf32>
        %parallel_loop3A_308 = arith.addf %parallel_loop3A_242, %parallel_loop3A_274 : vector<16xf32>
        %parallel_loop3A_309 = arith.constant 0.000000e+00 : f32
        %parallel_loop3A_310 = vector.broadcast %parallel_loop3A_309 : f32 to vector<16xf32>
        %parallel_loop3A_311 = arith.cmpf oge, %parallel_loop3A_308, %parallel_loop3A_310 : vector<16xf32>
        %parallel_loop3A_312 = arith.constant 2.000000e-01 : f32
        %parallel_loop3A_313 = vector.broadcast %parallel_loop3A_312 : f32 to vector<16xf32>
        %parallel_loop3A_314 = arith.mulf %parallel_loop3A_308, %parallel_loop3A_313 : vector<16xf32>
        %parallel_loop3A_315 = arith.select %parallel_loop3A_311, %parallel_loop3A_308, %parallel_loop3A_314 : vector<16xi1>, vector<16xf32>
        %parallel_loop3A_316 = arith.mulf %parallel_loop3A_315, %get3A_37 : vector<16xf32>
        %parallel_loop3A_317 = arith.addf %parallel_loop3A_307, %parallel_loop3A_316 : vector<16xf32>
        %parallel_loop3A_318 = arith.constant 1 : i32
        %parallel_loop3A_319 = vector.broadcast %parallel_loop3A_318 : i32 to vector<16xi32>
        %parallel_loop3A_320 = arith.xori %iota3A, %parallel_loop3A_319 : vector<16xi32>
        %parallel_loop3A_321 = arith.constant 0 : i32
        %parallel_loop3A_322 = vector.broadcast %parallel_loop3A_321 : i32 to vector<16xi32>
        %parallel_loop3A_323 = arith.cmpi slt, %parallel_loop3A_320, %parallel_loop3A_322 : vector<16xi32>
        %parallel_loop3A_324 = arith.constant 16 : i32
        %parallel_loop3A_325 = vector.broadcast %parallel_loop3A_324 : i32 to vector<16xi32>
        %parallel_loop3A_326 = arith.addi %parallel_loop3A_320, %parallel_loop3A_325 : vector<16xi32>
        %parallel_loop3A_327 = arith.select %parallel_loop3A_323, %parallel_loop3A_326, %parallel_loop3A_320 : vector<16xi1>, vector<16xi32>
        %parallel_loop3A_328 = vector.shape_cast %parallel_loop3A_327 : vector<16xi32> to vector<16x1xi32>
        %parallel_loop3A_329 = vector.shape_cast %parallel_loop3A_328 : vector<16x1xi32> to vector<16xi32>
        %parallel_loop3A_330 = tpu.dynamic_gather %parallel_loop3A_317[%parallel_loop3A_329] in [0] : vector<16xf32>, vector<16xi32> -> vector<16xf32>
        %parallel_loop3A_331 = arith.addf %parallel_loop3A_317, %parallel_loop3A_330 : vector<16xf32>
        %parallel_loop3A_332 = arith.constant 2 : i32
        %parallel_loop3A_333 = vector.broadcast %parallel_loop3A_332 : i32 to vector<16xi32>
        %parallel_loop3A_334 = arith.xori %iota3A, %parallel_loop3A_333 : vector<16xi32>
        %parallel_loop3A_335 = arith.constant 0 : i32
        %parallel_loop3A_336 = vector.broadcast %parallel_loop3A_335 : i32 to vector<16xi32>
        %parallel_loop3A_337 = arith.cmpi slt, %parallel_loop3A_334, %parallel_loop3A_336 : vector<16xi32>
        %parallel_loop3A_338 = arith.constant 16 : i32
        %parallel_loop3A_339 = vector.broadcast %parallel_loop3A_338 : i32 to vector<16xi32>
        %parallel_loop3A_340 = arith.addi %parallel_loop3A_334, %parallel_loop3A_339 : vector<16xi32>
        %parallel_loop3A_341 = arith.select %parallel_loop3A_337, %parallel_loop3A_340, %parallel_loop3A_334 : vector<16xi1>, vector<16xi32>
        %parallel_loop3A_342 = vector.shape_cast %parallel_loop3A_341 : vector<16xi32> to vector<16x1xi32>
        %parallel_loop3A_343 = vector.shape_cast %parallel_loop3A_342 : vector<16x1xi32> to vector<16xi32>
        %parallel_loop3A_344 = tpu.dynamic_gather %parallel_loop3A_331[%parallel_loop3A_343] in [0] : vector<16xf32>, vector<16xi32> -> vector<16xf32>
        %parallel_loop3A_345 = arith.addf %parallel_loop3A_331, %parallel_loop3A_344 : vector<16xf32>
        %parallel_loop3A_346 = arith.constant 4 : i32
        %parallel_loop3A_347 = vector.broadcast %parallel_loop3A_346 : i32 to vector<16xi32>
        %parallel_loop3A_348 = arith.xori %iota3A, %parallel_loop3A_347 : vector<16xi32>
        %parallel_loop3A_349 = arith.constant 0 : i32
        %parallel_loop3A_350 = vector.broadcast %parallel_loop3A_349 : i32 to vector<16xi32>
        %parallel_loop3A_351 = arith.cmpi slt, %parallel_loop3A_348, %parallel_loop3A_350 : vector<16xi32>
        %parallel_loop3A_352 = arith.constant 16 : i32
        %parallel_loop3A_353 = vector.broadcast %parallel_loop3A_352 : i32 to vector<16xi32>
        %parallel_loop3A_354 = arith.addi %parallel_loop3A_348, %parallel_loop3A_353 : vector<16xi32>
        %parallel_loop3A_355 = arith.select %parallel_loop3A_351, %parallel_loop3A_354, %parallel_loop3A_348 : vector<16xi1>, vector<16xi32>
        %parallel_loop3A_356 = vector.shape_cast %parallel_loop3A_355 : vector<16xi32> to vector<16x1xi32>
        %parallel_loop3A_357 = vector.shape_cast %parallel_loop3A_356 : vector<16x1xi32> to vector<16xi32>
        %parallel_loop3A_358 = tpu.dynamic_gather %parallel_loop3A_345[%parallel_loop3A_357] in [0] : vector<16xf32>, vector<16xi32> -> vector<16xf32>
        %parallel_loop3A_359 = arith.addf %parallel_loop3A_345, %parallel_loop3A_358 : vector<16xf32>
        %parallel_loop3A_360 = arith.constant 8 : i32
        %parallel_loop3A_361 = vector.broadcast %parallel_loop3A_360 : i32 to vector<16xi32>
        %parallel_loop3A_362 = arith.xori %iota3A, %parallel_loop3A_361 : vector<16xi32>
        %parallel_loop3A_363 = arith.constant 0 : i32
        %parallel_loop3A_364 = vector.broadcast %parallel_loop3A_363 : i32 to vector<16xi32>
        %parallel_loop3A_365 = arith.cmpi slt, %parallel_loop3A_362, %parallel_loop3A_364 : vector<16xi32>
        %parallel_loop3A_366 = arith.constant 16 : i32
        %parallel_loop3A_367 = vector.broadcast %parallel_loop3A_366 : i32 to vector<16xi32>
        %parallel_loop3A_368 = arith.addi %parallel_loop3A_362, %parallel_loop3A_367 : vector<16xi32>
        %parallel_loop3A_369 = arith.select %parallel_loop3A_365, %parallel_loop3A_368, %parallel_loop3A_362 : vector<16xi1>, vector<16xi32>
        %parallel_loop3A_370 = vector.shape_cast %parallel_loop3A_369 : vector<16xi32> to vector<16x1xi32>
        %parallel_loop3A_371 = vector.shape_cast %parallel_loop3A_370 : vector<16x1xi32> to vector<16xi32>
        %parallel_loop3A_372 = tpu.dynamic_gather %parallel_loop3A_359[%parallel_loop3A_371] in [0] : vector<16xf32>, vector<16xi32> -> vector<16xf32>
        %parallel_loop3A_373 = arith.addf %parallel_loop3A_359, %parallel_loop3A_372 : vector<16xf32>
        %parallel_loop3A_374 = math.exp %parallel_loop3A_373 : vector<16xf32>
        %parallel_loop3A_375 = arith.addf %parallel_loop3A_246, %parallel_loop3A_278 : vector<16xf32>
        %parallel_loop3A_376 = arith.constant 0.000000e+00 : f32
        %parallel_loop3A_377 = vector.broadcast %parallel_loop3A_376 : f32 to vector<16xf32>
        %parallel_loop3A_378 = arith.cmpf oge, %parallel_loop3A_375, %parallel_loop3A_377 : vector<16xf32>
        %parallel_loop3A_379 = arith.constant 2.000000e-01 : f32
        %parallel_loop3A_380 = vector.broadcast %parallel_loop3A_379 : f32 to vector<16xf32>
        %parallel_loop3A_381 = arith.mulf %parallel_loop3A_375, %parallel_loop3A_380 : vector<16xf32>
        %parallel_loop3A_382 = arith.select %parallel_loop3A_378, %parallel_loop3A_375, %parallel_loop3A_381 : vector<16xi1>, vector<16xf32>
        %parallel_loop3A_383 = arith.mulf %parallel_loop3A_382, %get3A_40 : vector<16xf32>
        %parallel_loop3A_384 = arith.addf %parallel_loop3A_250, %parallel_loop3A_282 : vector<16xf32>
        %parallel_loop3A_385 = arith.constant 0.000000e+00 : f32
        %parallel_loop3A_386 = vector.broadcast %parallel_loop3A_385 : f32 to vector<16xf32>
        %parallel_loop3A_387 = arith.cmpf oge, %parallel_loop3A_384, %parallel_loop3A_386 : vector<16xf32>
        %parallel_loop3A_388 = arith.constant 2.000000e-01 : f32
        %parallel_loop3A_389 = vector.broadcast %parallel_loop3A_388 : f32 to vector<16xf32>
        %parallel_loop3A_390 = arith.mulf %parallel_loop3A_384, %parallel_loop3A_389 : vector<16xf32>
        %parallel_loop3A_391 = arith.select %parallel_loop3A_387, %parallel_loop3A_384, %parallel_loop3A_390 : vector<16xi1>, vector<16xf32>
        %parallel_loop3A_392 = arith.mulf %parallel_loop3A_391, %get3A_43 : vector<16xf32>
        %parallel_loop3A_393 = arith.addf %parallel_loop3A_383, %parallel_loop3A_392 : vector<16xf32>
        %parallel_loop3A_394 = arith.constant 1 : i32
        %parallel_loop3A_395 = vector.broadcast %parallel_loop3A_394 : i32 to vector<16xi32>
        %parallel_loop3A_396 = arith.xori %iota3A, %parallel_loop3A_395 : vector<16xi32>
        %parallel_loop3A_397 = arith.constant 0 : i32
        %parallel_loop3A_398 = vector.broadcast %parallel_loop3A_397 : i32 to vector<16xi32>
        %parallel_loop3A_399 = arith.cmpi slt, %parallel_loop3A_396, %parallel_loop3A_398 : vector<16xi32>
        %parallel_loop3A_400 = arith.constant 16 : i32
        %parallel_loop3A_401 = vector.broadcast %parallel_loop3A_400 : i32 to vector<16xi32>
        %parallel_loop3A_402 = arith.addi %parallel_loop3A_396, %parallel_loop3A_401 : vector<16xi32>
        %parallel_loop3A_403 = arith.select %parallel_loop3A_399, %parallel_loop3A_402, %parallel_loop3A_396 : vector<16xi1>, vector<16xi32>
        %parallel_loop3A_404 = vector.shape_cast %parallel_loop3A_403 : vector<16xi32> to vector<16x1xi32>
        %parallel_loop3A_405 = vector.shape_cast %parallel_loop3A_404 : vector<16x1xi32> to vector<16xi32>
        %parallel_loop3A_406 = tpu.dynamic_gather %parallel_loop3A_393[%parallel_loop3A_405] in [0] : vector<16xf32>, vector<16xi32> -> vector<16xf32>
        %parallel_loop3A_407 = arith.addf %parallel_loop3A_393, %parallel_loop3A_406 : vector<16xf32>
        %parallel_loop3A_408 = arith.constant 2 : i32
        %parallel_loop3A_409 = vector.broadcast %parallel_loop3A_408 : i32 to vector<16xi32>
        %parallel_loop3A_410 = arith.xori %iota3A, %parallel_loop3A_409 : vector<16xi32>
        %parallel_loop3A_411 = arith.constant 0 : i32
        %parallel_loop3A_412 = vector.broadcast %parallel_loop3A_411 : i32 to vector<16xi32>
        %parallel_loop3A_413 = arith.cmpi slt, %parallel_loop3A_410, %parallel_loop3A_412 : vector<16xi32>
        %parallel_loop3A_414 = arith.constant 16 : i32
        %parallel_loop3A_415 = vector.broadcast %parallel_loop3A_414 : i32 to vector<16xi32>
        %parallel_loop3A_416 = arith.addi %parallel_loop3A_410, %parallel_loop3A_415 : vector<16xi32>
        %parallel_loop3A_417 = arith.select %parallel_loop3A_413, %parallel_loop3A_416, %parallel_loop3A_410 : vector<16xi1>, vector<16xi32>
        %parallel_loop3A_418 = vector.shape_cast %parallel_loop3A_417 : vector<16xi32> to vector<16x1xi32>
        %parallel_loop3A_419 = vector.shape_cast %parallel_loop3A_418 : vector<16x1xi32> to vector<16xi32>
        %parallel_loop3A_420 = tpu.dynamic_gather %parallel_loop3A_407[%parallel_loop3A_419] in [0] : vector<16xf32>, vector<16xi32> -> vector<16xf32>
        %parallel_loop3A_421 = arith.addf %parallel_loop3A_407, %parallel_loop3A_420 : vector<16xf32>
        %parallel_loop3A_422 = arith.constant 4 : i32
        %parallel_loop3A_423 = vector.broadcast %parallel_loop3A_422 : i32 to vector<16xi32>
        %parallel_loop3A_424 = arith.xori %iota3A, %parallel_loop3A_423 : vector<16xi32>
        %parallel_loop3A_425 = arith.constant 0 : i32
        %parallel_loop3A_426 = vector.broadcast %parallel_loop3A_425 : i32 to vector<16xi32>
        %parallel_loop3A_427 = arith.cmpi slt, %parallel_loop3A_424, %parallel_loop3A_426 : vector<16xi32>
        %parallel_loop3A_428 = arith.constant 16 : i32
        %parallel_loop3A_429 = vector.broadcast %parallel_loop3A_428 : i32 to vector<16xi32>
        %parallel_loop3A_430 = arith.addi %parallel_loop3A_424, %parallel_loop3A_429 : vector<16xi32>
        %parallel_loop3A_431 = arith.select %parallel_loop3A_427, %parallel_loop3A_430, %parallel_loop3A_424 : vector<16xi1>, vector<16xi32>
        %parallel_loop3A_432 = vector.shape_cast %parallel_loop3A_431 : vector<16xi32> to vector<16x1xi32>
        %parallel_loop3A_433 = vector.shape_cast %parallel_loop3A_432 : vector<16x1xi32> to vector<16xi32>
        %parallel_loop3A_434 = tpu.dynamic_gather %parallel_loop3A_421[%parallel_loop3A_433] in [0] : vector<16xf32>, vector<16xi32> -> vector<16xf32>
        %parallel_loop3A_435 = arith.addf %parallel_loop3A_421, %parallel_loop3A_434 : vector<16xf32>
        %parallel_loop3A_436 = arith.constant 8 : i32
        %parallel_loop3A_437 = vector.broadcast %parallel_loop3A_436 : i32 to vector<16xi32>
        %parallel_loop3A_438 = arith.xori %iota3A, %parallel_loop3A_437 : vector<16xi32>
        %parallel_loop3A_439 = arith.constant 0 : i32
        %parallel_loop3A_440 = vector.broadcast %parallel_loop3A_439 : i32 to vector<16xi32>
        %parallel_loop3A_441 = arith.cmpi slt, %parallel_loop3A_438, %parallel_loop3A_440 : vector<16xi32>
        %parallel_loop3A_442 = arith.constant 16 : i32
        %parallel_loop3A_443 = vector.broadcast %parallel_loop3A_442 : i32 to vector<16xi32>
        %parallel_loop3A_444 = arith.addi %parallel_loop3A_438, %parallel_loop3A_443 : vector<16xi32>
        %parallel_loop3A_445 = arith.select %parallel_loop3A_441, %parallel_loop3A_444, %parallel_loop3A_438 : vector<16xi1>, vector<16xi32>
        %parallel_loop3A_446 = vector.shape_cast %parallel_loop3A_445 : vector<16xi32> to vector<16x1xi32>
        %parallel_loop3A_447 = vector.shape_cast %parallel_loop3A_446 : vector<16x1xi32> to vector<16xi32>
        %parallel_loop3A_448 = tpu.dynamic_gather %parallel_loop3A_435[%parallel_loop3A_447] in [0] : vector<16xf32>, vector<16xi32> -> vector<16xf32>
        %parallel_loop3A_449 = arith.addf %parallel_loop3A_435, %parallel_loop3A_448 : vector<16xf32>
        %parallel_loop3A_450 = math.exp %parallel_loop3A_449 : vector<16xf32>
        %parallel_loop3A_451 = arith.addf %parallel_loop3A_254, %parallel_loop3A_286 : vector<16xf32>
        %parallel_loop3A_452 = arith.constant 0.000000e+00 : f32
        %parallel_loop3A_453 = vector.broadcast %parallel_loop3A_452 : f32 to vector<16xf32>
        %parallel_loop3A_454 = arith.cmpf oge, %parallel_loop3A_451, %parallel_loop3A_453 : vector<16xf32>
        %parallel_loop3A_455 = arith.constant 2.000000e-01 : f32
        %parallel_loop3A_456 = vector.broadcast %parallel_loop3A_455 : f32 to vector<16xf32>
        %parallel_loop3A_457 = arith.mulf %parallel_loop3A_451, %parallel_loop3A_456 : vector<16xf32>
        %parallel_loop3A_458 = arith.select %parallel_loop3A_454, %parallel_loop3A_451, %parallel_loop3A_457 : vector<16xi1>, vector<16xf32>
        %parallel_loop3A_459 = arith.mulf %parallel_loop3A_458, %get3A_46 : vector<16xf32>
        %parallel_loop3A_460 = arith.addf %parallel_loop3A_258, %parallel_loop3A_290 : vector<16xf32>
        %parallel_loop3A_461 = arith.constant 0.000000e+00 : f32
        %parallel_loop3A_462 = vector.broadcast %parallel_loop3A_461 : f32 to vector<16xf32>
        %parallel_loop3A_463 = arith.cmpf oge, %parallel_loop3A_460, %parallel_loop3A_462 : vector<16xf32>
        %parallel_loop3A_464 = arith.constant 2.000000e-01 : f32
        %parallel_loop3A_465 = vector.broadcast %parallel_loop3A_464 : f32 to vector<16xf32>
        %parallel_loop3A_466 = arith.mulf %parallel_loop3A_460, %parallel_loop3A_465 : vector<16xf32>
        %parallel_loop3A_467 = arith.select %parallel_loop3A_463, %parallel_loop3A_460, %parallel_loop3A_466 : vector<16xi1>, vector<16xf32>
        %parallel_loop3A_468 = arith.mulf %parallel_loop3A_467, %get3A_49 : vector<16xf32>
        %parallel_loop3A_469 = arith.addf %parallel_loop3A_459, %parallel_loop3A_468 : vector<16xf32>
        %parallel_loop3A_470 = arith.constant 1 : i32
        %parallel_loop3A_471 = vector.broadcast %parallel_loop3A_470 : i32 to vector<16xi32>
        %parallel_loop3A_472 = arith.xori %iota3A, %parallel_loop3A_471 : vector<16xi32>
        %parallel_loop3A_473 = arith.constant 0 : i32
        %parallel_loop3A_474 = vector.broadcast %parallel_loop3A_473 : i32 to vector<16xi32>
        %parallel_loop3A_475 = arith.cmpi slt, %parallel_loop3A_472, %parallel_loop3A_474 : vector<16xi32>
        %parallel_loop3A_476 = arith.constant 16 : i32
        %parallel_loop3A_477 = vector.broadcast %parallel_loop3A_476 : i32 to vector<16xi32>
        %parallel_loop3A_478 = arith.addi %parallel_loop3A_472, %parallel_loop3A_477 : vector<16xi32>
        %parallel_loop3A_479 = arith.select %parallel_loop3A_475, %parallel_loop3A_478, %parallel_loop3A_472 : vector<16xi1>, vector<16xi32>
        %parallel_loop3A_480 = vector.shape_cast %parallel_loop3A_479 : vector<16xi32> to vector<16x1xi32>
        %parallel_loop3A_481 = vector.shape_cast %parallel_loop3A_480 : vector<16x1xi32> to vector<16xi32>
        %parallel_loop3A_482 = tpu.dynamic_gather %parallel_loop3A_469[%parallel_loop3A_481] in [0] : vector<16xf32>, vector<16xi32> -> vector<16xf32>
        %parallel_loop3A_483 = arith.addf %parallel_loop3A_469, %parallel_loop3A_482 : vector<16xf32>
        %parallel_loop3A_484 = arith.constant 2 : i32
        %parallel_loop3A_485 = vector.broadcast %parallel_loop3A_484 : i32 to vector<16xi32>
        %parallel_loop3A_486 = arith.xori %iota3A, %parallel_loop3A_485 : vector<16xi32>
        %parallel_loop3A_487 = arith.constant 0 : i32
        %parallel_loop3A_488 = vector.broadcast %parallel_loop3A_487 : i32 to vector<16xi32>
        %parallel_loop3A_489 = arith.cmpi slt, %parallel_loop3A_486, %parallel_loop3A_488 : vector<16xi32>
        %parallel_loop3A_490 = arith.constant 16 : i32
        %parallel_loop3A_491 = vector.broadcast %parallel_loop3A_490 : i32 to vector<16xi32>
        %parallel_loop3A_492 = arith.addi %parallel_loop3A_486, %parallel_loop3A_491 : vector<16xi32>
        %parallel_loop3A_493 = arith.select %parallel_loop3A_489, %parallel_loop3A_492, %parallel_loop3A_486 : vector<16xi1>, vector<16xi32>
        %parallel_loop3A_494 = vector.shape_cast %parallel_loop3A_493 : vector<16xi32> to vector<16x1xi32>
        %parallel_loop3A_495 = vector.shape_cast %parallel_loop3A_494 : vector<16x1xi32> to vector<16xi32>
        %parallel_loop3A_496 = tpu.dynamic_gather %parallel_loop3A_483[%parallel_loop3A_495] in [0] : vector<16xf32>, vector<16xi32> -> vector<16xf32>
        %parallel_loop3A_497 = arith.addf %parallel_loop3A_483, %parallel_loop3A_496 : vector<16xf32>
        %parallel_loop3A_498 = arith.constant 4 : i32
        %parallel_loop3A_499 = vector.broadcast %parallel_loop3A_498 : i32 to vector<16xi32>
        %parallel_loop3A_500 = arith.xori %iota3A, %parallel_loop3A_499 : vector<16xi32>
        %parallel_loop3A_501 = arith.constant 0 : i32
        %parallel_loop3A_502 = vector.broadcast %parallel_loop3A_501 : i32 to vector<16xi32>
        %parallel_loop3A_503 = arith.cmpi slt, %parallel_loop3A_500, %parallel_loop3A_502 : vector<16xi32>
        %parallel_loop3A_504 = arith.constant 16 : i32
        %parallel_loop3A_505 = vector.broadcast %parallel_loop3A_504 : i32 to vector<16xi32>
        %parallel_loop3A_506 = arith.addi %parallel_loop3A_500, %parallel_loop3A_505 : vector<16xi32>
        %parallel_loop3A_507 = arith.select %parallel_loop3A_503, %parallel_loop3A_506, %parallel_loop3A_500 : vector<16xi1>, vector<16xi32>
        %parallel_loop3A_508 = vector.shape_cast %parallel_loop3A_507 : vector<16xi32> to vector<16x1xi32>
        %parallel_loop3A_509 = vector.shape_cast %parallel_loop3A_508 : vector<16x1xi32> to vector<16xi32>
        %parallel_loop3A_510 = tpu.dynamic_gather %parallel_loop3A_497[%parallel_loop3A_509] in [0] : vector<16xf32>, vector<16xi32> -> vector<16xf32>
        %parallel_loop3A_511 = arith.addf %parallel_loop3A_497, %parallel_loop3A_510 : vector<16xf32>
        %parallel_loop3A_512 = arith.constant 8 : i32
        %parallel_loop3A_513 = vector.broadcast %parallel_loop3A_512 : i32 to vector<16xi32>
        %parallel_loop3A_514 = arith.xori %iota3A, %parallel_loop3A_513 : vector<16xi32>
        %parallel_loop3A_515 = arith.constant 0 : i32
        %parallel_loop3A_516 = vector.broadcast %parallel_loop3A_515 : i32 to vector<16xi32>
        %parallel_loop3A_517 = arith.cmpi slt, %parallel_loop3A_514, %parallel_loop3A_516 : vector<16xi32>
        %parallel_loop3A_518 = arith.constant 16 : i32
        %parallel_loop3A_519 = vector.broadcast %parallel_loop3A_518 : i32 to vector<16xi32>
        %parallel_loop3A_520 = arith.addi %parallel_loop3A_514, %parallel_loop3A_519 : vector<16xi32>
        %parallel_loop3A_521 = arith.select %parallel_loop3A_517, %parallel_loop3A_520, %parallel_loop3A_514 : vector<16xi1>, vector<16xi32>
        %parallel_loop3A_522 = vector.shape_cast %parallel_loop3A_521 : vector<16xi32> to vector<16x1xi32>
        %parallel_loop3A_523 = vector.shape_cast %parallel_loop3A_522 : vector<16x1xi32> to vector<16xi32>
        %parallel_loop3A_524 = tpu.dynamic_gather %parallel_loop3A_511[%parallel_loop3A_523] in [0] : vector<16xf32>, vector<16xi32> -> vector<16xf32>
        %parallel_loop3A_525 = arith.addf %parallel_loop3A_511, %parallel_loop3A_524 : vector<16xf32>
        %parallel_loop3A_526 = math.exp %parallel_loop3A_525 : vector<16xf32>
        %parallel_loop3A_527 = arith.addf %parallel_loop3A_262, %parallel_loop3A_294 : vector<16xf32>
        %parallel_loop3A_528 = arith.constant 0.000000e+00 : f32
        %parallel_loop3A_529 = vector.broadcast %parallel_loop3A_528 : f32 to vector<16xf32>
        %parallel_loop3A_530 = arith.cmpf oge, %parallel_loop3A_527, %parallel_loop3A_529 : vector<16xf32>
        %parallel_loop3A_531 = arith.constant 2.000000e-01 : f32
        %parallel_loop3A_532 = vector.broadcast %parallel_loop3A_531 : f32 to vector<16xf32>
        %parallel_loop3A_533 = arith.mulf %parallel_loop3A_527, %parallel_loop3A_532 : vector<16xf32>
        %parallel_loop3A_534 = arith.select %parallel_loop3A_530, %parallel_loop3A_527, %parallel_loop3A_533 : vector<16xi1>, vector<16xf32>
        %parallel_loop3A_535 = arith.mulf %parallel_loop3A_534, %get3A_52 : vector<16xf32>
        %parallel_loop3A_536 = arith.addf %parallel_loop3A_266, %parallel_loop3A_298 : vector<16xf32>
        %parallel_loop3A_537 = arith.constant 0.000000e+00 : f32
        %parallel_loop3A_538 = vector.broadcast %parallel_loop3A_537 : f32 to vector<16xf32>
        %parallel_loop3A_539 = arith.cmpf oge, %parallel_loop3A_536, %parallel_loop3A_538 : vector<16xf32>
        %parallel_loop3A_540 = arith.constant 2.000000e-01 : f32
        %parallel_loop3A_541 = vector.broadcast %parallel_loop3A_540 : f32 to vector<16xf32>
        %parallel_loop3A_542 = arith.mulf %parallel_loop3A_536, %parallel_loop3A_541 : vector<16xf32>
        %parallel_loop3A_543 = arith.select %parallel_loop3A_539, %parallel_loop3A_536, %parallel_loop3A_542 : vector<16xi1>, vector<16xf32>
        %parallel_loop3A_544 = arith.mulf %parallel_loop3A_543, %get3A_55 : vector<16xf32>
        %parallel_loop3A_545 = arith.addf %parallel_loop3A_535, %parallel_loop3A_544 : vector<16xf32>
        %parallel_loop3A_546 = arith.constant 1 : i32
        %parallel_loop3A_547 = vector.broadcast %parallel_loop3A_546 : i32 to vector<16xi32>
        %parallel_loop3A_548 = arith.xori %iota3A, %parallel_loop3A_547 : vector<16xi32>
        %parallel_loop3A_549 = arith.constant 0 : i32
        %parallel_loop3A_550 = vector.broadcast %parallel_loop3A_549 : i32 to vector<16xi32>
        %parallel_loop3A_551 = arith.cmpi slt, %parallel_loop3A_548, %parallel_loop3A_550 : vector<16xi32>
        %parallel_loop3A_552 = arith.constant 16 : i32
        %parallel_loop3A_553 = vector.broadcast %parallel_loop3A_552 : i32 to vector<16xi32>
        %parallel_loop3A_554 = arith.addi %parallel_loop3A_548, %parallel_loop3A_553 : vector<16xi32>
        %parallel_loop3A_555 = arith.select %parallel_loop3A_551, %parallel_loop3A_554, %parallel_loop3A_548 : vector<16xi1>, vector<16xi32>
        %parallel_loop3A_556 = vector.shape_cast %parallel_loop3A_555 : vector<16xi32> to vector<16x1xi32>
        %parallel_loop3A_557 = vector.shape_cast %parallel_loop3A_556 : vector<16x1xi32> to vector<16xi32>
        %parallel_loop3A_558 = tpu.dynamic_gather %parallel_loop3A_545[%parallel_loop3A_557] in [0] : vector<16xf32>, vector<16xi32> -> vector<16xf32>
        %parallel_loop3A_559 = arith.addf %parallel_loop3A_545, %parallel_loop3A_558 : vector<16xf32>
        %parallel_loop3A_560 = arith.constant 2 : i32
        %parallel_loop3A_561 = vector.broadcast %parallel_loop3A_560 : i32 to vector<16xi32>
        %parallel_loop3A_562 = arith.xori %iota3A, %parallel_loop3A_561 : vector<16xi32>
        %parallel_loop3A_563 = arith.constant 0 : i32
        %parallel_loop3A_564 = vector.broadcast %parallel_loop3A_563 : i32 to vector<16xi32>
        %parallel_loop3A_565 = arith.cmpi slt, %parallel_loop3A_562, %parallel_loop3A_564 : vector<16xi32>
        %parallel_loop3A_566 = arith.constant 16 : i32
        %parallel_loop3A_567 = vector.broadcast %parallel_loop3A_566 : i32 to vector<16xi32>
        %parallel_loop3A_568 = arith.addi %parallel_loop3A_562, %parallel_loop3A_567 : vector<16xi32>
        %parallel_loop3A_569 = arith.select %parallel_loop3A_565, %parallel_loop3A_568, %parallel_loop3A_562 : vector<16xi1>, vector<16xi32>
        %parallel_loop3A_570 = vector.shape_cast %parallel_loop3A_569 : vector<16xi32> to vector<16x1xi32>
        %parallel_loop3A_571 = vector.shape_cast %parallel_loop3A_570 : vector<16x1xi32> to vector<16xi32>
        %parallel_loop3A_572 = tpu.dynamic_gather %parallel_loop3A_559[%parallel_loop3A_571] in [0] : vector<16xf32>, vector<16xi32> -> vector<16xf32>
        %parallel_loop3A_573 = arith.addf %parallel_loop3A_559, %parallel_loop3A_572 : vector<16xf32>
        %parallel_loop3A_574 = arith.constant 4 : i32
        %parallel_loop3A_575 = vector.broadcast %parallel_loop3A_574 : i32 to vector<16xi32>
        %parallel_loop3A_576 = arith.xori %iota3A, %parallel_loop3A_575 : vector<16xi32>
        %parallel_loop3A_577 = arith.constant 0 : i32
        %parallel_loop3A_578 = vector.broadcast %parallel_loop3A_577 : i32 to vector<16xi32>
        %parallel_loop3A_579 = arith.cmpi slt, %parallel_loop3A_576, %parallel_loop3A_578 : vector<16xi32>
        %parallel_loop3A_580 = arith.constant 16 : i32
        %parallel_loop3A_581 = vector.broadcast %parallel_loop3A_580 : i32 to vector<16xi32>
        %parallel_loop3A_582 = arith.addi %parallel_loop3A_576, %parallel_loop3A_581 : vector<16xi32>
        %parallel_loop3A_583 = arith.select %parallel_loop3A_579, %parallel_loop3A_582, %parallel_loop3A_576 : vector<16xi1>, vector<16xi32>
        %parallel_loop3A_584 = vector.shape_cast %parallel_loop3A_583 : vector<16xi32> to vector<16x1xi32>
        %parallel_loop3A_585 = vector.shape_cast %parallel_loop3A_584 : vector<16x1xi32> to vector<16xi32>
        %parallel_loop3A_586 = tpu.dynamic_gather %parallel_loop3A_573[%parallel_loop3A_585] in [0] : vector<16xf32>, vector<16xi32> -> vector<16xf32>
        %parallel_loop3A_587 = arith.addf %parallel_loop3A_573, %parallel_loop3A_586 : vector<16xf32>
        %parallel_loop3A_588 = arith.constant 8 : i32
        %parallel_loop3A_589 = vector.broadcast %parallel_loop3A_588 : i32 to vector<16xi32>
        %parallel_loop3A_590 = arith.xori %iota3A, %parallel_loop3A_589 : vector<16xi32>
        %parallel_loop3A_591 = arith.constant 0 : i32
        %parallel_loop3A_592 = vector.broadcast %parallel_loop3A_591 : i32 to vector<16xi32>
        %parallel_loop3A_593 = arith.cmpi slt, %parallel_loop3A_590, %parallel_loop3A_592 : vector<16xi32>
        %parallel_loop3A_594 = arith.constant 16 : i32
        %parallel_loop3A_595 = vector.broadcast %parallel_loop3A_594 : i32 to vector<16xi32>
        %parallel_loop3A_596 = arith.addi %parallel_loop3A_590, %parallel_loop3A_595 : vector<16xi32>
        %parallel_loop3A_597 = arith.select %parallel_loop3A_593, %parallel_loop3A_596, %parallel_loop3A_590 : vector<16xi1>, vector<16xi32>
        %parallel_loop3A_598 = vector.shape_cast %parallel_loop3A_597 : vector<16xi32> to vector<16x1xi32>
        %parallel_loop3A_599 = vector.shape_cast %parallel_loop3A_598 : vector<16x1xi32> to vector<16xi32>
        %parallel_loop3A_600 = tpu.dynamic_gather %parallel_loop3A_587[%parallel_loop3A_599] in [0] : vector<16xf32>, vector<16xi32> -> vector<16xf32>
        %parallel_loop3A_601 = arith.addf %parallel_loop3A_587, %parallel_loop3A_600 : vector<16xf32>
        %parallel_loop3A_602 = math.exp %parallel_loop3A_601 : vector<16xf32>
        %parallel_loop3A_603 = arith.mulf %parallel_loop3A_238, %parallel_loop3A_374 : vector<16xf32>
        %parallel_loop3A_604 = arith.index_cast %parallel_loop3A_234 : i32 to index
        %parallel_loop3A_605 = arith.constant 0 : index
        %parallel_loop3A_606 = tpu.vector_load %arg16[%parallel_loop3A_604, %parallel_loop3A_605] {strides = array<i32>} : memref<64x128xf32, #tpu.memory_space<vmem>>, vector<1x16xf32>,
        %parallel_loop3A_607 = vector.shape_cast %parallel_loop3A_606 : vector<1x16xf32> to vector<16xf32>
        %parallel_loop3A_608 = vector.shape_cast %parallel_loop3A_603 : vector<16xf32> to vector<1x16xf32>
        tpu.vector_store %arg16[%parallel_loop3A_604, %parallel_loop3A_605], %parallel_loop3A_608 {strides = array<i32>} : memref<64x128xf32, #tpu.memory_space<vmem>>, vector<1x16xf32>,
        %parallel_loop3A_609 = arith.mulf %parallel_loop3A_242, %parallel_loop3A_374 : vector<16xf32>
        %parallel_loop3A_610 = arith.index_cast %parallel_loop3A_234 : i32 to index
        %parallel_loop3A_611 = arith.constant 16 : index
        %parallel_loop3A_612 = tpu.vector_load %arg16[%parallel_loop3A_610, %parallel_loop3A_611] {strides = array<i32>} : memref<64x128xf32, #tpu.memory_space<vmem>>, vector<1x16xf32>,
        %parallel_loop3A_613 = vector.shape_cast %parallel_loop3A_612 : vector<1x16xf32> to vector<16xf32>
        %parallel_loop3A_614 = vector.shape_cast %parallel_loop3A_609 : vector<16xf32> to vector<1x16xf32>
        tpu.vector_store %arg16[%parallel_loop3A_610, %parallel_loop3A_611], %parallel_loop3A_614 {strides = array<i32>} : memref<64x128xf32, #tpu.memory_space<vmem>>, vector<1x16xf32>,
        %parallel_loop3A_615 = arith.mulf %parallel_loop3A_246, %parallel_loop3A_450 : vector<16xf32>
        %parallel_loop3A_616 = arith.index_cast %parallel_loop3A_234 : i32 to index
        %parallel_loop3A_617 = arith.constant 32 : index
        %parallel_loop3A_618 = tpu.vector_load %arg16[%parallel_loop3A_616, %parallel_loop3A_617] {strides = array<i32>} : memref<64x128xf32, #tpu.memory_space<vmem>>, vector<1x16xf32>,
        %parallel_loop3A_619 = vector.shape_cast %parallel_loop3A_618 : vector<1x16xf32> to vector<16xf32>
        %parallel_loop3A_620 = vector.shape_cast %parallel_loop3A_615 : vector<16xf32> to vector<1x16xf32>
        tpu.vector_store %arg16[%parallel_loop3A_616, %parallel_loop3A_617], %parallel_loop3A_620 {strides = array<i32>} : memref<64x128xf32, #tpu.memory_space<vmem>>, vector<1x16xf32>,
        %parallel_loop3A_621 = arith.mulf %parallel_loop3A_250, %parallel_loop3A_450 : vector<16xf32>
        %parallel_loop3A_622 = arith.index_cast %parallel_loop3A_234 : i32 to index
        %parallel_loop3A_623 = arith.constant 48 : index
        %parallel_loop3A_624 = tpu.vector_load %arg16[%parallel_loop3A_622, %parallel_loop3A_623] {strides = array<i32>} : memref<64x128xf32, #tpu.memory_space<vmem>>, vector<1x16xf32>,
        %parallel_loop3A_625 = vector.shape_cast %parallel_loop3A_624 : vector<1x16xf32> to vector<16xf32>
        %parallel_loop3A_626 = vector.shape_cast %parallel_loop3A_621 : vector<16xf32> to vector<1x16xf32>
        tpu.vector_store %arg16[%parallel_loop3A_622, %parallel_loop3A_623], %parallel_loop3A_626 {strides = array<i32>} : memref<64x128xf32, #tpu.memory_space<vmem>>, vector<1x16xf32>,
        %parallel_loop3A_627 = arith.mulf %parallel_loop3A_254, %parallel_loop3A_526 : vector<16xf32>
        %parallel_loop3A_628 = arith.index_cast %parallel_loop3A_234 : i32 to index
        %parallel_loop3A_629 = arith.constant 64 : index
        %parallel_loop3A_630 = tpu.vector_load %arg16[%parallel_loop3A_628, %parallel_loop3A_629] {strides = array<i32>} : memref<64x128xf32, #tpu.memory_space<vmem>>, vector<1x16xf32>,
        %parallel_loop3A_631 = vector.shape_cast %parallel_loop3A_630 : vector<1x16xf32> to vector<16xf32>
        %parallel_loop3A_632 = vector.shape_cast %parallel_loop3A_627 : vector<16xf32> to vector<1x16xf32>
        tpu.vector_store %arg16[%parallel_loop3A_628, %parallel_loop3A_629], %parallel_loop3A_632 {strides = array<i32>} : memref<64x128xf32, #tpu.memory_space<vmem>>, vector<1x16xf32>,
        %parallel_loop3A_633 = arith.mulf %parallel_loop3A_258, %parallel_loop3A_526 : vector<16xf32>
        %parallel_loop3A_634 = arith.index_cast %parallel_loop3A_234 : i32 to index
        %parallel_loop3A_635 = arith.constant 80 : index
        %parallel_loop3A_636 = tpu.vector_load %arg16[%parallel_loop3A_634, %parallel_loop3A_635] {strides = array<i32>} : memref<64x128xf32, #tpu.memory_space<vmem>>, vector<1x16xf32>,
        %parallel_loop3A_637 = vector.shape_cast %parallel_loop3A_636 : vector<1x16xf32> to vector<16xf32>
        %parallel_loop3A_638 = vector.shape_cast %parallel_loop3A_633 : vector<16xf32> to vector<1x16xf32>
        tpu.vector_store %arg16[%parallel_loop3A_634, %parallel_loop3A_635], %parallel_loop3A_638 {strides = array<i32>} : memref<64x128xf32, #tpu.memory_space<vmem>>, vector<1x16xf32>,
        %parallel_loop3A_639 = arith.mulf %parallel_loop3A_262, %parallel_loop3A_602 : vector<16xf32>
        %parallel_loop3A_640 = arith.index_cast %parallel_loop3A_234 : i32 to index
        %parallel_loop3A_641 = arith.constant 96 : index
        %parallel_loop3A_642 = tpu.vector_load %arg16[%parallel_loop3A_640, %parallel_loop3A_641] {strides = array<i32>} : memref<64x128xf32, #tpu.memory_space<vmem>>, vector<1x16xf32>,
        %parallel_loop3A_643 = vector.shape_cast %parallel_loop3A_642 : vector<1x16xf32> to vector<16xf32>
        %parallel_loop3A_644 = vector.shape_cast %parallel_loop3A_639 : vector<16xf32> to vector<1x16xf32>
        tpu.vector_store %arg16[%parallel_loop3A_640, %parallel_loop3A_641], %parallel_loop3A_644 {strides = array<i32>} : memref<64x128xf32, #tpu.memory_space<vmem>>, vector<1x16xf32>,
        %parallel_loop3A_645 = arith.mulf %parallel_loop3A_266, %parallel_loop3A_602 : vector<16xf32>
        %parallel_loop3A_646 = arith.index_cast %parallel_loop3A_234 : i32 to index
        %parallel_loop3A_647 = arith.constant 112 : index
        %parallel_loop3A_648 = tpu.vector_load %arg16[%parallel_loop3A_646, %parallel_loop3A_647] {strides = array<i32>} : memref<64x128xf32, #tpu.memory_space<vmem>>, vector<1x16xf32>,
        %parallel_loop3A_649 = vector.shape_cast %parallel_loop3A_648 : vector<1x16xf32> to vector<16xf32>
        %parallel_loop3A_650 = vector.shape_cast %parallel_loop3A_645 : vector<16xf32> to vector<1x16xf32>
        tpu.vector_store %arg16[%parallel_loop3A_646, %parallel_loop3A_647], %parallel_loop3A_650 {strides = array<i32>} : memref<64x128xf32, #tpu.memory_space<vmem>>, vector<1x16xf32>,
        %parallel_loop3A_651 = arith.constant 0 : i32
        %parallel_loop3A_652 = vector.broadcast %parallel_loop3A_651 : i32 to vector<16xi32>
        %parallel_loop3A_653 = arith.cmpi eq, %iota3A, %parallel_loop3A_652 : vector<16xi32>
        %parallel_loop3A_654 = arith.constant 0.000000e+00 : f32
        %parallel_loop3A_655 = vector.broadcast %parallel_loop3A_654 : f32 to vector<16xf32>
        %parallel_loop3A_656 = arith.select %parallel_loop3A_653, %parallel_loop3A_374, %parallel_loop3A_655 : vector<16xi1>, vector<16xf32>
        %parallel_loop3A_657 = arith.constant 1 : i32
        %parallel_loop3A_658 = vector.broadcast %parallel_loop3A_657 : i32 to vector<16xi32>
        %parallel_loop3A_659 = arith.cmpi eq, %iota3A, %parallel_loop3A_658 : vector<16xi32>
        %parallel_loop3A_660 = arith.select %parallel_loop3A_659, %parallel_loop3A_450, %parallel_loop3A_656 : vector<16xi1>, vector<16xf32>
        %parallel_loop3A_661 = arith.constant 2 : i32
        %parallel_loop3A_662 = vector.broadcast %parallel_loop3A_661 : i32 to vector<16xi32>
        %parallel_loop3A_663 = arith.cmpi eq, %iota3A, %parallel_loop3A_662 : vector<16xi32>
        %parallel_loop3A_664 = arith.select %parallel_loop3A_663, %parallel_loop3A_526, %parallel_loop3A_660 : vector<16xi1>, vector<16xf32>
        %parallel_loop3A_665 = arith.constant 3 : i32
        %parallel_loop3A_666 = vector.broadcast %parallel_loop3A_665 : i32 to vector<16xi32>
        %parallel_loop3A_667 = arith.cmpi eq, %iota3A, %parallel_loop3A_666 : vector<16xi32>
        %parallel_loop3A_668 = arith.select %parallel_loop3A_667, %parallel_loop3A_602, %parallel_loop3A_664 : vector<16xi1>, vector<16xf32>
        %parallel_loop3A_669 = arith.constant 16 : i32
        %parallel_loop3A_670 = arith.divsi %parallel_loop3A_234, %parallel_loop3A_669 : i32
        %parallel_loop3A_671 = arith.constant 0 : i32
        %parallel_loop3A_672 = arith.cmpi sgt, %parallel_loop3A_234, %parallel_loop3A_671 : i32
        %parallel_loop3A_673 = arith.extui %parallel_loop3A_672 : i1 to i32
        %parallel_loop3A_674 = arith.constant 0 : i32
        %parallel_loop3A_675 = arith.cmpi slt, %parallel_loop3A_234, %parallel_loop3A_674 : i32
        %parallel_loop3A_676 = arith.extui %parallel_loop3A_675 : i1 to i32
        %parallel_loop3A_677 = arith.subi %parallel_loop3A_673, %parallel_loop3A_676 : i32
        %parallel_loop3A_678 = arith.constant 0 : i32
        %parallel_loop3A_679 = arith.cmpi sgt, %parallel_loop3A_669, %parallel_loop3A_678 : i32
        %parallel_loop3A_680 = arith.extui %parallel_loop3A_679 : i1 to i32
        %parallel_loop3A_681 = arith.constant 0 : i32
        %parallel_loop3A_682 = arith.cmpi slt, %parallel_loop3A_669, %parallel_loop3A_681 : i32
        %parallel_loop3A_683 = arith.extui %parallel_loop3A_682 : i1 to i32
        %parallel_loop3A_684 = arith.subi %parallel_loop3A_680, %parallel_loop3A_683 : i32
        %parallel_loop3A_685 = arith.cmpi ne, %parallel_loop3A_677, %parallel_loop3A_684 : i32
        %parallel_loop3A_686 = arith.remsi %parallel_loop3A_234, %parallel_loop3A_669 : i32
        %parallel_loop3A_687 = arith.constant 0 : i32
        %parallel_loop3A_688 = arith.cmpi ne, %parallel_loop3A_686, %parallel_loop3A_687 : i32
        %parallel_loop3A_689 = arith.andi %parallel_loop3A_685, %parallel_loop3A_688 : i1
        %parallel_loop3A_690 = arith.constant 1 : i32
        %parallel_loop3A_691 = arith.subi %parallel_loop3A_670, %parallel_loop3A_690 : i32
        %parallel_loop3A_692 = arith.select %parallel_loop3A_689, %parallel_loop3A_691, %parallel_loop3A_670 : i32
        %parallel_loop3A_693 = arith.constant 16 : i32
        %parallel_loop3A_694 = arith.muli %parallel_loop3A_693, %parallel_loop3A_692 : i32
        %parallel_loop3A_695 = arith.constant 32 : i32
        %parallel_loop3A_696 = arith.addi %parallel_loop3A_695, %parallel_loop3A_694 : i32
        %parallel_loop3A_697 = arith.index_cast %parallel_loop3A_696 : i32 to index
        %parallel_loop3A_698 = tpu.vector_load %arg8[%parallel_loop3A_697] {strides = array<i32>} : memref<64xi32, #tpu.memory_space<vmem>>, vector<16xi32>,
        %parallel_loop3A_699 = vector.shape_cast %parallel_loop3A_698 : vector<16xi32> to vector<16xi32>
        %parallel_loop3A_700 = arith.constant 16 : i32
        %parallel_loop3A_701 = arith.constant 0 : i32
        %parallel_loop3A_702 = arith.cmpi eq, %parallel_loop3A_700, %parallel_loop3A_701 : i32
        %parallel_loop3A_703 = arith.constant 1 : i32
        %parallel_loop3A_704 = arith.select %parallel_loop3A_702, %parallel_loop3A_703, %parallel_loop3A_700 : i32
        %parallel_loop3A_705 = arith.remsi %parallel_loop3A_234, %parallel_loop3A_704 : i32
        %parallel_loop3A_706 = arith.constant 0 : i32
        %parallel_loop3A_707 = arith.cmpi ne, %parallel_loop3A_705, %parallel_loop3A_706 : i32
        %parallel_loop3A_708 = arith.constant 0 : i32
        %parallel_loop3A_709 = arith.cmpi slt, %parallel_loop3A_705, %parallel_loop3A_708 : i32
        %parallel_loop3A_710 = arith.constant 0 : i32
        %parallel_loop3A_711 = arith.cmpi slt, %parallel_loop3A_704, %parallel_loop3A_710 : i32
        %parallel_loop3A_712 = arith.xori %parallel_loop3A_709, %parallel_loop3A_711 : i1
        %parallel_loop3A_713 = arith.andi %parallel_loop3A_712, %parallel_loop3A_707 : i1
        %parallel_loop3A_714 = arith.addi %parallel_loop3A_705, %parallel_loop3A_704 : i32
        %parallel_loop3A_715 = arith.select %parallel_loop3A_713, %parallel_loop3A_714, %parallel_loop3A_705 : i32
        %parallel_loop3A_716 = vector.broadcast %parallel_loop3A_715 : i32 to vector<16xi32>
        %parallel_loop3A_717 = arith.constant 0 : i32
        %parallel_loop3A_718 = vector.broadcast %parallel_loop3A_717 : i32 to vector<16xi32>
        %parallel_loop3A_719 = arith.cmpi slt, %parallel_loop3A_716, %parallel_loop3A_718 : vector<16xi32>
        %parallel_loop3A_720 = arith.constant 16 : i32
        %parallel_loop3A_721 = vector.broadcast %parallel_loop3A_720 : i32 to vector<16xi32>
        %parallel_loop3A_722 = arith.addi %parallel_loop3A_716, %parallel_loop3A_721 : vector<16xi32>
        %parallel_loop3A_723 = arith.select %parallel_loop3A_719, %parallel_loop3A_722, %parallel_loop3A_716 : vector<16xi1>, vector<16xi32>
        %parallel_loop3A_724 = vector.shape_cast %parallel_loop3A_723 : vector<16xi32> to vector<16x1xi32>
        %parallel_loop3A_725 = vector.shape_cast %parallel_loop3A_724 : vector<16x1xi32> to vector<16xi32>
        %parallel_loop3A_726 = tpu.dynamic_gather %parallel_loop3A_699[%parallel_loop3A_725] in [0] : vector<16xi32>, vector<16xi32> -> vector<16xi32>
        %parallel_loop3A_727 = arith.constant 7 : i32
        %parallel_loop3A_728 = vector.broadcast %parallel_loop3A_727 : i32 to vector<16xi32>
        %parallel_loop3A_729 = arith.andi %parallel_loop3A_726, %parallel_loop3A_728 : vector<16xi32>
        %parallel_loop3A_730 = arith.sitofp %parallel_loop3A_729 : vector<16xi32> to vector<16xf32>
        %parallel_loop3A_731 = arith.constant 0.000000e+00 : f32
        %parallel_loop3A_732 = vector.broadcast %parallel_loop3A_731 : f32 to vector<16xf32>
        %parallel_loop3A_733 = arith.subf %parallel_loop3A_730, %parallel_loop3A_732 : vector<16xf32>
        %parallel_loop3A_734 = math.absf %parallel_loop3A_733 : vector<16xf32>
        %parallel_loop3A_735 = arith.constant 1.000000e+00 : f32
        %parallel_loop3A_736 = vector.broadcast %parallel_loop3A_735 : f32 to vector<16xf32>
        %parallel_loop3A_737 = arith.subf %parallel_loop3A_736, %parallel_loop3A_734 : vector<16xf32>
        %parallel_loop3A_738 = arith.constant 0.000000e+00 : f32
        %parallel_loop3A_739 = vector.broadcast %parallel_loop3A_738 : f32 to vector<16xf32>
        %parallel_loop3A_740 = arith.maximumf %parallel_loop3A_737, %parallel_loop3A_739 : vector<16xf32>
        %parallel_loop3A_741 = arith.mulf %parallel_loop3A_668, %parallel_loop3A_740 : vector<16xf32>
        %parallel_loop3A_742 = arith.constant 32 : i32
        %parallel_loop3A_743 = arith.addi %parallel_loop3A_742, %parallel_loop3A_234 : i32
        %parallel_loop3A_744 = arith.index_cast %parallel_loop3A_743 : i32 to index
        %parallel_loop3A_745 = arith.constant 0 : index
        %parallel_loop3A_746 = tpu.vector_load %arg16[%parallel_loop3A_744, %parallel_loop3A_745] {strides = array<i32>} : memref<64x128xf32, #tpu.memory_space<vmem>>, vector<1x16xf32>,
        %parallel_loop3A_747 = vector.shape_cast %parallel_loop3A_746 : vector<1x16xf32> to vector<16xf32>
        %parallel_loop3A_748 = vector.shape_cast %parallel_loop3A_741 : vector<16xf32> to vector<1x16xf32>
        tpu.vector_store %arg16[%parallel_loop3A_744, %parallel_loop3A_745], %parallel_loop3A_748 {strides = array<i32>} : memref<64x128xf32, #tpu.memory_space<vmem>>, vector<1x16xf32>,
        %parallel_loop3A_749 = arith.constant 1.000000e+00 : f32
        %parallel_loop3A_750 = vector.broadcast %parallel_loop3A_749 : f32 to vector<16xf32>
        %parallel_loop3A_751 = arith.subf %parallel_loop3A_730, %parallel_loop3A_750 : vector<16xf32>
        %parallel_loop3A_752 = math.absf %parallel_loop3A_751 : vector<16xf32>
        %parallel_loop3A_753 = arith.constant 1.000000e+00 : f32
        %parallel_loop3A_754 = vector.broadcast %parallel_loop3A_753 : f32 to vector<16xf32>
        %parallel_loop3A_755 = arith.subf %parallel_loop3A_754, %parallel_loop3A_752 : vector<16xf32>
        %parallel_loop3A_756 = arith.constant 0.000000e+00 : f32
        %parallel_loop3A_757 = vector.broadcast %parallel_loop3A_756 : f32 to vector<16xf32>
        %parallel_loop3A_758 = arith.maximumf %parallel_loop3A_755, %parallel_loop3A_757 : vector<16xf32>
        %parallel_loop3A_759 = arith.mulf %parallel_loop3A_668, %parallel_loop3A_758 : vector<16xf32>
        %parallel_loop3A_760 = arith.constant 32 : i32
        %parallel_loop3A_761 = arith.addi %parallel_loop3A_760, %parallel_loop3A_234 : i32
        %parallel_loop3A_762 = arith.index_cast %parallel_loop3A_761 : i32 to index
        %parallel_loop3A_763 = arith.constant 16 : index
        %parallel_loop3A_764 = tpu.vector_load %arg16[%parallel_loop3A_762, %parallel_loop3A_763] {strides = array<i32>} : memref<64x128xf32, #tpu.memory_space<vmem>>, vector<1x16xf32>,
        %parallel_loop3A_765 = vector.shape_cast %parallel_loop3A_764 : vector<1x16xf32> to vector<16xf32>
        %parallel_loop3A_766 = vector.shape_cast %parallel_loop3A_759 : vector<16xf32> to vector<1x16xf32>
        tpu.vector_store %arg16[%parallel_loop3A_762, %parallel_loop3A_763], %parallel_loop3A_766 {strides = array<i32>} : memref<64x128xf32, #tpu.memory_space<vmem>>, vector<1x16xf32>,
        %parallel_loop3A_767 = arith.constant 2.000000e+00 : f32
        %parallel_loop3A_768 = vector.broadcast %parallel_loop3A_767 : f32 to vector<16xf32>
        %parallel_loop3A_769 = arith.subf %parallel_loop3A_730, %parallel_loop3A_768 : vector<16xf32>
        %parallel_loop3A_770 = math.absf %parallel_loop3A_769 : vector<16xf32>
        %parallel_loop3A_771 = arith.constant 1.000000e+00 : f32
        %parallel_loop3A_772 = vector.broadcast %parallel_loop3A_771 : f32 to vector<16xf32>
        %parallel_loop3A_773 = arith.subf %parallel_loop3A_772, %parallel_loop3A_770 : vector<16xf32>
        %parallel_loop3A_774 = arith.constant 0.000000e+00 : f32
        %parallel_loop3A_775 = vector.broadcast %parallel_loop3A_774 : f32 to vector<16xf32>
        %parallel_loop3A_776 = arith.maximumf %parallel_loop3A_773, %parallel_loop3A_775 : vector<16xf32>
        %parallel_loop3A_777 = arith.mulf %parallel_loop3A_668, %parallel_loop3A_776 : vector<16xf32>
        %parallel_loop3A_778 = arith.constant 32 : i32
        %parallel_loop3A_779 = arith.addi %parallel_loop3A_778, %parallel_loop3A_234 : i32
        %parallel_loop3A_780 = arith.index_cast %parallel_loop3A_779 : i32 to index
        %parallel_loop3A_781 = arith.constant 32 : index
        %parallel_loop3A_782 = tpu.vector_load %arg16[%parallel_loop3A_780, %parallel_loop3A_781] {strides = array<i32>} : memref<64x128xf32, #tpu.memory_space<vmem>>, vector<1x16xf32>,
        %parallel_loop3A_783 = vector.shape_cast %parallel_loop3A_782 : vector<1x16xf32> to vector<16xf32>
        %parallel_loop3A_784 = vector.shape_cast %parallel_loop3A_777 : vector<16xf32> to vector<1x16xf32>
        tpu.vector_store %arg16[%parallel_loop3A_780, %parallel_loop3A_781], %parallel_loop3A_784 {strides = array<i32>} : memref<64x128xf32, #tpu.memory_space<vmem>>, vector<1x16xf32>,
        %parallel_loop3A_785 = arith.constant 3.000000e+00 : f32
        %parallel_loop3A_786 = vector.broadcast %parallel_loop3A_785 : f32 to vector<16xf32>
        %parallel_loop3A_787 = arith.subf %parallel_loop3A_730, %parallel_loop3A_786 : vector<16xf32>
        %parallel_loop3A_788 = math.absf %parallel_loop3A_787 : vector<16xf32>
        %parallel_loop3A_789 = arith.constant 1.000000e+00 : f32
        %parallel_loop3A_790 = vector.broadcast %parallel_loop3A_789 : f32 to vector<16xf32>
        %parallel_loop3A_791 = arith.subf %parallel_loop3A_790, %parallel_loop3A_788 : vector<16xf32>
        %parallel_loop3A_792 = arith.constant 0.000000e+00 : f32
        %parallel_loop3A_793 = vector.broadcast %parallel_loop3A_792 : f32 to vector<16xf32>
        %parallel_loop3A_794 = arith.maximumf %parallel_loop3A_791, %parallel_loop3A_793 : vector<16xf32>
        %parallel_loop3A_795 = arith.mulf %parallel_loop3A_668, %parallel_loop3A_794 : vector<16xf32>
        %parallel_loop3A_796 = arith.constant 32 : i32
        %parallel_loop3A_797 = arith.addi %parallel_loop3A_796, %parallel_loop3A_234 : i32
        %parallel_loop3A_798 = arith.index_cast %parallel_loop3A_797 : i32 to index
        %parallel_loop3A_799 = arith.constant 48 : index
        %parallel_loop3A_800 = tpu.vector_load %arg16[%parallel_loop3A_798, %parallel_loop3A_799] {strides = array<i32>} : memref<64x128xf32, #tpu.memory_space<vmem>>, vector<1x16xf32>,
        %parallel_loop3A_801 = vector.shape_cast %parallel_loop3A_800 : vector<1x16xf32> to vector<16xf32>
        %parallel_loop3A_802 = vector.shape_cast %parallel_loop3A_795 : vector<16xf32> to vector<1x16xf32>
        tpu.vector_store %arg16[%parallel_loop3A_798, %parallel_loop3A_799], %parallel_loop3A_802 {strides = array<i32>} : memref<64x128xf32, #tpu.memory_space<vmem>>, vector<1x16xf32>,
        %parallel_loop3A_803 = arith.constant 4.000000e+00 : f32
        %parallel_loop3A_804 = vector.broadcast %parallel_loop3A_803 : f32 to vector<16xf32>
        %parallel_loop3A_805 = arith.subf %parallel_loop3A_730, %parallel_loop3A_804 : vector<16xf32>
        %parallel_loop3A_806 = math.absf %parallel_loop3A_805 : vector<16xf32>
        %parallel_loop3A_807 = arith.constant 1.000000e+00 : f32
        %parallel_loop3A_808 = vector.broadcast %parallel_loop3A_807 : f32 to vector<16xf32>
        %parallel_loop3A_809 = arith.subf %parallel_loop3A_808, %parallel_loop3A_806 : vector<16xf32>
        %parallel_loop3A_810 = arith.constant 0.000000e+00 : f32
        %parallel_loop3A_811 = vector.broadcast %parallel_loop3A_810 : f32 to vector<16xf32>
        %parallel_loop3A_812 = arith.maximumf %parallel_loop3A_809, %parallel_loop3A_811 : vector<16xf32>
        %parallel_loop3A_813 = arith.mulf %parallel_loop3A_668, %parallel_loop3A_812 : vector<16xf32>
        %parallel_loop3A_814 = arith.constant 32 : i32
        %parallel_loop3A_815 = arith.addi %parallel_loop3A_814, %parallel_loop3A_234 : i32
        %parallel_loop3A_816 = arith.index_cast %parallel_loop3A_815 : i32 to index
        %parallel_loop3A_817 = arith.constant 64 : index
        %parallel_loop3A_818 = tpu.vector_load %arg16[%parallel_loop3A_816, %parallel_loop3A_817] {strides = array<i32>} : memref<64x128xf32, #tpu.memory_space<vmem>>, vector<1x16xf32>,
        %parallel_loop3A_819 = vector.shape_cast %parallel_loop3A_818 : vector<1x16xf32> to vector<16xf32>
        %parallel_loop3A_820 = vector.shape_cast %parallel_loop3A_813 : vector<16xf32> to vector<1x16xf32>
        tpu.vector_store %arg16[%parallel_loop3A_816, %parallel_loop3A_817], %parallel_loop3A_820 {strides = array<i32>} : memref<64x128xf32, #tpu.memory_space<vmem>>, vector<1x16xf32>,
        %parallel_loop3A_821 = arith.constant 5.000000e+00 : f32
        %parallel_loop3A_822 = vector.broadcast %parallel_loop3A_821 : f32 to vector<16xf32>
        %parallel_loop3A_823 = arith.subf %parallel_loop3A_730, %parallel_loop3A_822 : vector<16xf32>
        %parallel_loop3A_824 = math.absf %parallel_loop3A_823 : vector<16xf32>
        %parallel_loop3A_825 = arith.constant 1.000000e+00 : f32
        %parallel_loop3A_826 = vector.broadcast %parallel_loop3A_825 : f32 to vector<16xf32>
        %parallel_loop3A_827 = arith.subf %parallel_loop3A_826, %parallel_loop3A_824 : vector<16xf32>
        %parallel_loop3A_828 = arith.constant 0.000000e+00 : f32
        %parallel_loop3A_829 = vector.broadcast %parallel_loop3A_828 : f32 to vector<16xf32>
        %parallel_loop3A_830 = arith.maximumf %parallel_loop3A_827, %parallel_loop3A_829 : vector<16xf32>
        %parallel_loop3A_831 = arith.mulf %parallel_loop3A_668, %parallel_loop3A_830 : vector<16xf32>
        %parallel_loop3A_832 = arith.constant 32 : i32
        %parallel_loop3A_833 = arith.addi %parallel_loop3A_832, %parallel_loop3A_234 : i32
        %parallel_loop3A_834 = arith.index_cast %parallel_loop3A_833 : i32 to index
        %parallel_loop3A_835 = arith.constant 80 : index
        %parallel_loop3A_836 = tpu.vector_load %arg16[%parallel_loop3A_834, %parallel_loop3A_835] {strides = array<i32>} : memref<64x128xf32, #tpu.memory_space<vmem>>, vector<1x16xf32>,
        %parallel_loop3A_837 = vector.shape_cast %parallel_loop3A_836 : vector<1x16xf32> to vector<16xf32>
        %parallel_loop3A_838 = vector.shape_cast %parallel_loop3A_831 : vector<16xf32> to vector<1x16xf32>
        tpu.vector_store %arg16[%parallel_loop3A_834, %parallel_loop3A_835], %parallel_loop3A_838 {strides = array<i32>} : memref<64x128xf32, #tpu.memory_space<vmem>>, vector<1x16xf32>,
        %parallel_loop3A_839 = arith.constant 6.000000e+00 : f32
        %parallel_loop3A_840 = vector.broadcast %parallel_loop3A_839 : f32 to vector<16xf32>
        %parallel_loop3A_841 = arith.subf %parallel_loop3A_730, %parallel_loop3A_840 : vector<16xf32>
        %parallel_loop3A_842 = math.absf %parallel_loop3A_841 : vector<16xf32>
        %parallel_loop3A_843 = arith.constant 1.000000e+00 : f32
        %parallel_loop3A_844 = vector.broadcast %parallel_loop3A_843 : f32 to vector<16xf32>
        %parallel_loop3A_845 = arith.subf %parallel_loop3A_844, %parallel_loop3A_842 : vector<16xf32>
        %parallel_loop3A_846 = arith.constant 0.000000e+00 : f32
        %parallel_loop3A_847 = vector.broadcast %parallel_loop3A_846 : f32 to vector<16xf32>
        %parallel_loop3A_848 = arith.maximumf %parallel_loop3A_845, %parallel_loop3A_847 : vector<16xf32>
        %parallel_loop3A_849 = arith.mulf %parallel_loop3A_668, %parallel_loop3A_848 : vector<16xf32>
        %parallel_loop3A_850 = arith.constant 32 : i32
        %parallel_loop3A_851 = arith.addi %parallel_loop3A_850, %parallel_loop3A_234 : i32
        %parallel_loop3A_852 = arith.index_cast %parallel_loop3A_851 : i32 to index
        %parallel_loop3A_853 = arith.constant 96 : index
        %parallel_loop3A_854 = tpu.vector_load %arg16[%parallel_loop3A_852, %parallel_loop3A_853] {strides = array<i32>} : memref<64x128xf32, #tpu.memory_space<vmem>>, vector<1x16xf32>,
        %parallel_loop3A_855 = vector.shape_cast %parallel_loop3A_854 : vector<1x16xf32> to vector<16xf32>
        %parallel_loop3A_856 = vector.shape_cast %parallel_loop3A_849 : vector<16xf32> to vector<1x16xf32>
        tpu.vector_store %arg16[%parallel_loop3A_852, %parallel_loop3A_853], %parallel_loop3A_856 {strides = array<i32>} : memref<64x128xf32, #tpu.memory_space<vmem>>, vector<1x16xf32>,
        %parallel_loop3A_857 = arith.constant 7.000000e+00 : f32
        %parallel_loop3A_858 = vector.broadcast %parallel_loop3A_857 : f32 to vector<16xf32>
        %parallel_loop3A_859 = arith.subf %parallel_loop3A_730, %parallel_loop3A_858 : vector<16xf32>
        %parallel_loop3A_860 = math.absf %parallel_loop3A_859 : vector<16xf32>
        %parallel_loop3A_861 = arith.constant 1.000000e+00 : f32
        %parallel_loop3A_862 = vector.broadcast %parallel_loop3A_861 : f32 to vector<16xf32>
        %parallel_loop3A_863 = arith.subf %parallel_loop3A_862, %parallel_loop3A_860 : vector<16xf32>
        %parallel_loop3A_864 = arith.constant 0.000000e+00 : f32
        %parallel_loop3A_865 = vector.broadcast %parallel_loop3A_864 : f32 to vector<16xf32>
        %parallel_loop3A_866 = arith.maximumf %parallel_loop3A_863, %parallel_loop3A_865 : vector<16xf32>
        %parallel_loop3A_867 = arith.mulf %parallel_loop3A_668, %parallel_loop3A_866 : vector<16xf32>
        %parallel_loop3A_868 = arith.constant 32 : i32
        %parallel_loop3A_869 = arith.addi %parallel_loop3A_868, %parallel_loop3A_234 : i32
        %parallel_loop3A_870 = arith.index_cast %parallel_loop3A_869 : i32 to index
        %parallel_loop3A_871 = arith.constant 112 : index
        %parallel_loop3A_872 = tpu.vector_load %arg16[%parallel_loop3A_870, %parallel_loop3A_871] {strides = array<i32>} : memref<64x128xf32, #tpu.memory_space<vmem>>, vector<1x16xf32>,
        %parallel_loop3A_873 = vector.shape_cast %parallel_loop3A_872 : vector<1x16xf32> to vector<16xf32>
        %parallel_loop3A_874 = vector.shape_cast %parallel_loop3A_867 : vector<16xf32> to vector<1x16xf32>
        tpu.vector_store %arg16[%parallel_loop3A_870, %parallel_loop3A_871], %parallel_loop3A_874 {strides = array<i32>} : memref<64x128xf32, #tpu.memory_space<vmem>>, vector<1x16xf32>,
      } {sc.loop_unroll_factor = 4 : i64, sc.parallel_access}
      %dma_start3A_165 = arith.constant 0 : i32
      %dma_start3A_166 = arith.constant 0 : i32
      %dma_start3A_167 = tpu.memref_slice %arg19[%dma_start3A_165, %dma_start3A_166] : memref<11520x128xf32, #tpu.memory_space<vmem_shared>> -> memref<11520x128xf32, #tpu.memory_space<vmem_shared>>
      tpu.enqueue_indirect_dma source(%arg16 : memref<64x128xf32, #tpu.memory_space<vmem>>) target(%dma_start3A_167 : memref<11520x128xf32, #tpu.memory_space<vmem_shared>>) offsets(%arg10 : memref<64xi32, #tpu.memory_space<vmem>>) semaphore(%arg24 : memref<!tpu.dma_semaphore, #tpu.memory_space<semaphore_mem>>) {add = true}
      %mul3A_168 = arith.constant 2 : i32
      %mul3A_169 = arith.muli %mul3A_168, %scan3A_108 : i32
      %add3A_170 = arith.constant 1 : i32
      %add3A_171 = arith.addi %mul3A_169, %add3A_170 : i32
      %add3A_172 = arith.constant 1 : i32
      %add3A_173 = arith.addi %add3A_171, %add3A_172 : i32
      %lt3A_174 = arith.constant 324 : i32
      %lt3A_175 = arith.cmpi slt, %add3A_173, %lt3A_174 : i32
      %convert_element_type3A_176 = arith.extui %lt3A_175 : i1 to i32
      %cond3A_177 = arith.constant 0 : i32
      %cond3A_178 = arith.cmpi ne, %convert_element_type3A_176, %cond3A_177 : i32
      scf.if %cond3A_178 {
        %add3A_234 = arith.constant 1 : i32
        %add3A_235 = arith.addi %add3A_171, %add3A_234 : i32
        %mul3A_236 = arith.constant 2 : i32
        %mul3A_237 = arith.muli %add3A_235, %mul3A_236 : i32
        %mul3A_238 = arith.constant 32 : i32
        %mul3A_239 = arith.muli %mul3A_237, %mul3A_238 : i32
        %add3A_240 = arith.addi %mul3A_64, %mul3A_239 : i32
        %multiple_of3A_241 = tpu.assume_multiple %add3A_240, 64 : i32
        "tpu.region"() ({
          %run_scoped3A = tpu.sem_alloc : memref<!tpu.dma_semaphore, #tpu.memory_space<semaphore_mem>>
          %dma_start3A_252 = tpu.memref_slice %arg4[%multiple_of3A_241] : memref<663552xi32, #tpu.memory_space<hbm>> -> memref<64xi32, #tpu.memory_space<hbm>>
          %dma_start3A_253 = tpu.memref_slice %arg4[%multiple_of3A_241] : memref<663552xi32, #tpu.memory_space<hbm>> -> memref<64xi32, #tpu.memory_space<hbm>>
          tpu.enqueue_dma source(%dma_start3A_253 : memref<64xi32, #tpu.memory_space<hbm>>) target(%arg8 : memref<64xi32, #tpu.memory_space<vmem>>) target_semaphore(%run_scoped3A : memref<!tpu.dma_semaphore, #tpu.memory_space<semaphore_mem>>)
          %dma_wait3A_254 = tpu.memref_slice %arg4[%multiple_of3A_241] : memref<663552xi32, #tpu.memory_space<hbm>> -> memref<64xi32, #tpu.memory_space<hbm>>
          %dma_wait3A_255 = tpu.memref_slice %arg4[%multiple_of3A_241] : memref<663552xi32, #tpu.memory_space<hbm>> -> memref<64xi32, #tpu.memory_space<hbm>>
          tpu.wait_dma2 semaphore(%run_scoped3A : memref<!tpu.dma_semaphore, #tpu.memory_space<semaphore_mem>>) src(%dma_wait3A_255 : memref<64xi32, #tpu.memory_space<hbm>>) dst(%arg8 : memref<64xi32, #tpu.memory_space<vmem>>)
          tpu.yield
        }) : () -> ()
        %dma_start3A_242 = arith.constant 0 : i32
        %dma_start3A_243 = tpu.memref_slice %arg8[%dma_start3A_242] : memref<64xi32, #tpu.memory_space<vmem>> -> memref<32xi32, #tpu.memory_space<vmem>>
        %dma_start3A_244 = arith.constant 0 : i32
        %dma_start3A_245 = arith.constant 0 : i32
        %dma_start3A_246 = tpu.memref_slice %arg2[%dma_start3A_244, %dma_start3A_245] : memref<10000x128xf32, #tpu.memory_space<hbm>> -> memref<10000x128xf32, #tpu.memory_space<hbm>>
        tpu.enqueue_indirect_dma source(%dma_start3A_246 : memref<10000x128xf32, #tpu.memory_space<hbm>>) target(%arg12 : memref<32x128xf32, #tpu.memory_space<vmem>>) offsets(%dma_start3A_243 : memref<32xi32, #tpu.memory_space<vmem>>) semaphore(%arg20 : memref<!tpu.dma_semaphore, #tpu.memory_space<semaphore_mem>>)
        %dma_start3A_247 = arith.constant 32 : i32
        %dma_start3A_248 = tpu.memref_slice %arg8[%dma_start3A_247] : memref<64xi32, #tpu.memory_space<vmem>> -> memref<32xi32, #tpu.memory_space<vmem>>
        %dma_start3A_249 = arith.constant 0 : i32
        %dma_start3A_250 = arith.constant 0 : i32
        %dma_start3A_251 = tpu.memref_slice %arg3[%dma_start3A_249, %dma_start3A_250] : memref<10000x128xf32, #tpu.memory_space<hbm>> -> memref<10000x128xf32, #tpu.memory_space<hbm>>
        tpu.enqueue_indirect_dma source(%dma_start3A_251 : memref<10000x128xf32, #tpu.memory_space<hbm>>) target(%arg14 : memref<32x128xf32, #tpu.memory_space<vmem>>) offsets(%dma_start3A_248 : memref<32xi32, #tpu.memory_space<vmem>>) semaphore(%arg22 : memref<!tpu.dma_semaphore, #tpu.memory_space<semaphore_mem>>)
      } else {
      }
      %dma_wait3A_179 = arith.constant 0 : i32
      %dma_wait3A_180 = tpu.memref_slice %arg9[%dma_wait3A_179] : memref<64xi32, #tpu.memory_space<vmem>> -> memref<32xi32, #tpu.memory_space<vmem>>
      %dma_wait3A_181 = arith.constant 0 : i32
      %dma_wait3A_182 = arith.constant 0 : i32
      %dma_wait3A_183 = tpu.memref_slice %arg2[%dma_wait3A_181, %dma_wait3A_182] : memref<10000x128xf32, #tpu.memory_space<hbm>> -> memref<10000x128xf32, #tpu.memory_space<hbm>>
      tpu.wait_indirect_dma semaphore(%arg21 : memref<!tpu.dma_semaphore, #tpu.memory_space<semaphore_mem>>) src(%dma_wait3A_183 : memref<10000x128xf32, #tpu.memory_space<hbm>>) dst(%arg13 : memref<32x128xf32, #tpu.memory_space<vmem>>)
      %dma_wait3A_184 = arith.constant 32 : i32
      %dma_wait3A_185 = tpu.memref_slice %arg9[%dma_wait3A_184] : memref<64xi32, #tpu.memory_space<vmem>> -> memref<32xi32, #tpu.memory_space<vmem>>
      %dma_wait3A_186 = arith.constant 0 : i32
      %dma_wait3A_187 = arith.constant 0 : i32
      %dma_wait3A_188 = tpu.memref_slice %arg3[%dma_wait3A_186, %dma_wait3A_187] : memref<10000x128xf32, #tpu.memory_space<hbm>> -> memref<10000x128xf32, #tpu.memory_space<hbm>>
      tpu.wait_indirect_dma semaphore(%arg23 : memref<!tpu.dma_semaphore, #tpu.memory_space<semaphore_mem>>) src(%dma_wait3A_188 : memref<10000x128xf32, #tpu.memory_space<hbm>>) dst(%arg15 : memref<32x128xf32, #tpu.memory_space<vmem>>)
      %ge3A_189 = arith.constant 2 : i32
      %ge3A_190 = arith.cmpi sge, %add3A_171, %ge3A_189 : i32
      %convert_element_type3A_191 = arith.extui %ge3A_190 : i1 to i32
      %cond3A_192 = arith.constant 0 : i32
      %cond3A_193 = arith.cmpi ne, %convert_element_type3A_191, %cond3A_192 : i32
      scf.if %cond3A_193 {
        %dma_wait3A_234 = arith.constant 0 : i32
        %dma_wait3A_235 = arith.constant 0 : i32
        %dma_wait3A_236 = tpu.memref_slice %arg19[%dma_wait3A_234, %dma_wait3A_235] : memref<11520x128xf32, #tpu.memory_space<vmem_shared>> -> memref<11520x128xf32, #tpu.memory_space<vmem_shared>>
        tpu.wait_indirect_dma semaphore(%arg25 : memref<!tpu.dma_semaphore, #tpu.memory_space<semaphore_mem>>) src(%arg17 : memref<64x128xf32, #tpu.memory_space<vmem>>) dst(%dma_wait3A_236 : memref<11520x128xf32, #tpu.memory_space<vmem_shared>>)
      } else {
      }
      %get3A_194 = arith.constant 32 : index
      %get3A_195 = tpu.vector_load %arg9[%get3A_194] {strides = array<i32>} : memref<64xi32, #tpu.memory_space<vmem>>, vector<16xi32>,
      %get3A_196 = vector.shape_cast %get3A_195 : vector<16xi32> to vector<16xi32>
      %swap3A_197 = arith.constant 0 : index
      %swap3A_198 = tpu.vector_load %arg11[%swap3A_197] {strides = array<i32>} : memref<64xi32, #tpu.memory_space<vmem>>, vector<16xi32>,
      %swap3A_199 = vector.shape_cast %swap3A_198 : vector<16xi32> to vector<16xi32>
      %swap3A_200 = vector.shape_cast %get3A_196 : vector<16xi32> to vector<16xi32>
      tpu.vector_store %arg11[%swap3A_197], %swap3A_200 {strides = array<i32>} : memref<64xi32, #tpu.memory_space<vmem>>, vector<16xi32>,
      %shift_right_arithmetic3A_201 = arith.constant 3 : i32
      %shift_right_arithmetic3A_202 = vector.broadcast %shift_right_arithmetic3A_201 : i32 to vector<16xi32>
      %shift_right_arithmetic3A_203 = arith.shrsi %get3A_196, %shift_right_arithmetic3A_202 : vector<16xi32>
      %add3A_204 = arith.constant 10240 : i32
      %add3A_205 = vector.broadcast %add3A_204 : i32 to vector<16xi32>
      %add3A_206 = arith.addi %add3A_205, %shift_right_arithmetic3A_203 : vector<16xi32>
      %swap3A_207 = arith.constant 32 : index
      %swap3A_208 = tpu.vector_load %arg11[%swap3A_207] {strides = array<i32>} : memref<64xi32, #tpu.memory_space<vmem>>, vector<16xi32>,
      %swap3A_209 = vector.shape_cast %swap3A_208 : vector<16xi32> to vector<16xi32>
      %swap3A_210 = vector.shape_cast %add3A_206 : vector<16xi32> to vector<16xi32>
      tpu.vector_store %arg11[%swap3A_207], %swap3A_210 {strides = array<i32>} : memref<64xi32, #tpu.memory_space<vmem>>, vector<16xi32>,
      %get3A_211 = arith.constant 48 : index
      %get3A_212 = tpu.vector_load %arg9[%get3A_211] {strides = array<i32>} : memref<64xi32, #tpu.memory_space<vmem>>, vector<16xi32>,
      %get3A_213 = vector.shape_cast %get3A_212 : vector<16xi32> to vector<16xi32>
      %swap3A_214 = arith.constant 16 : index
      %swap3A_215 = tpu.vector_load %arg11[%swap3A_214] {strides = array<i32>} : memref<64xi32, #tpu.memory_space<vmem>>, vector<16xi32>,
      %swap3A_216 = vector.shape_cast %swap3A_215 : vector<16xi32> to vector<16xi32>
      %swap3A_217 = vector.shape_cast %get3A_213 : vector<16xi32> to vector<16xi32>
      tpu.vector_store %arg11[%swap3A_214], %swap3A_217 {strides = array<i32>} : memref<64xi32, #tpu.memory_space<vmem>>, vector<16xi32>,
      %shift_right_arithmetic3A_218 = arith.constant 3 : i32
      %shift_right_arithmetic3A_219 = vector.broadcast %shift_right_arithmetic3A_218 : i32 to vector<16xi32>
      %shift_right_arithmetic3A_220 = arith.shrsi %get3A_213, %shift_right_arithmetic3A_219 : vector<16xi32>
      %add3A_221 = arith.constant 10240 : i32
      %add3A_222 = vector.broadcast %add3A_221 : i32 to vector<16xi32>
      %add3A_223 = arith.addi %add3A_222, %shift_right_arithmetic3A_220 : vector<16xi32>
      %swap3A_224 = arith.constant 48 : index
      %swap3A_225 = tpu.vector_load %arg11[%swap3A_224] {strides = array<i32>} : memref<64xi32, #tpu.memory_space<vmem>>, vector<16xi32>,
      %swap3A_226 = vector.shape_cast %swap3A_225 : vector<16xi32> to vector<16xi32>
      %swap3A_227 = vector.shape_cast %add3A_223 : vector<16xi32> to vector<16xi32>
      tpu.vector_store %arg11[%swap3A_224], %swap3A_227 {strides = array<i32>} : memref<64xi32, #tpu.memory_space<vmem>>, vector<16xi32>,
      %parallel_loop3A_228 = arith.constant 0 : i32
      %parallel_loop3A_229 = arith.constant 32 : i32
      %parallel_loop3A_230 = arith.constant 1 : i32
      scf.for %parallel_loop3A_234 = %parallel_loop3A_228 to %parallel_loop3A_229 step %parallel_loop3A_230  : i32 {
        %parallel_loop3A_235 = arith.index_cast %parallel_loop3A_234 : i32 to index
        %parallel_loop3A_236 = arith.constant 0 : index
        %parallel_loop3A_237 = tpu.vector_load %arg13[%parallel_loop3A_235, %parallel_loop3A_236] {strides = array<i32>} : memref<32x128xf32, #tpu.memory_space<vmem>>, vector<1x16xf32>,
        %parallel_loop3A_238 = vector.shape_cast %parallel_loop3A_237 : vector<1x16xf32> to vector<16xf32>
        %parallel_loop3A_239 = arith.index_cast %parallel_loop3A_234 : i32 to index
        %parallel_loop3A_240 = arith.constant 16 : index
        %parallel_loop3A_241 = tpu.vector_load %arg13[%parallel_loop3A_239, %parallel_loop3A_240] {strides = array<i32>} : memref<32x128xf32, #tpu.memory_space<vmem>>, vector<1x16xf32>,
        %parallel_loop3A_242 = vector.shape_cast %parallel_loop3A_241 : vector<1x16xf32> to vector<16xf32>
        %parallel_loop3A_243 = arith.index_cast %parallel_loop3A_234 : i32 to index
        %parallel_loop3A_244 = arith.constant 32 : index
        %parallel_loop3A_245 = tpu.vector_load %arg13[%parallel_loop3A_243, %parallel_loop3A_244] {strides = array<i32>} : memref<32x128xf32, #tpu.memory_space<vmem>>, vector<1x16xf32>,
        %parallel_loop3A_246 = vector.shape_cast %parallel_loop3A_245 : vector<1x16xf32> to vector<16xf32>
        %parallel_loop3A_247 = arith.index_cast %parallel_loop3A_234 : i32 to index
        %parallel_loop3A_248 = arith.constant 48 : index
        %parallel_loop3A_249 = tpu.vector_load %arg13[%parallel_loop3A_247, %parallel_loop3A_248] {strides = array<i32>} : memref<32x128xf32, #tpu.memory_space<vmem>>, vector<1x16xf32>,
        %parallel_loop3A_250 = vector.shape_cast %parallel_loop3A_249 : vector<1x16xf32> to vector<16xf32>
        %parallel_loop3A_251 = arith.index_cast %parallel_loop3A_234 : i32 to index
        %parallel_loop3A_252 = arith.constant 64 : index
        %parallel_loop3A_253 = tpu.vector_load %arg13[%parallel_loop3A_251, %parallel_loop3A_252] {strides = array<i32>} : memref<32x128xf32, #tpu.memory_space<vmem>>, vector<1x16xf32>,
        %parallel_loop3A_254 = vector.shape_cast %parallel_loop3A_253 : vector<1x16xf32> to vector<16xf32>
        %parallel_loop3A_255 = arith.index_cast %parallel_loop3A_234 : i32 to index
        %parallel_loop3A_256 = arith.constant 80 : index
        %parallel_loop3A_257 = tpu.vector_load %arg13[%parallel_loop3A_255, %parallel_loop3A_256] {strides = array<i32>} : memref<32x128xf32, #tpu.memory_space<vmem>>, vector<1x16xf32>,
        %parallel_loop3A_258 = vector.shape_cast %parallel_loop3A_257 : vector<1x16xf32> to vector<16xf32>
        %parallel_loop3A_259 = arith.index_cast %parallel_loop3A_234 : i32 to index
        %parallel_loop3A_260 = arith.constant 96 : index
        %parallel_loop3A_261 = tpu.vector_load %arg13[%parallel_loop3A_259, %parallel_loop3A_260] {strides = array<i32>} : memref<32x128xf32, #tpu.memory_space<vmem>>, vector<1x16xf32>,
        %parallel_loop3A_262 = vector.shape_cast %parallel_loop3A_261 : vector<1x16xf32> to vector<16xf32>
        %parallel_loop3A_263 = arith.index_cast %parallel_loop3A_234 : i32 to index
        %parallel_loop3A_264 = arith.constant 112 : index
        %parallel_loop3A_265 = tpu.vector_load %arg13[%parallel_loop3A_263, %parallel_loop3A_264] {strides = array<i32>} : memref<32x128xf32, #tpu.memory_space<vmem>>, vector<1x16xf32>,
        %parallel_loop3A_266 = vector.shape_cast %parallel_loop3A_265 : vector<1x16xf32> to vector<16xf32>
        %parallel_loop3A_267 = arith.index_cast %parallel_loop3A_234 : i32 to index
        %parallel_loop3A_268 = arith.constant 0 : index
        %parallel_loop3A_269 = tpu.vector_load %arg15[%parallel_loop3A_267, %parallel_loop3A_268] {strides = array<i32>} : memref<32x128xf32, #tpu.memory_space<vmem>>, vector<1x16xf32>,
        %parallel_loop3A_270 = vector.shape_cast %parallel_loop3A_269 : vector<1x16xf32> to vector<16xf32>
        %parallel_loop3A_271 = arith.index_cast %parallel_loop3A_234 : i32 to index
        %parallel_loop3A_272 = arith.constant 16 : index
        %parallel_loop3A_273 = tpu.vector_load %arg15[%parallel_loop3A_271, %parallel_loop3A_272] {strides = array<i32>} : memref<32x128xf32, #tpu.memory_space<vmem>>, vector<1x16xf32>,
        %parallel_loop3A_274 = vector.shape_cast %parallel_loop3A_273 : vector<1x16xf32> to vector<16xf32>
        %parallel_loop3A_275 = arith.index_cast %parallel_loop3A_234 : i32 to index
        %parallel_loop3A_276 = arith.constant 32 : index
        %parallel_loop3A_277 = tpu.vector_load %arg15[%parallel_loop3A_275, %parallel_loop3A_276] {strides = array<i32>} : memref<32x128xf32, #tpu.memory_space<vmem>>, vector<1x16xf32>,
        %parallel_loop3A_278 = vector.shape_cast %parallel_loop3A_277 : vector<1x16xf32> to vector<16xf32>
        %parallel_loop3A_279 = arith.index_cast %parallel_loop3A_234 : i32 to index
        %parallel_loop3A_280 = arith.constant 48 : index
        %parallel_loop3A_281 = tpu.vector_load %arg15[%parallel_loop3A_279, %parallel_loop3A_280] {strides = array<i32>} : memref<32x128xf32, #tpu.memory_space<vmem>>, vector<1x16xf32>,
        %parallel_loop3A_282 = vector.shape_cast %parallel_loop3A_281 : vector<1x16xf32> to vector<16xf32>
        %parallel_loop3A_283 = arith.index_cast %parallel_loop3A_234 : i32 to index
        %parallel_loop3A_284 = arith.constant 64 : index
        %parallel_loop3A_285 = tpu.vector_load %arg15[%parallel_loop3A_283, %parallel_loop3A_284] {strides = array<i32>} : memref<32x128xf32, #tpu.memory_space<vmem>>, vector<1x16xf32>,
        %parallel_loop3A_286 = vector.shape_cast %parallel_loop3A_285 : vector<1x16xf32> to vector<16xf32>
        %parallel_loop3A_287 = arith.index_cast %parallel_loop3A_234 : i32 to index
        %parallel_loop3A_288 = arith.constant 80 : index
        %parallel_loop3A_289 = tpu.vector_load %arg15[%parallel_loop3A_287, %parallel_loop3A_288] {strides = array<i32>} : memref<32x128xf32, #tpu.memory_space<vmem>>, vector<1x16xf32>,
        %parallel_loop3A_290 = vector.shape_cast %parallel_loop3A_289 : vector<1x16xf32> to vector<16xf32>
        %parallel_loop3A_291 = arith.index_cast %parallel_loop3A_234 : i32 to index
        %parallel_loop3A_292 = arith.constant 96 : index
        %parallel_loop3A_293 = tpu.vector_load %arg15[%parallel_loop3A_291, %parallel_loop3A_292] {strides = array<i32>} : memref<32x128xf32, #tpu.memory_space<vmem>>, vector<1x16xf32>,
        %parallel_loop3A_294 = vector.shape_cast %parallel_loop3A_293 : vector<1x16xf32> to vector<16xf32>
        %parallel_loop3A_295 = arith.index_cast %parallel_loop3A_234 : i32 to index
        %parallel_loop3A_296 = arith.constant 112 : index
        %parallel_loop3A_297 = tpu.vector_load %arg15[%parallel_loop3A_295, %parallel_loop3A_296] {strides = array<i32>} : memref<32x128xf32, #tpu.memory_space<vmem>>, vector<1x16xf32>,
        %parallel_loop3A_298 = vector.shape_cast %parallel_loop3A_297 : vector<1x16xf32> to vector<16xf32>
        %parallel_loop3A_299 = arith.addf %parallel_loop3A_238, %parallel_loop3A_270 : vector<16xf32>
        %parallel_loop3A_300 = arith.constant 0.000000e+00 : f32
        %parallel_loop3A_301 = vector.broadcast %parallel_loop3A_300 : f32 to vector<16xf32>
        %parallel_loop3A_302 = arith.cmpf oge, %parallel_loop3A_299, %parallel_loop3A_301 : vector<16xf32>
        %parallel_loop3A_303 = arith.constant 2.000000e-01 : f32
        %parallel_loop3A_304 = vector.broadcast %parallel_loop3A_303 : f32 to vector<16xf32>
        %parallel_loop3A_305 = arith.mulf %parallel_loop3A_299, %parallel_loop3A_304 : vector<16xf32>
        %parallel_loop3A_306 = arith.select %parallel_loop3A_302, %parallel_loop3A_299, %parallel_loop3A_305 : vector<16xi1>, vector<16xf32>
        %parallel_loop3A_307 = arith.mulf %parallel_loop3A_306, %get3A_34 : vector<16xf32>
        %parallel_loop3A_308 = arith.addf %parallel_loop3A_242, %parallel_loop3A_274 : vector<16xf32>
        %parallel_loop3A_309 = arith.constant 0.000000e+00 : f32
        %parallel_loop3A_310 = vector.broadcast %parallel_loop3A_309 : f32 to vector<16xf32>
        %parallel_loop3A_311 = arith.cmpf oge, %parallel_loop3A_308, %parallel_loop3A_310 : vector<16xf32>
        %parallel_loop3A_312 = arith.constant 2.000000e-01 : f32
        %parallel_loop3A_313 = vector.broadcast %parallel_loop3A_312 : f32 to vector<16xf32>
        %parallel_loop3A_314 = arith.mulf %parallel_loop3A_308, %parallel_loop3A_313 : vector<16xf32>
        %parallel_loop3A_315 = arith.select %parallel_loop3A_311, %parallel_loop3A_308, %parallel_loop3A_314 : vector<16xi1>, vector<16xf32>
        %parallel_loop3A_316 = arith.mulf %parallel_loop3A_315, %get3A_37 : vector<16xf32>
        %parallel_loop3A_317 = arith.addf %parallel_loop3A_307, %parallel_loop3A_316 : vector<16xf32>
        %parallel_loop3A_318 = arith.constant 1 : i32
        %parallel_loop3A_319 = vector.broadcast %parallel_loop3A_318 : i32 to vector<16xi32>
        %parallel_loop3A_320 = arith.xori %iota3A, %parallel_loop3A_319 : vector<16xi32>
        %parallel_loop3A_321 = arith.constant 0 : i32
        %parallel_loop3A_322 = vector.broadcast %parallel_loop3A_321 : i32 to vector<16xi32>
        %parallel_loop3A_323 = arith.cmpi slt, %parallel_loop3A_320, %parallel_loop3A_322 : vector<16xi32>
        %parallel_loop3A_324 = arith.constant 16 : i32
        %parallel_loop3A_325 = vector.broadcast %parallel_loop3A_324 : i32 to vector<16xi32>
        %parallel_loop3A_326 = arith.addi %parallel_loop3A_320, %parallel_loop3A_325 : vector<16xi32>
        %parallel_loop3A_327 = arith.select %parallel_loop3A_323, %parallel_loop3A_326, %parallel_loop3A_320 : vector<16xi1>, vector<16xi32>
        %parallel_loop3A_328 = vector.shape_cast %parallel_loop3A_327 : vector<16xi32> to vector<16x1xi32>
        %parallel_loop3A_329 = vector.shape_cast %parallel_loop3A_328 : vector<16x1xi32> to vector<16xi32>
        %parallel_loop3A_330 = tpu.dynamic_gather %parallel_loop3A_317[%parallel_loop3A_329] in [0] : vector<16xf32>, vector<16xi32> -> vector<16xf32>
        %parallel_loop3A_331 = arith.addf %parallel_loop3A_317, %parallel_loop3A_330 : vector<16xf32>
        %parallel_loop3A_332 = arith.constant 2 : i32
        %parallel_loop3A_333 = vector.broadcast %parallel_loop3A_332 : i32 to vector<16xi32>
        %parallel_loop3A_334 = arith.xori %iota3A, %parallel_loop3A_333 : vector<16xi32>
        %parallel_loop3A_335 = arith.constant 0 : i32
        %parallel_loop3A_336 = vector.broadcast %parallel_loop3A_335 : i32 to vector<16xi32>
        %parallel_loop3A_337 = arith.cmpi slt, %parallel_loop3A_334, %parallel_loop3A_336 : vector<16xi32>
        %parallel_loop3A_338 = arith.constant 16 : i32
        %parallel_loop3A_339 = vector.broadcast %parallel_loop3A_338 : i32 to vector<16xi32>
        %parallel_loop3A_340 = arith.addi %parallel_loop3A_334, %parallel_loop3A_339 : vector<16xi32>
        %parallel_loop3A_341 = arith.select %parallel_loop3A_337, %parallel_loop3A_340, %parallel_loop3A_334 : vector<16xi1>, vector<16xi32>
        %parallel_loop3A_342 = vector.shape_cast %parallel_loop3A_341 : vector<16xi32> to vector<16x1xi32>
        %parallel_loop3A_343 = vector.shape_cast %parallel_loop3A_342 : vector<16x1xi32> to vector<16xi32>
        %parallel_loop3A_344 = tpu.dynamic_gather %parallel_loop3A_331[%parallel_loop3A_343] in [0] : vector<16xf32>, vector<16xi32> -> vector<16xf32>
        %parallel_loop3A_345 = arith.addf %parallel_loop3A_331, %parallel_loop3A_344 : vector<16xf32>
        %parallel_loop3A_346 = arith.constant 4 : i32
        %parallel_loop3A_347 = vector.broadcast %parallel_loop3A_346 : i32 to vector<16xi32>
        %parallel_loop3A_348 = arith.xori %iota3A, %parallel_loop3A_347 : vector<16xi32>
        %parallel_loop3A_349 = arith.constant 0 : i32
        %parallel_loop3A_350 = vector.broadcast %parallel_loop3A_349 : i32 to vector<16xi32>
        %parallel_loop3A_351 = arith.cmpi slt, %parallel_loop3A_348, %parallel_loop3A_350 : vector<16xi32>
        %parallel_loop3A_352 = arith.constant 16 : i32
        %parallel_loop3A_353 = vector.broadcast %parallel_loop3A_352 : i32 to vector<16xi32>
        %parallel_loop3A_354 = arith.addi %parallel_loop3A_348, %parallel_loop3A_353 : vector<16xi32>
        %parallel_loop3A_355 = arith.select %parallel_loop3A_351, %parallel_loop3A_354, %parallel_loop3A_348 : vector<16xi1>, vector<16xi32>
        %parallel_loop3A_356 = vector.shape_cast %parallel_loop3A_355 : vector<16xi32> to vector<16x1xi32>
        %parallel_loop3A_357 = vector.shape_cast %parallel_loop3A_356 : vector<16x1xi32> to vector<16xi32>
        %parallel_loop3A_358 = tpu.dynamic_gather %parallel_loop3A_345[%parallel_loop3A_357] in [0] : vector<16xf32>, vector<16xi32> -> vector<16xf32>
        %parallel_loop3A_359 = arith.addf %parallel_loop3A_345, %parallel_loop3A_358 : vector<16xf32>
        %parallel_loop3A_360 = arith.constant 8 : i32
        %parallel_loop3A_361 = vector.broadcast %parallel_loop3A_360 : i32 to vector<16xi32>
        %parallel_loop3A_362 = arith.xori %iota3A, %parallel_loop3A_361 : vector<16xi32>
        %parallel_loop3A_363 = arith.constant 0 : i32
        %parallel_loop3A_364 = vector.broadcast %parallel_loop3A_363 : i32 to vector<16xi32>
        %parallel_loop3A_365 = arith.cmpi slt, %parallel_loop3A_362, %parallel_loop3A_364 : vector<16xi32>
        %parallel_loop3A_366 = arith.constant 16 : i32
        %parallel_loop3A_367 = vector.broadcast %parallel_loop3A_366 : i32 to vector<16xi32>
        %parallel_loop3A_368 = arith.addi %parallel_loop3A_362, %parallel_loop3A_367 : vector<16xi32>
        %parallel_loop3A_369 = arith.select %parallel_loop3A_365, %parallel_loop3A_368, %parallel_loop3A_362 : vector<16xi1>, vector<16xi32>
        %parallel_loop3A_370 = vector.shape_cast %parallel_loop3A_369 : vector<16xi32> to vector<16x1xi32>
        %parallel_loop3A_371 = vector.shape_cast %parallel_loop3A_370 : vector<16x1xi32> to vector<16xi32>
        %parallel_loop3A_372 = tpu.dynamic_gather %parallel_loop3A_359[%parallel_loop3A_371] in [0] : vector<16xf32>, vector<16xi32> -> vector<16xf32>
        %parallel_loop3A_373 = arith.addf %parallel_loop3A_359, %parallel_loop3A_372 : vector<16xf32>
        %parallel_loop3A_374 = math.exp %parallel_loop3A_373 : vector<16xf32>
        %parallel_loop3A_375 = arith.addf %parallel_loop3A_246, %parallel_loop3A_278 : vector<16xf32>
        %parallel_loop3A_376 = arith.constant 0.000000e+00 : f32
        %parallel_loop3A_377 = vector.broadcast %parallel_loop3A_376 : f32 to vector<16xf32>
        %parallel_loop3A_378 = arith.cmpf oge, %parallel_loop3A_375, %parallel_loop3A_377 : vector<16xf32>
        %parallel_loop3A_379 = arith.constant 2.000000e-01 : f32
        %parallel_loop3A_380 = vector.broadcast %parallel_loop3A_379 : f32 to vector<16xf32>
        %parallel_loop3A_381 = arith.mulf %parallel_loop3A_375, %parallel_loop3A_380 : vector<16xf32>
        %parallel_loop3A_382 = arith.select %parallel_loop3A_378, %parallel_loop3A_375, %parallel_loop3A_381 : vector<16xi1>, vector<16xf32>
        %parallel_loop3A_383 = arith.mulf %parallel_loop3A_382, %get3A_40 : vector<16xf32>
        %parallel_loop3A_384 = arith.addf %parallel_loop3A_250, %parallel_loop3A_282 : vector<16xf32>
        %parallel_loop3A_385 = arith.constant 0.000000e+00 : f32
        %parallel_loop3A_386 = vector.broadcast %parallel_loop3A_385 : f32 to vector<16xf32>
        %parallel_loop3A_387 = arith.cmpf oge, %parallel_loop3A_384, %parallel_loop3A_386 : vector<16xf32>
        %parallel_loop3A_388 = arith.constant 2.000000e-01 : f32
        %parallel_loop3A_389 = vector.broadcast %parallel_loop3A_388 : f32 to vector<16xf32>
        %parallel_loop3A_390 = arith.mulf %parallel_loop3A_384, %parallel_loop3A_389 : vector<16xf32>
        %parallel_loop3A_391 = arith.select %parallel_loop3A_387, %parallel_loop3A_384, %parallel_loop3A_390 : vector<16xi1>, vector<16xf32>
        %parallel_loop3A_392 = arith.mulf %parallel_loop3A_391, %get3A_43 : vector<16xf32>
        %parallel_loop3A_393 = arith.addf %parallel_loop3A_383, %parallel_loop3A_392 : vector<16xf32>
        %parallel_loop3A_394 = arith.constant 1 : i32
        %parallel_loop3A_395 = vector.broadcast %parallel_loop3A_394 : i32 to vector<16xi32>
        %parallel_loop3A_396 = arith.xori %iota3A, %parallel_loop3A_395 : vector<16xi32>
        %parallel_loop3A_397 = arith.constant 0 : i32
        %parallel_loop3A_398 = vector.broadcast %parallel_loop3A_397 : i32 to vector<16xi32>
        %parallel_loop3A_399 = arith.cmpi slt, %parallel_loop3A_396, %parallel_loop3A_398 : vector<16xi32>
        %parallel_loop3A_400 = arith.constant 16 : i32
        %parallel_loop3A_401 = vector.broadcast %parallel_loop3A_400 : i32 to vector<16xi32>
        %parallel_loop3A_402 = arith.addi %parallel_loop3A_396, %parallel_loop3A_401 : vector<16xi32>
        %parallel_loop3A_403 = arith.select %parallel_loop3A_399, %parallel_loop3A_402, %parallel_loop3A_396 : vector<16xi1>, vector<16xi32>
        %parallel_loop3A_404 = vector.shape_cast %parallel_loop3A_403 : vector<16xi32> to vector<16x1xi32>
        %parallel_loop3A_405 = vector.shape_cast %parallel_loop3A_404 : vector<16x1xi32> to vector<16xi32>
        %parallel_loop3A_406 = tpu.dynamic_gather %parallel_loop3A_393[%parallel_loop3A_405] in [0] : vector<16xf32>, vector<16xi32> -> vector<16xf32>
        %parallel_loop3A_407 = arith.addf %parallel_loop3A_393, %parallel_loop3A_406 : vector<16xf32>
        %parallel_loop3A_408 = arith.constant 2 : i32
        %parallel_loop3A_409 = vector.broadcast %parallel_loop3A_408 : i32 to vector<16xi32>
        %parallel_loop3A_410 = arith.xori %iota3A, %parallel_loop3A_409 : vector<16xi32>
        %parallel_loop3A_411 = arith.constant 0 : i32
        %parallel_loop3A_412 = vector.broadcast %parallel_loop3A_411 : i32 to vector<16xi32>
        %parallel_loop3A_413 = arith.cmpi slt, %parallel_loop3A_410, %parallel_loop3A_412 : vector<16xi32>
        %parallel_loop3A_414 = arith.constant 16 : i32
        %parallel_loop3A_415 = vector.broadcast %parallel_loop3A_414 : i32 to vector<16xi32>
        %parallel_loop3A_416 = arith.addi %parallel_loop3A_410, %parallel_loop3A_415 : vector<16xi32>
        %parallel_loop3A_417 = arith.select %parallel_loop3A_413, %parallel_loop3A_416, %parallel_loop3A_410 : vector<16xi1>, vector<16xi32>
        %parallel_loop3A_418 = vector.shape_cast %parallel_loop3A_417 : vector<16xi32> to vector<16x1xi32>
        %parallel_loop3A_419 = vector.shape_cast %parallel_loop3A_418 : vector<16x1xi32> to vector<16xi32>
        %parallel_loop3A_420 = tpu.dynamic_gather %parallel_loop3A_407[%parallel_loop3A_419] in [0] : vector<16xf32>, vector<16xi32> -> vector<16xf32>
        %parallel_loop3A_421 = arith.addf %parallel_loop3A_407, %parallel_loop3A_420 : vector<16xf32>
        %parallel_loop3A_422 = arith.constant 4 : i32
        %parallel_loop3A_423 = vector.broadcast %parallel_loop3A_422 : i32 to vector<16xi32>
        %parallel_loop3A_424 = arith.xori %iota3A, %parallel_loop3A_423 : vector<16xi32>
        %parallel_loop3A_425 = arith.constant 0 : i32
        %parallel_loop3A_426 = vector.broadcast %parallel_loop3A_425 : i32 to vector<16xi32>
        %parallel_loop3A_427 = arith.cmpi slt, %parallel_loop3A_424, %parallel_loop3A_426 : vector<16xi32>
        %parallel_loop3A_428 = arith.constant 16 : i32
        %parallel_loop3A_429 = vector.broadcast %parallel_loop3A_428 : i32 to vector<16xi32>
        %parallel_loop3A_430 = arith.addi %parallel_loop3A_424, %parallel_loop3A_429 : vector<16xi32>
        %parallel_loop3A_431 = arith.select %parallel_loop3A_427, %parallel_loop3A_430, %parallel_loop3A_424 : vector<16xi1>, vector<16xi32>
        %parallel_loop3A_432 = vector.shape_cast %parallel_loop3A_431 : vector<16xi32> to vector<16x1xi32>
        %parallel_loop3A_433 = vector.shape_cast %parallel_loop3A_432 : vector<16x1xi32> to vector<16xi32>
        %parallel_loop3A_434 = tpu.dynamic_gather %parallel_loop3A_421[%parallel_loop3A_433] in [0] : vector<16xf32>, vector<16xi32> -> vector<16xf32>
        %parallel_loop3A_435 = arith.addf %parallel_loop3A_421, %parallel_loop3A_434 : vector<16xf32>
        %parallel_loop3A_436 = arith.constant 8 : i32
        %parallel_loop3A_437 = vector.broadcast %parallel_loop3A_436 : i32 to vector<16xi32>
        %parallel_loop3A_438 = arith.xori %iota3A, %parallel_loop3A_437 : vector<16xi32>
        %parallel_loop3A_439 = arith.constant 0 : i32
        %parallel_loop3A_440 = vector.broadcast %parallel_loop3A_439 : i32 to vector<16xi32>
        %parallel_loop3A_441 = arith.cmpi slt, %parallel_loop3A_438, %parallel_loop3A_440 : vector<16xi32>
        %parallel_loop3A_442 = arith.constant 16 : i32
        %parallel_loop3A_443 = vector.broadcast %parallel_loop3A_442 : i32 to vector<16xi32>
        %parallel_loop3A_444 = arith.addi %parallel_loop3A_438, %parallel_loop3A_443 : vector<16xi32>
        %parallel_loop3A_445 = arith.select %parallel_loop3A_441, %parallel_loop3A_444, %parallel_loop3A_438 : vector<16xi1>, vector<16xi32>
        %parallel_loop3A_446 = vector.shape_cast %parallel_loop3A_445 : vector<16xi32> to vector<16x1xi32>
        %parallel_loop3A_447 = vector.shape_cast %parallel_loop3A_446 : vector<16x1xi32> to vector<16xi32>
        %parallel_loop3A_448 = tpu.dynamic_gather %parallel_loop3A_435[%parallel_loop3A_447] in [0] : vector<16xf32>, vector<16xi32> -> vector<16xf32>
        %parallel_loop3A_449 = arith.addf %parallel_loop3A_435, %parallel_loop3A_448 : vector<16xf32>
        %parallel_loop3A_450 = math.exp %parallel_loop3A_449 : vector<16xf32>
        %parallel_loop3A_451 = arith.addf %parallel_loop3A_254, %parallel_loop3A_286 : vector<16xf32>
        %parallel_loop3A_452 = arith.constant 0.000000e+00 : f32
        %parallel_loop3A_453 = vector.broadcast %parallel_loop3A_452 : f32 to vector<16xf32>
        %parallel_loop3A_454 = arith.cmpf oge, %parallel_loop3A_451, %parallel_loop3A_453 : vector<16xf32>
        %parallel_loop3A_455 = arith.constant 2.000000e-01 : f32
        %parallel_loop3A_456 = vector.broadcast %parallel_loop3A_455 : f32 to vector<16xf32>
        %parallel_loop3A_457 = arith.mulf %parallel_loop3A_451, %parallel_loop3A_456 : vector<16xf32>
        %parallel_loop3A_458 = arith.select %parallel_loop3A_454, %parallel_loop3A_451, %parallel_loop3A_457 : vector<16xi1>, vector<16xf32>
        %parallel_loop3A_459 = arith.mulf %parallel_loop3A_458, %get3A_46 : vector<16xf32>
        %parallel_loop3A_460 = arith.addf %parallel_loop3A_258, %parallel_loop3A_290 : vector<16xf32>
        %parallel_loop3A_461 = arith.constant 0.000000e+00 : f32
        %parallel_loop3A_462 = vector.broadcast %parallel_loop3A_461 : f32 to vector<16xf32>
        %parallel_loop3A_463 = arith.cmpf oge, %parallel_loop3A_460, %parallel_loop3A_462 : vector<16xf32>
        %parallel_loop3A_464 = arith.constant 2.000000e-01 : f32
        %parallel_loop3A_465 = vector.broadcast %parallel_loop3A_464 : f32 to vector<16xf32>
        %parallel_loop3A_466 = arith.mulf %parallel_loop3A_460, %parallel_loop3A_465 : vector<16xf32>
        %parallel_loop3A_467 = arith.select %parallel_loop3A_463, %parallel_loop3A_460, %parallel_loop3A_466 : vector<16xi1>, vector<16xf32>
        %parallel_loop3A_468 = arith.mulf %parallel_loop3A_467, %get3A_49 : vector<16xf32>
        %parallel_loop3A_469 = arith.addf %parallel_loop3A_459, %parallel_loop3A_468 : vector<16xf32>
        %parallel_loop3A_470 = arith.constant 1 : i32
        %parallel_loop3A_471 = vector.broadcast %parallel_loop3A_470 : i32 to vector<16xi32>
        %parallel_loop3A_472 = arith.xori %iota3A, %parallel_loop3A_471 : vector<16xi32>
        %parallel_loop3A_473 = arith.constant 0 : i32
        %parallel_loop3A_474 = vector.broadcast %parallel_loop3A_473 : i32 to vector<16xi32>
        %parallel_loop3A_475 = arith.cmpi slt, %parallel_loop3A_472, %parallel_loop3A_474 : vector<16xi32>
        %parallel_loop3A_476 = arith.constant 16 : i32
        %parallel_loop3A_477 = vector.broadcast %parallel_loop3A_476 : i32 to vector<16xi32>
        %parallel_loop3A_478 = arith.addi %parallel_loop3A_472, %parallel_loop3A_477 : vector<16xi32>
        %parallel_loop3A_479 = arith.select %parallel_loop3A_475, %parallel_loop3A_478, %parallel_loop3A_472 : vector<16xi1>, vector<16xi32>
        %parallel_loop3A_480 = vector.shape_cast %parallel_loop3A_479 : vector<16xi32> to vector<16x1xi32>
        %parallel_loop3A_481 = vector.shape_cast %parallel_loop3A_480 : vector<16x1xi32> to vector<16xi32>
        %parallel_loop3A_482 = tpu.dynamic_gather %parallel_loop3A_469[%parallel_loop3A_481] in [0] : vector<16xf32>, vector<16xi32> -> vector<16xf32>
        %parallel_loop3A_483 = arith.addf %parallel_loop3A_469, %parallel_loop3A_482 : vector<16xf32>
        %parallel_loop3A_484 = arith.constant 2 : i32
        %parallel_loop3A_485 = vector.broadcast %parallel_loop3A_484 : i32 to vector<16xi32>
        %parallel_loop3A_486 = arith.xori %iota3A, %parallel_loop3A_485 : vector<16xi32>
        %parallel_loop3A_487 = arith.constant 0 : i32
        %parallel_loop3A_488 = vector.broadcast %parallel_loop3A_487 : i32 to vector<16xi32>
        %parallel_loop3A_489 = arith.cmpi slt, %parallel_loop3A_486, %parallel_loop3A_488 : vector<16xi32>
        %parallel_loop3A_490 = arith.constant 16 : i32
        %parallel_loop3A_491 = vector.broadcast %parallel_loop3A_490 : i32 to vector<16xi32>
        %parallel_loop3A_492 = arith.addi %parallel_loop3A_486, %parallel_loop3A_491 : vector<16xi32>
        %parallel_loop3A_493 = arith.select %parallel_loop3A_489, %parallel_loop3A_492, %parallel_loop3A_486 : vector<16xi1>, vector<16xi32>
        %parallel_loop3A_494 = vector.shape_cast %parallel_loop3A_493 : vector<16xi32> to vector<16x1xi32>
        %parallel_loop3A_495 = vector.shape_cast %parallel_loop3A_494 : vector<16x1xi32> to vector<16xi32>
        %parallel_loop3A_496 = tpu.dynamic_gather %parallel_loop3A_483[%parallel_loop3A_495] in [0] : vector<16xf32>, vector<16xi32> -> vector<16xf32>
        %parallel_loop3A_497 = arith.addf %parallel_loop3A_483, %parallel_loop3A_496 : vector<16xf32>
        %parallel_loop3A_498 = arith.constant 4 : i32
        %parallel_loop3A_499 = vector.broadcast %parallel_loop3A_498 : i32 to vector<16xi32>
        %parallel_loop3A_500 = arith.xori %iota3A, %parallel_loop3A_499 : vector<16xi32>
        %parallel_loop3A_501 = arith.constant 0 : i32
        %parallel_loop3A_502 = vector.broadcast %parallel_loop3A_501 : i32 to vector<16xi32>
        %parallel_loop3A_503 = arith.cmpi slt, %parallel_loop3A_500, %parallel_loop3A_502 : vector<16xi32>
        %parallel_loop3A_504 = arith.constant 16 : i32
        %parallel_loop3A_505 = vector.broadcast %parallel_loop3A_504 : i32 to vector<16xi32>
        %parallel_loop3A_506 = arith.addi %parallel_loop3A_500, %parallel_loop3A_505 : vector<16xi32>
        %parallel_loop3A_507 = arith.select %parallel_loop3A_503, %parallel_loop3A_506, %parallel_loop3A_500 : vector<16xi1>, vector<16xi32>
        %parallel_loop3A_508 = vector.shape_cast %parallel_loop3A_507 : vector<16xi32> to vector<16x1xi32>
        %parallel_loop3A_509 = vector.shape_cast %parallel_loop3A_508 : vector<16x1xi32> to vector<16xi32>
        %parallel_loop3A_510 = tpu.dynamic_gather %parallel_loop3A_497[%parallel_loop3A_509] in [0] : vector<16xf32>, vector<16xi32> -> vector<16xf32>
        %parallel_loop3A_511 = arith.addf %parallel_loop3A_497, %parallel_loop3A_510 : vector<16xf32>
        %parallel_loop3A_512 = arith.constant 8 : i32
        %parallel_loop3A_513 = vector.broadcast %parallel_loop3A_512 : i32 to vector<16xi32>
        %parallel_loop3A_514 = arith.xori %iota3A, %parallel_loop3A_513 : vector<16xi32>
        %parallel_loop3A_515 = arith.constant 0 : i32
        %parallel_loop3A_516 = vector.broadcast %parallel_loop3A_515 : i32 to vector<16xi32>
        %parallel_loop3A_517 = arith.cmpi slt, %parallel_loop3A_514, %parallel_loop3A_516 : vector<16xi32>
        %parallel_loop3A_518 = arith.constant 16 : i32
        %parallel_loop3A_519 = vector.broadcast %parallel_loop3A_518 : i32 to vector<16xi32>
        %parallel_loop3A_520 = arith.addi %parallel_loop3A_514, %parallel_loop3A_519 : vector<16xi32>
        %parallel_loop3A_521 = arith.select %parallel_loop3A_517, %parallel_loop3A_520, %parallel_loop3A_514 : vector<16xi1>, vector<16xi32>
        %parallel_loop3A_522 = vector.shape_cast %parallel_loop3A_521 : vector<16xi32> to vector<16x1xi32>
        %parallel_loop3A_523 = vector.shape_cast %parallel_loop3A_522 : vector<16x1xi32> to vector<16xi32>
        %parallel_loop3A_524 = tpu.dynamic_gather %parallel_loop3A_511[%parallel_loop3A_523] in [0] : vector<16xf32>, vector<16xi32> -> vector<16xf32>
        %parallel_loop3A_525 = arith.addf %parallel_loop3A_511, %parallel_loop3A_524 : vector<16xf32>
        %parallel_loop3A_526 = math.exp %parallel_loop3A_525 : vector<16xf32>
        %parallel_loop3A_527 = arith.addf %parallel_loop3A_262, %parallel_loop3A_294 : vector<16xf32>
        %parallel_loop3A_528 = arith.constant 0.000000e+00 : f32
        %parallel_loop3A_529 = vector.broadcast %parallel_loop3A_528 : f32 to vector<16xf32>
        %parallel_loop3A_530 = arith.cmpf oge, %parallel_loop3A_527, %parallel_loop3A_529 : vector<16xf32>
        %parallel_loop3A_531 = arith.constant 2.000000e-01 : f32
        %parallel_loop3A_532 = vector.broadcast %parallel_loop3A_531 : f32 to vector<16xf32>
        %parallel_loop3A_533 = arith.mulf %parallel_loop3A_527, %parallel_loop3A_532 : vector<16xf32>
        %parallel_loop3A_534 = arith.select %parallel_loop3A_530, %parallel_loop3A_527, %parallel_loop3A_533 : vector<16xi1>, vector<16xf32>
        %parallel_loop3A_535 = arith.mulf %parallel_loop3A_534, %get3A_52 : vector<16xf32>
        %parallel_loop3A_536 = arith.addf %parallel_loop3A_266, %parallel_loop3A_298 : vector<16xf32>
        %parallel_loop3A_537 = arith.constant 0.000000e+00 : f32
        %parallel_loop3A_538 = vector.broadcast %parallel_loop3A_537 : f32 to vector<16xf32>
        %parallel_loop3A_539 = arith.cmpf oge, %parallel_loop3A_536, %parallel_loop3A_538 : vector<16xf32>
        %parallel_loop3A_540 = arith.constant 2.000000e-01 : f32
        %parallel_loop3A_541 = vector.broadcast %parallel_loop3A_540 : f32 to vector<16xf32>
        %parallel_loop3A_542 = arith.mulf %parallel_loop3A_536, %parallel_loop3A_541 : vector<16xf32>
        %parallel_loop3A_543 = arith.select %parallel_loop3A_539, %parallel_loop3A_536, %parallel_loop3A_542 : vector<16xi1>, vector<16xf32>
        %parallel_loop3A_544 = arith.mulf %parallel_loop3A_543, %get3A_55 : vector<16xf32>
        %parallel_loop3A_545 = arith.addf %parallel_loop3A_535, %parallel_loop3A_544 : vector<16xf32>
        %parallel_loop3A_546 = arith.constant 1 : i32
        %parallel_loop3A_547 = vector.broadcast %parallel_loop3A_546 : i32 to vector<16xi32>
        %parallel_loop3A_548 = arith.xori %iota3A, %parallel_loop3A_547 : vector<16xi32>
        %parallel_loop3A_549 = arith.constant 0 : i32
        %parallel_loop3A_550 = vector.broadcast %parallel_loop3A_549 : i32 to vector<16xi32>
        %parallel_loop3A_551 = arith.cmpi slt, %parallel_loop3A_548, %parallel_loop3A_550 : vector<16xi32>
        %parallel_loop3A_552 = arith.constant 16 : i32
        %parallel_loop3A_553 = vector.broadcast %parallel_loop3A_552 : i32 to vector<16xi32>
        %parallel_loop3A_554 = arith.addi %parallel_loop3A_548, %parallel_loop3A_553 : vector<16xi32>
        %parallel_loop3A_555 = arith.select %parallel_loop3A_551, %parallel_loop3A_554, %parallel_loop3A_548 : vector<16xi1>, vector<16xi32>
        %parallel_loop3A_556 = vector.shape_cast %parallel_loop3A_555 : vector<16xi32> to vector<16x1xi32>
        %parallel_loop3A_557 = vector.shape_cast %parallel_loop3A_556 : vector<16x1xi32> to vector<16xi32>
        %parallel_loop3A_558 = tpu.dynamic_gather %parallel_loop3A_545[%parallel_loop3A_557] in [0] : vector<16xf32>, vector<16xi32> -> vector<16xf32>
        %parallel_loop3A_559 = arith.addf %parallel_loop3A_545, %parallel_loop3A_558 : vector<16xf32>
        %parallel_loop3A_560 = arith.constant 2 : i32
        %parallel_loop3A_561 = vector.broadcast %parallel_loop3A_560 : i32 to vector<16xi32>
        %parallel_loop3A_562 = arith.xori %iota3A, %parallel_loop3A_561 : vector<16xi32>
        %parallel_loop3A_563 = arith.constant 0 : i32
        %parallel_loop3A_564 = vector.broadcast %parallel_loop3A_563 : i32 to vector<16xi32>
        %parallel_loop3A_565 = arith.cmpi slt, %parallel_loop3A_562, %parallel_loop3A_564 : vector<16xi32>
        %parallel_loop3A_566 = arith.constant 16 : i32
        %parallel_loop3A_567 = vector.broadcast %parallel_loop3A_566 : i32 to vector<16xi32>
        %parallel_loop3A_568 = arith.addi %parallel_loop3A_562, %parallel_loop3A_567 : vector<16xi32>
        %parallel_loop3A_569 = arith.select %parallel_loop3A_565, %parallel_loop3A_568, %parallel_loop3A_562 : vector<16xi1>, vector<16xi32>
        %parallel_loop3A_570 = vector.shape_cast %parallel_loop3A_569 : vector<16xi32> to vector<16x1xi32>
        %parallel_loop3A_571 = vector.shape_cast %parallel_loop3A_570 : vector<16x1xi32> to vector<16xi32>
        %parallel_loop3A_572 = tpu.dynamic_gather %parallel_loop3A_559[%parallel_loop3A_571] in [0] : vector<16xf32>, vector<16xi32> -> vector<16xf32>
        %parallel_loop3A_573 = arith.addf %parallel_loop3A_559, %parallel_loop3A_572 : vector<16xf32>
        %parallel_loop3A_574 = arith.constant 4 : i32
        %parallel_loop3A_575 = vector.broadcast %parallel_loop3A_574 : i32 to vector<16xi32>
        %parallel_loop3A_576 = arith.xori %iota3A, %parallel_loop3A_575 : vector<16xi32>
        %parallel_loop3A_577 = arith.constant 0 : i32
        %parallel_loop3A_578 = vector.broadcast %parallel_loop3A_577 : i32 to vector<16xi32>
        %parallel_loop3A_579 = arith.cmpi slt, %parallel_loop3A_576, %parallel_loop3A_578 : vector<16xi32>
        %parallel_loop3A_580 = arith.constant 16 : i32
        %parallel_loop3A_581 = vector.broadcast %parallel_loop3A_580 : i32 to vector<16xi32>
        %parallel_loop3A_582 = arith.addi %parallel_loop3A_576, %parallel_loop3A_581 : vector<16xi32>
        %parallel_loop3A_583 = arith.select %parallel_loop3A_579, %parallel_loop3A_582, %parallel_loop3A_576 : vector<16xi1>, vector<16xi32>
        %parallel_loop3A_584 = vector.shape_cast %parallel_loop3A_583 : vector<16xi32> to vector<16x1xi32>
        %parallel_loop3A_585 = vector.shape_cast %parallel_loop3A_584 : vector<16x1xi32> to vector<16xi32>
        %parallel_loop3A_586 = tpu.dynamic_gather %parallel_loop3A_573[%parallel_loop3A_585] in [0] : vector<16xf32>, vector<16xi32> -> vector<16xf32>
        %parallel_loop3A_587 = arith.addf %parallel_loop3A_573, %parallel_loop3A_586 : vector<16xf32>
        %parallel_loop3A_588 = arith.constant 8 : i32
        %parallel_loop3A_589 = vector.broadcast %parallel_loop3A_588 : i32 to vector<16xi32>
        %parallel_loop3A_590 = arith.xori %iota3A, %parallel_loop3A_589 : vector<16xi32>
        %parallel_loop3A_591 = arith.constant 0 : i32
        %parallel_loop3A_592 = vector.broadcast %parallel_loop3A_591 : i32 to vector<16xi32>
        %parallel_loop3A_593 = arith.cmpi slt, %parallel_loop3A_590, %parallel_loop3A_592 : vector<16xi32>
        %parallel_loop3A_594 = arith.constant 16 : i32
        %parallel_loop3A_595 = vector.broadcast %parallel_loop3A_594 : i32 to vector<16xi32>
        %parallel_loop3A_596 = arith.addi %parallel_loop3A_590, %parallel_loop3A_595 : vector<16xi32>
        %parallel_loop3A_597 = arith.select %parallel_loop3A_593, %parallel_loop3A_596, %parallel_loop3A_590 : vector<16xi1>, vector<16xi32>
        %parallel_loop3A_598 = vector.shape_cast %parallel_loop3A_597 : vector<16xi32> to vector<16x1xi32>
        %parallel_loop3A_599 = vector.shape_cast %parallel_loop3A_598 : vector<16x1xi32> to vector<16xi32>
        %parallel_loop3A_600 = tpu.dynamic_gather %parallel_loop3A_587[%parallel_loop3A_599] in [0] : vector<16xf32>, vector<16xi32> -> vector<16xf32>
        %parallel_loop3A_601 = arith.addf %parallel_loop3A_587, %parallel_loop3A_600 : vector<16xf32>
        %parallel_loop3A_602 = math.exp %parallel_loop3A_601 : vector<16xf32>
        %parallel_loop3A_603 = arith.mulf %parallel_loop3A_238, %parallel_loop3A_374 : vector<16xf32>
        %parallel_loop3A_604 = arith.index_cast %parallel_loop3A_234 : i32 to index
        %parallel_loop3A_605 = arith.constant 0 : index
        %parallel_loop3A_606 = tpu.vector_load %arg17[%parallel_loop3A_604, %parallel_loop3A_605] {strides = array<i32>} : memref<64x128xf32, #tpu.memory_space<vmem>>, vector<1x16xf32>,
        %parallel_loop3A_607 = vector.shape_cast %parallel_loop3A_606 : vector<1x16xf32> to vector<16xf32>
        %parallel_loop3A_608 = vector.shape_cast %parallel_loop3A_603 : vector<16xf32> to vector<1x16xf32>
        tpu.vector_store %arg17[%parallel_loop3A_604, %parallel_loop3A_605], %parallel_loop3A_608 {strides = array<i32>} : memref<64x128xf32, #tpu.memory_space<vmem>>, vector<1x16xf32>,
        %parallel_loop3A_609 = arith.mulf %parallel_loop3A_242, %parallel_loop3A_374 : vector<16xf32>
        %parallel_loop3A_610 = arith.index_cast %parallel_loop3A_234 : i32 to index
        %parallel_loop3A_611 = arith.constant 16 : index
        %parallel_loop3A_612 = tpu.vector_load %arg17[%parallel_loop3A_610, %parallel_loop3A_611] {strides = array<i32>} : memref<64x128xf32, #tpu.memory_space<vmem>>, vector<1x16xf32>,
        %parallel_loop3A_613 = vector.shape_cast %parallel_loop3A_612 : vector<1x16xf32> to vector<16xf32>
        %parallel_loop3A_614 = vector.shape_cast %parallel_loop3A_609 : vector<16xf32> to vector<1x16xf32>
        tpu.vector_store %arg17[%parallel_loop3A_610, %parallel_loop3A_611], %parallel_loop3A_614 {strides = array<i32>} : memref<64x128xf32, #tpu.memory_space<vmem>>, vector<1x16xf32>,
        %parallel_loop3A_615 = arith.mulf %parallel_loop3A_246, %parallel_loop3A_450 : vector<16xf32>
        %parallel_loop3A_616 = arith.index_cast %parallel_loop3A_234 : i32 to index
        %parallel_loop3A_617 = arith.constant 32 : index
        %parallel_loop3A_618 = tpu.vector_load %arg17[%parallel_loop3A_616, %parallel_loop3A_617] {strides = array<i32>} : memref<64x128xf32, #tpu.memory_space<vmem>>, vector<1x16xf32>,
        %parallel_loop3A_619 = vector.shape_cast %parallel_loop3A_618 : vector<1x16xf32> to vector<16xf32>
        %parallel_loop3A_620 = vector.shape_cast %parallel_loop3A_615 : vector<16xf32> to vector<1x16xf32>
        tpu.vector_store %arg17[%parallel_loop3A_616, %parallel_loop3A_617], %parallel_loop3A_620 {strides = array<i32>} : memref<64x128xf32, #tpu.memory_space<vmem>>, vector<1x16xf32>,
        %parallel_loop3A_621 = arith.mulf %parallel_loop3A_250, %parallel_loop3A_450 : vector<16xf32>
        %parallel_loop3A_622 = arith.index_cast %parallel_loop3A_234 : i32 to index
        %parallel_loop3A_623 = arith.constant 48 : index
        %parallel_loop3A_624 = tpu.vector_load %arg17[%parallel_loop3A_622, %parallel_loop3A_623] {strides = array<i32>} : memref<64x128xf32, #tpu.memory_space<vmem>>, vector<1x16xf32>,
        %parallel_loop3A_625 = vector.shape_cast %parallel_loop3A_624 : vector<1x16xf32> to vector<16xf32>
        %parallel_loop3A_626 = vector.shape_cast %parallel_loop3A_621 : vector<16xf32> to vector<1x16xf32>
        tpu.vector_store %arg17[%parallel_loop3A_622, %parallel_loop3A_623], %parallel_loop3A_626 {strides = array<i32>} : memref<64x128xf32, #tpu.memory_space<vmem>>, vector<1x16xf32>,
        %parallel_loop3A_627 = arith.mulf %parallel_loop3A_254, %parallel_loop3A_526 : vector<16xf32>
        %parallel_loop3A_628 = arith.index_cast %parallel_loop3A_234 : i32 to index
        %parallel_loop3A_629 = arith.constant 64 : index
        %parallel_loop3A_630 = tpu.vector_load %arg17[%parallel_loop3A_628, %parallel_loop3A_629] {strides = array<i32>} : memref<64x128xf32, #tpu.memory_space<vmem>>, vector<1x16xf32>,
        %parallel_loop3A_631 = vector.shape_cast %parallel_loop3A_630 : vector<1x16xf32> to vector<16xf32>
        %parallel_loop3A_632 = vector.shape_cast %parallel_loop3A_627 : vector<16xf32> to vector<1x16xf32>
        tpu.vector_store %arg17[%parallel_loop3A_628, %parallel_loop3A_629], %parallel_loop3A_632 {strides = array<i32>} : memref<64x128xf32, #tpu.memory_space<vmem>>, vector<1x16xf32>,
        %parallel_loop3A_633 = arith.mulf %parallel_loop3A_258, %parallel_loop3A_526 : vector<16xf32>
        %parallel_loop3A_634 = arith.index_cast %parallel_loop3A_234 : i32 to index
        %parallel_loop3A_635 = arith.constant 80 : index
        %parallel_loop3A_636 = tpu.vector_load %arg17[%parallel_loop3A_634, %parallel_loop3A_635] {strides = array<i32>} : memref<64x128xf32, #tpu.memory_space<vmem>>, vector<1x16xf32>,
        %parallel_loop3A_637 = vector.shape_cast %parallel_loop3A_636 : vector<1x16xf32> to vector<16xf32>
        %parallel_loop3A_638 = vector.shape_cast %parallel_loop3A_633 : vector<16xf32> to vector<1x16xf32>
        tpu.vector_store %arg17[%parallel_loop3A_634, %parallel_loop3A_635], %parallel_loop3A_638 {strides = array<i32>} : memref<64x128xf32, #tpu.memory_space<vmem>>, vector<1x16xf32>,
        %parallel_loop3A_639 = arith.mulf %parallel_loop3A_262, %parallel_loop3A_602 : vector<16xf32>
        %parallel_loop3A_640 = arith.index_cast %parallel_loop3A_234 : i32 to index
        %parallel_loop3A_641 = arith.constant 96 : index
        %parallel_loop3A_642 = tpu.vector_load %arg17[%parallel_loop3A_640, %parallel_loop3A_641] {strides = array<i32>} : memref<64x128xf32, #tpu.memory_space<vmem>>, vector<1x16xf32>,
        %parallel_loop3A_643 = vector.shape_cast %parallel_loop3A_642 : vector<1x16xf32> to vector<16xf32>
        %parallel_loop3A_644 = vector.shape_cast %parallel_loop3A_639 : vector<16xf32> to vector<1x16xf32>
        tpu.vector_store %arg17[%parallel_loop3A_640, %parallel_loop3A_641], %parallel_loop3A_644 {strides = array<i32>} : memref<64x128xf32, #tpu.memory_space<vmem>>, vector<1x16xf32>,
        %parallel_loop3A_645 = arith.mulf %parallel_loop3A_266, %parallel_loop3A_602 : vector<16xf32>
        %parallel_loop3A_646 = arith.index_cast %parallel_loop3A_234 : i32 to index
        %parallel_loop3A_647 = arith.constant 112 : index
        %parallel_loop3A_648 = tpu.vector_load %arg17[%parallel_loop3A_646, %parallel_loop3A_647] {strides = array<i32>} : memref<64x128xf32, #tpu.memory_space<vmem>>, vector<1x16xf32>,
        %parallel_loop3A_649 = vector.shape_cast %parallel_loop3A_648 : vector<1x16xf32> to vector<16xf32>
        %parallel_loop3A_650 = vector.shape_cast %parallel_loop3A_645 : vector<16xf32> to vector<1x16xf32>
        tpu.vector_store %arg17[%parallel_loop3A_646, %parallel_loop3A_647], %parallel_loop3A_650 {strides = array<i32>} : memref<64x128xf32, #tpu.memory_space<vmem>>, vector<1x16xf32>,
        %parallel_loop3A_651 = arith.constant 0 : i32
        %parallel_loop3A_652 = vector.broadcast %parallel_loop3A_651 : i32 to vector<16xi32>
        %parallel_loop3A_653 = arith.cmpi eq, %iota3A, %parallel_loop3A_652 : vector<16xi32>
        %parallel_loop3A_654 = arith.constant 0.000000e+00 : f32
        %parallel_loop3A_655 = vector.broadcast %parallel_loop3A_654 : f32 to vector<16xf32>
        %parallel_loop3A_656 = arith.select %parallel_loop3A_653, %parallel_loop3A_374, %parallel_loop3A_655 : vector<16xi1>, vector<16xf32>
        %parallel_loop3A_657 = arith.constant 1 : i32
        %parallel_loop3A_658 = vector.broadcast %parallel_loop3A_657 : i32 to vector<16xi32>
        %parallel_loop3A_659 = arith.cmpi eq, %iota3A, %parallel_loop3A_658 : vector<16xi32>
        %parallel_loop3A_660 = arith.select %parallel_loop3A_659, %parallel_loop3A_450, %parallel_loop3A_656 : vector<16xi1>, vector<16xf32>
        %parallel_loop3A_661 = arith.constant 2 : i32
        %parallel_loop3A_662 = vector.broadcast %parallel_loop3A_661 : i32 to vector<16xi32>
        %parallel_loop3A_663 = arith.cmpi eq, %iota3A, %parallel_loop3A_662 : vector<16xi32>
        %parallel_loop3A_664 = arith.select %parallel_loop3A_663, %parallel_loop3A_526, %parallel_loop3A_660 : vector<16xi1>, vector<16xf32>
        %parallel_loop3A_665 = arith.constant 3 : i32
        %parallel_loop3A_666 = vector.broadcast %parallel_loop3A_665 : i32 to vector<16xi32>
        %parallel_loop3A_667 = arith.cmpi eq, %iota3A, %parallel_loop3A_666 : vector<16xi32>
        %parallel_loop3A_668 = arith.select %parallel_loop3A_667, %parallel_loop3A_602, %parallel_loop3A_664 : vector<16xi1>, vector<16xf32>
        %parallel_loop3A_669 = arith.constant 16 : i32
        %parallel_loop3A_670 = arith.divsi %parallel_loop3A_234, %parallel_loop3A_669 : i32
        %parallel_loop3A_671 = arith.constant 0 : i32
        %parallel_loop3A_672 = arith.cmpi sgt, %parallel_loop3A_234, %parallel_loop3A_671 : i32
        %parallel_loop3A_673 = arith.extui %parallel_loop3A_672 : i1 to i32
        %parallel_loop3A_674 = arith.constant 0 : i32
        %parallel_loop3A_675 = arith.cmpi slt, %parallel_loop3A_234, %parallel_loop3A_674 : i32
        %parallel_loop3A_676 = arith.extui %parallel_loop3A_675 : i1 to i32
        %parallel_loop3A_677 = arith.subi %parallel_loop3A_673, %parallel_loop3A_676 : i32
        %parallel_loop3A_678 = arith.constant 0 : i32
        %parallel_loop3A_679 = arith.cmpi sgt, %parallel_loop3A_669, %parallel_loop3A_678 : i32
        %parallel_loop3A_680 = arith.extui %parallel_loop3A_679 : i1 to i32
        %parallel_loop3A_681 = arith.constant 0 : i32
        %parallel_loop3A_682 = arith.cmpi slt, %parallel_loop3A_669, %parallel_loop3A_681 : i32
        %parallel_loop3A_683 = arith.extui %parallel_loop3A_682 : i1 to i32
        %parallel_loop3A_684 = arith.subi %parallel_loop3A_680, %parallel_loop3A_683 : i32
        %parallel_loop3A_685 = arith.cmpi ne, %parallel_loop3A_677, %parallel_loop3A_684 : i32
        %parallel_loop3A_686 = arith.remsi %parallel_loop3A_234, %parallel_loop3A_669 : i32
        %parallel_loop3A_687 = arith.constant 0 : i32
        %parallel_loop3A_688 = arith.cmpi ne, %parallel_loop3A_686, %parallel_loop3A_687 : i32
        %parallel_loop3A_689 = arith.andi %parallel_loop3A_685, %parallel_loop3A_688 : i1
        %parallel_loop3A_690 = arith.constant 1 : i32
        %parallel_loop3A_691 = arith.subi %parallel_loop3A_670, %parallel_loop3A_690 : i32
        %parallel_loop3A_692 = arith.select %parallel_loop3A_689, %parallel_loop3A_691, %parallel_loop3A_670 : i32
        %parallel_loop3A_693 = arith.constant 16 : i32
        %parallel_loop3A_694 = arith.muli %parallel_loop3A_693, %parallel_loop3A_692 : i32
        %parallel_loop3A_695 = arith.constant 32 : i32
        %parallel_loop3A_696 = arith.addi %parallel_loop3A_695, %parallel_loop3A_694 : i32
        %parallel_loop3A_697 = arith.index_cast %parallel_loop3A_696 : i32 to index
        %parallel_loop3A_698 = tpu.vector_load %arg9[%parallel_loop3A_697] {strides = array<i32>} : memref<64xi32, #tpu.memory_space<vmem>>, vector<16xi32>,
        %parallel_loop3A_699 = vector.shape_cast %parallel_loop3A_698 : vector<16xi32> to vector<16xi32>
        %parallel_loop3A_700 = arith.constant 16 : i32
        %parallel_loop3A_701 = arith.constant 0 : i32
        %parallel_loop3A_702 = arith.cmpi eq, %parallel_loop3A_700, %parallel_loop3A_701 : i32
        %parallel_loop3A_703 = arith.constant 1 : i32
        %parallel_loop3A_704 = arith.select %parallel_loop3A_702, %parallel_loop3A_703, %parallel_loop3A_700 : i32
        %parallel_loop3A_705 = arith.remsi %parallel_loop3A_234, %parallel_loop3A_704 : i32
        %parallel_loop3A_706 = arith.constant 0 : i32
        %parallel_loop3A_707 = arith.cmpi ne, %parallel_loop3A_705, %parallel_loop3A_706 : i32
        %parallel_loop3A_708 = arith.constant 0 : i32
        %parallel_loop3A_709 = arith.cmpi slt, %parallel_loop3A_705, %parallel_loop3A_708 : i32
        %parallel_loop3A_710 = arith.constant 0 : i32
        %parallel_loop3A_711 = arith.cmpi slt, %parallel_loop3A_704, %parallel_loop3A_710 : i32
        %parallel_loop3A_712 = arith.xori %parallel_loop3A_709, %parallel_loop3A_711 : i1
        %parallel_loop3A_713 = arith.andi %parallel_loop3A_712, %parallel_loop3A_707 : i1
        %parallel_loop3A_714 = arith.addi %parallel_loop3A_705, %parallel_loop3A_704 : i32
        %parallel_loop3A_715 = arith.select %parallel_loop3A_713, %parallel_loop3A_714, %parallel_loop3A_705 : i32
        %parallel_loop3A_716 = vector.broadcast %parallel_loop3A_715 : i32 to vector<16xi32>
        %parallel_loop3A_717 = arith.constant 0 : i32
        %parallel_loop3A_718 = vector.broadcast %parallel_loop3A_717 : i32 to vector<16xi32>
        %parallel_loop3A_719 = arith.cmpi slt, %parallel_loop3A_716, %parallel_loop3A_718 : vector<16xi32>
        %parallel_loop3A_720 = arith.constant 16 : i32
        %parallel_loop3A_721 = vector.broadcast %parallel_loop3A_720 : i32 to vector<16xi32>
        %parallel_loop3A_722 = arith.addi %parallel_loop3A_716, %parallel_loop3A_721 : vector<16xi32>
        %parallel_loop3A_723 = arith.select %parallel_loop3A_719, %parallel_loop3A_722, %parallel_loop3A_716 : vector<16xi1>, vector<16xi32>
        %parallel_loop3A_724 = vector.shape_cast %parallel_loop3A_723 : vector<16xi32> to vector<16x1xi32>
        %parallel_loop3A_725 = vector.shape_cast %parallel_loop3A_724 : vector<16x1xi32> to vector<16xi32>
        %parallel_loop3A_726 = tpu.dynamic_gather %parallel_loop3A_699[%parallel_loop3A_725] in [0] : vector<16xi32>, vector<16xi32> -> vector<16xi32>
        %parallel_loop3A_727 = arith.constant 7 : i32
        %parallel_loop3A_728 = vector.broadcast %parallel_loop3A_727 : i32 to vector<16xi32>
        %parallel_loop3A_729 = arith.andi %parallel_loop3A_726, %parallel_loop3A_728 : vector<16xi32>
        %parallel_loop3A_730 = arith.sitofp %parallel_loop3A_729 : vector<16xi32> to vector<16xf32>
        %parallel_loop3A_731 = arith.constant 0.000000e+00 : f32
        %parallel_loop3A_732 = vector.broadcast %parallel_loop3A_731 : f32 to vector<16xf32>
        %parallel_loop3A_733 = arith.subf %parallel_loop3A_730, %parallel_loop3A_732 : vector<16xf32>
        %parallel_loop3A_734 = math.absf %parallel_loop3A_733 : vector<16xf32>
        %parallel_loop3A_735 = arith.constant 1.000000e+00 : f32
        %parallel_loop3A_736 = vector.broadcast %parallel_loop3A_735 : f32 to vector<16xf32>
        %parallel_loop3A_737 = arith.subf %parallel_loop3A_736, %parallel_loop3A_734 : vector<16xf32>
        %parallel_loop3A_738 = arith.constant 0.000000e+00 : f32
        %parallel_loop3A_739 = vector.broadcast %parallel_loop3A_738 : f32 to vector<16xf32>
        %parallel_loop3A_740 = arith.maximumf %parallel_loop3A_737, %parallel_loop3A_739 : vector<16xf32>
        %parallel_loop3A_741 = arith.mulf %parallel_loop3A_668, %parallel_loop3A_740 : vector<16xf32>
        %parallel_loop3A_742 = arith.constant 32 : i32
        %parallel_loop3A_743 = arith.addi %parallel_loop3A_742, %parallel_loop3A_234 : i32
        %parallel_loop3A_744 = arith.index_cast %parallel_loop3A_743 : i32 to index
        %parallel_loop3A_745 = arith.constant 0 : index
        %parallel_loop3A_746 = tpu.vector_load %arg17[%parallel_loop3A_744, %parallel_loop3A_745] {strides = array<i32>} : memref<64x128xf32, #tpu.memory_space<vmem>>, vector<1x16xf32>,
        %parallel_loop3A_747 = vector.shape_cast %parallel_loop3A_746 : vector<1x16xf32> to vector<16xf32>
        %parallel_loop3A_748 = vector.shape_cast %parallel_loop3A_741 : vector<16xf32> to vector<1x16xf32>
        tpu.vector_store %arg17[%parallel_loop3A_744, %parallel_loop3A_745], %parallel_loop3A_748 {strides = array<i32>} : memref<64x128xf32, #tpu.memory_space<vmem>>, vector<1x16xf32>,
        %parallel_loop3A_749 = arith.constant 1.000000e+00 : f32
        %parallel_loop3A_750 = vector.broadcast %parallel_loop3A_749 : f32 to vector<16xf32>
        %parallel_loop3A_751 = arith.subf %parallel_loop3A_730, %parallel_loop3A_750 : vector<16xf32>
        %parallel_loop3A_752 = math.absf %parallel_loop3A_751 : vector<16xf32>
        %parallel_loop3A_753 = arith.constant 1.000000e+00 : f32
        %parallel_loop3A_754 = vector.broadcast %parallel_loop3A_753 : f32 to vector<16xf32>
        %parallel_loop3A_755 = arith.subf %parallel_loop3A_754, %parallel_loop3A_752 : vector<16xf32>
        %parallel_loop3A_756 = arith.constant 0.000000e+00 : f32
        %parallel_loop3A_757 = vector.broadcast %parallel_loop3A_756 : f32 to vector<16xf32>
        %parallel_loop3A_758 = arith.maximumf %parallel_loop3A_755, %parallel_loop3A_757 : vector<16xf32>
        %parallel_loop3A_759 = arith.mulf %parallel_loop3A_668, %parallel_loop3A_758 : vector<16xf32>
        %parallel_loop3A_760 = arith.constant 32 : i32
        %parallel_loop3A_761 = arith.addi %parallel_loop3A_760, %parallel_loop3A_234 : i32
        %parallel_loop3A_762 = arith.index_cast %parallel_loop3A_761 : i32 to index
        %parallel_loop3A_763 = arith.constant 16 : index
        %parallel_loop3A_764 = tpu.vector_load %arg17[%parallel_loop3A_762, %parallel_loop3A_763] {strides = array<i32>} : memref<64x128xf32, #tpu.memory_space<vmem>>, vector<1x16xf32>,
        %parallel_loop3A_765 = vector.shape_cast %parallel_loop3A_764 : vector<1x16xf32> to vector<16xf32>
        %parallel_loop3A_766 = vector.shape_cast %parallel_loop3A_759 : vector<16xf32> to vector<1x16xf32>
        tpu.vector_store %arg17[%parallel_loop3A_762, %parallel_loop3A_763], %parallel_loop3A_766 {strides = array<i32>} : memref<64x128xf32, #tpu.memory_space<vmem>>, vector<1x16xf32>,
        %parallel_loop3A_767 = arith.constant 2.000000e+00 : f32
        %parallel_loop3A_768 = vector.broadcast %parallel_loop3A_767 : f32 to vector<16xf32>
        %parallel_loop3A_769 = arith.subf %parallel_loop3A_730, %parallel_loop3A_768 : vector<16xf32>
        %parallel_loop3A_770 = math.absf %parallel_loop3A_769 : vector<16xf32>
        %parallel_loop3A_771 = arith.constant 1.000000e+00 : f32
        %parallel_loop3A_772 = vector.broadcast %parallel_loop3A_771 : f32 to vector<16xf32>
        %parallel_loop3A_773 = arith.subf %parallel_loop3A_772, %parallel_loop3A_770 : vector<16xf32>
        %parallel_loop3A_774 = arith.constant 0.000000e+00 : f32
        %parallel_loop3A_775 = vector.broadcast %parallel_loop3A_774 : f32 to vector<16xf32>
        %parallel_loop3A_776 = arith.maximumf %parallel_loop3A_773, %parallel_loop3A_775 : vector<16xf32>
        %parallel_loop3A_777 = arith.mulf %parallel_loop3A_668, %parallel_loop3A_776 : vector<16xf32>
        %parallel_loop3A_778 = arith.constant 32 : i32
        %parallel_loop3A_779 = arith.addi %parallel_loop3A_778, %parallel_loop3A_234 : i32
        %parallel_loop3A_780 = arith.index_cast %parallel_loop3A_779 : i32 to index
        %parallel_loop3A_781 = arith.constant 32 : index
        %parallel_loop3A_782 = tpu.vector_load %arg17[%parallel_loop3A_780, %parallel_loop3A_781] {strides = array<i32>} : memref<64x128xf32, #tpu.memory_space<vmem>>, vector<1x16xf32>,
        %parallel_loop3A_783 = vector.shape_cast %parallel_loop3A_782 : vector<1x16xf32> to vector<16xf32>
        %parallel_loop3A_784 = vector.shape_cast %parallel_loop3A_777 : vector<16xf32> to vector<1x16xf32>
        tpu.vector_store %arg17[%parallel_loop3A_780, %parallel_loop3A_781], %parallel_loop3A_784 {strides = array<i32>} : memref<64x128xf32, #tpu.memory_space<vmem>>, vector<1x16xf32>,
        %parallel_loop3A_785 = arith.constant 3.000000e+00 : f32
        %parallel_loop3A_786 = vector.broadcast %parallel_loop3A_785 : f32 to vector<16xf32>
        %parallel_loop3A_787 = arith.subf %parallel_loop3A_730, %parallel_loop3A_786 : vector<16xf32>
        %parallel_loop3A_788 = math.absf %parallel_loop3A_787 : vector<16xf32>
        %parallel_loop3A_789 = arith.constant 1.000000e+00 : f32
        %parallel_loop3A_790 = vector.broadcast %parallel_loop3A_789 : f32 to vector<16xf32>
        %parallel_loop3A_791 = arith.subf %parallel_loop3A_790, %parallel_loop3A_788 : vector<16xf32>
        %parallel_loop3A_792 = arith.constant 0.000000e+00 : f32
        %parallel_loop3A_793 = vector.broadcast %parallel_loop3A_792 : f32 to vector<16xf32>
        %parallel_loop3A_794 = arith.maximumf %parallel_loop3A_791, %parallel_loop3A_793 : vector<16xf32>
        %parallel_loop3A_795 = arith.mulf %parallel_loop3A_668, %parallel_loop3A_794 : vector<16xf32>
        %parallel_loop3A_796 = arith.constant 32 : i32
        %parallel_loop3A_797 = arith.addi %parallel_loop3A_796, %parallel_loop3A_234 : i32
        %parallel_loop3A_798 = arith.index_cast %parallel_loop3A_797 : i32 to index
        %parallel_loop3A_799 = arith.constant 48 : index
        %parallel_loop3A_800 = tpu.vector_load %arg17[%parallel_loop3A_798, %parallel_loop3A_799] {strides = array<i32>} : memref<64x128xf32, #tpu.memory_space<vmem>>, vector<1x16xf32>,
        %parallel_loop3A_801 = vector.shape_cast %parallel_loop3A_800 : vector<1x16xf32> to vector<16xf32>
        %parallel_loop3A_802 = vector.shape_cast %parallel_loop3A_795 : vector<16xf32> to vector<1x16xf32>
        tpu.vector_store %arg17[%parallel_loop3A_798, %parallel_loop3A_799], %parallel_loop3A_802 {strides = array<i32>} : memref<64x128xf32, #tpu.memory_space<vmem>>, vector<1x16xf32>,
        %parallel_loop3A_803 = arith.constant 4.000000e+00 : f32
        %parallel_loop3A_804 = vector.broadcast %parallel_loop3A_803 : f32 to vector<16xf32>
        %parallel_loop3A_805 = arith.subf %parallel_loop3A_730, %parallel_loop3A_804 : vector<16xf32>
        %parallel_loop3A_806 = math.absf %parallel_loop3A_805 : vector<16xf32>
        %parallel_loop3A_807 = arith.constant 1.000000e+00 : f32
        %parallel_loop3A_808 = vector.broadcast %parallel_loop3A_807 : f32 to vector<16xf32>
        %parallel_loop3A_809 = arith.subf %parallel_loop3A_808, %parallel_loop3A_806 : vector<16xf32>
        %parallel_loop3A_810 = arith.constant 0.000000e+00 : f32
        %parallel_loop3A_811 = vector.broadcast %parallel_loop3A_810 : f32 to vector<16xf32>
        %parallel_loop3A_812 = arith.maximumf %parallel_loop3A_809, %parallel_loop3A_811 : vector<16xf32>
        %parallel_loop3A_813 = arith.mulf %parallel_loop3A_668, %parallel_loop3A_812 : vector<16xf32>
        %parallel_loop3A_814 = arith.constant 32 : i32
        %parallel_loop3A_815 = arith.addi %parallel_loop3A_814, %parallel_loop3A_234 : i32
        %parallel_loop3A_816 = arith.index_cast %parallel_loop3A_815 : i32 to index
        %parallel_loop3A_817 = arith.constant 64 : index
        %parallel_loop3A_818 = tpu.vector_load %arg17[%parallel_loop3A_816, %parallel_loop3A_817] {strides = array<i32>} : memref<64x128xf32, #tpu.memory_space<vmem>>, vector<1x16xf32>,
        %parallel_loop3A_819 = vector.shape_cast %parallel_loop3A_818 : vector<1x16xf32> to vector<16xf32>
        %parallel_loop3A_820 = vector.shape_cast %parallel_loop3A_813 : vector<16xf32> to vector<1x16xf32>
        tpu.vector_store %arg17[%parallel_loop3A_816, %parallel_loop3A_817], %parallel_loop3A_820 {strides = array<i32>} : memref<64x128xf32, #tpu.memory_space<vmem>>, vector<1x16xf32>,
        %parallel_loop3A_821 = arith.constant 5.000000e+00 : f32
        %parallel_loop3A_822 = vector.broadcast %parallel_loop3A_821 : f32 to vector<16xf32>
        %parallel_loop3A_823 = arith.subf %parallel_loop3A_730, %parallel_loop3A_822 : vector<16xf32>
        %parallel_loop3A_824 = math.absf %parallel_loop3A_823 : vector<16xf32>
        %parallel_loop3A_825 = arith.constant 1.000000e+00 : f32
        %parallel_loop3A_826 = vector.broadcast %parallel_loop3A_825 : f32 to vector<16xf32>
        %parallel_loop3A_827 = arith.subf %parallel_loop3A_826, %parallel_loop3A_824 : vector<16xf32>
        %parallel_loop3A_828 = arith.constant 0.000000e+00 : f32
        %parallel_loop3A_829 = vector.broadcast %parallel_loop3A_828 : f32 to vector<16xf32>
        %parallel_loop3A_830 = arith.maximumf %parallel_loop3A_827, %parallel_loop3A_829 : vector<16xf32>
        %parallel_loop3A_831 = arith.mulf %parallel_loop3A_668, %parallel_loop3A_830 : vector<16xf32>
        %parallel_loop3A_832 = arith.constant 32 : i32
        %parallel_loop3A_833 = arith.addi %parallel_loop3A_832, %parallel_loop3A_234 : i32
        %parallel_loop3A_834 = arith.index_cast %parallel_loop3A_833 : i32 to index
        %parallel_loop3A_835 = arith.constant 80 : index
        %parallel_loop3A_836 = tpu.vector_load %arg17[%parallel_loop3A_834, %parallel_loop3A_835] {strides = array<i32>} : memref<64x128xf32, #tpu.memory_space<vmem>>, vector<1x16xf32>,
        %parallel_loop3A_837 = vector.shape_cast %parallel_loop3A_836 : vector<1x16xf32> to vector<16xf32>
        %parallel_loop3A_838 = vector.shape_cast %parallel_loop3A_831 : vector<16xf32> to vector<1x16xf32>
        tpu.vector_store %arg17[%parallel_loop3A_834, %parallel_loop3A_835], %parallel_loop3A_838 {strides = array<i32>} : memref<64x128xf32, #tpu.memory_space<vmem>>, vector<1x16xf32>,
        %parallel_loop3A_839 = arith.constant 6.000000e+00 : f32
        %parallel_loop3A_840 = vector.broadcast %parallel_loop3A_839 : f32 to vector<16xf32>
        %parallel_loop3A_841 = arith.subf %parallel_loop3A_730, %parallel_loop3A_840 : vector<16xf32>
        %parallel_loop3A_842 = math.absf %parallel_loop3A_841 : vector<16xf32>
        %parallel_loop3A_843 = arith.constant 1.000000e+00 : f32
        %parallel_loop3A_844 = vector.broadcast %parallel_loop3A_843 : f32 to vector<16xf32>
        %parallel_loop3A_845 = arith.subf %parallel_loop3A_844, %parallel_loop3A_842 : vector<16xf32>
        %parallel_loop3A_846 = arith.constant 0.000000e+00 : f32
        %parallel_loop3A_847 = vector.broadcast %parallel_loop3A_846 : f32 to vector<16xf32>
        %parallel_loop3A_848 = arith.maximumf %parallel_loop3A_845, %parallel_loop3A_847 : vector<16xf32>
        %parallel_loop3A_849 = arith.mulf %parallel_loop3A_668, %parallel_loop3A_848 : vector<16xf32>
        %parallel_loop3A_850 = arith.constant 32 : i32
        %parallel_loop3A_851 = arith.addi %parallel_loop3A_850, %parallel_loop3A_234 : i32
        %parallel_loop3A_852 = arith.index_cast %parallel_loop3A_851 : i32 to index
        %parallel_loop3A_853 = arith.constant 96 : index
        %parallel_loop3A_854 = tpu.vector_load %arg17[%parallel_loop3A_852, %parallel_loop3A_853] {strides = array<i32>} : memref<64x128xf32, #tpu.memory_space<vmem>>, vector<1x16xf32>,
        %parallel_loop3A_855 = vector.shape_cast %parallel_loop3A_854 : vector<1x16xf32> to vector<16xf32>
        %parallel_loop3A_856 = vector.shape_cast %parallel_loop3A_849 : vector<16xf32> to vector<1x16xf32>
        tpu.vector_store %arg17[%parallel_loop3A_852, %parallel_loop3A_853], %parallel_loop3A_856 {strides = array<i32>} : memref<64x128xf32, #tpu.memory_space<vmem>>, vector<1x16xf32>,
        %parallel_loop3A_857 = arith.constant 7.000000e+00 : f32
        %parallel_loop3A_858 = vector.broadcast %parallel_loop3A_857 : f32 to vector<16xf32>
        %parallel_loop3A_859 = arith.subf %parallel_loop3A_730, %parallel_loop3A_858 : vector<16xf32>
        %parallel_loop3A_860 = math.absf %parallel_loop3A_859 : vector<16xf32>
        %parallel_loop3A_861 = arith.constant 1.000000e+00 : f32
        %parallel_loop3A_862 = vector.broadcast %parallel_loop3A_861 : f32 to vector<16xf32>
        %parallel_loop3A_863 = arith.subf %parallel_loop3A_862, %parallel_loop3A_860 : vector<16xf32>
        %parallel_loop3A_864 = arith.constant 0.000000e+00 : f32
        %parallel_loop3A_865 = vector.broadcast %parallel_loop3A_864 : f32 to vector<16xf32>
        %parallel_loop3A_866 = arith.maximumf %parallel_loop3A_863, %parallel_loop3A_865 : vector<16xf32>
        %parallel_loop3A_867 = arith.mulf %parallel_loop3A_668, %parallel_loop3A_866 : vector<16xf32>
        %parallel_loop3A_868 = arith.constant 32 : i32
        %parallel_loop3A_869 = arith.addi %parallel_loop3A_868, %parallel_loop3A_234 : i32
        %parallel_loop3A_870 = arith.index_cast %parallel_loop3A_869 : i32 to index
        %parallel_loop3A_871 = arith.constant 112 : index
        %parallel_loop3A_872 = tpu.vector_load %arg17[%parallel_loop3A_870, %parallel_loop3A_871] {strides = array<i32>} : memref<64x128xf32, #tpu.memory_space<vmem>>, vector<1x16xf32>,
        %parallel_loop3A_873 = vector.shape_cast %parallel_loop3A_872 : vector<1x16xf32> to vector<16xf32>
        %parallel_loop3A_874 = vector.shape_cast %parallel_loop3A_867 : vector<16xf32> to vector<1x16xf32>
        tpu.vector_store %arg17[%parallel_loop3A_870, %parallel_loop3A_871], %parallel_loop3A_874 {strides = array<i32>} : memref<64x128xf32, #tpu.memory_space<vmem>>, vector<1x16xf32>,
      } {sc.loop_unroll_factor = 4 : i64, sc.parallel_access}
      %dma_start3A_231 = arith.constant 0 : i32
      %dma_start3A_232 = arith.constant 0 : i32
      %dma_start3A_233 = tpu.memref_slice %arg19[%dma_start3A_231, %dma_start3A_232] : memref<11520x128xf32, #tpu.memory_space<vmem_shared>> -> memref<11520x128xf32, #tpu.memory_space<vmem_shared>>
      tpu.enqueue_indirect_dma source(%arg17 : memref<64x128xf32, #tpu.memory_space<vmem>>) target(%dma_start3A_233 : memref<11520x128xf32, #tpu.memory_space<vmem_shared>>) offsets(%arg11 : memref<64xi32, #tpu.memory_space<vmem>>) semaphore(%arg25 : memref<!tpu.dma_semaphore, #tpu.memory_space<semaphore_mem>>) {add = true}
    }
    %scan3A_81 = arith.constant 162 : i32
    %dma_wait3A = arith.constant 0 : i32
    %dma_wait3A_82 = arith.constant 0 : i32
    %dma_wait3A_83 = tpu.memref_slice %arg19[%dma_wait3A, %dma_wait3A_82] : memref<11520x128xf32, #tpu.memory_space<vmem_shared>> -> memref<11520x128xf32, #tpu.memory_space<vmem_shared>>
    tpu.wait_indirect_dma semaphore(%arg24 : memref<!tpu.dma_semaphore, #tpu.memory_space<semaphore_mem>>) src(%arg16 : memref<64x128xf32, #tpu.memory_space<vmem>>) dst(%dma_wait3A_83 : memref<11520x128xf32, #tpu.memory_space<vmem_shared>>)
    %dma_wait3A_84 = arith.constant 0 : i32
    %dma_wait3A_85 = arith.constant 0 : i32
    %dma_wait3A_86 = tpu.memref_slice %arg19[%dma_wait3A_84, %dma_wait3A_85] : memref<11520x128xf32, #tpu.memory_space<vmem_shared>> -> memref<11520x128xf32, #tpu.memory_space<vmem_shared>>
    tpu.wait_indirect_dma semaphore(%arg25 : memref<!tpu.dma_semaphore, #tpu.memory_space<semaphore_mem>>) src(%arg17 : memref<64x128xf32, #tpu.memory_space<vmem>>) dst(%dma_wait3A_86 : memref<11520x128xf32, #tpu.memory_space<vmem_shared>>)
    %barrier3A_87 = arith.constant 0 : index
    tpu.barrier barrier_id(%barrier3A_87)
    %scan3A_88 = arith.constant 0 : i32
    %scan3A_89 = arith.constant 0 : i32
    %scan3A_90 = arith.constant 10 : i32
    %scan3A_91 = arith.addi %scan3A_89, %scan3A_90 : i32
    %scan3A_92 = arith.constant 1 : i32
    scf.for %scan3A_108 = %scan3A_89 to %scan3A_91 step %scan3A_92  : i32 {
      %mul3A_109 = arith.constant 64 : i32
      %mul3A_110 = arith.muli %scan3A_108, %mul3A_109 : i32
      %add3A_111 = arith.addi %mul3A_6, %mul3A_110 : i32
      %multiple_of3A_112 = tpu.assume_multiple %add3A_111, 64 : i32
      "tpu.region"() ({
        %run_scoped3A = tpu.sem_alloc : memref<!tpu.dma_semaphore, #tpu.memory_space<semaphore_mem>>
        %dma_start3A_113 = arith.constant 0 : i32
        %dma_start3A_114 = tpu.memref_slice %arg19[%multiple_of3A_112, %dma_start3A_113] : memref<11520x128xf32, #tpu.memory_space<vmem_shared>> -> memref<64x128xf32, #tpu.memory_space<vmem_shared>>
        %dma_start3A_115 = arith.constant 0 : i32
        %dma_start3A_116 = tpu.memref_slice %arg19[%multiple_of3A_112, %dma_start3A_115] : memref<11520x128xf32, #tpu.memory_space<vmem_shared>> -> memref<64x128xf32, #tpu.memory_space<vmem_shared>>
        tpu.enqueue_dma source(%dma_start3A_116 : memref<64x128xf32, #tpu.memory_space<vmem_shared>>) target(%arg16 : memref<64x128xf32, #tpu.memory_space<vmem>>) target_semaphore(%run_scoped3A : memref<!tpu.dma_semaphore, #tpu.memory_space<semaphore_mem>>)
        %dma_wait3A_117 = arith.constant 0 : i32
        %dma_wait3A_118 = tpu.memref_slice %arg19[%multiple_of3A_112, %dma_wait3A_117] : memref<11520x128xf32, #tpu.memory_space<vmem_shared>> -> memref<64x128xf32, #tpu.memory_space<vmem_shared>>
        %dma_wait3A_119 = arith.constant 0 : i32
        %dma_wait3A_120 = tpu.memref_slice %arg19[%multiple_of3A_112, %dma_wait3A_119] : memref<11520x128xf32, #tpu.memory_space<vmem_shared>> -> memref<64x128xf32, #tpu.memory_space<vmem_shared>>
        tpu.wait_dma2 semaphore(%run_scoped3A : memref<!tpu.dma_semaphore, #tpu.memory_space<semaphore_mem>>) src(%dma_wait3A_120 : memref<64x128xf32, #tpu.memory_space<vmem_shared>>) dst(%arg16 : memref<64x128xf32, #tpu.memory_space<vmem>>)
        tpu.yield
      }) : () -> ()
      "tpu.region"() ({
        %run_scoped3A = tpu.sem_alloc : memref<!tpu.dma_semaphore, #tpu.memory_space<semaphore_mem>>
        %dma_start3A_113 = arith.constant 0 : i32
        %dma_start3A_114 = tpu.memref_slice %arg6[%arg0, %multiple_of3A_112, %dma_start3A_113] : memref<2x10240x128xf32, #tpu.memory_space<hbm>> -> memref<1x64x128xf32, #tpu.memory_space<hbm>>
        %dma_start3A_115 = tpu.memref_squeeze %dma_start3A_114 : memref<1x64x128xf32, #tpu.memory_space<hbm>> -> memref<64x128xf32, #tpu.memory_space<hbm>>
        %dma_start3A_116 = arith.constant 0 : i32
        %dma_start3A_117 = tpu.memref_slice %arg6[%arg0, %multiple_of3A_112, %dma_start3A_116] : memref<2x10240x128xf32, #tpu.memory_space<hbm>> -> memref<1x64x128xf32, #tpu.memory_space<hbm>>
        %dma_start3A_118 = tpu.memref_squeeze %dma_start3A_117 : memref<1x64x128xf32, #tpu.memory_space<hbm>> -> memref<64x128xf32, #tpu.memory_space<hbm>>
        tpu.enqueue_dma source(%arg16 : memref<64x128xf32, #tpu.memory_space<vmem>>) target(%dma_start3A_118 : memref<64x128xf32, #tpu.memory_space<hbm>>) target_semaphore(%run_scoped3A : memref<!tpu.dma_semaphore, #tpu.memory_space<semaphore_mem>>)
        %dma_wait3A_119 = arith.constant 0 : i32
        %dma_wait3A_120 = tpu.memref_slice %arg6[%arg0, %multiple_of3A_112, %dma_wait3A_119] : memref<2x10240x128xf32, #tpu.memory_space<hbm>> -> memref<1x64x128xf32, #tpu.memory_space<hbm>>
        %dma_wait3A_121 = tpu.memref_squeeze %dma_wait3A_120 : memref<1x64x128xf32, #tpu.memory_space<hbm>> -> memref<64x128xf32, #tpu.memory_space<hbm>>
        %dma_wait3A_122 = arith.constant 0 : i32
        %dma_wait3A_123 = tpu.memref_slice %arg6[%arg0, %multiple_of3A_112, %dma_wait3A_122] : memref<2x10240x128xf32, #tpu.memory_space<hbm>> -> memref<1x64x128xf32, #tpu.memory_space<hbm>>
        %dma_wait3A_124 = tpu.memref_squeeze %dma_wait3A_123 : memref<1x64x128xf32, #tpu.memory_space<hbm>> -> memref<64x128xf32, #tpu.memory_space<hbm>>
        tpu.wait_dma2 semaphore(%run_scoped3A : memref<!tpu.dma_semaphore, #tpu.memory_space<semaphore_mem>>) src(%arg16 : memref<64x128xf32, #tpu.memory_space<vmem>>) dst(%dma_wait3A_124 : memref<64x128xf32, #tpu.memory_space<hbm>>)
        tpu.yield
      }) : () -> ()
    }
    %scan3A_93 = arith.constant 10 : i32
    %mul3A_94 = arith.constant 80 : i32
    %mul3A_95 = arith.muli %arg1, %mul3A_94 : i32
    %add3A_96 = arith.constant 10240 : i32
    %add3A_97 = arith.addi %add3A_96, %mul3A_95 : i32
    %add3A_98 = arith.constant 0 : i32
    %add3A_99 = arith.addi %add3A_97, %add3A_98 : i32
    "tpu.region"() ({
      %run_scoped3A = tpu.sem_alloc : memref<!tpu.dma_semaphore, #tpu.memory_space<semaphore_mem>>
      %dma_start3A_108 = arith.constant 0 : i32
      %dma_start3A_109 = tpu.memref_slice %arg19[%add3A_99, %dma_start3A_108] : memref<11520x128xf32, #tpu.memory_space<vmem_shared>> -> memref<64x128xf32, #tpu.memory_space<vmem_shared>>
      %dma_start3A_110 = arith.constant 0 : i32
      %dma_start3A_111 = tpu.memref_slice %arg19[%add3A_99, %dma_start3A_110] : memref<11520x128xf32, #tpu.memory_space<vmem_shared>> -> memref<64x128xf32, #tpu.memory_space<vmem_shared>>
      tpu.enqueue_dma source(%dma_start3A_111 : memref<64x128xf32, #tpu.memory_space<vmem_shared>>) target(%arg16 : memref<64x128xf32, #tpu.memory_space<vmem>>) target_semaphore(%run_scoped3A : memref<!tpu.dma_semaphore, #tpu.memory_space<semaphore_mem>>)
      %dma_wait3A_112 = arith.constant 0 : i32
      %dma_wait3A_113 = tpu.memref_slice %arg19[%add3A_99, %dma_wait3A_112] : memref<11520x128xf32, #tpu.memory_space<vmem_shared>> -> memref<64x128xf32, #tpu.memory_space<vmem_shared>>
      %dma_wait3A_114 = arith.constant 0 : i32
      %dma_wait3A_115 = tpu.memref_slice %arg19[%add3A_99, %dma_wait3A_114] : memref<11520x128xf32, #tpu.memory_space<vmem_shared>> -> memref<64x128xf32, #tpu.memory_space<vmem_shared>>
      tpu.wait_dma2 semaphore(%run_scoped3A : memref<!tpu.dma_semaphore, #tpu.memory_space<semaphore_mem>>) src(%dma_wait3A_115 : memref<64x128xf32, #tpu.memory_space<vmem_shared>>) dst(%arg16 : memref<64x128xf32, #tpu.memory_space<vmem>>)
      tpu.yield
    }) : () -> ()
    %add3A_100 = arith.constant 0 : i32
    %add3A_101 = arith.addi %mul3A_95, %add3A_100 : i32
    "tpu.region"() ({
      %run_scoped3A = tpu.sem_alloc : memref<!tpu.dma_semaphore, #tpu.memory_space<semaphore_mem>>
      %dma_start3A_108 = arith.constant 0 : i32
      %dma_start3A_109 = tpu.memref_slice %arg7[%arg0, %add3A_101, %dma_start3A_108] : memref<2x1280x128xf32, #tpu.memory_space<hbm>> -> memref<1x64x128xf32, #tpu.memory_space<hbm>>
      %dma_start3A_110 = tpu.memref_squeeze %dma_start3A_109 : memref<1x64x128xf32, #tpu.memory_space<hbm>> -> memref<64x128xf32, #tpu.memory_space<hbm>>
      %dma_start3A_111 = arith.constant 0 : i32
      %dma_start3A_112 = tpu.memref_slice %arg7[%arg0, %add3A_101, %dma_start3A_111] : memref<2x1280x128xf32, #tpu.memory_space<hbm>> -> memref<1x64x128xf32, #tpu.memory_space<hbm>>
      %dma_start3A_113 = tpu.memref_squeeze %dma_start3A_112 : memref<1x64x128xf32, #tpu.memory_space<hbm>> -> memref<64x128xf32, #tpu.memory_space<hbm>>
      tpu.enqueue_dma source(%arg16 : memref<64x128xf32, #tpu.memory_space<vmem>>) target(%dma_start3A_113 : memref<64x128xf32, #tpu.memory_space<hbm>>) target_semaphore(%run_scoped3A : memref<!tpu.dma_semaphore, #tpu.memory_space<semaphore_mem>>)
      %dma_wait3A_114 = arith.constant 0 : i32
      %dma_wait3A_115 = tpu.memref_slice %arg7[%arg0, %add3A_101, %dma_wait3A_114] : memref<2x1280x128xf32, #tpu.memory_space<hbm>> -> memref<1x64x128xf32, #tpu.memory_space<hbm>>
      %dma_wait3A_116 = tpu.memref_squeeze %dma_wait3A_115 : memref<1x64x128xf32, #tpu.memory_space<hbm>> -> memref<64x128xf32, #tpu.memory_space<hbm>>
      %dma_wait3A_117 = arith.constant 0 : i32
      %dma_wait3A_118 = tpu.memref_slice %arg7[%arg0, %add3A_101, %dma_wait3A_117] : memref<2x1280x128xf32, #tpu.memory_space<hbm>> -> memref<1x64x128xf32, #tpu.memory_space<hbm>>
      %dma_wait3A_119 = tpu.memref_squeeze %dma_wait3A_118 : memref<1x64x128xf32, #tpu.memory_space<hbm>> -> memref<64x128xf32, #tpu.memory_space<hbm>>
      tpu.wait_dma2 semaphore(%run_scoped3A : memref<!tpu.dma_semaphore, #tpu.memory_space<semaphore_mem>>) src(%arg16 : memref<64x128xf32, #tpu.memory_space<vmem>>) dst(%dma_wait3A_119 : memref<64x128xf32, #tpu.memory_space<hbm>>)
      tpu.yield
    }) : () -> ()
    %add3A_102 = arith.constant 10240 : i32
    %add3A_103 = arith.addi %add3A_102, %mul3A_95 : i32
    %add3A_104 = arith.constant 16 : i32
    %add3A_105 = arith.addi %add3A_103, %add3A_104 : i32
    "tpu.region"() ({
      %run_scoped3A = tpu.sem_alloc : memref<!tpu.dma_semaphore, #tpu.memory_space<semaphore_mem>>
      %dma_start3A_108 = arith.constant 0 : i32
      %dma_start3A_109 = tpu.memref_slice %arg19[%add3A_105, %dma_start3A_108] : memref<11520x128xf32, #tpu.memory_space<vmem_shared>> -> memref<64x128xf32, #tpu.memory_space<vmem_shared>>
      %dma_start3A_110 = arith.constant 0 : i32
      %dma_start3A_111 = tpu.memref_slice %arg19[%add3A_105, %dma_start3A_110] : memref<11520x128xf32, #tpu.memory_space<vmem_shared>> -> memref<64x128xf32, #tpu.memory_space<vmem_shared>>
      tpu.enqueue_dma source(%dma_start3A_111 : memref<64x128xf32, #tpu.memory_space<vmem_shared>>) target(%arg16 : memref<64x128xf32, #tpu.memory_space<vmem>>) target_semaphore(%run_scoped3A : memref<!tpu.dma_semaphore, #tpu.memory_space<semaphore_mem>>)
      %dma_wait3A_112 = arith.constant 0 : i32
      %dma_wait3A_113 = tpu.memref_slice %arg19[%add3A_105, %dma_wait3A_112] : memref<11520x128xf32, #tpu.memory_space<vmem_shared>> -> memref<64x128xf32, #tpu.memory_space<vmem_shared>>
      %dma_wait3A_114 = arith.constant 0 : i32
      %dma_wait3A_115 = tpu.memref_slice %arg19[%add3A_105, %dma_wait3A_114] : memref<11520x128xf32, #tpu.memory_space<vmem_shared>> -> memref<64x128xf32, #tpu.memory_space<vmem_shared>>
      tpu.wait_dma2 semaphore(%run_scoped3A : memref<!tpu.dma_semaphore, #tpu.memory_space<semaphore_mem>>) src(%dma_wait3A_115 : memref<64x128xf32, #tpu.memory_space<vmem_shared>>) dst(%arg16 : memref<64x128xf32, #tpu.memory_space<vmem>>)
      tpu.yield
    }) : () -> ()
    %add3A_106 = arith.constant 16 : i32
    %add3A_107 = arith.addi %mul3A_95, %add3A_106 : i32
    "tpu.region"() ({
      %run_scoped3A = tpu.sem_alloc : memref<!tpu.dma_semaphore, #tpu.memory_space<semaphore_mem>>
      %dma_start3A_108 = arith.constant 0 : i32
      %dma_start3A_109 = tpu.memref_slice %arg7[%arg0, %add3A_107, %dma_start3A_108] : memref<2x1280x128xf32, #tpu.memory_space<hbm>> -> memref<1x64x128xf32, #tpu.memory_space<hbm>>
      %dma_start3A_110 = tpu.memref_squeeze %dma_start3A_109 : memref<1x64x128xf32, #tpu.memory_space<hbm>> -> memref<64x128xf32, #tpu.memory_space<hbm>>
      %dma_start3A_111 = arith.constant 0 : i32
      %dma_start3A_112 = tpu.memref_slice %arg7[%arg0, %add3A_107, %dma_start3A_111] : memref<2x1280x128xf32, #tpu.memory_space<hbm>> -> memref<1x64x128xf32, #tpu.memory_space<hbm>>
      %dma_start3A_113 = tpu.memref_squeeze %dma_start3A_112 : memref<1x64x128xf32, #tpu.memory_space<hbm>> -> memref<64x128xf32, #tpu.memory_space<hbm>>
      tpu.enqueue_dma source(%arg16 : memref<64x128xf32, #tpu.memory_space<vmem>>) target(%dma_start3A_113 : memref<64x128xf32, #tpu.memory_space<hbm>>) target_semaphore(%run_scoped3A : memref<!tpu.dma_semaphore, #tpu.memory_space<semaphore_mem>>)
      %dma_wait3A_114 = arith.constant 0 : i32
      %dma_wait3A_115 = tpu.memref_slice %arg7[%arg0, %add3A_107, %dma_wait3A_114] : memref<2x1280x128xf32, #tpu.memory_space<hbm>> -> memref<1x64x128xf32, #tpu.memory_space<hbm>>
      %dma_wait3A_116 = tpu.memref_squeeze %dma_wait3A_115 : memref<1x64x128xf32, #tpu.memory_space<hbm>> -> memref<64x128xf32, #tpu.memory_space<hbm>>
      %dma_wait3A_117 = arith.constant 0 : i32
      %dma_wait3A_118 = tpu.memref_slice %arg7[%arg0, %add3A_107, %dma_wait3A_117] : memref<2x1280x128xf32, #tpu.memory_space<hbm>> -> memref<1x64x128xf32, #tpu.memory_space<hbm>>
      %dma_wait3A_119 = tpu.memref_squeeze %dma_wait3A_118 : memref<1x64x128xf32, #tpu.memory_space<hbm>> -> memref<64x128xf32, #tpu.memory_space<hbm>>
      tpu.wait_dma2 semaphore(%run_scoped3A : memref<!tpu.dma_semaphore, #tpu.memory_space<semaphore_mem>>) src(%arg16 : memref<64x128xf32, #tpu.memory_space<vmem>>) dst(%dma_wait3A_119 : memref<64x128xf32, #tpu.memory_space<hbm>>)
      tpu.yield
    }) : () -> ()
    return
  }
}

module attributes {stable_mosaic.version = 14 : i64} {
  func.func @_mm_body(%arg0: i32, %arg1: memref<1000x128xf32, #tpu.memory_space<vmem>>, %arg2: memref<128x128xf32, #tpu.memory_space<vmem>>, %arg3: memref<128x128xf32, #tpu.memory_space<vmem>>, %arg4: memref<1000x128xf32, #tpu.memory_space<vmem>>, %arg5: memref<1000x128xf32, #tpu.memory_space<vmem>>) attributes {dimension_semantics = [#tpu.dimension_semantics<arbitrary>], iteration_bounds = array<i64: 10>, scalar_prefetch = 0 : i64, scratch_operands = 0 : i64, tpu.core_type = #tpu.core_type<tc>, window_params = [{transform_indices = @transform_0, window_bounds = array<i64: 1000, 128>}, {pipeline_mode = #tpu.pipeline_mode<synchronous>, transform_indices = @transform_1, window_bounds = array<i64: 128, 128>}, {pipeline_mode = #tpu.pipeline_mode<synchronous>, transform_indices = @transform_2, window_bounds = array<i64: 128, 128>}, {transform_indices = @transform_3, window_bounds = array<i64: 1000, 128>}, {transform_indices = @transform_4, window_bounds = array<i64: 1000, 128>}]} {
    %get3A = arith.constant 0 : index
    %get3A_0 = arith.constant 0 : index
    %get3A_1 = vector.load %arg1[%get3A, %get3A_0] : memref<1000x128xf32, #tpu.memory_space<vmem>>, vector<1000x128xf32>
    %get3A_2 = arith.constant 0 : index
    %get3A_3 = arith.constant 0 : index
    %get3A_4 = vector.load %arg2[%get3A_2, %get3A_3] : memref<128x128xf32, #tpu.memory_space<vmem>>, vector<128x128xf32>
    %dot_general3A = arith.constant dense<0.000000e+00> : vector<1000x128xf32>
    %dot_general3A_5 = tpu.matmul %get3A_1, %get3A_4, %dot_general3A {dimension_numbers = #tpu.dot_dimension_numbers<[1], [0], [0], [1], [0, 0, 1, 1], [], []>, transpose_lhs_hint = false} : vector<1000x128xf32>, vector<128x128xf32>, vector<1000x128xf32> -> vector<1000x128xf32>
    %swap3A = arith.constant 0 : index
    %swap3A_6 = arith.constant 0 : index
    %swap3A_7 = vector.load %arg4[%swap3A, %swap3A_6] : memref<1000x128xf32, #tpu.memory_space<vmem>>, vector<1000x128xf32>
    tpu.vector_store %arg4[%swap3A, %swap3A_6], %dot_general3A_5 {strides = array<i32>} : memref<1000x128xf32, #tpu.memory_space<vmem>>, vector<1000x128xf32>,
    %get3A_8 = arith.constant 0 : index
    %get3A_9 = arith.constant 0 : index
    %get3A_10 = vector.load %arg3[%get3A_8, %get3A_9] : memref<128x128xf32, #tpu.memory_space<vmem>>, vector<128x128xf32>
    %dot_general3A_11 = arith.constant dense<0.000000e+00> : vector<1000x128xf32>
    %dot_general3A_12 = tpu.matmul %get3A_1, %get3A_10, %dot_general3A_11 {dimension_numbers = #tpu.dot_dimension_numbers<[1], [0], [0], [1], [0, 0, 1, 1], [], []>, transpose_lhs_hint = false} : vector<1000x128xf32>, vector<128x128xf32>, vector<1000x128xf32> -> vector<1000x128xf32>
    %swap3A_13 = arith.constant 0 : index
    %swap3A_14 = arith.constant 0 : index
    %swap3A_15 = vector.load %arg5[%swap3A_13, %swap3A_14] : memref<1000x128xf32, #tpu.memory_space<vmem>>, vector<1000x128xf32>
    tpu.vector_store %arg5[%swap3A_13, %swap3A_14], %dot_general3A_12 {strides = array<i32>} : memref<1000x128xf32, #tpu.memory_space<vmem>>, vector<1000x128xf32>,
    return
  }
  func.func @transform_0(%arg0: i32) -> (i32, i32) {
    %c0_i32 = arith.constant 0 : i32
    %c0_i32_0 = arith.constant 0 : i32
    return %arg0, %c0_i32 : i32, i32
  }
  func.func @transform_1(%arg0: i32) -> (i32, i32) {
    %c0_i32 = arith.constant 0 : i32
    %c0_i32_0 = arith.constant 0 : i32
    %c0_i32_1 = arith.constant 0 : i32
    return %c0_i32, %c0_i32_0 : i32, i32
  }
  func.func @transform_2(%arg0: i32) -> (i32, i32) {
    %c0_i32 = arith.constant 0 : i32
    %c0_i32_0 = arith.constant 0 : i32
    %c0_i32_1 = arith.constant 0 : i32
    return %c0_i32, %c0_i32_0 : i32, i32
  }
  func.func @transform_3(%arg0: i32) -> (i32, i32) {
    %c0_i32 = arith.constant 0 : i32
    %c0_i32_0 = arith.constant 0 : i32
    return %arg0, %c0_i32 : i32, i32
  }
  func.func @transform_4(%arg0: i32) -> (i32, i32) {
    %c0_i32 = arith.constant 0 : i32
    %c0_i32_0 = arith.constant 0 : i32
    return %arg0, %c0_i32 : i32, i32
  }
}

module attributes {stable_mosaic.version = 14 : i64} {
  func.func @_combine_body(%arg0: i32, %arg1: memref<2x400x128xf32, #tpu.memory_space<vmem>>, %arg2: memref<2x400x16xf32, #tpu.memory_space<vmem>>, %arg3: memref<1x128xf32, #tpu.memory_space<vmem>>, %arg4: memref<400x128xf32, #tpu.memory_space<vmem>>) attributes {dimension_semantics = [#tpu.dimension_semantics<arbitrary>], iteration_bounds = array<i64: 25>, scalar_prefetch = 0 : i64, scratch_operands = 0 : i64, tpu.core_type = #tpu.core_type<tc>, window_params = [{transform_indices = @transform_0, window_bounds = array<i64: 2, 400, 128>}, {transform_indices = @transform_1, window_bounds = array<i64: 2, 400, 16>}, {pipeline_mode = #tpu.pipeline_mode<synchronous>, transform_indices = @transform_2, window_bounds = array<i64: 1, 128>}, {transform_indices = @transform_3, window_bounds = array<i64: 400, 128>}]} {
    %get3A = arith.constant 0 : index
    %get3A_0 = arith.constant 0 : index
    %get3A_1 = arith.constant 0 : index
    %get3A_2 = vector.load %arg1[%get3A, %get3A_0, %get3A_1] : memref<2x400x128xf32, #tpu.memory_space<vmem>>, vector<1x400x128xf32>
    %get3A_3 = vector.shape_cast %get3A_2 : vector<1x400x128xf32> to vector<400x128xf32>
    %get3A_4 = arith.constant 1 : index
    %get3A_5 = arith.constant 0 : index
    %get3A_6 = arith.constant 0 : index
    %get3A_7 = vector.load %arg1[%get3A_4, %get3A_5, %get3A_6] : memref<2x400x128xf32, #tpu.memory_space<vmem>>, vector<1x400x128xf32>
    %get3A_8 = vector.shape_cast %get3A_7 : vector<1x400x128xf32> to vector<400x128xf32>
    %add3A = arith.addf %get3A_3, %get3A_8 : vector<400x128xf32>
    %get3A_9 = arith.constant 0 : index
    %get3A_10 = arith.constant 0 : index
    %get3A_11 = arith.constant 0 : index
    %get3A_12 = vector.load %arg2[%get3A_9, %get3A_10, %get3A_11] : memref<2x400x16xf32, #tpu.memory_space<vmem>>, vector<1x400x16xf32>
    %get3A_13 = vector.shape_cast %get3A_12 : vector<1x400x16xf32> to vector<400x16xf32>
    %get3A_14 = arith.constant 1 : index
    %get3A_15 = arith.constant 0 : index
    %get3A_16 = arith.constant 0 : index
    %get3A_17 = vector.load %arg2[%get3A_14, %get3A_15, %get3A_16] : memref<2x400x16xf32, #tpu.memory_space<vmem>>, vector<1x400x16xf32>
    %get3A_18 = vector.shape_cast %get3A_17 : vector<1x400x16xf32> to vector<400x16xf32>
    %add3A_19 = arith.addf %get3A_13, %get3A_18 : vector<400x16xf32>
    %iota3A = tpu.iota {dimensions = array<i32: 0>} : vector<16x128xi32>
    %iota3A_20 = tpu.iota {dimensions = array<i32: 1>} : vector<16x128xi32>
    %jit3A = arith.constant 32 : i32
    %div3A = vector.broadcast %jit3A : i32 to vector<16x128xi32>
    %div3A_21 = arith.divsi %iota3A_20, %div3A : vector<16x128xi32>
    %sign3A = arith.constant 0 : i32
    %sign3A_22 = vector.broadcast %sign3A : i32 to vector<16x128xi32>
    %sign3A_23 = arith.cmpi sgt, %iota3A_20, %sign3A_22 : vector<16x128xi32>
    %sign3A_24 = arith.extui %sign3A_23 : vector<16x128xi1> to vector<16x128xi32>
    %sign3A_25 = arith.constant 0 : i32
    %sign3A_26 = vector.broadcast %sign3A_25 : i32 to vector<16x128xi32>
    %sign3A_27 = arith.cmpi slt, %iota3A_20, %sign3A_26 : vector<16x128xi32>
    %sign3A_28 = arith.extui %sign3A_27 : vector<16x128xi1> to vector<16x128xi32>
    %sign3A_29 = arith.subi %sign3A_24, %sign3A_28 : vector<16x128xi32>
    %sign3A_30 = arith.constant 0 : i32
    %sign3A_31 = arith.cmpi sgt, %jit3A, %sign3A_30 : i32
    %sign3A_32 = arith.extui %sign3A_31 : i1 to i32
    %sign3A_33 = arith.constant 0 : i32
    %sign3A_34 = arith.cmpi slt, %jit3A, %sign3A_33 : i32
    %sign3A_35 = arith.extui %sign3A_34 : i1 to i32
    %sign3A_36 = arith.subi %sign3A_32, %sign3A_35 : i32
    %ne3A = vector.broadcast %sign3A_36 : i32 to vector<16x128xi32>
    %ne3A_37 = arith.cmpi ne, %sign3A_29, %ne3A : vector<16x128xi32>
    %rem3A = vector.broadcast %jit3A : i32 to vector<16x128xi32>
    %rem3A_38 = arith.remsi %iota3A_20, %rem3A : vector<16x128xi32>
    %ne3A_39 = arith.constant 0 : i32
    %ne3A_40 = vector.broadcast %ne3A_39 : i32 to vector<16x128xi32>
    %ne3A_41 = arith.cmpi ne, %rem3A_38, %ne3A_40 : vector<16x128xi32>
    %and3A = arith.andi %ne3A_37, %ne3A_41 : vector<16x128xi1>
    %sub3A = arith.constant 1 : i32
    %sub3A_42 = vector.broadcast %sub3A : i32 to vector<16x128xi32>
    %sub3A_43 = arith.subi %div3A_21, %sub3A_42 : vector<16x128xi32>
    %select_n3A = arith.select %and3A, %sub3A_43, %div3A_21 : vector<16x128xi1>, vector<16x128xi32>
    %eq3A = arith.cmpi eq, %iota3A, %select_n3A : vector<16x128xi32>
    %jit3A_44 = arith.constant 1.000000e+00 : f32
    %jit3A_45 = arith.constant 0.000000e+00 : f32
    %broadcast_in_dim3A = vector.broadcast %jit3A_44 : f32 to vector<16x128xf32>
    %broadcast_in_dim3A_46 = vector.broadcast %jit3A_45 : f32 to vector<16x128xf32>
    %select_n3A_47 = arith.select %eq3A, %broadcast_in_dim3A, %broadcast_in_dim3A_46 : vector<16x128xi1>, vector<16x128xf32>
    %dot_general3A = arith.constant dense<0.000000e+00> : vector<400x128xf32>
    %dot_general3A_48 = tpu.matmul %add3A_19, %select_n3A_47, %dot_general3A {dimension_numbers = #tpu.dot_dimension_numbers<[1], [0], [0], [1], [0, 0, 1, 1], [], []>, transpose_lhs_hint = false} : vector<400x16xf32>, vector<16x128xf32>, vector<400x128xf32> -> vector<400x128xf32>
    %div3A_49 = arith.divf %add3A, %dot_general3A_48 : vector<400x128xf32>
    %get3A_50 = arith.constant 0 : index
    %get3A_51 = arith.constant 0 : index
    %get3A_52 = vector.load %arg3[%get3A_50, %get3A_51] : memref<1x128xf32, #tpu.memory_space<vmem>>, vector<1x128xf32>
    %add3A_53 = vector.broadcast %get3A_52 : vector<1x128xf32> to vector<400x128xf32>
    %add3A_54 = arith.addf %div3A_49, %add3A_53 : vector<400x128xf32>
    %swap3A = arith.constant 0 : index
    %swap3A_55 = arith.constant 0 : index
    %swap3A_56 = vector.load %arg4[%swap3A, %swap3A_55] : memref<400x128xf32, #tpu.memory_space<vmem>>, vector<400x128xf32>
    tpu.vector_store %arg4[%swap3A, %swap3A_55], %add3A_54 {strides = array<i32>} : memref<400x128xf32, #tpu.memory_space<vmem>>, vector<400x128xf32>,
    return
  }
  func.func @transform_0(%arg0: i32) -> (i32, i32, i32) {
    %c0_i32 = arith.constant 0 : i32
    %c0_i32_0 = arith.constant 0 : i32
    %c0_i32_1 = arith.constant 0 : i32
    return %c0_i32, %arg0, %c0_i32_0 : i32, i32, i32
  }
  func.func @transform_1(%arg0: i32) -> (i32, i32, i32) {
    %c0_i32 = arith.constant 0 : i32
    %c0_i32_0 = arith.constant 0 : i32
    %c0_i32_1 = arith.constant 0 : i32
    return %c0_i32, %arg0, %c0_i32_0 : i32, i32, i32
  }
  func.func @transform_2(%arg0: i32) -> (i32, i32) {
    %c0_i32 = arith.constant 0 : i32
    %c0_i32_0 = arith.constant 0 : i32
    %c0_i32_1 = arith.constant 0 : i32
    return %c0_i32, %c0_i32_0 : i32, i32
  }
  func.func @transform_3(%arg0: i32) -> (i32, i32) {
    %c0_i32 = arith.constant 0 : i32
    %c0_i32_0 = arith.constant 0 : i32
    return %arg0, %c0_i32 : i32, i32
  }
}

</mosaic_0001>

<sc_bundles>
// kernel: kernel.5.cloned.1.call-start
scs
__scs_entry_jumppad:
0x0: {  	(pc) =	sbr.rel $0x88, $3  }
0x1: {  	(tag) =	ssettag $0x0;
	lr =	simm.s32 $0x1  }
0x2: {  	[smem:$0x3F9B] =	sst lr;
	_ =	strace $0xD0000000  }
0x3: {  	_ = 	snop  }
0x4: {  	_ = 	snop  }
0x5: {  	_ = 	snop  }
0x6: {  	_ = 	snop  }
0x7: {  	_ = 	snop  }
__scs_overlays_trampoline_lowered:
0x8: {  	[smem:$0x3FAA] =	sst s0  }
0x9: {  	[smem:$0x3FAB] =	sst s1  }
0xa: {  	[smem:$0x3FAC] =	sst s2  }
0xb: {  	[smem:$0x3FAD] =	sst s3  }
0xc: {  	[smem:$0x3FAE] =	sst s4  }
0xd: {  	[smem:$0x3FAF] =	sst s5  }
0xe: {  	[smem:$0x3FB0] =	sst s6  }
0xf: {  	[smem:$0x3FB1] =	sst s7  }
0x10: {  	[smem:$0x3FB2] =	sst s8  }
0x11: {  	[smem:$0x3FB3] =	sst s9;
	s0 =	simm.s32 @!p0 $0x0  }
0x12: {  	s1 =	sld [smem:$0x3F99];
	s0 =	simm.s32 @p0 $0x1  }
0x13: {  	[smem:$0x3FB4] =	sst s0;
	s0 =	simm.s32 @!p1 $0x0  }
0x14: {  	s2 =	sld [smem:$0x3F98];
	s0 =	simm.s32 @p1 $0x1  }
0x15: {  	[smem:$0x3FB5] =	sst s0;
	s0 =	simm.s32 @!p2 $0x0  }
0x16: {  	s3 =	sld [smem:$0x3FDB];
	s0 =	simm.s32 @p2 $0x1  }
0x17: {  	s4 =	simm.s32 $0x1BF5;
	[smem:$0x3FB7] =	sst s0  }
0x18: {  	s0 =	sld [smem:$0x3F9A];
	_ =	swait.ge [sflag:s4], $0x0  }
0x19: {  	s7 =	sld [smem:$0x3F9B]  }
0x1a: {  	s8 =	sadd.s32 $0xFFFFE003, lr  }
0x1b: {  	s9 =	sadd.s32 $0xFFFFFEF7, lr;
	s5 =	simm.s32 $0xFFFFFFFF;
	p2 =	slt.u32 s8, $0xFFFFF086  }
0x1c: {  	p1 =	slt.u32 s9, $0xF7A;
	s5 =	simm.s32 @!p2 $0x0  }
0x1d: {  	s5 =	simm.s32 @p1 $0x1;
	p0 =	seq.s32 s7, s2  }
0x1e: {  	s7 =	smul.u32 @!p0 $0xF7A, s2;
	p2 =	seq.s32 @!p0 s5, $0x0  }
0x1f: {  	s9 =	smul.u32 $0xF7A, s1;
	s8 =	simm.s32 @!p0 $0x1BF5;
	p2 =	por !p2, p0  }
0x20: {  	[sflag:s8] =	ssyncset.s32 @!p0 $0xFFFFF086;
	s6 =	sadd.s32 @!p0 s3, s7;
	s7 =	simm.s32 @!p0 $0x108  }
0x21: {  	s3 =	sadd.s32 s3, s9;
	s6 =	sadd.s32 @!p0 $0x88, s6;
	s7 =	simm.s32 @p2 $0x1082  }
0x22: {  	[simem:s7], [sflag:s8] =	dma.local @!p0 [hbm:s6], $0xF7A  }
0x23: {  	s9 =	sor.u32 $0xD0000000, s2;
	s6 =	simm.s32 $0x108;
	_ =	swait.ge @!p0 [sflag:s8], $0x0  }
0x24: {  	s3 =	sadd.s32 $0x88, s3;
	s6 =	simm.s32 @!p1 $0x1082;
	[sflag:s4] =	ssyncset.s32 $0xFFFFF086  }
0x25: {  	[simem:s6], [sflag:s4] =	dma.local [hbm:s3], $0xF7A  }
0x26: {  	[smem:$0x3F9B] =	sst s1;
	(tag) =	ssettag s2;
	_ =	strace s9  }
0x27: {  	s1 =	sld [smem:$0x3FAB]  }
0x28: {  	s2 =	sld [smem:$0x3FAC]  }
0x29: {  	s4 =	sld [smem:$0x3FAE]  }
0x2a: {  	p0 =	seq.s32 s5, $0x0;
	s5 =	sld [smem:$0x3FAF]  }
0x2b: {  	s6 =	sld [smem:$0x3FB0]  }
0x2c: {  	s7 =	sld [smem:$0x3FB1]  }
0x2d: {  	s3 =	simm.s32 $0x108;
	s8 =	sld [smem:$0x3FB2]  }
0x2e: {  	s3 =	simm.s32 @!p0 $0x1082;
	s9 =	sld [smem:$0x3FB3]  }
0x2f: {  	lr =	sadd.s32 s0, s3;
	s0 =	sld [smem:$0x3FAA]  }
0x30: {  	s3 =	sld [smem:$0x3FAD]  }
0x31: {  	[smem:$0x3FB6] =	sst s10  }
0x32: {  	s10 =	sld [smem:$0x3FB4];
	_ =	sdelay $0x3  }
0x33: {  	p0 =	seq.s32 s10, $0x1;
	s10 =	sld [smem:$0x3FB6];
	_ =	sdelay $0x3  }
0x34: {  	[smem:$0x3FB6] =	sst s10  }
0x35: {  	s10 =	sld [smem:$0x3FB5];
	_ =	sdelay $0x3  }
0x36: {  	p1 =	seq.s32 s10, $0x1;
	s10 =	sld [smem:$0x3FB6];
	_ =	sdelay $0x3  }
0x37: {  	[smem:$0x3FB6] =	sst s10  }
0x38: {  	s10 =	sld [smem:$0x3FB7]  }
0x39: {  	_ = 	snop;
	(pc) =	sbr.ind lr, $3  }
0x3a: {  	_ = 	snop  }
0x3b: {  	_ = 	snop  }
0x3c: {  	p2 =	seq.s32 s10, $0x1;
	s10 =	sld [smem:$0x3FB6]  }
0x3d: {  	_ =	shalt  }
0x3e: {  	_ =	shalt  }
0x3f: {  	_ =	shalt  }
0x40: {  	_ =	shalt  }
0x41: {  	_ =	shalt  }
0x42: {  	_ =	shalt  }
0x43: {  	_ =	shalt  }
0x44: {  	_ =	shalt  }
0x45: {  	_ =	shalt  }
0x46: {  	_ =	shalt  }
0x47: {  	_ =	shalt  }
0x48: {  	_ =	shalt  }
0x49: {  	_ =	shalt  }
0x4a: {  	_ =	shalt  }
0x4b: {  	_ =	shalt  }
0x4c: {  	_ =	shalt  }
0x4d: {  	_ =	shalt  }
0x4e: {  	_ =	shalt  }
0x4f: {  	_ =	shalt  }
0x50: {  	_ =	shalt  }
0x51: {  	_ =	shalt  }
0x52: {  	_ =	shalt  }
0x53: {  	_ =	shalt  }
0x54: {  	_ =	shalt  }
0x55: {  	_ =	shalt  }
0x56: {  	_ =	shalt  }
0x57: {  	_ =	shalt  }
0x58: {  	_ =	shalt  }
0x59: {  	_ =	shalt  }
0x5a: {  	_ =	shalt  }
0x5b: {  	_ =	shalt  }
0x5c: {  	_ =	shalt  }
0x5d: {  	_ =	shalt  }
0x5e: {  	_ =	shalt  }
0x5f: {  	_ =	shalt  }
0x60: {  	_ =	shalt  }
0x61: {  	_ =	shalt  }
0x62: {  	_ =	shalt  }
0x63: {  	_ =	shalt  }
0x64: {  	_ =	shalt  }
0x65: {  	_ =	shalt  }
0x66: {  	_ =	shalt  }
0x67: {  	_ =	shalt  }
0x68: {  	_ =	shalt  }
0x69: {  	_ =	shalt  }
0x6a: {  	_ =	shalt  }
0x6b: {  	_ =	shalt  }
0x6c: {  	_ =	shalt  }
0x6d: {  	_ =	shalt  }
0x6e: {  	_ =	shalt  }
0x6f: {  	_ =	shalt  }
0x70: {  	_ =	shalt  }
0x71: {  	_ =	shalt  }
0x72: {  	_ =	shalt  }
0x73: {  	_ =	shalt  }
0x74: {  	_ =	shalt  }
0x75: {  	_ =	shalt  }
0x76: {  	_ =	shalt  }
0x77: {  	_ =	shalt  }
0x78: {  	_ =	shalt  }
0x79: {  	_ =	shalt  }
0x7a: {  	_ =	shalt  }
0x7b: {  	_ =	shalt  }
0x7c: {  	_ =	shalt  }
0x7d: {  	_ =	shalt  }
0x7e: {  	_ =	shalt  }
0x7f: {  	_ =	shalt  }
0x80: {  	_ =	shalt  }
0x81: {  	_ =	shalt  }
0x82: {  	_ =	shalt  }
0x83: {  	_ =	shalt  }
0x84: {  	_ =	shalt  }
0x85: {  	_ =	shalt  }
0x86: {  	_ =	shalt  }
0x87: {  	_ =	shalt  }
.Lfunc_end0:
.L_simem_size_0:
called_computation_lowered:
.L_overlay_start_0:
0x88: {  	s2 =	sld [smem:$0x3FD9]  }
0x89: {  	s3 =	sld [smem:$0x3FFE];
	_ =	sdelay $0x1  }
0x8a: {  	s1 =	srdreg.scid  }
0x8b: {  	s0 =	sand.u32 $0x1, s1  }
0x8c: {  	s17 =	sshll.u32 s0, $0xA;
	s2 =	sadd.s32 s3, s2  }
0x8d: {  	s2 =	sadd.s32 s2, s17  }
0x8e: {  	[smem:$0x3FC2] =	sst s2  }
0x8f: {  	_ = 	snop  }
0x90: {  	s2 =	sld [smem:$0x3FD0];
	(tm) =	ssettm $0x1  }
0x91: {  	s18 =	sld [smem:$0x3FFB];
	_ =	sdelay $0x3  }
0x92: {  	_ =	strace s18  }
0x93: {  	s3 =	sld [smem:$0x3FFC];
	_ =	sdelay $0x3  }
0x94: {  	_ =	strace s3  }
0x95: {  	s3 =	sld [smem:$0x3FFD];
	_ =	sdelay $0x3  }
0x96: {  	_ =	strace s3  }
0x97: {  	_ =	strace $0x8FFFFFFF  }
0x98: {  	s19 =	sld [smem:$0x3FDB];
	_ =	sdelay $0x1  }
0x99: {  	s4 =	simm.s32 $_scs_section_size  }
0x9a: {  	s5 =	simm.s32 $_size__tile_overlayer_lowered;
	s6 =	simm.s32 $_tile_overlayer_lowered  }
0x9b: {  	s22 =	simm.s32 $0x1BFF;
	s21 =	sshll.u32 s6, $0x1;
	s3 =	sadd.s32 s4, s19  }
0x9c: {  	s7 =	simm.s32 $0x0;
	s20 =	sshll.u32 s5, $0x1;
	s5 =	sadd.s32 s21, s3  }
0x9d: {  	[timem:s7], [sflag:s22] =	dma.local [hbm:s5], s20  }
0x9e: {  	_ =	swait.ge [sflag:s22], s20  }
0x9f: {  	s4 =	ssub.s32 $0x0, s20;
	[sflag:s22] =	ssyncset.done $0x0  }
0xa0: {  	[sflag:s22] =	ssyncadd.s32 s4;
	_ =	sdelay $0x1  }
0xa1: {  	s23 =	simm.s32 $0x1B8B  }
0xa2: {  	_ =	swait.ge [sflag:s23], $0x1  }
0xa3: {  	[sflag:s23] =	ssyncset.done $0x0  }
0xa4: {  	s25 =	simm.s32 $0x1B8E;
	s24 =	sld [smem:$0x3FFE];
	[sflag:s23] =	ssyncadd.s32 $0xFFFFFFFF  }
0xa5: {  	s26 =	simm.s32 $execute0_lowered;
	[smem:$0x3FD2] =	sst s25  }
0xa6: {  	s5 =	sshll.u32 s26, $0x1;
	_ =	strace $0x80000046;
	[dreg:$0x1] =	wrdreg $0xFFFFFFFF  }
0xa7: {  	s28 =	simm.s32 $_size_execute0_lowered;
	s3 =	sadd.s32 s3, s5;
	[dreg:$0x0] =	wrdreg $0x0  }
0xa8: {  	s5 =	sshll.u32 s28, $0x1;
	[dreg:$0x2] =	wrdreg s3  }
0xa9: {  	[dreg:$0x3] =	wrdreg s5  }
0xaa: {  	[dreg:$0x4] =	wrdreg $0xC0  }
0xab: {  	_ =	task [dreg:s7], $0x5FFFF  }
0xac: {  	[dreg:$0x1] =	wrdreg $0xFFFFFFFF  }
0xad: {  	[dreg:$0x0] =	wrdreg $0x60  }
0xae: {  	[dreg:$0x2] =	wrdreg s2  }
0xaf: {  	[dreg:$0x3] =	wrdreg s24  }
0xb0: {  	[dreg:$0x4] =	wrdreg $0x82800  }
0xb1: {  	[dreg:$0x5] =	wrdreg $0x9  }
0xb2: {  	_ =	task.clear_ibuf [dreg:s7], $0x6FFFF;
	_ =	strace $0x90000046  }
0xb3: {  	s29 =	simm.s32 $0x9;
	_ =	strace $0x80000048  }
0xb4: {  	_ =	swait.ge [sflag:s29], $0x1  }
0xb5: {  	[sflag:s29] =	ssyncadd.s32 $0xFFFFFFFF  }
0xb6: {  	_ =	strace $0x90000048  }
0xb7: {  	_ =	sfence  }
0xb8: {  	s30 =	sld [smem:$0x0];
	_ =	sdelay $0x2  }
0xb9: {  	s31 =	sshll.u32 s1, $0xD;
	s1 =	sshrl.u32 s1, $0x2  }
0xba: {  	s3 =	sand.u32 $0x4000, s31;
	s1 =	sadd.s32 s1, s30  }
0xbb: {  	s0 =	sor.u32 s3, s0;
	s1 =	sshll.u32 s1, $0x11  }
0xbc: {  	s0 =	sor.u32 s1, s0  }
0xbd: {  	s0 =	sadd.s32 $0x8F2B, s0  }
0xbe: {  	[sflag:s0] =	ssyncadd.remote.s32 $0x1  }
0xbf: {  	_ =	sfence.sel $0xFFFF  }
0xc0: {  	[dreg:$0x0] =	wrdreg $0xFFFFFFFF;
	(pc) =	sbr.abs _section_cstart, $3  }
0xc1: {  	[dreg:$0x1] =	wrdreg $0xFFFFFFFF  }
0xc2: {  	_ =	task.clear_ibuf [dreg:s7], $0x2FFFF;
	_ =	strace $0x9FFFFFFF  }
0xc3: {  	(tm) =	ssettm $0x7FFFFFFF  }
tec
execute0_lowered:
.L_overlay_start_1:
0x0: {  	(tag) =	ssettag $0x1  }
0x1: {  	s0 =	srdreg.scid;
	s15 =	stileid.u32  }
0x2: {  	s3 =	rddreg [dreg:$0x1];
	s1 =	simm.s32 $0x0;
	s2 =	smul.u32 $0x2800, s15  }
0x3: {  	s4 =	sand.u32 $0x1, s0;
	s6 =	smul.u32 $0x14000, s15;
	[smem:$0x7FF] =	sst s1  }
0x4: {  	s7 =	sadd.s32 $0x46E00, s3;
	s0 =	smul.u32 $0x28000, s4;
	s8 =	ssub.s32 $0x2, s4  }
0x5: {  	s5 =	smul.u32 $0x140000, s4;
	s4 =	sshll.u32 s4, $0x4;
	s17 =	sshrl.u32 s8, $0x1  }
0x6: {  	s10 =	sadd.s32 $0x4000, s6;
	s13 =	sadd.s32 $0x6000, s6;
	s4 =	sor.u32 s15, s4  }
0x7: {  	s9 =	sadd.s32 s2, s0;
	s18 =	sadd.s32 s5, s6;
	s0 =	ssub.s32 s8, s17  }
0x8: {  	s2 =	sor.u32 $0x2000, s6;
	s11 =	sadd.s32 s5, s10;
	s22 =	sadd.s32 s5, s13  }
0x9: {  	s17 =	sadd.s32 $0xA000, s6;
	s4 =	smul.u32 $0x5100, s4;
	s19 =	sshrl.u32 s18, $0x3  }
0xa: {  	s20 =	sadd.s32 s5, s2;
	s21 =	sshrl.u32 s11, $0x3;
	s23 =	sshrl.u32 s22, $0x3  }
0xb: {  	s11 =	sadd.s32 $0x8000, s6;
	s12 =	sadd.s32 s5, s17;
	s18 =	sadd.s32 $0xC000, s6  }
0xc: {  	s22 =	sshrl.u32 s9, $0x3;
	s8 =	sadd.s32 s7, s19;
	s24 =	sadd.s32 s5, s11  }
0xd: {  	s25 =	sshrl.u32 s12, $0x3;
	s26 =	sadd.s32 s5, s18;
	s19 =	sadd.s32 $0xE000, s6  }
0xe: {  	[dreg:$0x4] =	wrdreg s8;
	s8 =	sshrl.u32 s20, $0x3;
	s12 =	sadd.s32 s5, s19  }
0xf: {  	s20 =	sadd.s32 $0x10000, s6;
	s6 =	sadd.s32 $0x12000, s6;
	s8 =	sadd.s32 s7, s8  }
0x10: {  	s14 =	sadd.s32 s5, s20;
	s5 =	sadd.s32 s5, s6;
	[dreg:$0x5] =	wrdreg s8  }
0x11: {  	s8 =	sadd.s32 s7, s21;
	s16 =	sshrl.u32 s14, $0x3;
	s14 =	rddreg [dreg:$0x2]  }
0x12: {  	s5 =	sshrl.u32 s5, $0x3;
	[dreg:$0x6] =	wrdreg s8;
	s8 =	sadd.s32 s7, s23  }
0x13: {  	s5 =	sadd.s32 s7, s5;
	[dreg:$0x7] =	wrdreg s8;
	s8 =	sshrl.u32 s24, $0x3  }
0x14: {  	s0 =	smax.u32 s0, $0x1;
	[dreg:$0xd] =	wrdreg s5;
	s8 =	sadd.s32 s7, s8  }
0x15: {  	s31 =	sshrl.u32 s26, $0x3;
	[dreg:$0x8] =	wrdreg s8;
	s8 =	sadd.s32 s7, s25  }
0x16: {  	s21 =	smul.u32 $0x50000, s15;
	[dreg:$0x9] =	wrdreg s8;
	s8 =	sadd.s32 s7, s31  }
0x17: {  	s23 =	smul.u32 $0xA000, s15;
	[dreg:$0xa] =	wrdreg s8;
	s8 =	sshrl.u32 s12, $0x3  }
0x18: {  	s15 =	sadd.s32 $0x15C00, s3;
	s12 =	rddreg [dreg:$0x0];
	s8 =	sadd.s32 s7, s8  }
0x19: {  	[dreg:$0xb] =	wrdreg s8;
	s8 =	sadd.s32 s7, s16;
	s7 =	sadd.s32 s22, s3  }
0x1a: {  	s16 =	sadd.s32 $0x1800, s3;
	s3 =	sadd.s32 $0x1600, s3;
	[dreg:$0xc] =	wrdreg s8  }
0x1b: {  	s26 =	sadd.s32 $0x3CE00, s7;
	_ =	strace $0x80000047;
	[dreg:$0xe] =	wrdreg s3  }
0x1c: {  	s2 =	sadd.s32 s2, s14;
	s31 =	sadd.s32 $0x3CF00, s7;
	[dreg:$0x13] =	wrdreg s26  }
0x1d: {  	s5 =	sshrl.u32 s21, $0x2;
	s25 =	sshrl.u32 s4, $0x3;
	[dreg:$0x14] =	wrdreg s31  }
0x1e: {  	s22 =	sor.u32 $0x40, s4;
	s8 =	sshrl.u32 s23, $0x2;
	[dreg:$0x15] =	wrdreg s0  }
0x1f: {  	s23 =	sor.u32 $0x80, s4;
	s4 =	sadd.s32 s13, s14;
	[dreg:$0x16] =	wrdreg s2  }
0x20: {  	s21 =	sadd.s32 s5, s14;
	s5 =	sadd.s32 s11, s14;
	[dreg:$0x18] =	wrdreg s4  }
0x21: {  	s7 =	sadd.s32 s17, s14;
	[dreg:$0x19] =	wrdreg s5  }
0x22: {  	s9 =	sadd.s32 s19, s14;
	[dreg:$0x1a] =	wrdreg s7  }
0x23: {  	s11 =	sadd.s32 s6, s14;
	[dreg:$0x1c] =	wrdreg s9  }
0x24: {  	s13 =	sadd.s32 $0x2000, s21;
	[dreg:$0x1e] =	wrdreg s11  }
0x25: {  	v0 =	vimm.s32 $0xEFCDAB89;
	v1 =	vimm.s32 $0x67452301;
	s17 =	sadd.s32 $0x4000, s21;
	[dreg:$0x1f] =	wrdreg s13  }
0x26: {  	v2 =	vimm.s32 $0xDCFE98BA;
	v3 =	vimm.s32 $0x54761032;
	s19 =	sadd.s32 $0x8000, s21;
	[smem:$0x7F6] =	sst s17  }
0x27: {  	v4 =	vimm.s32 $0xBA98FEDC;
	v5 =	vimm.s32 $0x32107654;
	s28 =	simm.s32 $0x80;
	[smem:$0x7F8] =	sst s19  }
0x28: {  	v6 =	vimm.s32 $0xFEDCBA98;
	v7 =	vimm.s32 $0x76543210;
	s6 =	simm.s32 $0x180;
	s3 =	sadd.s32 s16, s25;
	[dreg:$0xf] =	wrdreg s21  }
0x29: {  	v0 =	vunpack.c.l.s4.s8 v0;
	v1 =	vunpack.c.l.s4.s8 v1;
	v2 =	vunpack.c.l.s4.s8 v2;
	s24 =	sadd.s32 s8, s14;
	s8 =	sadd.s32 s18, s14;
	[dreg:$0x12] =	wrdreg s3  }
0x2a: {  	v3 =	vunpack.c.l.s4.s8 v3;
	v4 =	vunpack.c.l.s4.s8 v4;
	v5 =	vunpack.c.l.s4.s8 v5;
	s18 =	sadd.s32 $0x6000, s21;
	s25 =	sadd.s32 $0xE000, s21;
	[dreg:$0x1b] =	wrdreg s8  }
0x2b: {  	v6 =	vunpack.c.l.s4.s8 v6;
	v0 =	vunpack.c.0.s8.s32 v0;
	v1 =	vunpack.c.0.s8.s32 v1;
	s26 =	sadd.s32 $0x10000, s21;
	s31 =	sadd.s32 $0x12000, s21;
	[smem:$0x7F7] =	sst s18  }
0x2c: {  	v7 =	vunpack.c.l.s4.s8 v7;
	v2 =	vunpack.c.0.s8.s32 v2;
	v3 =	vunpack.c.0.s8.s32 v3;
	s11 =	simm.s32 $0x1;
	s0 =	simm.s32 $0x3;
	[smem:$0x7FB] =	sst s25  }
0x2d: {  	v4 =	vunpack.c.0.s8.s32 v4;
	v5 =	vunpack.c.0.s8.s32 v5;
	v0 =	vcombine.low v1, v0;
	s2 =	simm.s32 $0x40;
	s4 =	simm.s32 $0x2;
	[smem:$0x7FC] =	sst s26  }
0x2e: {  	v1 =	vcombine.low v3, v2;
	v3 =	vunpack.c.0.s8.s32 v6;
	s5 =	simm.s32 $0x4;
	s3 =	sadd.s32 s10, s14;
	[smem:$0x7FD] =	sst s31  }
0x2f: {  	v59 =	vunpack.c.0.s8.s32 v7;
	v4 =	vcombine.low v5, v4;
	v62 =	vand.u32 $0xF, v0;
	s7 =	simm.s32 $0x6200;
	s10 =	sadd.s32 s20, s14;
	[dreg:$0x17] =	wrdreg s3  }
0x30: {  	v63 =	vand.u32 $0xF, v1;
	v0 =	vand.u32 $0xF, v3;
	[tilespmem:$0x1FFB0] =	vst v62;
	s29 =	sadd.s32 $0x140000, s24;
	s20 =	sadd.s32 $0xA000, s21;
	[dreg:$0x1d] =	wrdreg s10  }
0x31: {  	v55 =	vand.u32 $0xF, v4;
	v50 =	vcombine.low v0, v59;
	[tilespmem:$0x1FFC0] =	vst v63;
	s30 =	sadd.s32 $0x140800, s24;
	s24 =	sadd.s32 $0xC000, s21;
	[smem:$0x7F9] =	sst s20  }
0x32: {  	vm2 =	vmmov $0x1;
	v0 =	vimm.s32 $0x0;
	s9 =	simm.s32 $0x0;
	[tilespmem:$0x1FFD0] =	vst v55;
	s13 =	simm.s32 $0x0;
	[smem:$0x7FA] =	sst s24  }
0x33: {  	vm3 =	vcmask $0x310;
	v0 =	vsel vm2, $0xFFFFFFFF, v0;
	[tilespmem:$0x1FFE0] =	vst v50;
	s25 =	simm.s32 $0x7;
	s26 =	simm.s32 $0x20;
	[dreg:$0x10] =	wrdreg s29  }
0x34: {  	vm4 =	vcmask $0x710;
	vm5 =	vcmask $0xB10;
	v2 =	vimm.f32 $0.0e+00;
	[tilespmem:$0x1FFF0] =	vst v0;
	s24 =	simm.s32 $0x4200;
	s3 =	simm.s32 $0x100;
	[dreg:$0x11] =	wrdreg s30  }
.LBB2_1:
0x35: {  	[smem:$0x7F5] =	sst s9;
	s8 =	simm.s32 $0x0;
	s9 =	simm.s32 $0x200  }
.LBB2_2:
0x36: {  	p0 =	sne.s32 s9, $0x7E00;
	[tilespmem:s8+$0x4270] =	vst v2  }
0x37: {  	[tilespmem:s8+$0x4200] =	vst v2  }
0x38: {  	[tilespmem:s8+$0x4210] =	vst v2  }
.Ltmp0:
0x39: {  	[tilespmem:s8+$0x4220] =	vst v2;
	(pc) =	sbr.rel @p0 .LBB2_2-.Ltmp0, $4  }
0x3a: {  	[tilespmem:s8+$0x4230] =	vst v2  }
0x3b: {  	[tilespmem:s8+$0x4240] =	vst v2  }
0x3c: {  	[tilespmem:s8+$0x4250] =	vst v2  }
0x3d: {  	[tilespmem:s8+$0x4260] =	vst v2;
	s8 =	sshra.s32 s9, $0x2;
	s9 =	sadd.s32 $0x200, s9  }
0x3e: {  	[tilespmem:s8+$0x4270] =	vst v2  }
0x3f: {  	[tilespmem:s8+$0x4200] =	vst v2  }
0x40: {  	[tilespmem:s8+$0x4210] =	vst v2  }
0x41: {  	[tilespmem:s8+$0x4220] =	vst v2  }
0x42: {  	[tilespmem:s8+$0x4230] =	vst v2  }
0x43: {  	[tilespmem:s8+$0x4240] =	vst v2  }
0x44: {  	[tilespmem:s8+$0x4250] =	vst v2  }
0x45: {  	[tilespmem:s8+$0x4260] =	vst v2  }
0x46: {  	[spmem:s21] =	stream.linear.scatter [tilespmem:s24], [sflag:$0x7], $0x2000, $0x38;
	[tilespmem:$0x1EA80] =	vst v63  }
0x47: {  	_ =	swait.ge [sflag:s25], $0x2000  }
0x48: {  	[sflag:s25] =	ssyncset.done $0x0  }
0x49: {  	s20 =	rddreg [dreg:$0x1f];
	[sflag:s25] =	ssyncadd.s32 $0xFFFFE000  }
0x4a: {  	[spmem:s20] =	stream.linear.scatter [tilespmem:s24], [sflag:$0x7], $0x2000, $0x38;
	[tilespmem:$0x1EA80] =	vst v63  }
0x4b: {  	_ =	swait.ge [sflag:s25], $0x2000  }
0x4c: {  	s21 =	sld [smem:$0x7F6]  }
0x4d: {  	[sflag:s25] =	ssyncset.done $0x0  }
0x4e: {  	[sflag:s25] =	ssyncadd.s32 $0xFFFFE000  }
0x4f: {  	[spmem:s21] =	stream.linear.scatter [tilespmem:s24], [sflag:$0x7], $0x2000, $0x38;
	[tilespmem:$0x1EA80] =	vst v63  }
0x50: {  	_ =	swait.ge [sflag:s25], $0x2000  }
0x51: {  	s31 =	sld [smem:$0x7F7]  }
0x52: {  	[sflag:s25] =	ssyncset.done $0x0  }
0x53: {  	[sflag:s25] =	ssyncadd.s32 $0xFFFFE000  }
0x54: {  	[spmem:s31] =	stream.linear.scatter [tilespmem:s24], [sflag:$0x7], $0x2000, $0x38;
	[tilespmem:$0x1EA80] =	vst v63  }
0x55: {  	_ =	swait.ge [sflag:s25], $0x2000  }
0x56: {  	s9 =	sld [smem:$0x7F8]  }
0x57: {  	[sflag:s25] =	ssyncset.done $0x0  }
0x58: {  	[sflag:s25] =	ssyncadd.s32 $0xFFFFE000  }
0x59: {  	[spmem:s9] =	stream.linear.scatter [tilespmem:s24], [sflag:$0x7], $0x2000, $0x38;
	[tilespmem:$0x1EA80] =	vst v63  }
0x5a: {  	_ =	swait.ge [sflag:s25], $0x2000  }
0x5b: {  	s10 =	sld [smem:$0x7F9]  }
0x5c: {  	[sflag:s25] =	ssyncset.done $0x0  }
0x5d: {  	[sflag:s25] =	ssyncadd.s32 $0xFFFFE000  }
0x5e: {  	[spmem:s10] =	stream.linear.scatter [tilespmem:s24], [sflag:$0x7], $0x2000, $0x38;
	[tilespmem:$0x1EA80] =	vst v63  }
0x5f: {  	_ =	swait.ge [sflag:s25], $0x2000  }
0x60: {  	s17 =	sld [smem:$0x7FA]  }
0x61: {  	[sflag:s25] =	ssyncset.done $0x0  }
0x62: {  	[sflag:s25] =	ssyncadd.s32 $0xFFFFE000  }
0x63: {  	[spmem:s17] =	stream.linear.scatter [tilespmem:s24], [sflag:$0x7], $0x2000, $0x38;
	[tilespmem:$0x1EA80] =	vst v63  }
0x64: {  	_ =	swait.ge [sflag:s25], $0x2000  }
0x65: {  	s18 =	sld [smem:$0x7FB]  }
0x66: {  	[sflag:s25] =	ssyncset.done $0x0  }
0x67: {  	[sflag:s25] =	ssyncadd.s32 $0xFFFFE000  }
0x68: {  	[spmem:s18] =	stream.linear.scatter [tilespmem:s24], [sflag:$0x7], $0x2000, $0x38;
	[tilespmem:$0x1EA80] =	vst v63  }
0x69: {  	_ =	swait.ge [sflag:s25], $0x2000  }
0x6a: {  	s19 =	sld [smem:$0x7FC]  }
0x6b: {  	[sflag:s25] =	ssyncset.done $0x0  }
0x6c: {  	[sflag:s25] =	ssyncadd.s32 $0xFFFFE000  }
0x6d: {  	[spmem:s19] =	stream.linear.scatter [tilespmem:s24], [sflag:$0x7], $0x2000, $0x38;
	[tilespmem:$0x1EA80] =	vst v63  }
0x6e: {  	_ =	swait.ge [sflag:s25], $0x2000  }
0x6f: {  	s20 =	sld [smem:$0x7FD]  }
0x70: {  	[sflag:s25] =	ssyncset.done $0x0  }
0x71: {  	[sflag:s25] =	ssyncadd.s32 $0xFFFFE000  }
0x72: {  	[spmem:s20] =	stream.linear.scatter [tilespmem:s24], [sflag:$0x7], $0x2000, $0x38;
	[tilespmem:$0x1EA80] =	vst v63  }
0x73: {  	_ =	swait.ge [sflag:s25], $0x2000  }
0x74: {  	[sflag:s25] =	ssyncset.done $0x0  }
0x75: {  	[sflag:s25] =	ssyncadd.s32 $0xFFFFE000  }
0x76: {  	[spmem:s29] =	stream.linear.scatter [tilespmem:s24], [sflag:$0x7], $0x2000, $0x38;
	[tilespmem:$0x1EA80] =	vst v63  }
0x77: {  	_ =	swait.ge [sflag:s25], $0x2000  }
0x78: {  	[sflag:s25] =	ssyncset.done $0x0  }
0x79: {  	[sflag:s25] =	ssyncadd.s32 $0xFFFFE000  }
0x7a: {  	[spmem:s30] =	stream.linear.scatter [tilespmem:s24], [sflag:$0x7], $0x2000, $0x38;
	[tilespmem:$0x1EA80] =	vst v63  }
0x7b: {  	_ =	swait.ge [sflag:s25], $0x2000  }
0x7c: {  	[sflag:s25] =	ssyncset.done $0x0  }
0x7d: {  	[sflag:s25] =	ssyncadd.s32 $0xFFFFE000  }
0x7e: {  	[bflag:$0x0] =	sbarrier.arrive $0xFFFF  }
0x7f: {  	s9 =	simm.s32 $0x8200;
	s21 =	rddreg [dreg:$0xe]  }
0x80: {  	[tilespmem:s9], [sflag:$0x7] =	stream.linear.gather [hbm4b:s21+s13], $0x80, $0x38;
	[tilespmem:$0x1EA80] =	vst v63  }
0x81: {  	_ =	swait.ge [sflag:s25], $0x80  }
0x82: {  	[sflag:s25] =	ssyncset.done $0x0  }
0x83: {  	[sflag:s25] =	ssyncadd.s32 $0xFFFFFF80  }
0x84: {  	v60 =	vld [tilespmem:$0x8200]  }
0x85: {  	v61 =	vld [tilespmem:$0x8210]  }
0x86: {  	v59 =	vld [tilespmem:$0x8220]  }
0x87: {  	v46 =	vld [tilespmem:$0x8230]  }
0x88: {  	v53 =	vld [tilespmem:$0x8240]  }
0x89: {  	v57 =	vld [tilespmem:$0x8250]  }
0x8a: {  	s29 =	rddreg [dreg:$0x12];
	v2 =	vld [tilespmem:$0x8260]  }
0x8b: {  	v3 =	vld [tilespmem:$0x8270];
	[tilespmem:s13], [sflag:$0x7] =	stream.linear.gather [hbm4b:s29+s13], $0x40, $0x38  }
0x8c: {  	_ =	swait.ge [sflag:s25], $0x40  }
0x8d: {  	[sflag:s25] =	ssyncset.done $0x0  }
0x8e: {  	s30 =	simm.s32 $0x200;
	[sflag:s25] =	ssyncadd.s32 $0xFFFFFFC0  }
0x8f: {  	[tilespmem:s30], [sflag:$0x1] =	stream.indirect.gather [hbm4b:s12+s26], $0x80, s13, s26, $0xb8;
	[tilespmem:$0x1EA80] =	vst v63  }
0x90: {  	[tilespmem:$0x1FF30] =	vst v60  }
0x91: {  	[tilespmem:$0x1FF40] =	vst v61  }
0x92: {  	[tilespmem:$0x1FF50] =	vst v59  }
0x93: {  	[tilespmem:$0x1FF60] =	vst v46  }
0x94: {  	[tilespmem:$0x1FF70] =	vst v53  }
0x95: {  	[tilespmem:$0x1FF80] =	vst v57  }
0x96: {  	[tilespmem:$0x1FF90] =	vst v2  }
0x97: {  	s31 =	simm.s32 $0x2200;
	s17 =	simm.s32 $0x0;
	[tilespmem:$0x1FFA0] =	vst v3  }
0x98: {  	[tilespmem:s31], [sflag:$0x3] =	stream.indirect.gather [hbm4b:s15+s26], $0x80, s26, s26, $0xb8;
	[tilespmem:$0x1EA80] =	vst v63  }
.LBB2_4:
0x99: {  	s21 =	sshll.u32 s17, $0x7  }
0x9a: {  	s8 =	sadd.s32 s21, s22  }
0x9b: {  	s8 =	sshrl.u32 s8, $0x3  }
0x9c: {  	s8 =	sadd.s32 s16, s8  }
0x9d: {  	[tilespmem:s28], [sflag:$0x7] =	stream.linear.gather [hbm4b:s8+s1], $0x40, $0x38;
	[tilespmem:$0x1EA80] =	vst v63  }
0x9e: {  	_ =	swait.ge [sflag:s25], $0x40  }
0x9f: {  	[sflag:s25] =	ssyncset.done $0x0  }
0xa0: {  	s18 =	simm.s32 $0x1200;
	[sflag:s25] =	ssyncadd.s32 $0xFFFFFFC0  }
0xa1: {  	[tilespmem:s18], [sflag:$0x2] =	stream.indirect.gather [hbm4b:s12+s26], $0x80, s28, s26, $0xb8;
	[tilespmem:$0x1EA80] =	vst v63  }
0xa2: {  	s19 =	simm.s32 $0xA0;
	s9 =	simm.s32 $0x3200  }
0xa3: {  	[tilespmem:s9], [sflag:$0x4] =	stream.indirect.gather [hbm4b:s15+s26], $0x80, s19, s26, $0xb8;
	[tilespmem:$0x1EA80] =	vst v63  }
0xa4: {  	_ =	swait.ge [sflag:s11], $0x1000  }
0xa5: {  	[sflag:s11] =	ssyncset.done $0x0  }
0xa6: {  	[sflag:s11] =	ssyncadd.s32 $0xFFFFF000  }
0xa7: {  	_ =	swait.ge [sflag:s0], $0x1000  }
0xa8: {  	p0 =	seq.s32 s17, $0x0;
	[sflag:s0] =	ssyncset.done $0x0  }
0xa9: {  	s8 =	simm.s32 @!p0 $0x5;
	[sflag:s0] =	ssyncadd.s32 $0xFFFFF000  }
0xaa: {  	_ =	swait.ge @!p0 [sflag:s8], $0x2000  }
0xab: {  	[sflag:s8] =	ssyncset.done @!p0 $0x0  }
0xac: {  	[sflag:s8] =	ssyncadd.s32 @!p0 $0xFFFFE000  }
0xad: {  	v0 =	vld [tilespmem:$0x20];
	_ =	sdelay $0x1  }
0xae: {  	v1 =	vld [tilespmem:$0x30];
	_ =	sdelay $0x2  }
0xaf: {  	v5 =	vshra.s32 v0, $0x3  }
0xb0: {  	[tilespmem:$0x100] =	vst v0;
	v0 =	vadd.s32 $0x2800, v5  }
0xb1: {  	[tilespmem:$0x120] =	vst v0;
	v0 =	vshra.s32 v1, $0x3  }
0xb2: {  	[tilespmem:$0x110] =	vst v1;
	v0 =	vadd.s32 $0x2800, v0  }
0xb3: {  	s10 =	simm.s32 $0x300;
	[tilespmem:$0x130] =	vst v0  }
0xb4: {  	v42 =	vld [tilespmem:s10+$0x80]  }
0xb5: {  	v35 =	vld [tilespmem:s10+$0x90]  }
0xb6: {  	v41 =	vld [tilespmem:s10+$0xA0]  }
0xb7: {  	v40 =	vld [tilespmem:s10+$0xB0]  }
0xb8: {  	v36 =	vld [tilespmem:s10+$0xC0]  }
0xb9: {  	v39 =	vld [tilespmem:s10+$0xD0]  }
0xba: {  	v38 =	vld [tilespmem:s10+$0xE0]  }
0xbb: {  	s8 =	simm.s32 $0x2300;
	v37 =	vld [tilespmem:s10+$0xF0]  }
0xbc: {  	v0 =	vld [tilespmem:s8+$0x80]  }
0xbd: {  	v1 =	vld [tilespmem:s8+$0x90]  }
0xbe: {  	v5 =	vld [tilespmem:s8+$0xA0]  }
0xbf: {  	v6 =	vld [tilespmem:s8+$0xB0]  }
0xc0: {  	v7 =	vld [tilespmem:s8+$0xC0]  }
0xc1: {  	v8 =	vld [tilespmem:s8+$0xD0]  }
0xc2: {  	v9 =	vld [tilespmem:s8+$0xE0]  }
0xc3: {  	v10 =	vld [tilespmem:s8+$0xF0];
	_ =	sdelay $0x1  }
0xc4: {  	v0 =	vadd.f32 v0, v42;
	v11 =	vadd.f32 v1, v35  }
0xc5: {  	v12 =	vadd.f32 v5, v41;
	v17 =	vadd.f32 v6, v40  }
0xc6: {  	v7 =	vadd.f32 v7, v36;
	v8 =	vadd.f32 v8, v39  }
0xc7: {  	v9 =	vadd.f32 v9, v38;
	v10 =	vadd.f32 v10, v37  }
0xc8: {  	v13 =	vmul.f32 $2.000000030e-01, v0;
	vm0 =	vge.f32 v0, $0.0e+00;
	vm1 =	vge.f32 v11, $0.0e+00  }
0xc9: {  	v14 =	vmul.f32 $2.000000030e-01, v11;
	vm6 =	vge.f32 v12, $0.0e+00;
	v18 =	vmul.f32 $2.000000030e-01, v12  }
0xca: {  	v20 =	vmul.f32 $2.000000030e-01, v17;
	vm7 =	vge.f32 v17, $0.0e+00;
	v21 =	vmul.f32 $2.000000030e-01, v7  }
0xcb: {  	vm8 =	vge.f32 v7, $0.0e+00;
	vm9 =	vge.f32 v8, $0.0e+00;
	v22 =	vmul.f32 $2.000000030e-01, v8  }
0xcc: {  	vm10 =	vge.f32 v9, $0.0e+00;
	v24 =	vmul.f32 $2.000000030e-01, v10;
	vm11 =	vge.f32 v10, $0.0e+00  }
0xcd: {  	v0 =	vsel vm0, v0, v13;
	v11 =	vsel vm1, v11, v14;
	v12 =	vsel vm6, v12, v18  }
0xce: {  	v19 =	vld [tilespmem:s10+$0xFFFFFF00];
	v17 =	vsel vm7, v17, v20;
	v7 =	vsel vm8, v7, v21;
	v21 =	vmul.f32 $2.000000030e-01, v9  }
0xcf: {  	v16 =	vld [tilespmem:s10+$0xFFFFFF10];
	v8 =	vsel vm9, v8, v22;
	v0 =	vmul.f32 v0, v60;
	v11 =	vmul.f32 v11, v61  }
0xd0: {  	v15 =	vld [tilespmem:s10+$0xFFFFFF20];
	v10 =	vsel vm11, v10, v24;
	v12 =	vmul.f32 v12, v59;
	v17 =	vmul.f32 v17, v46  }
0xd1: {  	v23 =	vld [tilespmem:s8+$0xFFFFFF20];
	v7 =	vmul.f32 v7, v53;
	v8 =	vmul.f32 v8, v57;
	v0 =	vadd.f32 v11, v0  }
0xd2: {  	v26 =	vld [tilespmem:s8+$0xFFFFFF30];
	v29 =	vmul.f32 v10, v3;
	v9 =	vsel vm10, v9, v21;
	v12 =	vadd.f32 v17, v12  }
0xd3: {  	v25 =	vld [tilespmem:s10+$0xFFFFFF80];
	v9 =	vmul.f32 v9, v2;
	v8 =	vadd.f32 v8, v7;
	v24 =	vperm.xlane v0, v62  }
0xd4: {  	v44 =	vld [tilespmem:s8+$0xFFFFFF80];
	v30 =	vperm.xlane v12, v62  }
0xd5: {  	v47 =	vld [tilespmem:s8+$0xFFFFFFA0];
	v0 =	vadd.f32 v24, v0;
	v24 =	vadd.f32 v29, v9;
	v9 =	vperm.xlane v8, v62  }
0xd6: {  	v49 =	vld [tilespmem:s8+$0xFFFFFFC0]  }
0xd7: {  	v52 =	vld [tilespmem:s8+$0xFFFFFFD0];
	v29 =	vadd.f32 v30, v12;
	v32 =	vperm.xlane v24, v62;
	v34 =	vadd.f32 v9, v8  }
0xd8: {  	v1 =	vld [tilespmem:s10+$0xFFFFFF30];
	v30 =	vperm.xlane v0, v63  }
0xd9: {  	v5 =	vld [tilespmem:s10+$0xFFFFFF40];
	v33 =	vperm.xlane v29, v63;
	v32 =	vadd.f32 v32, v24;
	v54 =	vperm.xlane v34, v63  }
0xda: {  	v13 =	vld [tilespmem:s10+$0xFFFFFF60];
	v0 =	vadd.f32 v30, v0  }
0xdb: {  	v14 =	vld [tilespmem:s10+$0xFFFFFF70];
	v29 =	vadd.f32 v33, v29;
	v45 =	vperm.xlane v32, v63;
	v33 =	vadd.f32 v54, v34  }
0xdc: {  	v4 =	vmov v2;
	v2 =	vld [tilespmem:$0x1FFE0]  }
0xdd: {  	v18 =	vld [tilespmem:s8+$0xFFFFFF00];
	v43 =	vperm.xlane v0, v55;
	v32 =	vadd.f32 v45, v32;
	v58 =	vperm.xlane v33, v55  }
0xde: {  	v20 =	vld [tilespmem:s8+$0xFFFFFF10]  }
0xdf: {  	v22 =	vld [tilespmem:s8+$0xFFFFFF40];
	v0 =	vadd.f32 v43, v0;
	v28 =	vperm.xlane v32, v55;
	v33 =	vadd.f32 v58, v33  }
0xe0: {  	v23 =	vadd.f32 v23, v15;
	v44 =	vadd.f32 v44, v25;
	v10 =	vld [tilespmem:s10+$0xFFFFFFA0];
	v56 =	vperm.xlane v29, v55  }
0xe1: {  	v48 =	vperm.xlane v0, v50;
	v32 =	vadd.f32 v28, v32;
	v28 =	vperm.xlane v33, v2;
	v2 =	vld [tilespmem:$0x1FFE0]  }
0xe2: {  	v26 =	vadd.f32 v26, v1;
	v57 =	vld [tilespmem:s8+$0xFFFFFF90];
	v29 =	vadd.f32 v56, v29  }
0xe3: {  	vm14 =	vge.f32 v23, $0.0e+00;
	vm10 =	vge.f32 v44, $0.0e+00;
	v17 =	vld [tilespmem:s8+$0xFFFFFF70];
	v0 =	vadd.f32 v48, v0  }
0xe4: {  	v11 =	vld [tilespmem:s10+$0xFFFFFF90];
	vm15 =	vge.f32 v26, $0.0e+00;
	v18 =	vadd.f32 v18, v19;
	v60 =	vperm.xlane v29, v50  }
0xe5: {  	v20 =	vadd.f32 v20, v16;
	v22 =	vadd.f32 v22, v5;
	v8 =	vld [tilespmem:s10+$0xFFFFFFD0];
	v0 =	vmul.f32 $1.442695020e+00, v0  }
0xe6: {  	v47 =	vadd.f32 v47, v10;
	v9 =	vld [tilespmem:s10+$0xFFFFFFE0];
	v29 =	vadd.f32 v60, v29;
	v60 =	vperm.xlane v32, v2  }
0xe7: {  	v31 =	vmul.f32 $2.000000030e-01, v18;
	v50 =	vld [tilespmem:s8+$0xFFFFFFE0];
	v33 =	vadd.f32 v28, v33;
	(erf) = vpow2.f32 v0  }
0xe8: {  	v21 =	vld [tilespmem:s8+$0xFFFFFF60];
	vm6 =	vge.f32 v22, $0.0e+00;
	v29 =	vmul.f32 $1.442695020e+00, v29;
	v32 =	vadd.f32 v60, v32  }
0xe9: {  	v7 =	vld [tilespmem:s10+$0xFFFFFFC0];
	v17 =	vadd.f32 v17, v14;
	v48 =	vmul.f32 $2.000000030e-01, v22;
	v33 =	vmul.f32 $1.442695020e+00, v33  }
0xea: {  	v61 =	vld [tilespmem:s8+$0xFFFFFFF0];
	v51 =	vadd.f32 v57, v11;
	(erf) = vpow2.f32 v29;
	v29 =	vmul.f32 $1.442695020e+00, v32  }
0xeb: {  	v57 =	vadd.f32 v52, v8;
	v22 =	vsel vm6, v22, v48;
	v48 =	vld [tilespmem:s8+$0x0];
	(erf) = vpow2.f32 v33  }
0xec: {  	v52 =	vadd.f32 v50, v9;
	v50 =	vmul.f32 $2.000000030e-01, v17;
	(erf) = vpow2.f32 v29;
	v29 =	vld [tilespmem:s10+$0x0]  }
0xed: {  	v21 =	vadd.f32 v21, v13;
	vm12 =	vge.f32 v18, $0.0e+00;
	vm13 =	vge.f32 v20, $0.0e+00;
	v24 =	vld [tilespmem:s10+$0xFFFFFFF0]  }
0xee: {  	v49 =	vadd.f32 v49, v7;
	v18 =	vsel vm12, v18, v31;
	v45 =	vmul.f32 $2.000000030e-01, v26  }
0xef: {  	vm12 =	vge.f32 v47, $0.0e+00;
	vm9 =	vge.f32 v17, $0.0e+00;
	v28 =	vmul.f32 $2.000000030e-01, v47  }
0xf0: {  	v30 =	vmul.f32 $2.000000030e-01, v20;
	v26 =	vsel vm15, v26, v45;
	v17 =	vsel vm9, v17, v50;
	v50 =	vpop (erf)  }
0xf1: {  	v27 =	vld [tilespmem:s8+$0xFFFFFF50];
	v45 =	vmul.f32 $2.000000030e-01, v52;
	v42 =	vmul.f32 v50, v42;
	v48 =	vadd.f32 v48, v29  }
0xf2: {  	v6 =	vld [tilespmem:s10+$0xFFFFFF50];
	v53 =	vadd.f32 v61, v24;
	v47 =	vsel vm12, v47, v28;
	vm6 =	vge.f32 v52, $0.0e+00  }
0xf3: {  	s9 =	simm.s32 $0x5200;
	v59 =	vld [tilespmem:s8+$0xFFFFFFB0];
	v45 =	vsel vm6, v52, v45;
	v61 =	vmul.f32 v50, v35;
	v28 =	vpop (erf);
	v52 =	vmul.f32 $2.000000030e-01, v48  }
0xf4: {  	v12 =	vld [tilespmem:s10+$0xFFFFFFB0];
	vm8 =	vge.f32 v21, $0.0e+00;
	v34 =	vmul.f32 $2.000000030e-01, v21;
	v41 =	vmul.f32 v28, v41;
	[tilespmem:s9+$0xFFFFF180] =	vst v42  }
0xf5: {  	v31 =	vld [tilespmem:s10+$0x20];
	v54 =	vmul.f32 $2.000000030e-01, v44;
	v20 =	vsel vm13, v20, v30;
	v40 =	vmul.f32 v28, v40;
	[tilespmem:s9+$0xFFFFF190] =	vst v61;
	v42 =	vpop (erf)  }
0xf6: {  	v30 =	vld [tilespmem:s10+$0x10];
	v21 =	vsel vm8, v21, v34;
	[tilespmem:s9+$0xFFFFF1A0] =	vst v41;
	vm8 =	vge.f32 v48, $0.0e+00;
	v61 =	vmul.f32 v42, v36  }
0xf7: {  	vm11 =	vge.f32 v51, $0.0e+00;
	v34 =	vld [tilespmem:s10+$0x50];
	[tilespmem:s9+$0xFFFFF1B0] =	vst v40;
	v39 =	vmul.f32 v42, v39;
	v48 =	vsel vm8, v48, v52;
	v52 =	vpop (erf)  }
0xf8: {  	v56 =	vmul.f32 $2.000000030e-01, v51;
	v44 =	vsel vm10, v44, v54;
	v54 =	vld [tilespmem:s8+$0x20];
	[tilespmem:s9+$0xFFFFF1C0] =	vst v61;
	v38 =	vmul.f32 v52, v38  }
0xf9: {  	v46 =	vadd.f32 v59, v12;
	v59 =	vmul.f32 $2.000000030e-01, v57;
	v61 =	vld [tilespmem:$0x1FF40];
	[tilespmem:s9+$0xFFFFF1D0] =	vst v39;
	v37 =	vmul.f32 v52, v37  }
0xfa: {  	v43 =	vmul.f32 $2.000000030e-01, v23;
	v51 =	vsel vm11, v51, v56;
	vm15 =	vge.f32 v57, $0.0e+00;
	v56 =	vld [tilespmem:s8+$0x60];
	[tilespmem:s9+$0xFFFFF1E0] =	vst v38  }
0xfb: {  	v27 =	vadd.f32 v27, v6;
	v58 =	vmul.f32 $2.000000030e-01, v46;
	v57 =	vsel vm15, v57, v59;
	v59 =	vld [tilespmem:s8+$0x50];
	[tilespmem:s9+$0xFFFFF1F0] =	vst v37  }
0xfc: {  	vm13 =	vge.f32 v46, $0.0e+00;
	v23 =	vsel vm14, v23, v43;
	v43 =	vmul.f32 $2.000000030e-01, v49;
	v2 =	vld [tilespmem:$0x1FF50]  }
0xfd: {  	vm14 =	vge.f32 v49, $0.0e+00;
	v46 =	vsel vm13, v46, v58;
	v58 =	vld [tilespmem:s8+$0x30];
	v0 =	vmul.f32 $2.000000030e-01, v27  }
0xfe: {  	vm7 =	vge.f32 v27, $0.0e+00;
	v43 =	vsel vm14, v49, v43;
	v49 =	vld [tilespmem:s8+$0x40]  }
0xff: {  	v0 =	vsel vm7, v27, v0;
	v27 =	vld [tilespmem:s8+$0x10]  }
0x100: {  	v32 =	vld [tilespmem:s10+$0x30]  }
0x101: {  	v23 =	vmul.f32 v23, v2;
	v2 =	vld [tilespmem:$0x1FF60]  }
0x102: {  	v54 =	vadd.f32 v54, v31;
	v33 =	vld [tilespmem:s10+$0x40]  }
0x103: {  	v35 =	vld [tilespmem:s10+$0x60]  }
0x104: {  	vm10 =	vge.f32 v54, $0.0e+00;
	v40 =	vld [tilespmem:s8+$0x70]  }
0x105: {  	v59 =	vadd.f32 v59, v34;
	v60 =	vmul.f32 $2.000000030e-01, v53;
	v27 =	vadd.f32 v27, v30;
	v36 =	vld [tilespmem:s10+$0x70]  }
0x106: {  	vm7 =	vge.f32 v53, $0.0e+00;
	v58 =	vadd.f32 v58, v32;
	v26 =	vmul.f32 v26, v2;
	v2 =	vld [tilespmem:$0x1FF70]  }
0x107: {  	v41 =	vsel vm7, v53, v60;
	v53 =	vmul.f32 $2.000000030e-01, v27;
	v60 =	vmul.f32 $2.000000030e-01, v54  }
0x108: {  	vm13 =	vge.f32 v59, $0.0e+00;
	vm9 =	vge.f32 v27, $0.0e+00;
	v56 =	vadd.f32 v56, v35  }
0x109: {  	v27 =	vsel vm9, v27, v53;
	v53 =	vsel vm10, v54, v60;
	v39 =	vmul.f32 $2.000000030e-01, v58;
	v60 =	vld [tilespmem:$0x1FF30]  }
0x10a: {  	v49 =	vadd.f32 v49, v33;
	vm11 =	vge.f32 v58, $0.0e+00;
	v40 =	vadd.f32 v40, v36  }
0x10b: {  	v39 =	vsel vm11, v58, v39;
	v58 =	vmul.f32 $2.000000030e-01, v56;
	v22 =	vmul.f32 v22, v2;
	v2 =	vld [tilespmem:$0x1FF80]  }
0x10c: {  	vm12 =	vge.f32 v49, $0.0e+00;
	vm14 =	vge.f32 v56, $0.0e+00;
	v38 =	vmul.f32 $2.000000030e-01, v49  }
0x10d: {  	s20 =	sand.u32 $0x40, s13;
	v37 =	vmul.f32 $2.000000030e-01, v59;
	vm15 =	vge.f32 v40, $0.0e+00;
	v56 =	vsel vm14, v56, v58  }
0x10e: {  	s10 =	sshrl.u32 s20, $0x2;
	v58 =	vnsel vm2, $0x0, v50;
	v20 =	vmul.f32 v20, v61;
	v18 =	vmul.f32 v18, v60  }
0x10f: {  	v54 =	vld [tilespmem:s10+$0x20];
	v38 =	vsel vm12, v49, v38;
	v49 =	vmul.f32 $2.000000030e-01, v40;
	v59 =	vsel vm13, v59, v37  }
0x110: {  	v37 =	vsel vm3, v58, v28;
	v18 =	vadd.f32 v20, v18;
	v0 =	vmul.f32 v0, v2;
	v2 =	vld [tilespmem:$0x1FF50]  }
0x111: {  	v20 =	vmul.f32 v44, v60;
	v23 =	vadd.f32 v26, v23;
	v26 =	vmul.f32 v51, v61  }
0x112: {  	s18 =	simm.s32 $0x3;
	v58 =	vmul.f32 v45, v4;
	v37 =	vsel vm4, v37, v42;
	v40 =	vsel vm15, v40, v49  }
0x113: {  	v49 =	vmov s18;
	v20 =	vadd.f32 v26, v20;
	v26 =	vmul.f32 v41, v3  }
0x114: {  	v37 =	vsel vm5, v37, v52;
	v52 =	vmul.f32 v56, v4;
	v49 =	vperm.xlane v54, v49  }
0x115: {  	v56 =	vperm.xlane v23, v62;
	v26 =	vadd.f32 v26, v58;
	v54 =	vmul.f32 v47, v2;
	v2 =	vld [tilespmem:$0x1FF60];
	_ =	sdelay $0x1  }
0x116: {  	v23 =	vadd.f32 v56, v23;
	v56 =	vperm.xlane v26, v62  }
0x117: {  	v27 =	vmul.f32 v27, v61;
	v41 =	vmul.f32 v48, v60;
	v0 =	vadd.f32 v0, v22  }
0x118: {  	v26 =	vadd.f32 v56, v26;
	v56 =	vperm.xlane v23, v63  }
0x119: {  	v27 =	vadd.f32 v27, v41;
	v58 =	vperm.xlane v0, v62;
	v22 =	vmul.f32 v46, v2;
	v2 =	vld [tilespmem:$0x1FF70]  }
0x11a: {  	v23 =	vadd.f32 v56, v23;
	v56 =	vperm.xlane v26, v63  }
0x11b: {  	v50 =	vld [tilespmem:$0x1FFE0];
	v0 =	vadd.f32 v58, v0;
	v58 =	vperm.xlane v27, v62  }
0x11c: {  	v21 =	vmul.f32 v21, v4;
	v26 =	vadd.f32 v56, v26;
	v56 =	vperm.xlane v23, v55  }
0x11d: {  	v17 =	vmul.f32 v17, v3;
	v27 =	vadd.f32 v58, v27;
	v58 =	vperm.xlane v0, v63  }
0x11e: {  	v23 =	vadd.f32 v56, v23;
	v56 =	vperm.xlane v26, v55;
	v43 =	vmul.f32 v43, v2;
	v2 =	vld [tilespmem:$0x1FF80]  }
0x11f: {  	v40 =	vmul.f32 v40, v3;
	v0 =	vadd.f32 v58, v0;
	v58 =	vperm.xlane v27, v63  }
0x120: {  	v26 =	vadd.f32 v56, v26;
	v56 =	vperm.xlane v23, v50;
	v22 =	vadd.f32 v22, v54  }
0x121: {  	v17 =	vadd.f32 v17, v21;
	v27 =	vadd.f32 v58, v27;
	v58 =	vperm.xlane v0, v55  }
0x122: {  	v40 =	vadd.f32 v40, v52;
	v46 =	vld [tilespmem:$0x1FF60];
	v23 =	vadd.f32 v56, v23;
	v52 =	vperm.xlane v22, v62  }
0x123: {  	v54 =	vperm.xlane v18, v62;
	v0 =	vadd.f32 v58, v0;
	v21 =	vmul.f32 v57, v2;
	v2 =	vld [tilespmem:$0x1FF50]  }
0x124: {  	v58 =	vand.u32 $0x7, v49;
	v22 =	vadd.f32 v52, v22;
	v52 =	vperm.xlane v40, v62  }
0x125: {  	v23 =	vmul.f32 $1.442695020e+00, v23;
	v44 =	vcvt.s32.f32 v58;
	v21 =	vadd.f32 v21, v43  }
0x126: {  	v58 =	vperm.xlane v0, v50;
	v40 =	vadd.f32 v52, v40;
	v52 =	vperm.xlane v22, v63  }
0x127: {  	v18 =	vadd.f32 v54, v18;
	v39 =	vmul.f32 v39, v46;
	v57 =	vld [tilespmem:$0x1FF80];
	v54 =	vperm.xlane v21, v62  }
0x128: {  	v0 =	vadd.f32 v58, v0;
	v22 =	vadd.f32 v52, v22;
	v48 =	vmul.f32 v53, v2;
	v53 =	vld [tilespmem:$0x1FF70]  }
0x129: {  	v52 =	vperm.xlane v40, v63;
	v21 =	vadd.f32 v54, v21;
	v54 =	vperm.xlane v18, v63  }
0x12a: {  	v0 =	vmul.f32 $1.442695020e+00, v0;
	v39 =	vadd.f32 v39, v48;
	v48 =	vperm.xlane v17, v62  }
0x12b: {  	v40 =	vadd.f32 v52, v40;
	v52 =	vperm.xlane v22, v55;
	v18 =	vadd.f32 v54, v18  }
0x12c: {  	v54 =	vperm.xlane v21, v63;
	v17 =	vadd.f32 v48, v17;
	v48 =	vperm.xlane v39, v62  }
0x12d: {  	v47 =	vadd.f32 $-7.000000000e+00, v44;
	v51 =	vmul.f32 v59, v57;
	v38 =	vmul.f32 v38, v53  }
0x12e: {  	v21 =	vadd.f32 v54, v21;
	v54 =	vperm.xlane v18, v55;
	v39 =	vadd.f32 v48, v39  }
0x12f: {  	v48 =	vperm.xlane v17, v63;
	v38 =	vadd.f32 v51, v38;
	v51 =	vperm.xlane v20, v62  }
0x130: {  	v22 =	vadd.f32 v52, v22;
	v18 =	vadd.f32 v54, v18;
	v54 =	vperm.xlane v21, v55  }
0x131: {  	v17 =	vadd.f32 v48, v17;
	v48 =	vperm.xlane v39, v63;
	v20 =	vadd.f32 v51, v20  }
0x132: {  	v51 =	vperm.xlane v38, v62;
	v21 =	vadd.f32 v54, v21;
	v52 =	vperm.xlane v18, v50  }
0x133: {  	v54 =	vperm.xlane v40, v55;
	v39 =	vadd.f32 v48, v39;
	v48 =	vperm.xlane v17, v55  }
0x134: {  	v38 =	vadd.f32 v51, v38;
	v51 =	vperm.xlane v20, v63;
	v18 =	vadd.f32 v52, v18  }
0x135: {  	v17 =	vadd.f32 v48, v17;
	v48 =	vperm.xlane v27, v55;
	v49 =	vperm.xlane v39, v55  }
0x136: {  	v20 =	vadd.f32 v51, v20;
	v51 =	vperm.xlane v38, v63;
	v18 =	vmul.f32 $1.442695020e+00, v18  }
0x137: {  	v27 =	vadd.f32 v48, v27;
	v39 =	vadd.f32 v49, v39;
	v45 =	vperm.xlane v17, v50  }
0x138: {  	v49 =	vperm.xlane v22, v50;
	v38 =	vadd.f32 v51, v38;
	v51 =	vperm.xlane v20, v55  }
0x139: {  	(erf) = vpow2.f32 v18;
	v18 =	vand.u32 $0x7FFFFFFF, v47;
	v17 =	vadd.f32 v45, v17  }
0x13a: {  	(erf) = vpow2.f32 v23;
	v23 =	vperm.xlane v27, v50;
	v20 =	vadd.f32 v51, v20  }
0x13b: {  	v18 =	vsub.f32 $1.000000000e+00, v18;
	(erf) = vpow2.f32 v0;
	v0 =	vperm.xlane v21, v50  }
0x13c: {  	v22 =	vadd.f32 v49, v22;
	v51 =	vperm.xlane v38, v55;
	v48 =	vperm.xlane v20, v50  }
0x13d: {  	v17 =	vmul.f32 $1.442695020e+00, v17;
	v18 =	vmax.f32 v18, $0.0e+00;
	v21 =	vadd.f32 v0, v21  }
0x13e: {  	v0 =	vmul.f32 v18, v37;
	v18 =	vmul.f32 $1.442695020e+00, v22;
	v20 =	vadd.f32 v48, v20  }
0x13f: {  	v22 =	vadd.f32 v23, v27;
	v23 =	vperm.xlane v39, v50;
	(erf) = vpow2.f32 v17  }
0x140: {  	v40 =	vadd.f32 v54, v40;
	v17 =	vperm.xlane v26, v50;
	v20 =	vmul.f32 $1.442695020e+00, v20  }
0x141: {  	v38 =	vadd.f32 v51, v38;
	v21 =	vmul.f32 $1.442695020e+00, v21;
	v22 =	vmul.f32 $1.442695020e+00, v22  }
0x142: {  	v17 =	vadd.f32 v17, v26;
	v26 =	vperm.xlane v40, v50;
	(erf) = vpow2.f32 v20  }
0x143: {  	v23 =	vadd.f32 v23, v39;
	(erf) = vpow2.f32 v18;
	v18 =	vperm.xlane v38, v50  }
0x144: {  	v27 =	vadd.f32 $-4.000000000e+00, v44;
	v17 =	vmul.f32 $1.442695020e+00, v17;
	v26 =	vadd.f32 v26, v40  }
0x145: {  	v23 =	vmul.f32 $1.442695020e+00, v23;
	(erf) = vpow2.f32 v21;
	v18 =	vadd.f32 v18, v38  }
0x146: {  	v20 =	vadd.f32 $-1.000000000e+00, v44;
	v26 =	vmul.f32 $1.442695020e+00, v26;
	(erf) = vpow2.f32 v17  }
0x147: {  	v17 =	vadd.f32 $-3.000000000e+00, v44;
	(erf) = vpow2.f32 v22;
	v22 =	vpop (erf);
	v18 =	vmul.f32 $1.442695020e+00, v18  }
0x148: {  	v21 =	vadd.f32 $-2.000000000e+00, v44;
	(erf) = vpow2.f32 v23;
	v19 =	vmul.f32 v22, v19  }
0x149: {  	v23 =	vpop (erf);
	v51 =	vnsel vm2, $0x0, v22;
	v16 =	vmul.f32 v22, v16;
	v17 =	vand.u32 $0x7FFFFFFF, v17  }
0x14a: {  	v59 =	vld [tilespmem:$0x1FF50];
	v22 =	vsel vm3, v51, v23;
	v15 =	vmul.f32 v23, v15;
	v1 =	vmul.f32 v23, v1;
	[tilespmem:s9+$0xFFFFF000] =	vst v19  }
0x14b: {  	v17 =	vsub.f32 $1.000000000e+00, v17;
	(erf) = vpow2.f32 v18;
	v19 =	vadd.f32 $-6.000000000e+00, v44;
	[tilespmem:s9+$0xFFFFF010] =	vst v16  }
0x14c: {  	v16 =	vand.u32 $0x7FFFFFFF, v20;
	v20 =	vand.u32 $0x7FFFFFFF, v21;
	(erf) = vpow2.f32 v26;
	[tilespmem:s9+$0xFFFFF020] =	vst v15;
	v18 =	vpop (erf)  }
0x14d: {  	v15 =	vand.u32 $0x7FFFFFFF, v27;
	v16 =	vsub.f32 $1.000000000e+00, v16;
	[tilespmem:s9+$0xFFFFF030] =	vst v1;
	v1 =	vand.u32 $0x7FFFFFFF, v19;
	v26 =	vpop (erf)  }
0x14e: {  	v19 =	vsub.f32 $1.000000000e+00, v20;
	v22 =	vsel vm4, v22, v18;
	v5 =	vmul.f32 v18, v5;
	v23 =	vpop (erf)  }
0x14f: {  	v6 =	vmul.f32 v18, v6;
	v13 =	vmul.f32 v26, v13;
	v18 =	vnsel vm2, $0x0, v23  }
0x150: {  	v25 =	vmul.f32 v23, v25;
	v11 =	vmul.f32 v23, v11;
	v23 =	vadd.f32 $-5.000000000e+00, v44;
	[tilespmem:s9+$0xFFFFF040] =	vst v5  }
0x151: {  	v17 =	vmax.f32 v17, $0.0e+00;
	v1 =	vsub.f32 $1.000000000e+00, v1;
	v14 =	vmul.f32 v26, v14;
	[tilespmem:s9+$0xFFFFF050] =	vst v6  }
0x152: {  	s19 =	simm.s32 $0x0;
	v16 =	vmax.f32 v16, $0.0e+00;
	v19 =	vmax.f32 v19, $0.0e+00;
	[tilespmem:s9+$0xFFFFF060] =	vst v13;
	v21 =	vand.u32 $0x7FFFFFFF, v23  }
0x153: {  	s29 =	sand.u32 $0xC, s19;
	v38 =	vsel vm5, v22, v26;
	v5 =	vsub.f32 $1.000000000e+00, v15;
	[tilespmem:s9+$0xFFFFF070] =	vst v14;
	v15 =	vsub.f32 $1.000000000e+00, v21  }
0x154: {  	v26 =	vmov s29;
	v52 =	vpop (erf);
	v6 =	vsub.f32 $1.000000000e+00, v44;
	v1 =	vmax.f32 v1, $0.0e+00;
	v21 =	vld [tilespmem:s10+$0x20]  }
0x155: {  	v18 =	vsel vm3, v18, v52;
	v10 =	vmul.f32 v52, v10;
	v12 =	vmul.f32 v52, v12;
	v14 =	vpop (erf)  }
0x156: {  	v5 =	vmax.f32 v5, $0.0e+00;
	[tilespmem:s9+$0xFFFFF080] =	vst v25;
	v7 =	vmul.f32 v14, v7;
	v20 =	vmax.f32 v15, $0.0e+00  }
0x157: {  	v6 =	vmax.f32 v6, $0.0e+00;
	[tilespmem:s9+$0xFFFFF090] =	vst v11;
	v8 =	vmul.f32 v14, v8;
	v20 =	vmul.f32 v20, v37;
	v15 =	vpop (erf)  }
0x158: {  	[tilespmem:s9+$0xFFFFF0A0] =	vst v10;
	v18 =	vsel vm4, v18, v14;
	v14 =	vpop (erf);
	v9 =	vmul.f32 v15, v9;
	v11 =	vmul.f32 v15, v24  }
0x159: {  	[tilespmem:s9+$0xFFFFF0B0] =	vst v12;
	v21 =	vperm.xlane v21, v26;
	v26 =	vmul.f32 v16, v37;
	v22 =	vnsel vm2, $0x0, v14  }
0x15a: {  	[tilespmem:s9+$0xFFFFF0C0] =	vst v7;
	v39 =	vsel vm5, v18, v15;
	v10 =	vpop (erf);
	v23 =	vmul.f32 v14, v29;
	v24 =	vmul.f32 v14, v30  }
0x15b: {  	[tilespmem:s9+$0xFFFFF0D0] =	vst v8;
	v29 =	vmul.f32 v19, v37;
	v30 =	vmul.f32 v1, v37;
	v14 =	vsel vm3, v22, v10  }
0x15c: {  	s30 =	simm.s32 $0x1;
	v25 =	vmul.f32 v10, v31;
	v10 =	vmul.f32 v10, v32;
	[tilespmem:s9+$0xFFFFF0E0] =	vst v9;
	v9 =	vand.u32 $0x7, v21;
	v22 =	vpop (erf)  }
0x15d: {  	s20 =	simm.s32 $0x2;
	s18 =	sand.u32 $0xD, s30;
	[tilespmem:s9+$0xFFFFF0F0] =	vst v11;
	v11 =	vmul.f32 v17, v37;
	v19 =	vcvt.s32.f32 v9;
	v7 =	vsel vm4, v14, v22;
	v27 =	vpop (erf)  }
0x15e: {  	s31 =	sand.u32 $0xE, s20;
	v17 =	vmul.f32 v5, v37;
	v5 =	vmov s18;
	[tilespmem:s9+$0xFFFFF100] =	vst v23;
	v40 =	vsel vm5, v7, v27;
	v7 =	vld [tilespmem:s10+$0x20]  }
0x15f: {  	v31 =	vmul.f32 v6, v37;
	[tilespmem:s9+$0xFFFFF110] =	vst v24;
	v9 =	vmov s31;
	v16 =	vadd.f32 $-1.000000000e+00, v19  }
0x160: {  	[tilespmem:s9+$0xFFFFF120] =	vst v25;
	v12 =	vmul.f32 v22, v33;
	v21 =	vadd.f32 $-2.000000000e+00, v19;
	v1 =	vadd.f32 $-3.000000000e+00, v19  }
0x161: {  	[tilespmem:s9+$0xFFFFF130] =	vst v10;
	v22 =	vmul.f32 v22, v34;
	v23 =	vadd.f32 $-4.000000000e+00, v19;
	v24 =	vadd.f32 $-6.000000000e+00, v19  }
0x162: {  	v8 =	vmul.f32 v27, v35;
	v18 =	vmul.f32 v27, v36;
	v10 =	vand.u32 $0x7FFFFFFF, v16;
	[tilespmem:s9+$0xFFFFF140] =	vst v12  }
0x163: {  	v16 =	vadd.f32 $-5.000000000e+00, v19;
	v12 =	vand.u32 $0x7FFFFFFF, v21;
	[tilespmem:s9+$0xFFFFF150] =	vst v22;
	v5 =	vperm.xlane v7, v5  }
0x164: {  	v21 =	vadd.f32 $-7.000000000e+00, v19;
	v1 =	vand.u32 $0x7FFFFFFF, v1;
	[tilespmem:s9+$0xFFFFF160] =	vst v8;
	v8 =	vsub.f32 $1.000000000e+00, v10  }
0x165: {  	[tilespmem:s9+$0xFFFFF170] =	vst v18;
	v10 =	vsub.f32 $1.000000000e+00, v12;
	v1 =	vsub.f32 $1.000000000e+00, v1;
	v5 =	vand.u32 $0x7, v5  }
0x166: {  	v22 =	vand.u32 $0x7FFFFFFF, v16;
	v21 =	vand.u32 $0x7FFFFFFF, v21;
	v16 =	vcvt.s32.f32 v5;
	v5 =	vld [tilespmem:s10+$0x20]  }
0x167: {  	v25 =	vmax.f32 v10, $0.0e+00;
	v22 =	vsub.f32 $1.000000000e+00, v22;
	v7 =	vand.u32 $0x7FFFFFFF, v23  }
0x168: {  	[tilespmem:s9+$0x190] =	vst v26;
	v26 =	vsub.f32 $1.000000000e+00, v21;
	v23 =	vand.u32 $0x7FFFFFFF, v24;
	v12 =	vsub.f32 $1.000000000e+00, v7  }
0x169: {  	v1 =	vmax.f32 v1, $0.0e+00;
	v23 =	vsub.f32 $1.000000000e+00, v23;
	v6 =	vadd.f32 $-1.000000000e+00, v16  }
0x16a: {  	v24 =	vmax.f32 v8, $0.0e+00;
	v7 =	vadd.f32 $-2.000000000e+00, v16;
	v8 =	vadd.f32 $-3.000000000e+00, v16  }
0x16b: {  	v10 =	vadd.f32 $-4.000000000e+00, v16;
	v18 =	vadd.f32 $-5.000000000e+00, v16;
	v5 =	vperm.xlane v5, v9  }
0x16c: {  	v27 =	vadd.f32 $-6.000000000e+00, v16;
	v6 =	vand.u32 $0x7FFFFFFF, v6;
	v54 =	vand.u32 $0x7FFFFFFF, v7  }
0x16d: {  	v7 =	vadd.f32 $-7.000000000e+00, v16;
	v56 =	vand.u32 $0x7FFFFFFF, v8;
	v5 =	vand.u32 $0x7, v5  }
0x16e: {  	[tilespmem:s9+$0x1F0] =	vst v0;
	v10 =	vand.u32 $0x7FFFFFFF, v10;
	v8 =	vand.u32 $0x7FFFFFFF, v27;
	v0 =	vcvt.s32.f32 v5  }
0x16f: {  	[tilespmem:s9+$0x1E0] =	vst v30;
	v9 =	vand.u32 $0x7FFFFFFF, v18;
	v18 =	vsub.f32 $1.000000000e+00, v6;
	v30 =	vsub.f32 $1.000000000e+00, v54  }
0x170: {  	v5 =	vmax.f32 v12, $0.0e+00;
	v12 =	vadd.f32 $-1.000000000e+00, v0;
	v27 =	vadd.f32 $-2.000000000e+00, v0  }
0x171: {  	[tilespmem:s9+$0x1B0] =	vst v11;
	v6 =	vmax.f32 v22, $0.0e+00;
	v11 =	vadd.f32 $-3.000000000e+00, v0;
	v22 =	vadd.f32 $-4.000000000e+00, v0  }
0x172: {  	[tilespmem:s9+$0x1A0] =	vst v29;
	v7 =	vand.u32 $0x7FFFFFFF, v7;
	v29 =	vadd.f32 $-6.000000000e+00, v0;
	v58 =	vadd.f32 $-7.000000000e+00, v0  }
0x173: {  	[tilespmem:s9+$0x1D0] =	vst v20;
	v21 =	vand.u32 $0x7FFFFFFF, v12;
	v12 =	vadd.f32 $-5.000000000e+00, v0;
	v27 =	vand.u32 $0x7FFFFFFF, v27  }
0x174: {  	[tilespmem:s9+$0x1C0] =	vst v17;
	v20 =	vand.u32 $0x7FFFFFFF, v11;
	v22 =	vand.u32 $0x7FFFFFFF, v22;
	v11 =	vand.u32 $0x7FFFFFFF, v29  }
0x175: {  	s20 =	simm.s32 $0x5200;
	s18 =	simm.s32 $0x500;
	[tilespmem:s9+$0x180] =	vst v31;
	s10 =	simm.s32 $0x0;
	v29 =	vsub.f32 $1.000000000e+00, v56;
	v17 =	vand.u32 $0x7FFFFFFF, v12;
	v12 =	vand.u32 $0x7FFFFFFF, v58  }
.LBB2_5:
0x176: {  	v49 =	vld [tilespmem:s18+$0x80];
	v10 =	vsub.f32 $1.000000000e+00, v10;
	v9 =	vsub.f32 $1.000000000e+00, v9  }
0x177: {  	v48 =	vld [tilespmem:s18+$0x90];
	v8 =	vsub.f32 $1.000000000e+00, v8;
	v7 =	vsub.f32 $1.000000000e+00, v7  }
0x178: {  	v23 =	vmax.f32 v23, $0.0e+00;
	v37 =	vld [tilespmem:s18+$0xA0];
	v27 =	vsub.f32 $1.000000000e+00, v27;
	v20 =	vsub.f32 $1.000000000e+00, v20  }
0x179: {  	v13 =	vld [tilespmem:s18+$0xB0];
	v22 =	vsub.f32 $1.000000000e+00, v22;
	v17 =	vsub.f32 $1.000000000e+00, v17;
	v1 =	vmul.f32 v1, v38  }
0x17a: {  	v18 =	vmax.f32 v18, $0.0e+00;
	v14 =	vld [tilespmem:s18+$0xC0];
	v11 =	vsub.f32 $1.000000000e+00, v11;
	v0 =	vsub.f32 $1.000000000e+00, v0  }
0x17b: {  	v28 =	vld [tilespmem:s18+$0xD0];
	v31 =	vsub.f32 $1.000000000e+00, v19;
	v12 =	vsub.f32 $1.000000000e+00, v12;
	v2 =	vmax.f32 v20, $0.0e+00;
	[tilespmem:s9+$0x30] =	vst v1  }
0x17c: {  	v15 =	vld [tilespmem:s18+$0xE0];
	v16 =	vsub.f32 $1.000000000e+00, v16;
	v18 =	vmul.f32 v18, v39;
	v0 =	vmax.f32 v0, $0.0e+00;
	[tilespmem:$0x1FE90] =	vst v2  }
0x17d: {  	v19 =	vld [tilespmem:s18+$0xF0];
	s8 =	sadd.s32 $0x200, s8;
	v5 =	vmul.f32 v5, v38;
	v6 =	vmul.f32 v6, v38;
	v26 =	vmax.f32 v26, $0.0e+00;
	[tilespmem:$0x1FF20] =	vst v0  }
0x17e: {  	v30 =	vmax.f32 v30, $0.0e+00;
	v29 =	vmax.f32 v29, $0.0e+00;
	v33 =	vld [tilespmem:s8+$0x90];
	v2 =	vmax.f32 v22, $0.0e+00;
	[tilespmem:s9+$0x90] =	vst v18  }
0x17f: {  	v35 =	vld [tilespmem:s8+$0xF0];
	v10 =	vmax.f32 v10, $0.0e+00;
	v9 =	vmax.f32 v9, $0.0e+00;
	[tilespmem:$0x1FEA0] =	vst v2;
	v2 =	vmax.f32 v17, $0.0e+00  }
0x180: {  	v8 =	vmax.f32 v8, $0.0e+00;
	v7 =	vmax.f32 v7, $0.0e+00;
	v0 =	vld [tilespmem:s8+$0xB0];
	[tilespmem:$0x1FEB0] =	vst v2;
	v2 =	vmax.f32 v11, $0.0e+00  }
0x181: {  	v32 =	vld [tilespmem:s8+$0x80];
	v27 =	vmax.f32 v27, $0.0e+00;
	v1 =	vmul.f32 v30, v39;
	[tilespmem:$0x1FEC0] =	vst v2;
	v2 =	vmax.f32 v12, $0.0e+00  }
0x182: {  	v34 =	vld [tilespmem:s8+$0xD0];
	v36 =	vmul.f32 v29, v39;
	v12 =	vmul.f32 v24, v38;
	[tilespmem:$0x1FED0] =	vst v2;
	v2 =	vmax.f32 v31, $0.0e+00  }
0x183: {  	v9 =	vmul.f32 v9, v39;
	v7 =	vmul.f32 v7, v39;
	v11 =	vld [tilespmem:s8+$0xA0];
	v41 =	vadd.f32 v33, v48;
	[tilespmem:$0x1FEE0] =	vst v2  }
0x184: {  	v42 =	vadd.f32 v35, v19;
	v31 =	vld [tilespmem:s8+$0xC0];
	v2 =	vmax.f32 v16, $0.0e+00;
	v16 =	vmul.f32 v25, v38;
	[tilespmem:s9+$0x10] =	vst v12  }
0x185: {  	v18 =	vmul.f32 v27, v40;
	v12 =	vmul.f32 v23, v38;
	v23 =	vld [tilespmem:s8+$0xE0];
	v0 =	vadd.f32 v0, v13;
	[tilespmem:$0x1FF00] =	vst v2  }
0x186: {  	vm5 =	vge.f32 v41, $0.0e+00;
	v27 =	vmul.f32 $2.000000030e-01, v41;
	vm7 =	vge.f32 v42, $0.0e+00;
	[tilespmem:s9+$0x20] =	vst v16  }
0x187: {  	v16 =	vmul.f32 v26, v38;
	vm1 =	vge.f32 v0, $0.0e+00;
	v44 =	vmul.f32 $2.000000030e-01, v0;
	v2 =	vld [tilespmem:s18+$0xFFFFFF00];
	[tilespmem:s9+$0x40] =	vst v5  }
0x188: {  	v5 =	vmul.f32 v10, v39;
	v10 =	vadd.f32 v32, v49;
	v3 =	vld [tilespmem:s18+$0xFFFFFF10];
	[tilespmem:s9+$0x50] =	vst v6;
	v6 =	vmul.f32 v8, v39  }
0x189: {  	[tilespmem:s9+$0xA0] =	vst v1;
	v8 =	vadd.f32 v11, v37;
	v11 =	vadd.f32 v31, v14;
	v0 =	vsel vm1, v0, v44  }
0x18a: {  	v4 =	vld [tilespmem:s18+$0xFFFFFF20];
	[tilespmem:s9+$0x60] =	vst v12;
	v12 =	vadd.f32 v34, v28;
	v23 =	vadd.f32 v23, v15;
	v1 =	vmul.f32 $2.000000030e-01, v10  }
0x18b: {  	[tilespmem:$0x1FCA0] =	vst v13;
	v35 =	vld [tilespmem:$0x1FF90];
	vm4 =	vge.f32 v10, $0.0e+00;
	v0 =	vmul.f32 v0, v46;
	v43 =	vmul.f32 $2.000000030e-01, v8  }
0x18c: {  	v13 =	vld [tilespmem:s18+$0xFFFFFF30];
	[tilespmem:s9+$0x70] =	vst v16;
	vm0 =	vge.f32 v8, $0.0e+00;
	vm2 =	vge.f32 v11, $0.0e+00;
	v45 =	vmul.f32 $2.000000030e-01, v11  }
0x18d: {  	[tilespmem:s9+$0xC0] =	vst v5;
	vm6 =	vge.f32 v12, $0.0e+00;
	v5 =	vld [tilespmem:s8+$0xFFFFFF00];
	v51 =	vmul.f32 $2.000000030e-01, v23;
	v8 =	vsel vm0, v8, v43  }
0x18e: {  	v1 =	vsel vm4, v10, v1;
	v10 =	vsel vm5, v41, v27;
	v8 =	vmul.f32 v8, v59  }
0x18f: {  	vm3 =	vge.f32 v23, $0.0e+00;
	v1 =	vmul.f32 v1, v60;
	v10 =	vmul.f32 v10, v61  }
0x190: {  	[tilespmem:s9+$0xB0] =	vst v36;
	v36 =	vld [tilespmem:$0x1FFA0];
	v47 =	vmul.f32 $2.000000030e-01, v12;
	v27 =	vmul.f32 $2.000000030e-01, v42;
	v0 =	vadd.f32 v0, v8  }
0x191: {  	[tilespmem:s9+$0xF0] =	vst v7;
	v7 =	vld [tilespmem:s8+$0xFFFFFF30];
	v11 =	vsel vm2, v11, v45;
	v23 =	vsel vm3, v23, v51;
	v1 =	vadd.f32 v10, v1  }
0x192: {  	[tilespmem:s9+$0xD0] =	vst v9;
	v9 =	vld [tilespmem:s8+$0xFFFFFF10];
	v56 =	vadd.f32 v5, v2;
	v5 =	vmul.f32 v23, v35;
	v23 =	vperm.xlane v0, v62  }
0x193: {  	v12 =	vsel vm6, v12, v47;
	v11 =	vmul.f32 v11, v53;
	v53 =	vperm.xlane v1, v62  }
0x194: {  	[tilespmem:s9+$0xE0] =	vst v6;
	v6 =	vld [tilespmem:s8+$0xFFFFFF20];
	v27 =	vsel vm7, v42, v27;
	v8 =	vmul.f32 v12, v57;
	v0 =	vadd.f32 v23, v0  }
0x195: {  	v21 =	vsub.f32 $1.000000000e+00, v21;
	v12 =	vmul.f32 v27, v36;
	v1 =	vadd.f32 v53, v1  }
0x196: {  	[tilespmem:$0x1FCD0] =	vst v15;
	v15 =	vld [tilespmem:s18+$0xFFFFFF50];
	v60 =	vadd.f32 v7, v13;
	v8 =	vadd.f32 v8, v11;
	v7 =	vperm.xlane v0, v63  }
0x197: {  	[tilespmem:s9+$0x120] =	vst v18;
	v18 =	vld [tilespmem:s8+$0xFFFFFF50];
	v58 =	vadd.f32 v9, v3;
	v5 =	vadd.f32 v12, v5;
	v9 =	vperm.xlane v1, v63  }
0x198: {  	v21 =	vmax.f32 v21, $0.0e+00;
	v11 =	vperm.xlane v8, v62;
	v7 =	vadd.f32 v7, v0;
	v0 =	vld [tilespmem:$0x1FFC0]  }
0x199: {  	v59 =	vadd.f32 v6, v4;
	v6 =	vperm.xlane v5, v62;
	v1 =	vadd.f32 v9, v1  }
0x19a: {  	v21 =	vmul.f32 v21, v40;
	v8 =	vadd.f32 v11, v8  }
0x19b: {  	v9 =	vadd.f32 v6, v5;
	v5 =	vperm.xlane v1, v55  }
0x19c: {  	[tilespmem:s9+$0x110] =	vst v21;
	v6 =	vperm.xlane v8, v63;
	v63 =	vadd.f32 v18, v15  }
0x19d: {  	[tilespmem:$0x1FEF0] =	vst v38;
	v38 =	vld [tilespmem:s18+$0x60];
	v18 =	vperm.xlane v7, v55;
	v1 =	vadd.f32 v5, v1;
	v11 =	vperm.xlane v9, v0  }
0x19e: {  	[tilespmem:$0x1FC90] =	vst v37;
	v37 =	vmov v40;
	v40 =	vld [tilespmem:s18+$0x0]  }
0x19f: {  	[tilespmem:$0x1FCB0] =	vst v14;
	v14 =	vld [tilespmem:s18+$0xFFFFFF40];
	v18 =	vadd.f32 v18, v7;
	v11 =	vadd.f32 v11, v9;
	v9 =	vperm.xlane v1, v50  }
0x1a0: {  	v16 =	vld [tilespmem:s18+$0xFFFFFF60]  }
0x1a1: {  	v17 =	vld [tilespmem:s18+$0xFFFFFF70];
	v41 =	vperm.xlane v18, v50;
	v1 =	vadd.f32 v9, v1  }
0x1a2: {  	v21 =	vld [tilespmem:s8+$0xFFFFFF40]  }
0x1a3: {  	v52 =	vld [tilespmem:s8+$0xFFFFFF70];
	v18 =	vadd.f32 v41, v18;
	v1 =	vmul.f32 $1.442695020e+00, v1  }
0x1a4: {  	[tilespmem:$0x1FCE0] =	vst v19;
	v19 =	vld [tilespmem:s18+$0xFFFFFF90]  }
0x1a5: {  	v22 =	vld [tilespmem:s18+$0xFFFFFFB0];
	v8 =	vadd.f32 v6, v8;
	v18 =	vmul.f32 $1.442695020e+00, v18;
	(erf) = vpow2.f32 v1  }
0x1a6: {  	[tilespmem:$0x1FF10] =	vst v39;
	v25 =	vld [tilespmem:s18+$0xFFFFFFF0]  }
0x1a7: {  	[tilespmem:$0x1FCC0] =	vst v28;
	v44 =	vld [tilespmem:s8+$0xFFFFFFD0];
	v27 =	vperm.xlane v8, v55;
	(erf) = vpow2.f32 v18  }
0x1a8: {  	[tilespmem:$0x1FD90] =	vst v2;
	v45 =	vld [tilespmem:s8+$0xFFFFFFE0]  }
0x1a9: {  	[tilespmem:$0x1FDA0] =	vst v3;
	v42 =	vld [tilespmem:s8+$0xFFFFFFC0];
	v27 =	vadd.f32 v27, v8  }
0x1aa: {  	[tilespmem:$0x1FDB0] =	vst v4;
	v3 =	vld [tilespmem:s18+$0xFFFFFFA0]  }
0x1ab: {  	[tilespmem:$0x1FDC0] =	vst v13;
	v61 =	vadd.f32 v21, v14;
	v21 =	vld [tilespmem:s8+$0xFFFFFFA0];
	v43 =	vperm.xlane v27, v50  }
0x1ac: {  	[tilespmem:$0x1FDD0] =	vst v14;
	v55 =	vperm.xlane v11, v55;
	v1 =	vld [tilespmem:$0x1FC90]  }
0x1ad: {  	v47 =	vld [tilespmem:s8+$0xFFFFFFF0];
	[tilespmem:$0x1FDE0] =	vst v15;
	v28 =	vadd.f32 v43, v27  }
0x1ae: {  	v10 =	vld [tilespmem:s8+$0xFFFFFF60];
	[tilespmem:$0x1FDF0] =	vst v16;
	vm0 =	vge.f32 v56, $0.0e+00;
	v0 =	vimm.s32 $0x0;
	v57 =	vadd.f32 v55, v11;
	v62 =	vpop (erf)  }
0x1af: {  	[tilespmem:$0x1FE00] =	vst v17;
	v2 =	vld [tilespmem:s18+$0xFFFFFF80];
	v0 =	vsel vm0, $0xFFFFFFFF, v0;
	v28 =	vmul.f32 $1.442695020e+00, v28;
	v49 =	vmul.f32 v62, v49  }
0x1b0: {  	s9 =	sadd.s32 $0x200, s9;
	v4 =	vld [tilespmem:s18+$0xFFFFFFC0];
	vm0 =	vge.f32 v58, $0.0e+00;
	[tilespmem:$0x1FD00] =	vst v0;
	v11 =	vadd.f32 v21, v3;
	v21 =	vperm.xlane v57, v50;
	v6 =	vpop (erf)  }
0x1b1: {  	v0 =	vimm.s32 $0x0;
	(erf) = vpow2.f32 v28;
	[tilespmem:s9+$0xFFFFF180] =	vst v49;
	v49 =	vmul.f32 v6, v1;
	v1 =	vld [tilespmem:$0x1FCA0]  }
0x1b2: {  	[tilespmem:$0x1FE20] =	vst v19;
	v13 =	vld [tilespmem:s18+$0xFFFFFFD0];
	v0 =	vsel vm0, $0xFFFFFFFF, v0  }
0x1b3: {  	v12 =	vld [tilespmem:s8+$0xFFFFFF90];
	vm0 =	vge.f32 v59, $0.0e+00;
	[tilespmem:$0x1FD10] =	vst v0;
	v0 =	vimm.s32 $0x0;
	v46 =	vadd.f32 v21, v57  }
0x1b4: {  	[tilespmem:$0x1FE40] =	vst v22;
	v24 =	vadd.f32 v10, v16;
	v10 =	vld [tilespmem:s8+$0xFFFFFF80];
	v0 =	vsel vm0, $0xFFFFFFFF, v0;
	v48 =	vmul.f32 v62, v48  }
0x1b5: {  	v23 =	vld [tilespmem:s8+$0xFFFFFFB0];
	[tilespmem:$0x1FD20] =	vst v0;
	v46 =	vmul.f32 $1.442695020e+00, v46  }
0x1b6: {  	vm0 =	vge.f32 v60, $0.0e+00;
	v0 =	vimm.s32 $0x0;
	[tilespmem:s9+$0xFFFFF190] =	vst v48;
	v48 =	vmul.f32 v6, v1;
	v1 =	vld [tilespmem:$0x1FCB0]  }
0x1b7: {  	v14 =	vld [tilespmem:s18+$0xFFFFFFE0];
	[tilespmem:$0x1FE80] =	vst v25;
	v0 =	vsel vm0, $0xFFFFFFFF, v0;
	(erf) = vpow2.f32 v46  }
0x1b8: {  	v20 =	vadd.f32 v52, v17;
	v52 =	vld [tilespmem:s8+$0x20];
	vm0 =	vge.f32 v61, $0.0e+00;
	[tilespmem:$0x1FD30] =	vst v0;
	v0 =	vimm.s32 $0x0  }
0x1b9: {  	[tilespmem:$0x1FE10] =	vst v2;
	v15 =	vld [tilespmem:s8+$0x40];
	v16 =	vadd.f32 v10, v2;
	v10 =	vadd.f32 v12, v19;
	v0 =	vsel vm0, $0xFFFFFFFF, v0  }
0x1ba: {  	v12 =	vadd.f32 v23, v22;
	v23 =	vadd.f32 v47, v25;
	v47 =	vld [tilespmem:s18+$0x70];
	[tilespmem:$0x1FD40] =	vst v0;
	v5 =	vpop (erf)  }
0x1bb: {  	vm0 =	vge.f32 v63, $0.0e+00;
	v0 =	vimm.s32 $0x0;
	[tilespmem:s9+$0xFFFFF1A0] =	vst v49;
	v49 =	vmul.f32 v5, v1;
	v1 =	vld [tilespmem:$0x1FCC0]  }
0x1bc: {  	[tilespmem:$0x1FE30] =	vst v3;
	v7 =	vld [tilespmem:$0x1FCD0];
	v0 =	vsel vm0, $0xFFFFFFFF, v0  }
0x1bd: {  	v2 =	vld [tilespmem:s8+$0x70];
	vm0 =	vge.f32 v24, $0.0e+00;
	[tilespmem:$0x1FD50] =	vst v0;
	v0 =	vimm.s32 $0x0  }
0x1be: {  	[tilespmem:$0x1FE50] =	vst v4;
	v8 =	vadd.f32 v42, v4;
	v42 =	vld [tilespmem:s18+$0x20];
	v0 =	vsel vm0, $0xFFFFFFFF, v0  }
0x1bf: {  	v4 =	vld [tilespmem:s8+$0x10];
	[tilespmem:$0x1FD60] =	vst v0  }
0x1c0: {  	v41 =	vld [tilespmem:s18+$0x10];
	[tilespmem:s9+$0xFFFFF1B0] =	vst v48;
	v48 =	vmul.f32 v5, v1;
	v1 =	vpop (erf)  }
0x1c1: {  	vm0 =	vge.f32 v20, $0.0e+00;
	v0 =	vimm.s32 $0x0;
	[tilespmem:s9+$0xFFFFF1C0] =	vst v49;
	v49 =	vmul.f32 v1, v7;
	v7 =	vld [tilespmem:$0x1FCE0]  }
0x1c2: {  	[tilespmem:$0x1FE60] =	vst v13;
	v43 =	vld [tilespmem:s18+$0x30];
	v0 =	vsel vm0, $0xFFFFFFFF, v0  }
0x1c3: {  	v55 =	vld [tilespmem:s8+$0x0];
	vm0 =	vge.f32 v10, $0.0e+00;
	[tilespmem:$0x1FD70] =	vst v0;
	v0 =	vimm.s32 $0x0  }
0x1c4: {  	[tilespmem:$0x1FE70] =	vst v14;
	v3 =	vld [tilespmem:s8+$0x60];
	v0 =	vsel vm0, $0xFFFFFFFF, v0  }
0x1c5: {  	v18 =	vadd.f32 v45, v14;
	v45 =	vld [tilespmem:s18+$0x50];
	[tilespmem:$0x1FD80] =	vst v0  }
0x1c6: {  	s10 =	sadd.s32 $0x10, s10;
	v14 =	vld [tilespmem:s8+$0x30];
	[tilespmem:s9+$0xFFFFF1D0] =	vst v48;
	v48 =	vmul.f32 v1, v7  }
0x1c7: {  	s30 =	sand.u32 $0x40, s10;
	v21 =	vadd.f32 v44, v13;
	v44 =	vld [tilespmem:s18+$0x40];
	[tilespmem:s9+$0xFFFFF1E0] =	vst v49  }
0x1c8: {  	s30 =	sshrl.u32 s30, $0x2;
	v0 =	vld [tilespmem:s8+$0x50];
	[tilespmem:s9+$0xFFFFF1F0] =	vst v48  }
0x1c9: {  	v34 =	vmul.f32 $2.000000030e-01, v56;
	v33 =	vmul.f32 $2.000000030e-01, v58;
	v49 =	vld [tilespmem:s30+$0x20];
	[tilespmem:$0x1FCF0] =	vst v1  }
0x1ca: {  	v32 =	vmul.f32 $2.000000030e-01, v59;
	v31 =	vmul.f32 $2.000000030e-01, v60;
	v1 =	vld [tilespmem:$0x1FD00]  }
0x1cb: {  	v30 =	vmul.f32 $2.000000030e-01, v61;
	v29 =	vmul.f32 $2.000000030e-01, v63  }
0x1cc: {  	v53 =	vmul.f32 $2.000000030e-01, v16;
	v51 =	vmul.f32 $2.000000030e-01, v10  }
0x1cd: {  	v54 =	vmul.f32 $2.000000030e-01, v12;
	v39 =	vmul.f32 $2.000000030e-01, v23  }
0x1ce: {  	vm13 =	vge.f32 v16, $0.0e+00;
	vm15 =	vge.f32 v12, $0.0e+00;
	vm5 =	vge.f32 v23, $0.0e+00  }
0x1cf: {  	v16 =	vsel vm13, v16, v53;
	v12 =	vsel vm15, v12, v54;
	vm12 =	vnez.u8 v1;
	v1 =	vld [tilespmem:$0x1FCF0]  }
0x1d0: {  	v23 =	vsel vm5, v23, v39;
	v2 =	vadd.f32 v2, v47;
	v34 =	vsel vm12, v56, v34;
	v56 =	vld [tilespmem:$0x1FD10]  }
0x1d1: {  	vm5 =	vcmask $0xB10;
	v27 =	vmul.f32 $2.000000030e-01, v8;
	v52 =	vadd.f32 v52, v42  }
0x1d2: {  	vm11 =	vge.f32 v8, $0.0e+00;
	vm10 =	vge.f32 v2, $0.0e+00;
	v4 =	vadd.f32 v4, v41  }
0x1d3: {  	v8 =	vsel vm11, v8, v27;
	v50 =	vmul.f32 $2.000000030e-01, v20;
	v19 =	vmul.f32 $2.000000030e-01, v52  }
0x1d4: {  	vm14 =	vge.f32 v11, $0.0e+00;
	v57 =	vmul.f32 $2.000000030e-01, v24;
	v22 =	vmul.f32 $2.000000030e-01, v4  }
0x1d5: {  	vm3 =	vge.f32 v4, $0.0e+00;
	v26 =	vmul.f32 $2.000000030e-01, v18;
	vm12 =	vnez.u8 v56  }
0x1d6: {  	v55 =	vadd.f32 v55, v40;
	v3 =	vadd.f32 v3, v38;
	v33 =	vsel vm12, v58, v33;
	v58 =	vld [tilespmem:$0x1FD20]  }
0x1d7: {  	vm4 =	vge.f32 v18, $0.0e+00;
	v28 =	vmul.f32 $2.000000030e-01, v21;
	vm9 =	vge.f32 v21, $0.0e+00  }
0x1d8: {  	v4 =	vsel vm3, v4, v22;
	vm3 =	vcmask $0x310;
	v25 =	vmul.f32 $2.000000030e-01, v55  }
0x1d9: {  	vm2 =	vge.f32 v55, $0.0e+00;
	vm7 =	vge.f32 v3, $0.0e+00;
	v18 =	vsel vm4, v18, v26  }
0x1da: {  	s31 =	sadd.s32 $0x7, s19;
	vm4 =	vcmask $0x710;
	v46 =	vmul.f32 $2.000000030e-01, v11;
	v14 =	vadd.f32 v14, v43  }
0x1db: {  	v21 =	vsel vm9, v21, v28;
	v56 =	vmov s31;
	vm12 =	vnez.u8 v58;
	v58 =	vld [tilespmem:$0x1FD30]  }
0x1dc: {  	v18 =	vmul.f32 v18, v35;
	v15 =	vadd.f32 v15, v44;
	v49 =	vperm.xlane v49, v56;
	v56 =	vld [tilespmem:$0x1FD40]  }
0x1dd: {  	v25 =	vsel vm2, v55, v25;
	v17 =	vmul.f32 $2.000000030e-01, v14;
	vm1 =	vge.f32 v14, $0.0e+00  }
0x1de: {  	v11 =	vsel vm14, v11, v46;
	v13 =	vmul.f32 $2.000000030e-01, v15;
	v0 =	vadd.f32 v0, v45  }
0x1df: {  	vm0 =	vge.f32 v52, $0.0e+00;
	vm6 =	vge.f32 v15, $0.0e+00;
	v14 =	vsel vm1, v14, v17;
	v27 =	vld [tilespmem:$0x1FFF0]  }
0x1e0: {  	v9 =	vmul.f32 $2.000000030e-01, v0;
	v46 =	vld [tilespmem:$0x1FF60];
	v32 =	vsel vm12, v59, v32;
	vm12 =	vnez.u8 v58  }
0x1e1: {  	v48 =	vmul.f32 $2.000000030e-01, v3;
	v31 =	vsel vm12, v60, v31;
	vm12 =	vnez.u8 v56;
	v56 =	vld [tilespmem:$0x1FD50]  }
0x1e2: {  	v13 =	vsel vm6, v15, v13;
	vm8 =	vge.f32 v0, $0.0e+00;
	v49 =	vand.u32 $0x7, v49  }
0x1e3: {  	v9 =	vsel vm8, v0, v9;
	v3 =	vsel vm7, v3, v48;
	v53 =	vld [tilespmem:$0x1FF70];
	v49 =	vcvt.s32.f32 v49  }
0x1e4: {  	v7 =	vmul.f32 $2.000000030e-01, v2;
	v3 =	vmul.f32 v3, v35;
	vm2 =	vnez.u8 v27  }
0x1e5: {  	v12 =	vmul.f32 v12, v46;
	v17 =	vnsel vm2, $0x0, v62;
	v26 =	vadd.f32 $-7.000000000e+00, v49;
	v59 =	vld [tilespmem:$0x1FF50]  }
0x1e6: {  	v6 =	vsel vm3, v17, v6;
	v30 =	vsel vm12, v61, v30;
	vm12 =	vnez.u8 v56;
	v56 =	vld [tilespmem:$0x1FD60]  }
0x1e7: {  	v0 =	vsel vm4, v6, v5;
	v5 =	vsel vm10, v2, v7;
	v22 =	vand.u32 $0x7FFFFFFF, v26;
	v60 =	vld [tilespmem:$0x1FF30]  }
0x1e8: {  	v8 =	vmul.f32 v8, v53;
	v5 =	vmul.f32 v5, v36;
	v15 =	vsub.f32 $1.000000000e+00, v22;
	v61 =	vld [tilespmem:$0x1FF40]  }
0x1e9: {  	v19 =	vsel vm0, v52, v19;
	v14 =	vmul.f32 v14, v46;
	v13 =	vmul.f32 v13, v53  }
0x1ea: {  	v3 =	vadd.f32 v5, v3;
	v58 =	vsel vm5, v0, v1;
	v1 =	vmax.f32 v15, $0.0e+00  }
0x1eb: {  	v7 =	vmul.f32 v1, v58;
	v29 =	vsel vm12, v63, v29;
	vm12 =	vnez.u8 v56;
	v56 =	vld [tilespmem:$0x1FD70]  }
0x1ec: {  	v62 =	vld [tilespmem:$0x1FFB0];
	v0 =	vadd.f32 $-1.000000000e+00, v49;
	v17 =	vmul.f32 v32, v59;
	v11 =	vmul.f32 v11, v59  }
0x1ed: {  	v6 =	vmul.f32 v34, v60;
	v15 =	vmul.f32 v33, v61;
	v24 =	vsel vm12, v24, v57;
	v57 =	vld [tilespmem:$0x1FF80]  }
0x1ee: {  	v22 =	vmul.f32 v31, v46;
	v11 =	vadd.f32 v12, v11;
	v12 =	vmul.f32 v23, v36  }
0x1ef: {  	v0 =	vand.u32 $0x7FFFFFFF, v0;
	v26 =	vmul.f32 v30, v53;
	v6 =	vadd.f32 v15, v6  }
0x1f0: {  	v0 =	vsub.f32 $1.000000000e+00, v0;
	v12 =	vadd.f32 v12, v18;
	vm12 =	vnez.u8 v56;
	v56 =	vld [tilespmem:$0x1FD80]  }
0x1f1: {  	v18 =	vperm.xlane v6, v62;
	v15 =	vmul.f32 v24, v35;
	v20 =	vsel vm12, v20, v50  }
0x1f2: {  	v17 =	vadd.f32 v22, v17;
	v9 =	vmul.f32 v9, v57;
	v20 =	vmul.f32 v20, v36  }
0x1f3: {  	v16 =	vmul.f32 v16, v60;
	v5 =	vadd.f32 v18, v6;
	v6 =	vperm.xlane v11, v62  }
0x1f4: {  	v4 =	vmul.f32 v4, v61;
	v9 =	vadd.f32 v9, v13;
	v15 =	vadd.f32 v20, v15  }
0x1f5: {  	v63 =	vld [tilespmem:$0x1FFC0];
	v6 =	vadd.f32 v6, v11;
	v20 =	vmul.f32 v25, v60;
	vm12 =	vnez.u8 v56  }
0x1f6: {  	v22 =	vperm.xlane v9, v62;
	v10 =	vsel vm12, v10, v51;
	v13 =	vperm.xlane v15, v62  }
0x1f7: {  	[tilespmem:s9+$0x1F0] =	vst v7;
	v7 =	vmul.f32 v29, v57;
	v4 =	vadd.f32 v4, v20;
	v10 =	vmul.f32 v10, v61  }
0x1f8: {  	v9 =	vadd.f32 v22, v9;
	v13 =	vadd.f32 v13, v15;
	v15 =	vperm.xlane v3, v62  }
0x1f9: {  	v7 =	vadd.f32 v7, v26;
	v10 =	vadd.f32 v10, v16;
	v16 =	vmul.f32 v21, v57  }
0x1fa: {  	v21 =	vperm.xlane v4, v62;
	v22 =	vperm.xlane v9, v63;
	v3 =	vadd.f32 v15, v3  }
0x1fb: {  	v55 =	vld [tilespmem:$0x1FFD0];
	v15 =	vperm.xlane v6, v63;
	v8 =	vadd.f32 v16, v8;
	v16 =	vmul.f32 v19, v59  }
0x1fc: {  	v19 =	vperm.xlane v7, v62;
	v4 =	vadd.f32 v21, v4;
	v9 =	vadd.f32 v22, v9  }
0x1fd: {  	v20 =	vperm.xlane v10, v62;
	v6 =	vadd.f32 v15, v6;
	v14 =	vadd.f32 v14, v16  }
0x1fe: {  	v16 =	vperm.xlane v17, v62;
	v18 =	vperm.xlane v8, v62;
	v7 =	vadd.f32 v19, v7  }
0x1ff: {  	v10 =	vadd.f32 v20, v10;
	v20 =	vperm.xlane v5, v63;
	v21 =	vperm.xlane v4, v63  }
0x200: {  	v22 =	vperm.xlane v9, v55;
	v16 =	vadd.f32 v16, v17;
	v17 =	vperm.xlane v12, v62  }
0x201: {  	v50 =	vld [tilespmem:$0x1FFE0];
	v19 =	vperm.xlane v14, v62;
	v8 =	vadd.f32 v18, v8;
	v5 =	vadd.f32 v20, v5  }
0x202: {  	v18 =	vperm.xlane v13, v63;
	v4 =	vadd.f32 v21, v4;
	v9 =	vadd.f32 v22, v9  }
0x203: {  	v11 =	vperm.xlane v16, v63;
	v12 =	vadd.f32 v17, v12;
	v17 =	vperm.xlane v7, v63  }
0x204: {  	v14 =	vadd.f32 v19, v14;
	v19 =	vperm.xlane v10, v63;
	v20 =	vperm.xlane v8, v63  }
0x205: {  	v13 =	vadd.f32 v18, v13;
	v18 =	vperm.xlane v3, v63;
	v21 =	vperm.xlane v4, v55  }
0x206: {  	v22 =	vperm.xlane v9, v50;
	v11 =	vadd.f32 v11, v16;
	v16 =	vperm.xlane v12, v63  }
0x207: {  	v7 =	vadd.f32 v17, v7;
	v17 =	vperm.xlane v14, v63;
	v10 =	vadd.f32 v19, v10  }
0x208: {  	v19 =	vperm.xlane v5, v55;
	v8 =	vadd.f32 v20, v8;
	v3 =	vadd.f32 v18, v3  }
0x209: {  	v18 =	vperm.xlane v6, v55;
	v4 =	vadd.f32 v21, v4;
	v9 =	vadd.f32 v22, v9  }
0x20a: {  	v15 =	vperm.xlane v11, v55;
	v12 =	vadd.f32 v16, v12;
	v16 =	vperm.xlane v7, v55  }
0x20b: {  	v14 =	vadd.f32 v17, v14;
	v17 =	vperm.xlane v13, v55;
	v20 =	vperm.xlane v10, v55  }
0x20c: {  	v5 =	vadd.f32 v19, v5;
	v19 =	vperm.xlane v8, v55;
	v6 =	vadd.f32 v18, v6  }
0x20d: {  	v21 =	vperm.xlane v4, v50;
	v11 =	vadd.f32 v15, v11;
	v15 =	vperm.xlane v12, v55  }
0x20e: {  	v7 =	vadd.f32 v16, v7;
	v16 =	vperm.xlane v14, v55;
	v13 =	vadd.f32 v17, v13  }
0x20f: {  	v10 =	vadd.f32 v20, v10;
	v17 =	vperm.xlane v3, v55;
	v20 =	vperm.xlane v5, v50  }
0x210: {  	v8 =	vadd.f32 v19, v8;
	v4 =	vadd.f32 v21, v4;
	v18 =	vperm.xlane v11, v50  }
0x211: {  	v12 =	vadd.f32 v15, v12;
	v15 =	vperm.xlane v7, v50;
	v14 =	vadd.f32 v16, v14  }
0x212: {  	v16 =	vperm.xlane v13, v50;
	v19 =	vperm.xlane v10, v50;
	v3 =	vadd.f32 v17, v3  }
0x213: {  	v5 =	vadd.f32 v20, v5;
	v17 =	vperm.xlane v6, v50;
	v20 =	vperm.xlane v8, v50  }
0x214: {  	v11 =	vadd.f32 v18, v11;
	v18 =	vperm.xlane v12, v50;
	v7 =	vadd.f32 v15, v7  }
0x215: {  	v15 =	vperm.xlane v14, v50;
	v13 =	vadd.f32 v16, v13;
	v5 =	vmul.f32 $1.442695020e+00, v5  }
0x216: {  	v10 =	vadd.f32 v19, v10;
	v16 =	vperm.xlane v3, v50;
	v11 =	vmul.f32 $1.442695020e+00, v11  }
0x217: {  	v6 =	vadd.f32 v17, v6;
	v7 =	vmul.f32 $1.442695020e+00, v7;
	(erf) = vpow2.f32 v5  }
0x218: {  	v8 =	vadd.f32 v20, v8;
	v13 =	vmul.f32 $1.442695020e+00, v13;
	(erf) = vpow2.f32 v11  }
0x219: {  	v12 =	vadd.f32 v18, v12;
	v10 =	vmul.f32 $1.442695020e+00, v10;
	(erf) = vpow2.f32 v7  }
0x21a: {  	v3 =	vadd.f32 v16, v3;
	v6 =	vmul.f32 $1.442695020e+00, v6;
	(erf) = vpow2.f32 v13  }
0x21b: {  	v8 =	vmul.f32 $1.442695020e+00, v8;
	v16 =	vadd.f32 $-5.000000000e+00, v49;
	(erf) = vpow2.f32 v10  }
0x21c: {  	v14 =	vadd.f32 v15, v14;
	v12 =	vmul.f32 $1.442695020e+00, v12;
	(erf) = vpow2.f32 v6  }
0x21d: {  	v4 =	vmul.f32 $1.442695020e+00, v4;
	v11 =	vand.u32 $0x7FFFFFFF, v16;
	(erf) = vpow2.f32 v8  }
0x21e: {  	v14 =	vmul.f32 $1.442695020e+00, v14;
	v10 =	vsub.f32 $1.000000000e+00, v11;
	(erf) = vpow2.f32 v12  }
0x21f: {  	v9 =	vmul.f32 $1.442695020e+00, v9;
	(erf) = vpow2.f32 v4  }
0x220: {  	v8 =	vmax.f32 v0, $0.0e+00;
	v4 =	vmax.f32 v10, $0.0e+00;
	v0 =	vpop (erf);
	v10 =	vld [tilespmem:$0x1FD90];
	(erf) = vpow2.f32 v14  }
0x221: {  	v12 =	vpop (erf);
	(erf) = vpow2.f32 v9;
	v9 =	vld [tilespmem:$0x1FDA0];
	_ =	sdelay $0x3  }
0x222: {  	v3 =	vmul.f32 $1.442695020e+00, v3  }
0x223: {  	v13 =	vnsel vm2, $0x0, v0;
	v10 =	vmul.f32 v0, v10;
	v0 =	vmul.f32 v0, v9  }
0x224: {  	v11 =	vpop (erf);
	(erf) = vpow2.f32 v3;
	v3 =	vld [tilespmem:$0x1FDB0]  }
0x225: {  	[tilespmem:s9+$0xFFFFF010] =	vst v0;
	v0 =	vld [tilespmem:$0x1FDD0];
	_ =	sdelay $0x1  }
0x226: {  	[tilespmem:s9+$0xFFFFF000] =	vst v10;
	v10 =	vld [tilespmem:$0x1FDC0];
	_ =	sdelay $0x1  }
0x227: {  	v14 =	vld [tilespmem:$0x1FE00];
	v3 =	vmul.f32 v12, v3  }
0x228: {  	v9 =	vsel vm3, v13, v12;
	v13 =	vmul.f32 v11, v0;
	v0 =	vld [tilespmem:$0x1FDE0]  }
0x229: {  	v17 =	vadd.f32 $-6.000000000e+00, v49;
	[tilespmem:s9+$0xFFFFF020] =	vst v3;
	v3 =	vld [tilespmem:$0x1FDF0]  }
0x22a: {  	v18 =	vld [tilespmem:$0x1FE40];
	v10 =	vmul.f32 v12, v10  }
0x22b: {  	v7 =	vand.u32 $0x7FFFFFFF, v17;
	v17 =	vld [tilespmem:$0x1FE20]  }
0x22c: {  	v2 =	vadd.f32 $-3.000000000e+00, v49;
	v6 =	vsub.f32 $1.000000000e+00, v49;
	[tilespmem:s9+$0xFFFFF030] =	vst v10;
	v10 =	vld [tilespmem:$0x1FE10]  }
0x22d: {  	v15 =	vadd.f32 $-4.000000000e+00, v49;
	v9 =	vsel vm4, v9, v11;
	v12 =	vpop (erf);
	[tilespmem:s9+$0xFFFFF040] =	vst v13;
	v13 =	vld [tilespmem:$0x1FE30];
	v11 =	vmul.f32 v11, v0  }
0x22e: {  	v14 =	vmul.f32 v12, v14;
	v9 =	vsel vm5, v9, v12;
	v3 =	vmul.f32 v12, v3;
	v12 =	vld [tilespmem:$0x1FE60]  }
0x22f: {  	[tilespmem:s9+$0xFFFFF050] =	vst v11;
	v11 =	vld [tilespmem:$0x1FE50]  }
0x230: {  	v2 =	vand.u32 $0x7FFFFFFF, v2;
	v19 =	vld [tilespmem:$0x1FE80];
	v5 =	vand.u32 $0x7FFFFFFF, v15;
	v0 =	vmax.f32 v6, $0.0e+00;
	v6 =	vpop (erf)  }
0x231: {  	[tilespmem:s9+$0xFFFFF060] =	vst v3;
	v3 =	vld [tilespmem:$0x1FE70];
	v15 =	vnsel vm2, $0x0, v6;
	v16 =	vpop (erf);
	v10 =	vmul.f32 v6, v10;
	v6 =	vmul.f32 v6, v17  }
0x232: {  	v15 =	vsel vm3, v15, v16;
	v17 =	vpop (erf);
	v13 =	vmul.f32 v16, v13;
	v16 =	vmul.f32 v16, v18  }
0x233: {  	v2 =	vsub.f32 $1.000000000e+00, v2;
	v18 =	vpop (erf)  }
0x234: {  	v15 =	vsel vm4, v15, v17;
	v12 =	vmul.f32 v17, v12;
	[tilespmem:s9+$0xFFFFF0B0] =	vst v16;
	v16 =	vld [tilespmem:$0x1FE90];
	v11 =	vmul.f32 v17, v11;
	v17 =	vpop (erf)  }
0x235: {  	v2 =	vmax.f32 v2, $0.0e+00;
	v1 =	vadd.f32 $-2.000000000e+00, v49;
	v21 =	vpop (erf)  }
0x236: {  	v3 =	vmul.f32 v18, v3;
	v19 =	vmul.f32 v18, v19;
	v20 =	vnsel vm2, $0x0, v17;
	v22 =	vpop (erf)  }
0x237: {  	[tilespmem:s9+$0xFFFFF090] =	vst v6;
	v6 =	vsel vm5, v15, v18;
	v20 =	vsel vm3, v20, v21;
	v24 =	vpop (erf);
	v15 =	vmul.f32 v22, v44  }
0x238: {  	v26 =	vld [tilespmem:$0x1FEC0];
	[tilespmem:s9+$0xFFFFF0A0] =	vst v13;
	v20 =	vsel vm4, v20, v22;
	v18 =	vmul.f32 v22, v45;
	v13 =	vmul.f32 v24, v38  }
0x239: {  	[tilespmem:s9+$0xFFFFF070] =	vst v14;
	v22 =	vmul.f32 v24, v47;
	v20 =	vsel vm5, v20, v24;
	v24 =	vmul.f32 v16, v37;
	v16 =	vld [tilespmem:$0x1FEA0]  }
0x23a: {  	v2 =	vmul.f32 v2, v58;
	v1 =	vand.u32 $0x7FFFFFFF, v1;
	v7 =	vsub.f32 $1.000000000e+00, v7;
	v23 =	vld [tilespmem:s30+$0x20];
	[tilespmem:s9+$0xFFFFF080] =	vst v10  }
0x23b: {  	v1 =	vsub.f32 $1.000000000e+00, v1;
	[tilespmem:s9+$0xFFFFF0D0] =	vst v12;
	v12 =	vld [tilespmem:$0x1FED0];
	v14 =	vmul.f32 v17, v40;
	v17 =	vmul.f32 v17, v41  }
0x23c: {  	s29 =	smov.u32 s19;
	s19 =	sadd.s32 $0x4, s19;
	v7 =	vmax.f32 v7, $0.0e+00;
	v10 =	vmul.f32 v21, v42;
	v21 =	vmul.f32 v21, v43;
	[tilespmem:s9+$0xFFFFF0C0] =	vst v11;
	v11 =	vld [tilespmem:$0x1FEB0]  }
0x23d: {  	s31 =	sand.u32 $0xC, s19;
	v1 =	vmax.f32 v1, $0.0e+00;
	v5 =	vsub.f32 $1.000000000e+00, v5;
	[tilespmem:s9+$0xFFFFF110] =	vst v17;
	v17 =	vmul.f32 v7, v58;
	v7 =	vld [tilespmem:$0x1FEE0]  }
0x23e: {  	v1 =	vmul.f32 v1, v58;
	[tilespmem:s9+$0xFFFFF130] =	vst v21;
	v21 =	vld [tilespmem:$0x1FF20];
	v25 =	vmul.f32 v16, v37;
	v16 =	vmov s31  }
0x23f: {  	v26 =	vmul.f32 v26, v37;
	v5 =	vmax.f32 v5, $0.0e+00;
	v16 =	vperm.xlane v23, v16;
	v23 =	vld [tilespmem:$0x1FEF0]  }
0x240: {  	v5 =	vmul.f32 v5, v58;
	v4 =	vmul.f32 v4, v58;
	[tilespmem:s9+$0xFFFFF0E0] =	vst v3  }
0x241: {  	v30 =	vmul.f32 v0, v58;
	v3 =	vmul.f32 v8, v58;
	[tilespmem:s9+$0xFFFFF0F0] =	vst v19;
	s31 =	sadd.s32 $0x5, s29;
	s29 =	sadd.s32 $0x6, s29;
	v8 =	vand.u32 $0x7, v16  }
0x242: {  	v12 =	vmul.f32 v12, v37;
	s29 =	sand.u32 $0xE, s29;
	v19 =	vcvt.s32.f32 v8;
	v8 =	vld [tilespmem:s30+$0x20]  }
0x243: {  	[tilespmem:s9+$0xFFFFF100] =	vst v14;
	v11 =	vmul.f32 v11, v37;
	v29 =	vmul.f32 v21, v37;
	v14 =	vmov s29  }
0x244: {  	v38 =	vmovc v9;
	[tilespmem:s9+$0xFFFFF120] =	vst v10;
	v10 =	vld [tilespmem:$0x1FF00];
	s31 =	sand.u32 $0xD, s31;
	v27 =	vmul.f32 v7, v23;
	v7 =	vadd.f32 $-1.000000000e+00, v19;
	v9 =	vadd.f32 $-2.000000000e+00, v19  }
0x245: {  	[tilespmem:s9+$0x1B0] =	vst v2;
	v39 =	vmovc v6;
	v40 =	vmovc v20;
	v16 =	vmov s31;
	v23 =	vld [tilespmem:$0x1FF10];
	v6 =	vadd.f32 $-3.000000000e+00, v19;
	v20 =	vadd.f32 $-5.000000000e+00, v19  }
0x246: {  	[tilespmem:s9+$0xFFFFF140] =	vst v15;
	v21 =	vadd.f32 $-6.000000000e+00, v19;
	v15 =	vadd.f32 $-7.000000000e+00, v19;
	v7 =	vand.u32 $0x7FFFFFFF, v7  }
0x247: {  	[tilespmem:s9+$0xFFFFF150] =	vst v18;
	v9 =	vand.u32 $0x7FFFFFFF, v9;
	v6 =	vand.u32 $0x7FFFFFFF, v6;
	v8 =	vperm.xlane v8, v16  }
0x248: {  	[tilespmem:s9+$0xFFFFF160] =	vst v13;
	v18 =	vand.u32 $0x7FFFFFFF, v20;
	v13 =	vand.u32 $0x7FFFFFFF, v21;
	v7 =	vsub.f32 $1.000000000e+00, v7  }
0x249: {  	[tilespmem:s9+$0xFFFFF170] =	vst v22;
	v9 =	vsub.f32 $1.000000000e+00, v9;
	v6 =	vsub.f32 $1.000000000e+00, v6;
	v8 =	vand.u32 $0x7, v8  }
0x24a: {  	[tilespmem:s9+$0x1A0] =	vst v1;
	v28 =	vmul.f32 v10, v23;
	v10 =	vadd.f32 $-4.000000000e+00, v19;
	v16 =	vcvt.s32.f32 v8;
	v8 =	vld [tilespmem:s30+$0x20]  }
0x24b: {  	[tilespmem:s9+$0x1C0] =	vst v5;
	v15 =	vand.u32 $0x7FFFFFFF, v15;
	v2 =	vsub.f32 $1.000000000e+00, v18;
	v23 =	vsub.f32 $1.000000000e+00, v13  }
0x24c: {  	v1 =	vmax.f32 v6, $0.0e+00;
	[tilespmem:s20+$0x160] =	vst v26;
	v26 =	vsub.f32 $1.000000000e+00, v15;
	v10 =	vand.u32 $0x7FFFFFFF, v10  }
0x24d: {  	[tilespmem:s20+$0x130] =	vst v24;
	v24 =	vmax.f32 v7, $0.0e+00;
	v20 =	vsub.f32 $1.000000000e+00, v10;
	v0 =	vadd.f32 $-1.000000000e+00, v16  }
0x24e: {  	[tilespmem:s20+$0x140] =	vst v25;
	v25 =	vmax.f32 v9, $0.0e+00;
	v7 =	vadd.f32 $-2.000000000e+00, v16;
	v9 =	vadd.f32 $-3.000000000e+00, v16  }
0x24f: {  	[tilespmem:s20+$0x150] =	vst v11;
	v11 =	vand.u32 $0x7FFFFFFF, v0;
	v0 =	vadd.f32 $-5.000000000e+00, v16;
	v14 =	vperm.xlane v8, v14  }
0x250: {  	[tilespmem:s9+$0x1D0] =	vst v4;
	v6 =	vmax.f32 v2, $0.0e+00;
	v10 =	vadd.f32 $-4.000000000e+00, v16;
	v21 =	vadd.f32 $-6.000000000e+00, v16  }
0x251: {  	[tilespmem:s9+$0x190] =	vst v3;
	v3 =	vand.u32 $0x7FFFFFFF, v9;
	v9 =	vand.u32 $0x7FFFFFFF, v0;
	v0 =	vand.u32 $0x7, v14  }
0x252: {  	[tilespmem:s20+$0x170] =	vst v12;
	v12 =	vand.u32 $0x7FFFFFFF, v7;
	v7 =	vadd.f32 $-7.000000000e+00, v16;
	v0 =	vcvt.s32.f32 v0  }
0x253: {  	[tilespmem:s9+$0x180] =	vst v30;
	v10 =	vand.u32 $0x7FFFFFFF, v10;
	v18 =	vsub.f32 $1.000000000e+00, v11;
	v30 =	vsub.f32 $1.000000000e+00, v12  }
0x254: {  	p1 =	slt.u32 s19, $0x1C;
	[tilespmem:s20+$0x100] =	vst v29;
	v5 =	vmax.f32 v20, $0.0e+00;
	v29 =	vsub.f32 $1.000000000e+00, v3;
	v4 =	vadd.f32 $-1.000000000e+00, v0  }
.Ltmp1:
0x255: {  	v8 =	vand.u32 $0x7FFFFFFF, v21;
	v11 =	vadd.f32 $-2.000000000e+00, v0;
	v2 =	vadd.f32 $-3.000000000e+00, v0;
	(pc) =	sbr.rel @p1 .LBB2_5-.Ltmp1, $4  }
0x256: {  	v13 =	vadd.f32 $-4.000000000e+00, v0;
	v14 =	vadd.f32 $-6.000000000e+00, v0;
	v21 =	vand.u32 $0x7FFFFFFF, v4  }
0x257: {  	[tilespmem:s9+$0x1E0] =	vst v17;
	v4 =	vadd.f32 $-5.000000000e+00, v0;
	v20 =	vand.u32 $0x7FFFFFFF, v2;
	v2 =	vadd.f32 $-7.000000000e+00, v0  }
0x258: {  	[tilespmem:s20+$0x0] =	vst v27;
	v7 =	vand.u32 $0x7FFFFFFF, v7;
	v27 =	vand.u32 $0x7FFFFFFF, v11;
	v22 =	vand.u32 $0x7FFFFFFF, v13  }
0x259: {  	s18 =	sadd.s32 $0x200, s18;
	[tilespmem:s20+$0x80] =	vst v28;
	s20 =	smov.u32 s9;
	v11 =	vand.u32 $0x7FFFFFFF, v14;
	v17 =	vand.u32 $0x7FFFFFFF, v4;
	v12 =	vand.u32 $0x7FFFFFFF, v2  }
0x25a: {  	v2 =	vmul.f32 v24, v38  }
0x25b: {  	v3 =	vmul.f32 v25, v38  }
0x25c: {  	v1 =	vmul.f32 v1, v38;
	[tilespmem:s9+$0x10] =	vst v2  }
0x25d: {  	v4 =	vmul.f32 v6, v38;
	v6 =	vmax.f32 v29, $0.0e+00;
	[tilespmem:s9+$0x20] =	vst v3  }
0x25e: {  	v6 =	vmul.f32 v6, v39;
	[tilespmem:s9+$0x30] =	vst v1  }
0x25f: {  	v2 =	vmul.f32 v5, v38;
	v3 =	vmax.f32 v23, $0.0e+00;
	[tilespmem:s9+$0x50] =	vst v4  }
0x260: {  	v1 =	vmax.f32 v26, $0.0e+00;
	v3 =	vmul.f32 v3, v38;
	[tilespmem:s9+$0xB0] =	vst v6  }
0x261: {  	v4 =	vsub.f32 $1.000000000e+00, v10;
	v5 =	vmax.f32 v30, $0.0e+00;
	v1 =	vmul.f32 v1, v38;
	[tilespmem:s9+$0x40] =	vst v2  }
0x262: {  	v5 =	vmul.f32 v5, v39;
	v6 =	vsub.f32 $1.000000000e+00, v27;
	v2 =	vmax.f32 v18, $0.0e+00;
	[tilespmem:s9+$0x60] =	vst v3  }
0x263: {  	v4 =	vmax.f32 v4, $0.0e+00;
	v2 =	vmul.f32 v2, v39;
	v3 =	vsub.f32 $1.000000000e+00, v9;
	[tilespmem:s9+$0x70] =	vst v1  }
0x264: {  	v1 =	vsub.f32 $1.000000000e+00, v8;
	v4 =	vmul.f32 v4, v39;
	[tilespmem:s9+$0xA0] =	vst v5;
	v6 =	vmax.f32 v6, $0.0e+00  }
0x265: {  	v5 =	vsub.f32 $1.000000000e+00, v21;
	v6 =	vmul.f32 v6, v40;
	[tilespmem:s9+$0x90] =	vst v2;
	v3 =	vmax.f32 v3, $0.0e+00  }
0x266: {  	v0 =	vsub.f32 $1.000000000e+00, v0;
	v1 =	vmax.f32 v1, $0.0e+00;
	[tilespmem:s9+$0xC0] =	vst v4;
	v3 =	vmul.f32 v3, v39  }
0x267: {  	v2 =	vsub.f32 $1.000000000e+00, v7;
	v5 =	vmax.f32 v5, $0.0e+00;
	v1 =	vmul.f32 v1, v39;
	[tilespmem:s9+$0x120] =	vst v6  }
0x268: {  	v0 =	vmax.f32 v0, $0.0e+00;
	v4 =	vsub.f32 $1.000000000e+00, v20;
	v5 =	vmul.f32 v5, v40;
	[tilespmem:s9+$0xD0] =	vst v3  }
0x269: {  	v0 =	vmul.f32 v0, v40;
	v2 =	vmax.f32 v2, $0.0e+00;
	v3 =	vsub.f32 $1.000000000e+00, v22;
	[tilespmem:s9+$0xE0] =	vst v1  }
0x26a: {  	v4 =	vmax.f32 v4, $0.0e+00;
	v2 =	vmul.f32 v2, v39;
	v1 =	vsub.f32 $1.000000000e+00, v17;
	[tilespmem:s9+$0x110] =	vst v5  }
0x26b: {  	v4 =	vmul.f32 v4, v40;
	v5 =	vsub.f32 $1.000000000e+00, v12;
	[tilespmem:s20+$0x100] =	vst v0;
	v3 =	vmax.f32 v3, $0.0e+00  }
0x26c: {  	[tilespmem:s9+$0xF0] =	vst v2;
	v2 =	vsub.f32 $1.000000000e+00, v11;
	v1 =	vmax.f32 v1, $0.0e+00;
	v3 =	vmul.f32 v3, v40  }
0x26d: {  	v6 =	vsub.f32 $1.000000000e+00, v19;
	[tilespmem:s20+$0x130] =	vst v4;
	v5 =	vmax.f32 v5, $0.0e+00;
	v1 =	vmul.f32 v1, v40  }
0x26e: {  	v4 =	vsub.f32 $1.000000000e+00, v16;
	v5 =	vmul.f32 v5, v40;
	v2 =	vmax.f32 v2, $0.0e+00;
	[tilespmem:s20+$0x140] =	vst v3  }
0x26f: {  	v2 =	vmul.f32 v2, v40;
	v3 =	vmax.f32 v6, $0.0e+00;
	[tilespmem:s20+$0x150] =	vst v1  }
0x270: {  	v1 =	vmax.f32 v4, $0.0e+00;
	[tilespmem:s20+$0x170] =	vst v5;
	v3 =	vmul.f32 v3, v38  }
0x271: {  	p1 =	seq.s32 s17, $0xA1;
	v1 =	vmul.f32 v1, v39;
	[tilespmem:s20+$0x160] =	vst v2  }
0x272: {  	s8 =	sadd.s32 @!p1 s21, s23;
	[tilespmem:s20+$0x0] =	vst v3  }
0x273: {  	s8 =	sshrl.u32 @!p1 s8, $0x3;
	[tilespmem:s20+$0x80] =	vst v1  }
0x274: {  	[spmem:s14] =	stream.indirect.scatter.add.f32 [tilespmem:s24], [sflag:$0x5], $0x80, s3, s2, $0xb8;
	[tilespmem:$0x1EA80] =	vst v63  }
0x275: {  	s8 =	sadd.s32 @!p1 s16, s8;
	s9 =	simm.s32 @!p1 $0x0  }
0x276: {  	[tilespmem:s9], [sflag:$0x7] =	stream.linear.gather @!p1 [hbm4b:s8+s9], $0x40, $0x38;
	[tilespmem:$0x1EA80] =	vst v63  }
0x277: {  	s8 =	simm.s32 @!p1 $0x7  }
0x278: {  	_ =	swait.ge @!p1 [sflag:s8], $0x40  }
0x279: {  	[sflag:s8] =	ssyncset.done @!p1 $0x0  }
0x27a: {  	s10 =	simm.s32 @!p1 $0x200;
	[sflag:s8] =	ssyncadd.s32 @!p1 $0xFFFFFFC0;
	s8 =	simm.s32 @!p1 $0x20  }
0x27b: {  	[tilespmem:s10], [sflag:$0x1] =	stream.indirect.gather @!p1 [hbm4b:s12+s8], $0x80, s9, s8, $0xb8;
	[tilespmem:$0x1EA80] =	vst v63  }
0x27c: {  	s9 =	simm.s32 @!p1 $0x2200  }
0x27d: {  	[tilespmem:s9], [sflag:$0x3] =	stream.indirect.gather @!p1 [hbm4b:s15+s8], $0x80, s8, s8, $0xb8;
	[tilespmem:$0x1EA80] =	vst v63  }
0x27e: {  	_ =	swait.ge [sflag:s4], $0x1000  }
0x27f: {  	[sflag:s4] =	ssyncset.done $0x0  }
0x280: {  	[sflag:s4] =	ssyncadd.s32 $0xFFFFF000  }
0x281: {  	_ =	swait.ge [sflag:s5], $0x1000  }
0x282: {  	[sflag:s5] =	ssyncset.done $0x0  }
0x283: {  	s8 =	simm.s32 @!p0 $0x6;
	[sflag:s5] =	ssyncadd.s32 $0xFFFFF000  }
0x284: {  	_ =	swait.ge @!p0 [sflag:s8], $0x2000  }
0x285: {  	[sflag:s8] =	ssyncset.done @!p0 $0x0  }
0x286: {  	[sflag:s8] =	ssyncadd.s32 @!p0 $0xFFFFE000  }
0x287: {  	v0 =	vld [tilespmem:$0xA0];
	_ =	sdelay $0x1  }
0x288: {  	v1 =	vld [tilespmem:$0xB0];
	_ =	sdelay $0x2  }
0x289: {  	v2 =	vshra.s32 v0, $0x3  }
0x28a: {  	[tilespmem:$0x180] =	vst v0;
	v0 =	vadd.s32 $0x2800, v2  }
0x28b: {  	[tilespmem:$0x1A0] =	vst v0;
	v0 =	vshra.s32 v1, $0x3  }
0x28c: {  	[tilespmem:$0x190] =	vst v1;
	v0 =	vadd.s32 $0x2800, v0  }
0x28d: {  	s18 =	simm.s32 $0x1300;
	[tilespmem:$0x1B0] =	vst v0  }
0x28e: {  	v42 =	vld [tilespmem:s18+$0x80]  }
0x28f: {  	v35 =	vld [tilespmem:s18+$0x90]  }
0x290: {  	v41 =	vld [tilespmem:s18+$0xA0]  }
0x291: {  	v40 =	vld [tilespmem:s18+$0xB0]  }
0x292: {  	v36 =	vld [tilespmem:s18+$0xC0]  }
0x293: {  	v39 =	vld [tilespmem:s18+$0xD0]  }
0x294: {  	v38 =	vld [tilespmem:s18+$0xE0]  }
0x295: {  	s8 =	simm.s32 $0x3300;
	v37 =	vld [tilespmem:s18+$0xF0]  }
0x296: {  	v0 =	vld [tilespmem:s8+$0x80]  }
0x297: {  	v1 =	vld [tilespmem:s8+$0x90]  }
0x298: {  	v2 =	vld [tilespmem:s8+$0xA0]  }
0x299: {  	v3 =	vld [tilespmem:s8+$0xB0]  }
0x29a: {  	v4 =	vld [tilespmem:s8+$0xC0]  }
0x29b: {  	v5 =	vld [tilespmem:s8+$0xD0]  }
0x29c: {  	v6 =	vld [tilespmem:s8+$0xE0]  }
0x29d: {  	v7 =	vld [tilespmem:s8+$0xF0]  }
0x29e: {  	v19 =	vld [tilespmem:s18+$0xFFFFFF00]  }
0x29f: {  	v43 =	vld [tilespmem:s18+$0xFFFFFF60]  }
0x2a0: {  	v16 =	vld [tilespmem:s18+$0xFFFFFF10]  }
0x2a1: {  	v15 =	vld [tilespmem:s18+$0xFFFFFF20]  }
0x2a2: {  	v14 =	vld [tilespmem:s18+$0xFFFFFF30];
	v0 =	vadd.f32 v0, v42;
	v8 =	vadd.f32 v1, v35  }
0x2a3: {  	v13 =	vld [tilespmem:s18+$0xFFFFFF40];
	v2 =	vadd.f32 v2, v41;
	v3 =	vadd.f32 v3, v40  }
0x2a4: {  	v4 =	vadd.f32 v4, v36;
	v11 =	vadd.f32 v6, v38;
	v6 =	vld [tilespmem:s18+$0xFFFFFF50];
	[tilespmem:$0x1FC70] =	vst v43  }
0x2a5: {  	v9 =	vadd.f32 v5, v39;
	v7 =	vadd.f32 v7, v37;
	v44 =	vld [tilespmem:s18+$0xFFFFFF70]  }
0x2a6: {  	v10 =	vmul.f32 $2.000000030e-01, v0;
	vm0 =	vge.f32 v0, $0.0e+00;
	vm1 =	vge.f32 v8, $0.0e+00  }
0x2a7: {  	v12 =	vmul.f32 $2.000000030e-01, v8;
	vm6 =	vge.f32 v2, $0.0e+00;
	v17 =	vmul.f32 $2.000000030e-01, v3  }
0x2a8: {  	vm7 =	vge.f32 v3, $0.0e+00;
	vm8 =	vge.f32 v4, $0.0e+00;
	vm9 =	vge.f32 v9, $0.0e+00  }
0x2a9: {  	v1 =	vld [tilespmem:$0x1FF90];
	v18 =	vmul.f32 $2.000000030e-01, v9;
	v0 =	vsel vm0, v0, v10;
	v10 =	vmul.f32 $2.000000030e-01, v2  }
0x2aa: {  	v5 =	vld [tilespmem:$0x1FFA0];
	vm10 =	vge.f32 v11, $0.0e+00;
	v21 =	vmul.f32 $2.000000030e-01, v7;
	vm11 =	vge.f32 v7, $0.0e+00;
	[tilespmem:$0x1FC80] =	vst v44  }
0x2ab: {  	v8 =	vsel vm1, v8, v12;
	v12 =	vmul.f32 $2.000000030e-01, v4;
	v2 =	vsel vm6, v2, v10;
	v10 =	vld [tilespmem:s8+$0xFFFFFF00]  }
0x2ac: {  	v3 =	vsel vm7, v3, v17;
	v9 =	vsel vm9, v9, v18;
	v0 =	vmul.f32 v0, v60;
	v17 =	vld [tilespmem:s8+$0xFFFFFF10]  }
0x2ad: {  	v7 =	vsel vm11, v7, v21;
	v8 =	vmul.f32 v8, v61;
	v3 =	vmul.f32 v3, v46;
	v20 =	vld [tilespmem:s8+$0xFFFFFF20]  }
0x2ae: {  	v4 =	vsel vm8, v4, v12;
	v12 =	vmul.f32 $2.000000030e-01, v11;
	v22 =	vld [tilespmem:s8+$0xFFFFFF30];
	v2 =	vmul.f32 v2, v59  }
0x2af: {  	v7 =	vmul.f32 v7, v5;
	v18 =	vld [tilespmem:s8+$0xFFFFFF40];
	v0 =	vadd.f32 v8, v0;
	v4 =	vmul.f32 v4, v53  }
0x2b0: {  	v23 =	vld [tilespmem:s8+$0xFFFFFF50];
	v8 =	vsel vm10, v11, v12;
	v2 =	vadd.f32 v3, v2;
	v3 =	vmul.f32 v9, v57  }
0x2b1: {  	v26 =	vld [tilespmem:s8+$0xFFFFFF60];
	v9 =	vperm.xlane v0, v62;
	v8 =	vmul.f32 v8, v1  }
0x2b2: {  	v21 =	vld [tilespmem:s8+$0xFFFFFF70];
	v3 =	vadd.f32 v3, v4  }
0x2b3: {  	v0 =	vadd.f32 v9, v0;
	v24 =	vadd.f32 v7, v8  }
0x2b4: {  	v27 =	vadd.f32 v10, v19;
	v17 =	vadd.f32 v17, v16  }
0x2b5: {  	v20 =	vadd.f32 v20, v15;
	v22 =	vadd.f32 v22, v14  }
0x2b6: {  	v12 =	vperm.xlane v2, v62;
	v18 =	vadd.f32 v18, v13;
	v23 =	vadd.f32 v23, v6  }
0x2b7: {  	v53 =	vld [tilespmem:s8+$0xFFFFFFB0];
	v26 =	vadd.f32 v26, v43;
	v21 =	vadd.f32 v21, v44;
	v8 =	vperm.xlane v3, v62  }
0x2b8: {  	v45 =	vld [tilespmem:s8+$0xFFFFFFC0];
	v2 =	vadd.f32 v12, v2;
	v9 =	vperm.xlane v0, v63;
	v28 =	vperm.xlane v24, v62  }
0x2b9: {  	v7 =	vld [tilespmem:s18+$0xFFFFFFC0];
	v4 =	vmul.f32 $2.000000030e-01, v27;
	v30 =	vmul.f32 $2.000000030e-01, v17;
	vm12 =	vge.f32 v27, $0.0e+00  }
0x2ba: {  	v10 =	vld [tilespmem:s18+$0xFFFFFFA0];
	v44 =	vmul.f32 $2.000000030e-01, v18;
	vm13 =	vge.f32 v17, $0.0e+00;
	vm14 =	vge.f32 v20, $0.0e+00  }
0x2bb: {  	v43 =	vld [tilespmem:s8+$0xFFFFFFA0];
	vm15 =	vge.f32 v22, $0.0e+00;
	vm6 =	vge.f32 v18, $0.0e+00;
	vm7 =	vge.f32 v23, $0.0e+00  }
0x2bc: {  	v12 =	vld [tilespmem:s18+$0xFFFFFFB0];
	vm8 =	vge.f32 v26, $0.0e+00;
	vm9 =	vge.f32 v21, $0.0e+00;
	v3 =	vadd.f32 v8, v3  }
0x2bd: {  	v29 =	vperm.xlane v2, v63;
	v0 =	vadd.f32 v9, v0;
	v28 =	vadd.f32 v28, v24  }
0x2be: {  	v45 =	vadd.f32 v45, v7;
	v4 =	vsel vm12, v27, v4;
	v17 =	vsel vm13, v17, v30  }
0x2bf: {  	v18 =	vsel vm6, v18, v44;
	v2 =	vadd.f32 v29, v2;
	v29 =	vperm.xlane v3, v63  }
0x2c0: {  	v25 =	vld [tilespmem:s18+$0xFFFFFF80];
	v31 =	vperm.xlane v0, v55;
	v33 =	vperm.xlane v28, v63;
	v43 =	vadd.f32 v43, v10  }
0x2c1: {  	v32 =	vld [tilespmem:s8+$0xFFFFFF80];
	v4 =	vmul.f32 v4, v60;
	v17 =	vmul.f32 v17, v61;
	v46 =	vadd.f32 v53, v12  }
0x2c2: {  	v48 =	vld [tilespmem:s8+$0xFFFFFFD0];
	v53 =	vmul.f32 $2.000000030e-01, v45;
	v34 =	vperm.xlane v2, v55;
	v3 =	vadd.f32 v29, v3  }
0x2c3: {  	v11 =	vld [tilespmem:s18+$0xFFFFFF90];
	v0 =	vadd.f32 v31, v0;
	v31 =	vmul.f32 $2.000000030e-01, v20;
	v28 =	vadd.f32 v33, v28  }
0x2c4: {  	v29 =	vld [tilespmem:s8+$0xFFFFFF90];
	v33 =	vmul.f32 $2.000000030e-01, v22;
	vm12 =	vge.f32 v43, $0.0e+00;
	v4 =	vadd.f32 v17, v4  }
0x2c5: {  	v49 =	vld [tilespmem:s8+$0xFFFFFFE0];
	vm13 =	vge.f32 v46, $0.0e+00;
	v52 =	vperm.xlane v3, v55;
	v54 =	vperm.xlane v0, v50  }
0x2c6: {  	v58 =	vld [tilespmem:s8+$0xFFFFFFF0];
	v2 =	vadd.f32 v34, v2;
	v56 =	vperm.xlane v28, v55;
	v34 =	vmul.f32 $2.000000030e-01, v26  }
0x2c7: {  	v8 =	vld [tilespmem:s18+$0xFFFFFFD0];
	v20 =	vsel vm14, v20, v31;
	v22 =	vsel vm15, v22, v33;
	v3 =	vadd.f32 v52, v3  }
0x2c8: {  	v33 =	vld [tilespmem:s18+$0x40];
	vm14 =	vge.f32 v45, $0.0e+00;
	v47 =	vperm.xlane v2, v50;
	v0 =	vadd.f32 v54, v0  }
0x2c9: {  	v45 =	vsel vm14, v45, v53;
	v57 =	vperm.xlane v3, v50;
	v50 =	vadd.f32 v29, v11;
	v29 =	vld [tilespmem:$0x1FFE0]  }
0x2ca: {  	v53 =	vld [tilespmem:s8+$0x40];
	v52 =	vmul.f32 $2.000000030e-01, v46;
	v2 =	vadd.f32 v47, v2;
	v0 =	vmul.f32 $1.442695020e+00, v0  }
0x2cb: {  	v9 =	vld [tilespmem:s18+$0xFFFFFFE0];
	v20 =	vmul.f32 v20, v59;
	v28 =	vadd.f32 v56, v28;
	v47 =	vadd.f32 v32, v25  }
0x2cc: {  	v24 =	vld [tilespmem:s18+$0xFFFFFFF0];
	v46 =	vsel vm13, v46, v52;
	v2 =	vmul.f32 $1.442695020e+00, v2;
	(erf) = vpow2.f32 v0  }
0x2cd: {  	v30 =	vld [tilespmem:s18+$0x10];
	v3 =	vadd.f32 v57, v3;
	v0 =	vmul.f32 $2.000000030e-01, v23;
	v51 =	vmul.f32 $2.000000030e-01, v47  }
0x2ce: {  	v44 =	vld [tilespmem:s8+$0x0];
	v27 =	vmul.f32 $2.000000030e-01, v50;
	vm10 =	vge.f32 v47, $0.0e+00;
	v29 =	vperm.xlane v28, v29  }
0x2cf: {  	v32 =	vld [tilespmem:s18+$0x30];
	vm11 =	vge.f32 v50, $0.0e+00;
	v53 =	vadd.f32 v53, v33;
	v3 =	vmul.f32 $1.442695020e+00, v3  }
0x2d0: {  	v52 =	vld [tilespmem:s8+$0x30];
	(erf) = vpow2.f32 v2;
	v2 =	vadd.f32 v48, v8;
	v28 =	vadd.f32 v29, v28  }
0x2d1: {  	v31 =	vld [tilespmem:s18+$0x20];
	v48 =	vadd.f32 v49, v9;
	v49 =	vadd.f32 v58, v24;
	v0 =	vsel vm7, v23, v0  }
0x2d2: {  	v47 =	vsel vm10, v47, v51;
	(erf) = vpow2.f32 v3;
	v29 =	vld [tilespmem:s18+$0x0];
	v28 =	vmul.f32 $1.442695020e+00, v28  }
0x2d3: {  	v23 =	vsel vm8, v26, v34;
	v26 =	vld [tilespmem:s8+$0x10];
	v17 =	vmul.f32 v47, v60;
	v3 =	vmul.f32 $2.000000030e-01, v21  }
0x2d4: {  	v27 =	vsel vm11, v50, v27;
	v50 =	vld [tilespmem:s8+$0x20];
	v54 =	vmul.f32 $2.000000030e-01, v2;
	(erf) = vpow2.f32 v28  }
0x2d5: {  	v58 =	vld [tilespmem:s18+$0x60];
	v52 =	vadd.f32 v52, v32;
	v55 =	vmul.f32 $2.000000030e-01, v48;
	v56 =	vmul.f32 $2.000000030e-01, v49  }
0x2d6: {  	v51 =	vld [tilespmem:s8+$0x60];
	vm15 =	vge.f32 v2, $0.0e+00;
	vm6 =	vge.f32 v48, $0.0e+00;
	v3 =	vsel vm9, v21, v3;
	v21 =	vpop (erf)  }
0x2d7: {  	v28 =	vmul.f32 $2.000000030e-01, v43;
	v42 =	vmul.f32 v21, v42;
	v44 =	vadd.f32 v44, v29  }
0x2d8: {  	v34 =	vld [tilespmem:s18+$0x50];
	vm7 =	vge.f32 v49, $0.0e+00;
	v2 =	vsel vm15, v2, v54;
	v48 =	vsel vm6, v48, v55  }
0x2d9: {  	s9 =	simm.s32 $0x7200;
	v54 =	vld [tilespmem:s8+$0x50];
	v35 =	vmul.f32 v21, v35;
	v28 =	vsel vm12, v43, v28;
	v43 =	vpop (erf);
	v55 =	vmul.f32 $2.000000030e-01, v44  }
0x2da: {  	vm11 =	vge.f32 v52, $0.0e+00;
	v26 =	vadd.f32 v26, v30;
	v41 =	vmul.f32 v43, v41;
	[tilespmem:s9+$0xFFFFF180] =	vst v42  }
0x2db: {  	v50 =	vadd.f32 v50, v31;
	v51 =	vadd.f32 v51, v58;
	v40 =	vmul.f32 v43, v40;
	[tilespmem:s9+$0xFFFFF190] =	vst v35;
	v42 =	vpop (erf)  }
0x2dc: {  	v3 =	vmul.f32 v3, v5;
	v35 =	vld [tilespmem:s18+$0x70];
	vm8 =	vge.f32 v44, $0.0e+00;
	[tilespmem:s9+$0xFFFFF1A0] =	vst v41;
	v57 =	vmul.f32 v42, v36  }
0x2dd: {  	vm9 =	vge.f32 v26, $0.0e+00;
	[tilespmem:s9+$0xFFFFF1B0] =	vst v40;
	v40 =	vld [tilespmem:s8+$0x70];
	v44 =	vsel vm8, v44, v55;
	v39 =	vmul.f32 v42, v39;
	v55 =	vpop (erf)  }
0x2de: {  	vm10 =	vge.f32 v50, $0.0e+00;
	v54 =	vadd.f32 v54, v34;
	[tilespmem:s9+$0xFFFFF1C0] =	vst v57;
	v38 =	vmul.f32 v55, v38  }
0x2df: {  	vm14 =	vge.f32 v51, $0.0e+00;
	v21 =	vnsel vm2, $0x0, v21;
	v57 =	vld [tilespmem:$0x1FF80];
	[tilespmem:s9+$0xFFFFF1D0] =	vst v39;
	v37 =	vmul.f32 v55, v37  }
0x2e0: {  	vm12 =	vge.f32 v53, $0.0e+00;
	v21 =	vsel vm3, v21, v43;
	vm13 =	vge.f32 v54, $0.0e+00;
	[tilespmem:s9+$0xFFFFF1E0] =	vst v38  }
0x2e1: {  	v41 =	vsel vm7, v49, v56;
	v49 =	vmul.f32 $2.000000030e-01, v26;
	v38 =	vmul.f32 $2.000000030e-01, v53;
	[tilespmem:s9+$0xFFFFF1F0] =	vst v37  }
0x2e2: {  	v56 =	vmul.f32 $2.000000030e-01, v50;
	v21 =	vsel vm4, v21, v42;
	v40 =	vadd.f32 v40, v35;
	v43 =	vld [tilespmem:$0x1FF60]  }
0x2e3: {  	s18 =	simm.s32 $0x3;
	v26 =	vsel vm9, v26, v49;
	v39 =	vmul.f32 $2.000000030e-01, v52;
	v38 =	vsel vm12, v53, v38;
	v53 =	vld [tilespmem:$0x1FF70]  }
0x2e4: {  	v49 =	vsel vm10, v50, v56;
	v56 =	vmov s18;
	v36 =	vmul.f32 $2.000000030e-01, v40  }
0x2e5: {  	v39 =	vsel vm11, v52, v39;
	v52 =	vmul.f32 $2.000000030e-01, v51;
	vm15 =	vge.f32 v40, $0.0e+00  }
0x2e6: {  	s21 =	simm.s32 $0x0;
	v37 =	vmul.f32 $2.000000030e-01, v54;
	v40 =	vsel vm15, v40, v36;
	v0 =	vmul.f32 v0, v57  }
0x2e7: {  	s19 =	sand.u32 $0x40, s21;
	v36 =	vsel vm5, v21, v55;
	v21 =	vmul.f32 v23, v1;
	v23 =	vmul.f32 v28, v59  }
0x2e8: {  	s10 =	sshrl.u32 s19, $0x2;
	v51 =	vsel vm14, v51, v52;
	v22 =	vmul.f32 v22, v43;
	v18 =	vmul.f32 v18, v53  }
0x2e9: {  	v50 =	vld [tilespmem:s10+$0xA0];
	v2 =	vmul.f32 v2, v57;
	v28 =	vmul.f32 v44, v60;
	v3 =	vadd.f32 v3, v21  }
0x2ea: {  	v20 =	vadd.f32 v22, v20;
	v22 =	vmul.f32 v27, v61;
	v0 =	vadd.f32 v0, v18;
	v18 =	vld [tilespmem:$0x1FF60]  }
0x2eb: {  	v54 =	vsel vm13, v54, v37;
	v21 =	vmul.f32 v48, v1;
	v52 =	vperm.xlane v3, v62  }
0x2ec: {  	v27 =	vmul.f32 v45, v53;
	v17 =	vadd.f32 v22, v17;
	v22 =	vmul.f32 v41, v5  }
0x2ed: {  	v40 =	vmul.f32 v40, v5;
	v38 =	vmul.f32 v38, v53;
	v3 =	vadd.f32 v52, v3  }
0x2ee: {  	v2 =	vadd.f32 v2, v27;
	v21 =	vadd.f32 v22, v21;
	v22 =	vmul.f32 v54, v57  }
0x2ef: {  	v50 =	vperm.xlane v50, v56;
	v18 =	vmul.f32 v46, v18  }
0x2f0: {  	v48 =	vperm.xlane v3, v63;
	v54 =	vperm.xlane v2, v62;
	v46 =	vld [tilespmem:$0x1FF60];
	v22 =	vadd.f32 v22, v38  }
0x2f1: {  	v55 =	vld [tilespmem:$0x1FFD0];
	v56 =	vperm.xlane v21, v62;
	v18 =	vadd.f32 v18, v23;
	v23 =	vmul.f32 v26, v61  }
0x2f2: {  	v3 =	vadd.f32 v48, v3;
	v26 =	vmul.f32 v49, v59;
	v49 =	vmul.f32 v51, v1  }
0x2f3: {  	v2 =	vadd.f32 v54, v2;
	v51 =	vperm.xlane v0, v62;
	v44 =	vperm.xlane v22, v62  }
0x2f4: {  	v21 =	vadd.f32 v56, v21;
	v23 =	vadd.f32 v23, v28;
	v28 =	vperm.xlane v4, v62  }
0x2f5: {  	v0 =	vadd.f32 v51, v0;
	v22 =	vadd.f32 v44, v22;
	v27 =	vmul.f32 v39, v46  }
0x2f6: {  	v51 =	vperm.xlane v21, v63;
	v44 =	vperm.xlane v3, v55;
	v39 =	vadd.f32 v40, v49  }
0x2f7: {  	v49 =	vperm.xlane v2, v63;
	v26 =	vadd.f32 v27, v26;
	v27 =	vperm.xlane v20, v62  }
0x2f8: {  	v4 =	vadd.f32 v28, v4;
	v28 =	vperm.xlane v17, v62;
	v47 =	vperm.xlane v0, v63  }
0x2f9: {  	v52 =	vperm.xlane v22, v63;
	v20 =	vadd.f32 v27, v20;
	v27 =	vperm.xlane v18, v62  }
0x2fa: {  	v21 =	vadd.f32 v51, v21;
	v17 =	vadd.f32 v28, v17;
	v28 =	vperm.xlane v23, v62  }
0x2fb: {  	v3 =	vadd.f32 v44, v3;
	v18 =	vadd.f32 v27, v18;
	v27 =	vperm.xlane v26, v62  }
0x2fc: {  	v45 =	vperm.xlane v39, v62;
	v23 =	vadd.f32 v28, v23;
	v28 =	vperm.xlane v4, v63  }
0x2fd: {  	v2 =	vadd.f32 v49, v2;
	v26 =	vadd.f32 v27, v26;
	v27 =	vperm.xlane v20, v63  }
0x2fe: {  	v0 =	vadd.f32 v47, v0;
	v4 =	vadd.f32 v28, v4;
	v28 =	vperm.xlane v17, v63  }
0x2ff: {  	v22 =	vadd.f32 v52, v22;
	v20 =	vadd.f32 v27, v20;
	v27 =	vperm.xlane v18, v63  }
0x300: {  	v47 =	vand.u32 $0x7, v50;
	v17 =	vadd.f32 v28, v17;
	v28 =	vperm.xlane v23, v63  }
0x301: {  	v39 =	vadd.f32 v45, v39;
	v18 =	vadd.f32 v27, v18;
	v27 =	vperm.xlane v26, v63  }
0x302: {  	v45 =	vperm.xlane v2, v55;
	v23 =	vadd.f32 v28, v23;
	v28 =	vperm.xlane v4, v55  }
0x303: {  	v50 =	vld [tilespmem:$0x1FFE0];
	v40 =	vcvt.s32.f32 v47;
	v26 =	vadd.f32 v27, v26;
	v27 =	vperm.xlane v20, v55  }
0x304: {  	v56 =	vperm.xlane v0, v55;
	v4 =	vadd.f32 v28, v4;
	v28 =	vperm.xlane v18, v55  }
0x305: {  	v54 =	vperm.xlane v39, v63;
	v20 =	vadd.f32 v27, v20;
	v27 =	vperm.xlane v17, v55  }
0x306: {  	v2 =	vadd.f32 v45, v2;
	v18 =	vadd.f32 v28, v18;
	v28 =	vperm.xlane v23, v55  }
0x307: {  	v0 =	vadd.f32 v56, v0;
	v17 =	vadd.f32 v27, v17;
	v27 =	vperm.xlane v21, v55  }
0x308: {  	v39 =	vadd.f32 v54, v39;
	v23 =	vadd.f32 v28, v23;
	v28 =	vperm.xlane v4, v50  }
0x309: {  	v56 =	vperm.xlane v3, v50;
	v21 =	vadd.f32 v27, v21;
	v27 =	vperm.xlane v22, v55  }
0x30a: {  	v54 =	vperm.xlane v39, v55;
	v4 =	vadd.f32 v28, v4;
	v28 =	vperm.xlane v0, v50  }
0x30b: {  	v3 =	vadd.f32 v56, v3;
	v22 =	vadd.f32 v27, v22;
	v27 =	vperm.xlane v20, v50  }
0x30c: {  	v4 =	vmul.f32 $1.442695020e+00, v4;
	v0 =	vadd.f32 v28, v0;
	v28 =	vperm.xlane v17, v50  }
0x30d: {  	v3 =	vmul.f32 $1.442695020e+00, v3;
	v52 =	vperm.xlane v26, v55;
	v20 =	vadd.f32 v27, v20  }
0x30e: {  	v27 =	vadd.f32 $-7.000000000e+00, v40;
	(erf) = vpow2.f32 v4;
	v17 =	vadd.f32 v28, v17  }
0x30f: {  	v26 =	vadd.f32 v52, v26;
	v0 =	vmul.f32 $1.442695020e+00, v0;
	v20 =	vmul.f32 $1.442695020e+00, v20  }
0x310: {  	v4 =	vand.u32 $0x7FFFFFFF, v27;
	v27 =	vperm.xlane v18, v50;
	v17 =	vmul.f32 $1.442695020e+00, v17  }
0x311: {  	v4 =	vsub.f32 $1.000000000e+00, v4;
	(erf) = vpow2.f32 v20;
	v20 =	vperm.xlane v23, v50  }
0x312: {  	v18 =	vadd.f32 v27, v18;
	(erf) = vpow2.f32 v0;
	v0 =	vperm.xlane v2, v50  }
0x313: {  	v4 =	vmax.f32 v4, $0.0e+00;
	(erf) = vpow2.f32 v3;
	v3 =	vperm.xlane v21, v50  }
0x314: {  	v2 =	vadd.f32 v0, v2;
	v0 =	vmul.f32 v4, v36;
	v4 =	vmul.f32 $1.442695020e+00, v18  }
0x315: {  	v18 =	vadd.f32 v20, v23;
	v20 =	vperm.xlane v26, v50;
	(erf) = vpow2.f32 v17  }
0x316: {  	v3 =	vadd.f32 v3, v21;
	(erf) = vpow2.f32 v4;
	v4 =	vperm.xlane v22, v50  }
0x317: {  	v20 =	vadd.f32 v20, v26;
	v2 =	vmul.f32 $1.442695020e+00, v2;
	v18 =	vmul.f32 $1.442695020e+00, v18  }
0x318: {  	v38 =	vadd.f32 v54, v39;
	v3 =	vmul.f32 $1.442695020e+00, v3  }
0x319: {  	v4 =	vadd.f32 v4, v22;
	v20 =	vmul.f32 $1.442695020e+00, v20;
	(erf) = vpow2.f32 v2  }
0x31a: {  	v21 =	vperm.xlane v38, v50;
	(erf) = vpow2.f32 v3  }
0x31b: {  	v4 =	vmul.f32 $1.442695020e+00, v4;
	(erf) = vpow2.f32 v18;
	v18 =	vpop (erf)  }
0x31c: {  	(erf) = vpow2.f32 v20;
	v19 =	vmul.f32 v18, v19  }
0x31d: {  	v20 =	vpop (erf);
	(erf) = vpow2.f32 v4;
	v4 =	vmul.f32 v18, v16  }
0x31e: {  	v21 =	vadd.f32 v21, v38;
	v15 =	vmul.f32 v20, v15;
	[tilespmem:s9+$0xFFFFF000] =	vst v19  }
0x31f: {  	v2 =	vadd.f32 $-2.000000000e+00, v40;
	v16 =	vpop (erf);
	v1 =	vmul.f32 v20, v14;
	[tilespmem:s9+$0xFFFFF010] =	vst v4  }
0x320: {  	v3 =	vadd.f32 $-3.000000000e+00, v40;
	v21 =	vmul.f32 $1.442695020e+00, v21;
	v5 =	vmul.f32 v16, v13;
	[tilespmem:s9+$0xFFFFF020] =	vst v15  }
0x321: {  	v17 =	vadd.f32 $-1.000000000e+00, v40;
	v2 =	vand.u32 $0x7FFFFFFF, v2;
	v6 =	vmul.f32 v16, v6;
	[tilespmem:s9+$0xFFFFF030] =	vst v1  }
0x322: {  	v23 =	vnsel vm2, $0x0, v18;
	v3 =	vand.u32 $0x7FFFFFFF, v3;
	v2 =	vsub.f32 $1.000000000e+00, v2;
	[tilespmem:s9+$0xFFFFF040] =	vst v5  }
0x323: {  	v22 =	vadd.f32 $-4.000000000e+00, v40;
	v3 =	vsub.f32 $1.000000000e+00, v3;
	v18 =	vsel vm3, v23, v20;
	v13 =	vld [tilespmem:$0x1FC70];
	[tilespmem:s9+$0xFFFFF050] =	vst v6  }
0x324: {  	(erf) = vpow2.f32 v21;
	v19 =	vadd.f32 $-6.000000000e+00, v40;
	v2 =	vmax.f32 v2, $0.0e+00;
	v21 =	vpop (erf);
	v14 =	vld [tilespmem:$0x1FC80]  }
0x325: {  	v18 =	vsel vm4, v18, v16;
	v4 =	vand.u32 $0x7FFFFFFF, v17;
	v3 =	vmax.f32 v3, $0.0e+00;
	v20 =	vpop (erf)  }
0x326: {  	v2 =	vmul.f32 v2, v36;
	v15 =	vand.u32 $0x7FFFFFFF, v22;
	v16 =	vnsel vm2, $0x0, v20  }
0x327: {  	v25 =	vmul.f32 v20, v25;
	v11 =	vmul.f32 v20, v11;
	v20 =	vadd.f32 $-5.000000000e+00, v40  }
0x328: {  	v4 =	vsub.f32 $1.000000000e+00, v4;
	v1 =	vand.u32 $0x7FFFFFFF, v19;
	v37 =	vsel vm5, v18, v21  }
0x329: {  	v17 =	vand.u32 $0x7FFFFFFF, v20;
	v13 =	vmul.f32 v21, v13;
	v14 =	vmul.f32 v21, v14  }
0x32a: {  	v3 =	vmul.f32 v3, v36;
	v23 =	vpop (erf);
	v5 =	vsub.f32 $1.000000000e+00, v15;
	v15 =	vsub.f32 $1.000000000e+00, v17  }
0x32b: {  	s19 =	simm.s32 $0x0;
	v1 =	vsub.f32 $1.000000000e+00, v1;
	v16 =	vsel vm3, v16, v23;
	v6 =	vsub.f32 $1.000000000e+00, v40;
	[tilespmem:s9+$0xFFFFF060] =	vst v13  }
0x32c: {  	s20 =	sand.u32 $0xC, s19;
	v10 =	vmul.f32 v23, v10;
	v12 =	vmul.f32 v23, v12;
	v4 =	vmax.f32 v4, $0.0e+00;
	[tilespmem:s9+$0xFFFFF070] =	vst v14  }
0x32d: {  	v23 =	vmov s20;
	v5 =	vmax.f32 v5, $0.0e+00;
	[tilespmem:s9+$0xFFFFF080] =	vst v25;
	v6 =	vmax.f32 v6, $0.0e+00;
	v18 =	vld [tilespmem:s10+$0xA0];
	v14 =	vpop (erf)  }
0x32e: {  	[tilespmem:s9+$0xFFFFF090] =	vst v11;
	v4 =	vmul.f32 v4, v36;
	v28 =	vmul.f32 v6, v36;
	v17 =	vmax.f32 v15, $0.0e+00;
	v15 =	vpop (erf)  }
0x32f: {  	[tilespmem:s9+$0xFFFFF0A0] =	vst v10;
	v7 =	vmul.f32 v14, v7;
	v16 =	vsel vm4, v16, v14;
	v8 =	vmul.f32 v14, v8;
	v14 =	vpop (erf)  }
0x330: {  	[tilespmem:s9+$0xFFFFF0B0] =	vst v12;
	v17 =	vmul.f32 v17, v36;
	v9 =	vmul.f32 v15, v9;
	v19 =	vnsel vm2, $0x0, v14  }
0x331: {  	v1 =	vmax.f32 v1, $0.0e+00;
	v11 =	vmul.f32 v15, v24;
	v10 =	vpop (erf);
	v20 =	vmul.f32 v14, v29;
	[tilespmem:s9+$0xFFFFF0C0] =	vst v7  }
0x332: {  	v21 =	vmul.f32 v14, v30;
	[tilespmem:s9+$0xFFFFF0D0] =	vst v8;
	v14 =	vsel vm3, v19, v10;
	v18 =	vperm.xlane v18, v23  }
0x333: {  	v22 =	vmul.f32 v10, v31;
	v10 =	vmul.f32 v10, v32;
	v32 =	vsel vm5, v16, v15;
	[tilespmem:s9+$0xFFFFF0E0] =	vst v9;
	v19 =	vpop (erf)  }
0x334: {  	s29 =	simm.s32 $0x1;
	[tilespmem:s9+$0xFFFFF0F0] =	vst v11;
	v9 =	vand.u32 $0x7, v18;
	v12 =	vmul.f32 v19, v33;
	v7 =	vsel vm4, v14, v19;
	v24 =	vpop (erf)  }
0x335: {  	s30 =	simm.s32 $0x2;
	s18 =	sand.u32 $0xD, s29;
	[tilespmem:s9+$0xFFFFF100] =	vst v20;
	v25 =	vmul.f32 v19, v34;
	v19 =	vcvt.s32.f32 v9;
	v33 =	vsel vm5, v7, v24;
	v7 =	vld [tilespmem:s10+$0xA0]  }
0x336: {  	s31 =	sand.u32 $0xE, s30;
	v11 =	vmul.f32 v5, v36;
	v5 =	vmov s18;
	[tilespmem:s9+$0xFFFFF120] =	vst v22;
	v22 =	vmul.f32 v1, v36  }
0x337: {  	[tilespmem:s9+$0xFFFFF110] =	vst v21;
	v9 =	vmov s31;
	v8 =	vmul.f32 v24, v58;
	v18 =	vadd.f32 $-1.000000000e+00, v19  }
0x338: {  	[tilespmem:s9+$0xFFFFF130] =	vst v10;
	v16 =	vmul.f32 v24, v35;
	v20 =	vadd.f32 $-2.000000000e+00, v19;
	v1 =	vadd.f32 $-3.000000000e+00, v19  }
0x339: {  	v21 =	vadd.f32 $-4.000000000e+00, v19;
	v23 =	vadd.f32 $-6.000000000e+00, v19;
	[tilespmem:s9+$0xFFFFF140] =	vst v12;
	v10 =	vand.u32 $0x7FFFFFFF, v18  }
0x33a: {  	[tilespmem:s9+$0xFFFFF150] =	vst v25;
	v18 =	vadd.f32 $-5.000000000e+00, v19;
	v12 =	vand.u32 $0x7FFFFFFF, v20;
	v5 =	vperm.xlane v7, v5  }
0x33b: {  	[tilespmem:s9+$0xFFFFF160] =	vst v8;
	v20 =	vadd.f32 $-7.000000000e+00, v19;
	v1 =	vand.u32 $0x7FFFFFFF, v1;
	v8 =	vsub.f32 $1.000000000e+00, v10  }
0x33c: {  	[tilespmem:s9+$0xFFFFF170] =	vst v16;
	v10 =	vsub.f32 $1.000000000e+00, v12;
	v1 =	vsub.f32 $1.000000000e+00, v1;
	v5 =	vand.u32 $0x7, v5  }
0x33d: {  	v7 =	vand.u32 $0x7FFFFFFF, v21;
	v18 =	vand.u32 $0x7FFFFFFF, v18;
	v16 =	vcvt.s32.f32 v5;
	v5 =	vld [tilespmem:s10+$0xA0]  }
0x33e: {  	v21 =	vand.u32 $0x7FFFFFFF, v23;
	v20 =	vand.u32 $0x7FFFFFFF, v20;
	v12 =	vsub.f32 $1.000000000e+00, v7  }
0x33f: {  	v24 =	vmax.f32 v8, $0.0e+00;
	v27 =	vsub.f32 $1.000000000e+00, v18;
	v6 =	vadd.f32 $-1.000000000e+00, v16  }
0x340: {  	v25 =	vmax.f32 v10, $0.0e+00;
	v7 =	vadd.f32 $-2.000000000e+00, v16;
	v8 =	vadd.f32 $-3.000000000e+00, v16  }
0x341: {  	v1 =	vmax.f32 v1, $0.0e+00;
	v10 =	vadd.f32 $-4.000000000e+00, v16;
	v23 =	vadd.f32 $-5.000000000e+00, v16  }
0x342: {  	v26 =	vadd.f32 $-6.000000000e+00, v16;
	v6 =	vand.u32 $0x7FFFFFFF, v6;
	v5 =	vperm.xlane v5, v9  }
0x343: {  	v29 =	vand.u32 $0x7FFFFFFF, v7;
	v7 =	vadd.f32 $-7.000000000e+00, v16;
	v31 =	vand.u32 $0x7FFFFFFF, v8  }
0x344: {  	v8 =	vand.u32 $0x7FFFFFFF, v26;
	v26 =	vsub.f32 $1.000000000e+00, v20;
	v5 =	vand.u32 $0x7, v5  }
0x345: {  	[tilespmem:s9+$0x1F0] =	vst v0;
	v9 =	vand.u32 $0x7FFFFFFF, v23;
	v23 =	vsub.f32 $1.000000000e+00, v21;
	v0 =	vcvt.s32.f32 v5  }
0x346: {  	[tilespmem:s9+$0x1A0] =	vst v2;
	v10 =	vand.u32 $0x7FFFFFFF, v10;
	v18 =	vsub.f32 $1.000000000e+00, v6;
	v30 =	vsub.f32 $1.000000000e+00, v29  }
0x347: {  	[tilespmem:s9+$0x1B0] =	vst v3;
	v6 =	vmax.f32 v27, $0.0e+00;
	v29 =	vsub.f32 $1.000000000e+00, v31;
	v2 =	vadd.f32 $-1.000000000e+00, v0  }
0x348: {  	[tilespmem:s9+$0x190] =	vst v4;
	v5 =	vmax.f32 v12, $0.0e+00;
	v4 =	vadd.f32 $-2.000000000e+00, v0;
	v3 =	vadd.f32 $-3.000000000e+00, v0  }
0x349: {  	[tilespmem:s9+$0x1C0] =	vst v11;
	v12 =	vadd.f32 $-4.000000000e+00, v0;
	v11 =	vadd.f32 $-6.000000000e+00, v0;
	v21 =	vand.u32 $0x7FFFFFFF, v2  }
0x34a: {  	[tilespmem:s9+$0x180] =	vst v28;
	v2 =	vadd.f32 $-5.000000000e+00, v0;
	v20 =	vand.u32 $0x7FFFFFFF, v3;
	v3 =	vadd.f32 $-7.000000000e+00, v0  }
0x34b: {  	[tilespmem:s9+$0x1E0] =	vst v22;
	v7 =	vand.u32 $0x7FFFFFFF, v7;
	v27 =	vand.u32 $0x7FFFFFFF, v4;
	v22 =	vand.u32 $0x7FFFFFFF, v12  }
0x34c: {  	s20 =	simm.s32 $0x7200;
	[tilespmem:s9+$0x1D0] =	vst v17;
	s10 =	simm.s32 $0x1500;
	v11 =	vand.u32 $0x7FFFFFFF, v11;
	v17 =	vand.u32 $0x7FFFFFFF, v2;
	v12 =	vand.u32 $0x7FFFFFFF, v3  }
.LBB2_7:
0x34d: {  	v3 =	vsub.f32 $1.000000000e+00, v10  }
0x34e: {  	v51 =	vld [tilespmem:s10+$0x80];
	v4 =	vsub.f32 $1.000000000e+00, v9;
	v8 =	vsub.f32 $1.000000000e+00, v8  }
0x34f: {  	v54 =	vld [tilespmem:s10+$0x90];
	v7 =	vsub.f32 $1.000000000e+00, v7;
	v20 =	vsub.f32 $1.000000000e+00, v20;
	v1 =	vmul.f32 v1, v37  }
0x350: {  	v2 =	vmax.f32 v23, $0.0e+00;
	v48 =	vld [tilespmem:s10+$0xA0];
	v22 =	vsub.f32 $1.000000000e+00, v22;
	v11 =	vsub.f32 $1.000000000e+00, v11  }
0x351: {  	v52 =	vld [tilespmem:s10+$0xB0];
	v17 =	vsub.f32 $1.000000000e+00, v17;
	v0 =	vsub.f32 $1.000000000e+00, v0;
	v13 =	vmax.f32 v20, $0.0e+00;
	[tilespmem:s9+$0x30] =	vst v1  }
0x352: {  	v49 =	vld [tilespmem:s10+$0xC0];
	v12 =	vsub.f32 $1.000000000e+00, v12;
	v16 =	vsub.f32 $1.000000000e+00, v16;
	v11 =	vmax.f32 v11, $0.0e+00;
	[tilespmem:$0x1FBD0] =	vst v13  }
0x353: {  	v35 =	vld [tilespmem:s10+$0xD0];
	v10 =	vmax.f32 v18, $0.0e+00;
	v18 =	vsub.f32 $1.000000000e+00, v21;
	v0 =	vmax.f32 v0, $0.0e+00;
	[tilespmem:$0x1FC00] =	vst v11  }
0x354: {  	v34 =	vld [tilespmem:s10+$0xF0];
	s8 =	sadd.s32 $0x200, s8;
	v21 =	vsub.f32 $1.000000000e+00, v27;
	v27 =	vsub.f32 $1.000000000e+00, v19;
	v13 =	vmax.f32 v22, $0.0e+00;
	[tilespmem:$0x1FC60] =	vst v0  }
0x355: {  	v9 =	vmax.f32 v26, $0.0e+00;
	v26 =	vmax.f32 v29, $0.0e+00;
	v29 =	vld [tilespmem:s8+$0x80];
	v11 =	vmax.f32 v12, $0.0e+00;
	[tilespmem:$0x1FBE0] =	vst v13  }
0x356: {  	v5 =	vmul.f32 v5, v37;
	v31 =	vld [tilespmem:s8+$0xF0];
	v10 =	vmul.f32 v10, v32;
	v12 =	vmax.f32 v27, $0.0e+00;
	[tilespmem:$0x1FC10] =	vst v11  }
0x357: {  	v6 =	vmul.f32 v6, v37;
	v23 =	vmax.f32 v30, $0.0e+00;
	v2 =	vmul.f32 v2, v37;
	v20 =	vld [tilespmem:s8+$0x90];
	[tilespmem:$0x1FC20] =	vst v12  }
0x358: {  	v3 =	vmax.f32 v3, $0.0e+00;
	v4 =	vmax.f32 v4, $0.0e+00;
	v0 =	vld [tilespmem:s8+$0xB0];
	v13 =	vmax.f32 v17, $0.0e+00;
	[tilespmem:s9+$0x90] =	vst v10  }
0x359: {  	v8 =	vmax.f32 v8, $0.0e+00;
	v11 =	vld [tilespmem:s8+$0xA0];
	v12 =	vmax.f32 v16, $0.0e+00;
	v16 =	vmul.f32 v25, v37;
	[tilespmem:$0x1FBF0] =	vst v13  }
0x35a: {  	v7 =	vmax.f32 v7, $0.0e+00;
	v9 =	vmul.f32 v9, v37;
	v22 =	vld [tilespmem:s8+$0xD0];
	[tilespmem:$0x1FC40] =	vst v12;
	v12 =	vmul.f32 v24, v37  }
0x35b: {  	v1 =	vmul.f32 v23, v32;
	v26 =	vmul.f32 v26, v32;
	v28 =	vmax.f32 v18, $0.0e+00;
	v17 =	vld [tilespmem:s8+$0xC0];
	[tilespmem:s9+$0x20] =	vst v16  }
0x35c: {  	v19 =	vld [tilespmem:s10+$0xE0];
	v30 =	vmax.f32 v21, $0.0e+00;
	v3 =	vmul.f32 v3, v32;
	v4 =	vmul.f32 v4, v32;
	[tilespmem:s9+$0x10] =	vst v12  }
0x35d: {  	v10 =	vmul.f32 v30, v33;
	v20 =	vadd.f32 v20, v54;
	v13 =	vld [tilespmem:s10+$0xFFFFFF00];
	[tilespmem:s9+$0x40] =	vst v5;
	v5 =	vadd.f32 v29, v51  }
0x35e: {  	v0 =	vadd.f32 v0, v52;
	v14 =	vld [tilespmem:s10+$0xFFFFFF10];
	[tilespmem:s9+$0x50] =	vst v6;
	v6 =	vmul.f32 v8, v32;
	v8 =	vadd.f32 v11, v48  }
0x35f: {  	[tilespmem:s9+$0xA0] =	vst v1;
	v12 =	vld [tilespmem:s8+$0xE0];
	v11 =	vadd.f32 v22, v35;
	vm5 =	vge.f32 v20, $0.0e+00;
	v22 =	vmul.f32 $2.000000030e-01, v20  }
0x360: {  	v15 =	vld [tilespmem:s10+$0xFFFFFF20];
	[tilespmem:s9+$0x60] =	vst v2;
	v2 =	vmul.f32 v7, v32;
	v7 =	vadd.f32 v17, v49;
	v17 =	vadd.f32 v31, v34  }
0x361: {  	[tilespmem:s9+$0xB0] =	vst v26;
	vm4 =	vge.f32 v5, $0.0e+00;
	v1 =	vmul.f32 $2.000000030e-01, v5;
	vm1 =	vge.f32 v0, $0.0e+00  }
0x362: {  	v16 =	vld [tilespmem:s10+$0xFFFFFF30];
	[tilespmem:s9+$0x70] =	vst v9;
	v9 =	vmul.f32 v28, v33;
	vm0 =	vge.f32 v8, $0.0e+00;
	v26 =	vmul.f32 $2.000000030e-01, v8  }
0x363: {  	vm6 =	vge.f32 v11, $0.0e+00;
	v28 =	vmul.f32 $2.000000030e-01, v0;
	v39 =	vmul.f32 $2.000000030e-01, v11  }
0x364: {  	v12 =	vadd.f32 v12, v19;
	vm2 =	vge.f32 v7, $0.0e+00;
	v38 =	vmul.f32 $2.000000030e-01, v7  }
0x365: {  	v1 =	vsel vm4, v5, v1;
	v5 =	vsel vm5, v20, v22;
	v20 =	vmul.f32 $2.000000030e-01, v17  }
0x366: {  	[tilespmem:s9+$0xC0] =	vst v3;
	v3 =	vld [tilespmem:s8+$0xFFFFFF00];
	vm7 =	vge.f32 v17, $0.0e+00;
	v1 =	vmul.f32 v1, v60;
	v5 =	vmul.f32 v5, v61  }
0x367: {  	v24 =	vld [tilespmem:$0x1FF90];
	v8 =	vsel vm0, v8, v26;
	v0 =	vsel vm1, v0, v28;
	v11 =	vsel vm6, v11, v39  }
0x368: {  	v25 =	vld [tilespmem:$0x1FFA0];
	v0 =	vmul.f32 v0, v46;
	v1 =	vadd.f32 v5, v1;
	v5 =	vmul.f32 v8, v59  }
0x369: {  	[tilespmem:s9+$0xD0] =	vst v4;
	v4 =	vld [tilespmem:s8+$0xFFFFFF10];
	vm3 =	vge.f32 v12, $0.0e+00;
	v40 =	vmul.f32 $2.000000030e-01, v12;
	v7 =	vsel vm2, v7, v38  }
0x36a: {  	v18 =	vld [tilespmem:s10+$0xFFFFFF40];
	v17 =	vsel vm7, v17, v20;
	v22 =	vperm.xlane v1, v62;
	v0 =	vadd.f32 v0, v5  }
0x36b: {  	v21 =	vld [tilespmem:s10+$0xFFFFFF50];
	v7 =	vmul.f32 v7, v53;
	v12 =	vsel vm3, v12, v40;
	v56 =	vadd.f32 v3, v13  }
0x36c: {  	[tilespmem:s9+$0xF0] =	vst v2;
	v2 =	vld [tilespmem:s8+$0xFFFFFF30];
	v3 =	vmul.f32 v12, v24;
	v1 =	vadd.f32 v22, v1;
	v12 =	vperm.xlane v0, v62  }
0x36d: {  	v27 =	vld [tilespmem:s10+$0xFFFFFF60];
	v5 =	vmul.f32 v11, v57;
	v11 =	vmul.f32 v17, v25  }
0x36e: {  	[tilespmem:s9+$0xE0] =	vst v6;
	v6 =	vld [tilespmem:s8+$0xFFFFFF20];
	v58 =	vadd.f32 v4, v14;
	v4 =	vperm.xlane v1, v63;
	v0 =	vadd.f32 v12, v0  }
0x36f: {  	[tilespmem:s9+$0x120] =	vst v10;
	v10 =	vld [tilespmem:s8+$0xFFFFFF50];
	v5 =	vadd.f32 v5, v7  }
0x370: {  	[tilespmem:s9+$0x110] =	vst v9;
	v9 =	vld [tilespmem:s8+$0xFFFFFF40];
	v3 =	vadd.f32 v11, v3;
	v1 =	vadd.f32 v4, v1;
	v4 =	vperm.xlane v0, v63  }
0x371: {  	v8 =	vld [tilespmem:s8+$0xFFFFFF60];
	v60 =	vadd.f32 v2, v16  }
0x372: {  	v7 =	vperm.xlane v5, v62;
	v2 =	vperm.xlane v3, v62;
	v4 =	vadd.f32 v4, v0;
	v0 =	vld [tilespmem:$0x1FFC0]  }
0x373: {  	[tilespmem:$0x1FC30] =	vst v37;
	v59 =	vadd.f32 v6, v15  }
0x374: {  	[tilespmem:$0x1FC50] =	vst v32;
	v30 =	vld [tilespmem:s10+$0xFFFFFF70];
	v5 =	vadd.f32 v7, v5;
	v2 =	vadd.f32 v2, v3;
	v3 =	vperm.xlane v1, v55  }
0x375: {  	[tilespmem:$0x1FAD0] =	vst v13;
	v31 =	vld [tilespmem:s10+$0xFFFFFF80];
	v13 =	vadd.f32 v10, v21;
	v61 =	vadd.f32 v9, v18;
	vm0 =	vge.f32 v56, $0.0e+00  }
0x376: {  	[tilespmem:$0x1FA20] =	vst v35;
	v41 =	vld [tilespmem:s10+$0xFFFFFF90];
	v6 =	vperm.xlane v5, v63;
	v63 =	vadd.f32 v8, v27;
	v1 =	vadd.f32 v3, v1  }
0x377: {  	[tilespmem:$0x1FA30] =	vst v34;
	v36 =	vld [tilespmem:s10+$0xFFFFFFD0];
	v3 =	vperm.xlane v4, v55;
	v7 =	vperm.xlane v2, v0;
	v0 =	vimm.s32 $0x0  }
0x378: {  	v26 =	vld [tilespmem:s8+$0xFFFFFFD0];
	[tilespmem:$0x1FAE0] =	vst v14;
	v9 =	vadd.f32 v6, v5;
	v17 =	vperm.xlane v1, v50;
	v0 =	vsel vm0, $0xFFFFFFFF, v0  }
0x379: {  	v44 =	vld [tilespmem:s8+$0xFFFFFFE0];
	v3 =	vadd.f32 v3, v4;
	vm0 =	vge.f32 v58, $0.0e+00;
	[tilespmem:$0x1FA40] =	vst v0;
	v0 =	vimm.s32 $0x0  }
0x37a: {  	v45 =	vld [tilespmem:s8+$0xFFFFFFF0];
	[tilespmem:$0x1FAF0] =	vst v15;
	v4 =	vperm.xlane v9, v55;
	v1 =	vadd.f32 v17, v1;
	v0 =	vsel vm0, $0xFFFFFFFF, v0  }
0x37b: {  	v20 =	vld [tilespmem:s8+$0xFFFFFF70];
	v17 =	vperm.xlane v3, v50;
	vm0 =	vge.f32 v59, $0.0e+00;
	[tilespmem:$0x1FA50] =	vst v0;
	v0 =	vimm.s32 $0x0  }
0x37c: {  	v38 =	vld [tilespmem:s10+$0xFFFFFFF0];
	[tilespmem:$0x1FB00] =	vst v16;
	v4 =	vadd.f32 v4, v9;
	v2 =	vadd.f32 v7, v2;
	v0 =	vsel vm0, $0xFFFFFFFF, v0  }
0x37d: {  	v34 =	vld [tilespmem:s10+$0x0];
	v1 =	vmul.f32 $1.442695020e+00, v1;
	vm0 =	vge.f32 v60, $0.0e+00;
	[tilespmem:$0x1FA60] =	vst v0;
	v0 =	vimm.s32 $0x0  }
0x37e: {  	v29 =	vmovc v33;
	v33 =	vld [tilespmem:s10+$0x10];
	[tilespmem:$0x1FB10] =	vst v18;
	v3 =	vadd.f32 v17, v3;
	v17 =	vperm.xlane v4, v50;
	v0 =	vsel vm0, $0xFFFFFFFF, v0  }
0x37f: {  	v32 =	vld [tilespmem:s10+$0x20];
	(erf) = vpow2.f32 v1;
	vm0 =	vge.f32 v61, $0.0e+00;
	[tilespmem:$0x1FA70] =	vst v0;
	v0 =	vimm.s32 $0x0  }
0x380: {  	[tilespmem:$0x1FB20] =	vst v21;
	v10 =	vld [tilespmem:s8+$0xFFFFFF90];
	v5 =	vadd.f32 v20, v30;
	v22 =	vperm.xlane v2, v55;
	v0 =	vsel vm0, $0xFFFFFFFF, v0  }
0x381: {  	v39 =	vld [tilespmem:s8+$0x10];
	v4 =	vadd.f32 v17, v4;
	vm0 =	vge.f32 v13, $0.0e+00;
	[tilespmem:$0x1FA80] =	vst v0;
	v0 =	vimm.s32 $0x0  }
0x382: {  	v42 =	vld [tilespmem:s8+$0x20];
	[tilespmem:$0x1FB30] =	vst v27;
	v3 =	vmul.f32 $1.442695020e+00, v3;
	v2 =	vadd.f32 v22, v2;
	v0 =	vsel vm0, $0xFFFFFFFF, v0  }
0x383: {  	v46 =	vld [tilespmem:s8+$0x30];
	v4 =	vmul.f32 $1.442695020e+00, v4;
	vm0 =	vge.f32 v63, $0.0e+00;
	[tilespmem:$0x1FA90] =	vst v0;
	v0 =	vimm.s32 $0x0  }
0x384: {  	v47 =	vld [tilespmem:s8+$0x40];
	[tilespmem:$0x1FB40] =	vst v30;
	(erf) = vpow2.f32 v3;
	v22 =	vperm.xlane v2, v50;
	v0 =	vsel vm0, $0xFFFFFFFF, v0  }
0x385: {  	v53 =	vld [tilespmem:s10+$0xFFFFFFB0];
	v10 =	vadd.f32 v10, v41;
	vm0 =	vge.f32 v5, $0.0e+00;
	[tilespmem:$0x1FAA0] =	vst v0;
	v0 =	vimm.s32 $0x0  }
0x386: {  	v14 =	vld [tilespmem:s10+$0xFFFFFFA0];
	[tilespmem:$0x1FB50] =	vst v31;
	(erf) = vpow2.f32 v4;
	v2 =	vadd.f32 v22, v2;
	v0 =	vsel vm0, $0xFFFFFFFF, v0  }
0x387: {  	v15 =	vld [tilespmem:s10+$0xFFFFFFC0];
	vm0 =	vge.f32 v10, $0.0e+00;
	[tilespmem:$0x1FAB0] =	vst v0;
	v0 =	vimm.s32 $0x0  }
0x388: {  	[tilespmem:$0x1FB60] =	vst v41;
	v12 =	vld [tilespmem:s8+$0xFFFFFFB0];
	v2 =	vmul.f32 $1.442695020e+00, v2;
	v43 =	vpop (erf);
	v0 =	vsel vm0, $0xFFFFFFFF, v0  }
0x389: {  	v57 =	vld [tilespmem:s10+$0xFFFFFFE0];
	[tilespmem:$0x1FAC0] =	vst v0;
	v0 =	vmul.f32 v43, v54  }
0x38a: {  	s9 =	sadd.s32 $0x200, s9;
	[tilespmem:$0x1FBA0] =	vst v36;
	v20 =	vld [tilespmem:s8+$0xFFFFFFC0];
	(erf) = vpow2.f32 v2  }
0x38b: {  	[tilespmem:s9+$0xFFFFF190] =	vst v0;
	v0 =	vld [tilespmem:$0x1FA20]  }
0x38c: {  	[tilespmem:$0x1FBC0] =	vst v38;
	v11 =	vld [tilespmem:s8+$0xFFFFFFA0]  }
0x38d: {  	[tilespmem:$0x1FB80] =	vst v53;
	v62 =	vld [tilespmem:s8+$0x0];
	v12 =	vadd.f32 v12, v53;
	v53 =	vpop (erf)  }
0x38e: {  	[tilespmem:$0x1FB70] =	vst v14;
	v8 =	vld [tilespmem:s8+$0xFFFFFF80];
	v48 =	vmul.f32 v53, v48  }
0x38f: {  	[tilespmem:$0x1FB90] =	vst v15;
	v17 =	vadd.f32 v20, v15;
	v20 =	vadd.f32 v44, v57;
	v44 =	vld [tilespmem:s10+$0x40];
	v51 =	vmul.f32 v43, v51;
	v54 =	vpop (erf)  }
0x390: {  	[tilespmem:s9+$0xFFFFF1A0] =	vst v48;
	v48 =	vmul.f32 v54, v49;
	v49 =	vmul.f32 v54, v0;
	v0 =	vld [tilespmem:$0x1FA30]  }
0x391: {  	[tilespmem:$0x1FBB0] =	vst v57;
	v27 =	vld [tilespmem:s10+$0x70];
	v1 =	vmul.f32 v53, v52  }
0x392: {  	v30 =	vld [tilespmem:s10+$0x60];
	[tilespmem:s9+$0xFFFFF180] =	vst v51  }
0x393: {  	v8 =	vadd.f32 v8, v31;
	v31 =	vld [tilespmem:s10+$0x30];
	[tilespmem:s9+$0xFFFFF1B0] =	vst v1;
	v52 =	vpop (erf)  }
0x394: {  	v57 =	vld [tilespmem:s8+$0x50];
	v47 =	vadd.f32 v47, v44;
	[tilespmem:s9+$0xFFFFF1C0] =	vst v48;
	v19 =	vmul.f32 v52, v19  }
0x395: {  	s21 =	sadd.s32 $0x10, s21;
	v50 =	vld [tilespmem:s8+$0x70];
	[tilespmem:s9+$0xFFFFF1D0] =	vst v49;
	v49 =	vmul.f32 v52, v0  }
0x396: {  	s29 =	sand.u32 $0x40, s21;
	v22 =	vadd.f32 v26, v36;
	v26 =	vadd.f32 v45, v38;
	v45 =	vld [tilespmem:s10+$0x50];
	v2 =	vmul.f32 $2.000000030e-01, v47;
	[tilespmem:s9+$0xFFFFF1E0] =	vst v19  }
0x397: {  	s29 =	sshrl.u32 s29, $0x2;
	v51 =	vld [tilespmem:s8+$0x60];
	[tilespmem:s9+$0xFFFFF1F0] =	vst v49  }
0x398: {  	v49 =	vld [tilespmem:s29+$0xA0];
	[tilespmem:$0x1FCF0] =	vst v2  }
0x399: {  	v2 =	vld [tilespmem:$0x1FA40];
	_ =	sdelay $0x3  }
0x39a: {  	v28 =	vmul.f32 $2.000000030e-01, v56  }
0x39b: {  	vm12 =	vnez.u8 v2;
	v2 =	vld [tilespmem:$0x1FCF0]  }
0x39c: {  	v28 =	vsel vm12, v56, v28;
	v56 =	vld [tilespmem:$0x1FA50];
	_ =	sdelay $0x3  }
0x39d: {  	v23 =	vmul.f32 $2.000000030e-01, v58  }
0x39e: {  	vm12 =	vnez.u8 v56  }
0x39f: {  	v23 =	vsel vm12, v58, v23;
	v58 =	vld [tilespmem:$0x1FA60];
	_ =	sdelay $0x3  }
0x3a0: {  	s30 =	sadd.s32 $0x7, s19;
	v39 =	vadd.f32 v39, v33  }
0x3a1: {  	v21 =	vmul.f32 $2.000000030e-01, v59;
	v56 =	vmov s30;
	vm12 =	vnez.u8 v58;
	v58 =	vld [tilespmem:$0x1FA70]  }
0x3a2: {  	v11 =	vadd.f32 v11, v14;
	v14 =	vmul.f32 $2.000000030e-01, v39;
	v49 =	vperm.xlane v49, v56;
	v56 =	vld [tilespmem:$0x1FA80]  }
0x3a3: {  	v18 =	vmul.f32 $2.000000030e-01, v60;
	v42 =	vadd.f32 v42, v32;
	vm3 =	vge.f32 v39, $0.0e+00  }
0x3a4: {  	v16 =	vmul.f32 $2.000000030e-01, v61;
	vm14 =	vge.f32 v11, $0.0e+00;
	v14 =	vsel vm3, v39, v14  }
0x3a5: {  	vm3 =	vcmask $0x310;
	v35 =	vmul.f32 $2.000000030e-01, v12;
	vm15 =	vge.f32 v12, $0.0e+00  }
0x3a6: {  	v6 =	vmul.f32 $2.000000030e-01, v5;
	v21 =	vsel vm12, v59, v21;
	vm12 =	vnez.u8 v58  }
0x3a7: {  	v9 =	vmul.f32 $2.000000030e-01, v13;
	v18 =	vsel vm12, v60, v18;
	vm12 =	vnez.u8 v56;
	v56 =	vld [tilespmem:$0x1FA90]  }
0x3a8: {  	v7 =	vmul.f32 $2.000000030e-01, v63;
	vm13 =	vge.f32 v8, $0.0e+00;
	v55 =	vmul.f32 $2.000000030e-01, v8  }
0x3a9: {  	v46 =	vadd.f32 v46, v31;
	v15 =	vmul.f32 $2.000000030e-01, v42;
	v3 =	vmul.f32 $2.000000030e-01, v11  }
0x3aa: {  	v37 =	vmul.f32 $2.000000030e-01, v17;
	v40 =	vmul.f32 $2.000000030e-01, v20;
	vm11 =	vge.f32 v17, $0.0e+00  }
0x3ab: {  	vm4 =	vge.f32 v20, $0.0e+00;
	vm1 =	vge.f32 v46, $0.0e+00;
	v57 =	vadd.f32 v57, v45  }
0x3ac: {  	v4 =	vmul.f32 $2.000000030e-01, v10;
	v16 =	vsel vm12, v61, v16;
	vm12 =	vnez.u8 v56  }
0x3ad: {  	v36 =	vadd.f32 v62, v34;
	v19 =	vmul.f32 $2.000000030e-01, v57;
	v9 =	vsel vm12, v13, v9;
	v13 =	vld [tilespmem:$0x1FAA0]  }
0x3ae: {  	v3 =	vsel vm14, v11, v3;
	v38 =	vmul.f32 $2.000000030e-01, v22;
	vm9 =	vge.f32 v57, $0.0e+00  }
0x3af: {  	v41 =	vmul.f32 $2.000000030e-01, v26;
	v62 =	vmul.f32 $2.000000030e-01, v36;
	v19 =	vsel vm9, v57, v19;
	v57 =	vld [tilespmem:$0x1FF80]  }
0x3b0: {  	vm8 =	vge.f32 v22, $0.0e+00;
	vm5 =	vge.f32 v26, $0.0e+00;
	vm2 =	vge.f32 v36, $0.0e+00;
	v59 =	vld [tilespmem:$0x1FF50]  }
0x3b1: {  	vm6 =	vge.f32 v47, $0.0e+00;
	v50 =	vadd.f32 v50, v27;
	v51 =	vadd.f32 v51, v30;
	v61 =	vld [tilespmem:$0x1FF40]  }
0x3b2: {  	v11 =	vsel vm8, v22, v38;
	vm0 =	vge.f32 v42, $0.0e+00;
	vm12 =	vnez.u8 v13;
	v13 =	vld [tilespmem:$0x1FAB0]  }
0x3b3: {  	vm10 =	vge.f32 v50, $0.0e+00;
	v15 =	vsel vm0, v42, v15;
	v1 =	vmul.f32 $2.000000030e-01, v51  }
0x3b4: {  	v48 =	vmul.f32 $2.000000030e-01, v46;
	vm7 =	vge.f32 v51, $0.0e+00;
	v0 =	vmul.f32 $2.000000030e-01, v50  }
0x3b5: {  	v22 =	vld [tilespmem:$0x1FFF0];
	v2 =	vsel vm6, v47, v2;
	v47 =	vsel vm7, v51, v1;
	v21 =	vmul.f32 v21, v59  }
0x3b6: {  	v60 =	vld [tilespmem:$0x1FF30];
	v3 =	vmul.f32 v3, v59;
	v23 =	vmul.f32 v23, v61;
	v7 =	vsel vm12, v63, v7  }
0x3b7: {  	v9 =	vmul.f32 v9, v57;
	v7 =	vmul.f32 v7, v24;
	vm12 =	vnez.u8 v13;
	v13 =	vld [tilespmem:$0x1FAC0]  }
0x3b8: {  	v5 =	vsel vm12, v5, v6;
	v6 =	vsel vm13, v8, v55;
	v8 =	vand.u32 $0x7, v49  }
0x3b9: {  	v49 =	vcvt.s32.f32 v8;
	v8 =	vsel vm15, v12, v35;
	v12 =	vsel vm4, v20, v40  }
0x3ba: {  	vm4 =	vcmask $0x710;
	v20 =	vsel vm2, v36, v62;
	v5 =	vmul.f32 v5, v25  }
0x3bb: {  	vm2 =	vnez.u8 v22;
	v22 =	vsel vm1, v46, v48;
	v46 =	vld [tilespmem:$0x1FF60];
	v6 =	vmul.f32 v6, v60  }
0x3bc: {  	v58 =	vadd.f32 $-3.000000000e+00, v49;
	v5 =	vadd.f32 v5, v7;
	vm12 =	vnez.u8 v13  }
0x3bd: {  	v13 =	vsel vm5, v26, v41;
	vm5 =	vcmask $0xB10;
	v26 =	vnsel vm2, $0x0, v43  }
0x3be: {  	v4 =	vsel vm12, v10, v4;
	v10 =	vsel vm11, v17, v37;
	v26 =	vsel vm3, v26, v53  }
0x3bf: {  	v17 =	vadd.f32 $-7.000000000e+00, v49;
	v1 =	vsel vm4, v26, v54;
	v26 =	vsel vm10, v50, v0  }
0x3c0: {  	v53 =	vld [tilespmem:$0x1FF70];
	v0 =	vadd.f32 $-1.000000000e+00, v49;
	v18 =	vmul.f32 v18, v46;
	v4 =	vmul.f32 v4, v61  }
0x3c1: {  	v7 =	vmul.f32 v8, v46;
	v17 =	vand.u32 $0x7FFFFFFF, v17;
	v56 =	vsel vm5, v1, v52  }
0x3c2: {  	v62 =	vld [tilespmem:$0x1FFB0];
	v17 =	vsub.f32 $1.000000000e+00, v17;
	v4 =	vadd.f32 v4, v6;
	v6 =	vmul.f32 v11, v57  }
0x3c3: {  	v3 =	vadd.f32 v7, v3;
	v7 =	vmul.f32 v13, v25;
	v11 =	vmul.f32 v20, v60  }
0x3c4: {  	v13 =	vmul.f32 v47, v24;
	v1 =	vmax.f32 v17, $0.0e+00;
	v17 =	vmul.f32 v28, v60  }
0x3c5: {  	v18 =	vadd.f32 v18, v21;
	v16 =	vmul.f32 v16, v53;
	v8 =	vmul.f32 v10, v53  }
0x3c6: {  	v0 =	vand.u32 $0x7FFFFFFF, v0;
	v10 =	vmul.f32 v12, v24;
	v12 =	vmul.f32 v15, v59  }
0x3c7: {  	v0 =	vsub.f32 $1.000000000e+00, v0;
	v2 =	vmul.f32 v2, v53;
	v15 =	vperm.xlane v18, v62  }
0x3c8: {  	v17 =	vadd.f32 v23, v17;
	v6 =	vadd.f32 v6, v8;
	v8 =	vmul.f32 v14, v61  }
0x3c9: {  	v9 =	vadd.f32 v9, v16;
	v7 =	vadd.f32 v7, v10;
	v10 =	vmul.f32 v22, v46  }
0x3ca: {  	v8 =	vadd.f32 v8, v11;
	v11 =	vmul.f32 v19, v57;
	v14 =	vperm.xlane v17, v62  }
0x3cb: {  	v10 =	vadd.f32 v10, v12;
	v12 =	vmul.f32 v26, v25;
	v16 =	vperm.xlane v9, v62  }
0x3cc: {  	v63 =	vld [tilespmem:$0x1FFC0];
	v15 =	vadd.f32 v15, v18;
	v19 =	vperm.xlane v4, v62;
	v18 =	vperm.xlane v7, v62  }
0x3cd: {  	v2 =	vadd.f32 v11, v2;
	v11 =	vperm.xlane v5, v62;
	v12 =	vadd.f32 v12, v13  }
0x3ce: {  	v13 =	vadd.f32 v14, v17;
	v14 =	vperm.xlane v3, v62;
	v17 =	vperm.xlane v6, v62  }
0x3cf: {  	v20 =	vperm.xlane v8, v62;
	v9 =	vadd.f32 v16, v9;
	v16 =	vperm.xlane v10, v62  }
0x3d0: {  	v4 =	vadd.f32 v19, v4;
	v7 =	vadd.f32 v18, v7;
	v21 =	vperm.xlane v2, v62  }
0x3d1: {  	v5 =	vadd.f32 v11, v5;
	v11 =	vperm.xlane v12, v62;
	v19 =	vperm.xlane v13, v63  }
0x3d2: {  	v3 =	vadd.f32 v14, v3;
	v6 =	vadd.f32 v17, v6;
	v14 =	vperm.xlane v15, v63  }
0x3d3: {  	v8 =	vadd.f32 v20, v8;
	v17 =	vperm.xlane v9, v63;
	v10 =	vadd.f32 v16, v10  }
0x3d4: {  	v55 =	vld [tilespmem:$0x1FFD0];
	v18 =	vperm.xlane v4, v63;
	v2 =	vadd.f32 v21, v2;
	v16 =	vperm.xlane v5, v63  }
0x3d5: {  	v11 =	vadd.f32 v11, v12;
	v12 =	vadd.f32 v19, v13;
	v13 =	vperm.xlane v3, v63  }
0x3d6: {  	v19 =	vperm.xlane v6, v63;
	v14 =	vadd.f32 v14, v15;
	v15 =	vperm.xlane v7, v63  }
0x3d7: {  	v20 =	vperm.xlane v8, v63;
	v9 =	vadd.f32 v17, v9;
	v17 =	vperm.xlane v10, v63  }
0x3d8: {  	v4 =	vadd.f32 v18, v4;
	v21 =	vperm.xlane v2, v63;
	v5 =	vadd.f32 v16, v5  }
0x3d9: {  	v16 =	vperm.xlane v11, v63;
	v18 =	vperm.xlane v12, v55;
	v3 =	vadd.f32 v13, v3  }
0x3da: {  	v6 =	vadd.f32 v19, v6;
	v13 =	vperm.xlane v14, v55;
	v7 =	vadd.f32 v15, v7  }
0x3db: {  	v8 =	vadd.f32 v20, v8;
	v15 =	vperm.xlane v9, v55;
	v10 =	vadd.f32 v17, v10  }
0x3dc: {  	v50 =	vld [tilespmem:$0x1FFE0];
	v19 =	vperm.xlane v4, v55;
	v2 =	vadd.f32 v21, v2;
	v17 =	vperm.xlane v5, v55  }
0x3dd: {  	v11 =	vadd.f32 v16, v11;
	v12 =	vadd.f32 v18, v12;
	v16 =	vperm.xlane v3, v55  }
0x3de: {  	v18 =	vperm.xlane v6, v55;
	v13 =	vadd.f32 v13, v14;
	v14 =	vperm.xlane v7, v55  }
0x3df: {  	v20 =	vperm.xlane v8, v55;
	v9 =	vadd.f32 v15, v9;
	v15 =	vperm.xlane v10, v55  }
0x3e0: {  	v4 =	vadd.f32 v19, v4;
	v21 =	vperm.xlane v2, v55;
	v5 =	vadd.f32 v17, v5  }
0x3e1: {  	v17 =	vperm.xlane v11, v55;
	v19 =	vperm.xlane v12, v50;
	v3 =	vadd.f32 v16, v3  }
0x3e2: {  	v6 =	vadd.f32 v18, v6;
	v16 =	vperm.xlane v13, v50;
	v7 =	vadd.f32 v14, v7  }
0x3e3: {  	v8 =	vadd.f32 v20, v8;
	v14 =	vperm.xlane v9, v50;
	v10 =	vadd.f32 v15, v10  }
0x3e4: {  	v18 =	vperm.xlane v4, v50;
	v2 =	vadd.f32 v21, v2;
	v15 =	vperm.xlane v5, v50  }
0x3e5: {  	v11 =	vadd.f32 v17, v11;
	v12 =	vadd.f32 v19, v12;
	v17 =	vperm.xlane v3, v50  }
0x3e6: {  	v19 =	vperm.xlane v6, v50;
	v13 =	vadd.f32 v16, v13;
	v16 =	vperm.xlane v7, v50  }
0x3e7: {  	v20 =	vperm.xlane v8, v50;
	v9 =	vadd.f32 v14, v9;
	v14 =	vperm.xlane v10, v50  }
0x3e8: {  	v4 =	vadd.f32 v18, v4;
	v21 =	vperm.xlane v2, v50;
	v5 =	vadd.f32 v15, v5  }
0x3e9: {  	v15 =	vperm.xlane v11, v50;
	v12 =	vmul.f32 $1.442695020e+00, v12;
	v3 =	vadd.f32 v17, v3  }
0x3ea: {  	v6 =	vadd.f32 v19, v6;
	v13 =	vmul.f32 $1.442695020e+00, v13;
	v7 =	vadd.f32 v16, v7  }
0x3eb: {  	v8 =	vadd.f32 v20, v8;
	v9 =	vmul.f32 $1.442695020e+00, v9;
	v10 =	vadd.f32 v14, v10  }
0x3ec: {  	v4 =	vmul.f32 $1.442695020e+00, v4;
	v14 =	vadd.f32 $-4.000000000e+00, v49;
	v5 =	vmul.f32 $1.442695020e+00, v5  }
0x3ed: {  	v16 =	vadd.f32 $-6.000000000e+00, v49;
	v3 =	vmul.f32 $1.442695020e+00, v3;
	(erf) = vpow2.f32 v12  }
0x3ee: {  	v2 =	vadd.f32 v21, v2;
	v6 =	vmul.f32 $1.442695020e+00, v6;
	(erf) = vpow2.f32 v13  }
0x3ef: {  	v11 =	vadd.f32 v15, v11;
	v7 =	vmul.f32 $1.442695020e+00, v7;
	(erf) = vpow2.f32 v9  }
0x3f0: {  	v8 =	vmul.f32 $1.442695020e+00, v8;
	v15 =	vadd.f32 $-5.000000000e+00, v49;
	(erf) = vpow2.f32 v5  }
0x3f1: {  	v12 =	vand.u32 $0x7FFFFFFF, v58;
	v13 =	vand.u32 $0x7FFFFFFF, v14;
	(erf) = vpow2.f32 v4  }
0x3f2: {  	v14 =	vand.u32 $0x7FFFFFFF, v15;
	v9 =	vand.u32 $0x7FFFFFFF, v16;
	(erf) = vpow2.f32 v3  }
0x3f3: {  	v5 =	vsub.f32 $1.000000000e+00, v12;
	v12 =	vsub.f32 $1.000000000e+00, v14;
	(erf) = vpow2.f32 v6  }
0x3f4: {  	v10 =	vmul.f32 $1.442695020e+00, v10;
	v9 =	vsub.f32 $1.000000000e+00, v9;
	(erf) = vpow2.f32 v7  }
0x3f5: {  	v2 =	vmul.f32 $1.442695020e+00, v2;
	(erf) = vpow2.f32 v8  }
0x3f6: {  	v6 =	vmax.f32 v0, $0.0e+00;
	v8 =	vmax.f32 v9, $0.0e+00;
	v9 =	vld [tilespmem:$0x1FAD0];
	v0 =	vpop (erf);
	(erf) = vpow2.f32 v10  }
0x3f7: {  	v7 =	vmax.f32 v12, $0.0e+00;
	v12 =	vpop (erf);
	(erf) = vpow2.f32 v2;
	v2 =	vld [tilespmem:$0x1FAE0];
	_ =	sdelay $0x3  }
0x3f8: {  	v9 =	vmul.f32 v0, v9  }
0x3f9: {  	v4 =	vsub.f32 $1.000000000e+00, v13;
	v13 =	vnsel vm2, $0x0, v0;
	v0 =	vmul.f32 v0, v2  }
0x3fa: {  	[tilespmem:s9+$0xFFFFF000] =	vst v9;
	v9 =	vld [tilespmem:$0x1FAF0]  }
0x3fb: {  	[tilespmem:s9+$0xFFFFF010] =	vst v0;
	v0 =	vld [tilespmem:$0x1FB10]  }
0x3fc: {  	v11 =	vmul.f32 $1.442695020e+00, v11  }
0x3fd: {  	v18 =	vld [tilespmem:$0x1FB80]  }
0x3fe: {  	v10 =	vpop (erf);
	(erf) = vpow2.f32 v11;
	v11 =	vld [tilespmem:$0x1FB00]  }
0x3ff: {  	v14 =	vld [tilespmem:$0x1FB40];
	v9 =	vmul.f32 v12, v9  }
0x400: {  	v2 =	vsel vm3, v13, v12;
	v13 =	vmul.f32 v10, v0;
	v0 =	vld [tilespmem:$0x1FB20]  }
0x401: {  	v3 =	vsub.f32 $1.000000000e+00, v49;
	[tilespmem:s9+$0xFFFFF020] =	vst v9;
	v9 =	vld [tilespmem:$0x1FB30]  }
0x402: {  	v28 =	vmul.f32 v1, v56;
	v1 =	vadd.f32 $-2.000000000e+00, v49;
	[tilespmem:s9+$0xFFFFF040] =	vst v13;
	v13 =	vld [tilespmem:$0x1FB70]  }
0x403: {  	v17 =	vld [tilespmem:$0x1FB60];
	v11 =	vmul.f32 v12, v11  }
0x404: {  	v1 =	vand.u32 $0x7FFFFFFF, v1;
	v19 =	vld [tilespmem:$0x1FBC0];
	v2 =	vsel vm4, v2, v10;
	v12 =	vpop (erf)  }
0x405: {  	[tilespmem:s9+$0xFFFFF030] =	vst v11;
	v11 =	vld [tilespmem:$0x1FB50];
	v14 =	vmul.f32 v12, v14;
	v10 =	vmul.f32 v10, v0;
	v0 =	vmax.f32 v3, $0.0e+00;
	v3 =	vpop (erf)  }
0x406: {  	v2 =	vsel vm5, v2, v12;
	v9 =	vmul.f32 v12, v9;
	v12 =	vld [tilespmem:$0x1FBA0];
	v15 =	vnsel vm2, $0x0, v3;
	v16 =	vpop (erf)  }
0x407: {  	v15 =	vsel vm3, v15, v16;
	v13 =	vmul.f32 v16, v13;
	v16 =	vmul.f32 v16, v18;
	[tilespmem:s9+$0xFFFFF050] =	vst v10;
	v10 =	vld [tilespmem:$0x1FB90]  }
0x408: {  	v1 =	vsub.f32 $1.000000000e+00, v1;
	[tilespmem:s9+$0xFFFFF060] =	vst v9;
	v9 =	vld [tilespmem:$0x1FBB0]  }
0x409: {  	[tilespmem:s9+$0xFFFFF0B0] =	vst v16;
	v16 =	vld [tilespmem:$0x1FBD0]  }
0x40a: {  	v1 =	vmax.f32 v1, $0.0e+00;
	v11 =	vmul.f32 v3, v11;
	v3 =	vmul.f32 v3, v17;
	v17 =	vpop (erf)  }
0x40b: {  	v1 =	vmul.f32 v1, v56;
	v18 =	vpop (erf)  }
0x40c: {  	v5 =	vmax.f32 v5, $0.0e+00;
	[tilespmem:s9+$0xFFFFF070] =	vst v14;
	v19 =	vmul.f32 v18, v19;
	v12 =	vmul.f32 v17, v12  }
0x40d: {  	v15 =	vsel vm4, v15, v17;
	v23 =	vld [tilespmem:s29+$0xA0];
	[tilespmem:s9+$0xFFFFF080] =	vst v11;
	v10 =	vmul.f32 v17, v10;
	v17 =	vpop (erf);
	v9 =	vmul.f32 v18, v9  }
0x40e: {  	[tilespmem:s9+$0xFFFFF090] =	vst v3;
	v3 =	vsel vm5, v15, v18;
	v21 =	vpop (erf);
	v14 =	vmul.f32 v17, v34;
	v24 =	vmul.f32 v16, v29;
	v16 =	vld [tilespmem:$0x1FBE0]  }
0x40f: {  	[tilespmem:s9+$0xFFFFF0D0] =	vst v12;
	v12 =	vld [tilespmem:$0x1FC10];
	v20 =	vnsel vm2, $0x0, v17;
	v17 =	vmul.f32 v17, v33;
	v22 =	vpop (erf);
	v11 =	vmul.f32 v21, v32  }
0x410: {  	v20 =	vsel vm3, v20, v21;
	v21 =	vmul.f32 v21, v31;
	[tilespmem:s9+$0xFFFFF0C0] =	vst v10;
	v10 =	vld [tilespmem:$0x1FBF0];
	v15 =	vmul.f32 v22, v44  }
0x411: {  	s18 =	smov.u32 s19;
	s19 =	sadd.s32 $0x4, s19;
	v20 =	vsel vm4, v20, v22;
	v26 =	vpop (erf);
	v18 =	vmul.f32 v22, v45;
	[tilespmem:s9+$0xFFFFF110] =	vst v17;
	v17 =	vmul.f32 v8, v56;
	v8 =	vld [tilespmem:$0x1FC20]  }
0x412: {  	s31 =	sand.u32 $0xC, s19;
	[tilespmem:s9+$0xFFFFF0A0] =	vst v13;
	v13 =	vmul.f32 v26, v30;
	v22 =	vmul.f32 v26, v27;
	v20 =	vsel vm5, v20, v26;
	v26 =	vld [tilespmem:$0x1FC00]  }
0x413: {  	v5 =	vmul.f32 v5, v56;
	[tilespmem:s9+$0xFFFFF130] =	vst v21;
	v21 =	vld [tilespmem:$0x1FC60];
	v25 =	vmul.f32 v16, v29;
	v16 =	vmov s31  }
0x414: {  	v4 =	vmax.f32 v4, $0.0e+00;
	v6 =	vmul.f32 v6, v56;
	[tilespmem:s9+$0xFFFFF0F0] =	vst v19;
	v16 =	vperm.xlane v23, v16;
	v23 =	vld [tilespmem:$0x1FC30]  }
0x415: {  	v4 =	vmul.f32 v4, v56;
	[tilespmem:s9+$0xFFFFF100] =	vst v14;
	v14 =	vmul.f32 v7, v56  }
0x416: {  	[tilespmem:s9+$0xFFFFF0E0] =	vst v9;
	v12 =	vmul.f32 v12, v29;
	v10 =	vmul.f32 v10, v29;
	s31 =	sadd.s32 $0x5, s18;
	s18 =	sadd.s32 $0x6, s18;
	v9 =	vand.u32 $0x7, v16  }
0x417: {  	[tilespmem:s9+$0x1F0] =	vst v28;
	s18 =	sand.u32 $0xE, s18;
	v26 =	vmul.f32 v26, v29;
	v19 =	vcvt.s32.f32 v9;
	v9 =	vld [tilespmem:s29+$0xA0]  }
0x418: {  	[tilespmem:s9+$0xFFFFF120] =	vst v11;
	v11 =	vld [tilespmem:$0x1FC40];
	v7 =	vmov s18;
	v28 =	vmul.f32 v21, v29;
	v29 =	vmul.f32 v0, v56  }
0x419: {  	v37 =	vmovc v2;
	s30 =	sand.u32 $0xD, s31;
	v27 =	vmul.f32 v8, v23;
	v2 =	vadd.f32 $-1.000000000e+00, v19;
	v8 =	vadd.f32 $-2.000000000e+00, v19;
	v23 =	vld [tilespmem:$0x1FC50]  }
0x41a: {  	[tilespmem:s9+$0x1A0] =	vst v1;
	v32 =	vmovc v3;
	v33 =	vmovc v20;
	v16 =	vmov s30;
	v3 =	vadd.f32 $-3.000000000e+00, v19;
	v20 =	vadd.f32 $-5.000000000e+00, v19  }
0x41b: {  	[tilespmem:s9+$0xFFFFF140] =	vst v15;
	v21 =	vadd.f32 $-6.000000000e+00, v19;
	v15 =	vadd.f32 $-7.000000000e+00, v19;
	v2 =	vand.u32 $0x7FFFFFFF, v2  }
0x41c: {  	[tilespmem:s9+$0xFFFFF150] =	vst v18;
	v8 =	vand.u32 $0x7FFFFFFF, v8;
	v3 =	vand.u32 $0x7FFFFFFF, v3;
	v9 =	vperm.xlane v9, v16  }
0x41d: {  	[tilespmem:s9+$0xFFFFF160] =	vst v13;
	v20 =	vand.u32 $0x7FFFFFFF, v20;
	v13 =	vand.u32 $0x7FFFFFFF, v21;
	v15 =	vand.u32 $0x7FFFFFFF, v15  }
0x41e: {  	[tilespmem:s9+$0xFFFFF170] =	vst v22;
	v11 =	vmul.f32 v11, v23;
	v23 =	vadd.f32 $-4.000000000e+00, v19;
	v9 =	vand.u32 $0x7, v9  }
0x41f: {  	[tilespmem:s9+$0x190] =	vst v6;
	v2 =	vsub.f32 $1.000000000e+00, v2;
	v3 =	vsub.f32 $1.000000000e+00, v3;
	v16 =	vcvt.s32.f32 v9;
	v9 =	vld [tilespmem:s29+$0xA0]  }
0x420: {  	v8 =	vsub.f32 $1.000000000e+00, v8;
	v6 =	vsub.f32 $1.000000000e+00, v20;
	[tilespmem:s20+$0x130] =	vst v24;
	v18 =	vand.u32 $0x7FFFFFFF, v23  }
0x421: {  	v1 =	vmax.f32 v3, $0.0e+00;
	[tilespmem:s20+$0x160] =	vst v26;
	v26 =	vsub.f32 $1.000000000e+00, v15;
	v21 =	vsub.f32 $1.000000000e+00, v18  }
0x422: {  	[tilespmem:s20+$0x140] =	vst v25;
	v24 =	vmax.f32 v2, $0.0e+00;
	v0 =	vadd.f32 $-1.000000000e+00, v16;
	v2 =	vadd.f32 $-2.000000000e+00, v16  }
0x423: {  	[tilespmem:s20+$0x150] =	vst v10;
	v25 =	vmax.f32 v8, $0.0e+00;
	v8 =	vadd.f32 $-3.000000000e+00, v16;
	v10 =	vadd.f32 $-4.000000000e+00, v16  }
0x424: {  	v18 =	vand.u32 $0x7FFFFFFF, v0;
	v0 =	vadd.f32 $-5.000000000e+00, v16;
	v23 =	vperm.xlane v9, v7  }
0x425: {  	v6 =	vmax.f32 v6, $0.0e+00;
	[tilespmem:s20+$0x170] =	vst v12;
	v22 =	vadd.f32 $-6.000000000e+00, v16;
	v12 =	vadd.f32 $-7.000000000e+00, v16  }
0x426: {  	v2 =	vand.u32 $0x7FFFFFFF, v2;
	v9 =	vand.u32 $0x7FFFFFFF, v0;
	v0 =	vand.u32 $0x7, v23  }
0x427: {  	[tilespmem:s9+$0x1B0] =	vst v5;
	v31 =	vand.u32 $0x7FFFFFFF, v8;
	v10 =	vand.u32 $0x7FFFFFFF, v10;
	v0 =	vcvt.s32.f32 v0  }
0x428: {  	[tilespmem:s9+$0x1C0] =	vst v4;
	v8 =	vand.u32 $0x7FFFFFFF, v22;
	v18 =	vsub.f32 $1.000000000e+00, v18;
	v30 =	vsub.f32 $1.000000000e+00, v2  }
0x429: {  	p0 =	slt.u32 s19, $0x1C;
	[tilespmem:s9+$0x1D0] =	vst v14;
	v5 =	vmax.f32 v21, $0.0e+00;
	v23 =	vsub.f32 $1.000000000e+00, v13;
	v3 =	vadd.f32 $-1.000000000e+00, v0  }
.Ltmp2:
0x42a: {  	[tilespmem:s9+$0x1E0] =	vst v17;
	v7 =	vand.u32 $0x7FFFFFFF, v12;
	v4 =	vadd.f32 $-2.000000000e+00, v0;
	v12 =	vadd.f32 $-3.000000000e+00, v0;
	(pc) =	sbr.rel @p0 .LBB2_7-.Ltmp2, $4  }
0x42b: {  	[tilespmem:s9+$0x180] =	vst v29;
	v13 =	vadd.f32 $-4.000000000e+00, v0;
	v14 =	vadd.f32 $-6.000000000e+00, v0;
	v21 =	vand.u32 $0x7FFFFFFF, v3  }
0x42c: {  	[tilespmem:s20+$0x0] =	vst v27;
	v3 =	vadd.f32 $-5.000000000e+00, v0;
	v27 =	vand.u32 $0x7FFFFFFF, v4;
	v4 =	vadd.f32 $-7.000000000e+00, v0  }
0x42d: {  	[tilespmem:s20+$0x100] =	vst v28;
	v29 =	vsub.f32 $1.000000000e+00, v31;
	v20 =	vand.u32 $0x7FFFFFFF, v12;
	v22 =	vand.u32 $0x7FFFFFFF, v13  }
0x42e: {  	s10 =	sadd.s32 $0x200, s10;
	[tilespmem:s20+$0x80] =	vst v11;
	s20 =	smov.u32 s9;
	v11 =	vand.u32 $0x7FFFFFFF, v14;
	v17 =	vand.u32 $0x7FFFFFFF, v3;
	v12 =	vand.u32 $0x7FFFFFFF, v4  }
0x42f: {  	v2 =	vmul.f32 v24, v37  }
0x430: {  	v3 =	vmul.f32 v25, v37  }
0x431: {  	v1 =	vmul.f32 v1, v37;
	[tilespmem:s9+$0x10] =	vst v2  }
0x432: {  	v4 =	vmul.f32 v6, v37;
	v54 =	vmax.f32 v29, $0.0e+00;
	[tilespmem:s9+$0x20] =	vst v3  }
0x433: {  	v6 =	vmul.f32 v54, v32;
	[tilespmem:s9+$0x30] =	vst v1  }
0x434: {  	v2 =	vmul.f32 v5, v37;
	v3 =	vmax.f32 v23, $0.0e+00;
	[tilespmem:s9+$0x50] =	vst v4  }
0x435: {  	v56 =	vsub.f32 $1.000000000e+00, v27;
	v1 =	vmax.f32 v26, $0.0e+00;
	v3 =	vmul.f32 v3, v37;
	[tilespmem:s9+$0xB0] =	vst v6  }
0x436: {  	v5 =	vmax.f32 v30, $0.0e+00;
	v1 =	vmul.f32 v1, v37;
	[tilespmem:s9+$0x40] =	vst v2  }
0x437: {  	v4 =	vsub.f32 $1.000000000e+00, v10;
	v5 =	vmul.f32 v5, v32;
	v6 =	vmax.f32 v56, $0.0e+00;
	[tilespmem:s9+$0x60] =	vst v3  }
0x438: {  	v2 =	vmax.f32 v18, $0.0e+00;
	v6 =	vmul.f32 v6, v33;
	v3 =	vsub.f32 $1.000000000e+00, v9;
	[tilespmem:s9+$0x70] =	vst v1  }
0x439: {  	v4 =	vmax.f32 v4, $0.0e+00;
	v2 =	vmul.f32 v2, v32;
	v1 =	vsub.f32 $1.000000000e+00, v8;
	[tilespmem:s9+$0xA0] =	vst v5  }
0x43a: {  	v4 =	vmul.f32 v4, v32;
	v5 =	vsub.f32 $1.000000000e+00, v21;
	[tilespmem:s9+$0x120] =	vst v6;
	v3 =	vmax.f32 v3, $0.0e+00  }
0x43b: {  	v0 =	vsub.f32 $1.000000000e+00, v0;
	[tilespmem:s9+$0x90] =	vst v2;
	v1 =	vmax.f32 v1, $0.0e+00;
	v3 =	vmul.f32 v3, v32  }
0x43c: {  	v2 =	vsub.f32 $1.000000000e+00, v7;
	[tilespmem:s9+$0xC0] =	vst v4;
	v5 =	vmax.f32 v5, $0.0e+00;
	v1 =	vmul.f32 v1, v32  }
0x43d: {  	v0 =	vmax.f32 v0, $0.0e+00;
	v4 =	vsub.f32 $1.000000000e+00, v20;
	v5 =	vmul.f32 v5, v33;
	[tilespmem:s9+$0xD0] =	vst v3  }
0x43e: {  	v0 =	vmul.f32 v0, v33;
	v2 =	vmax.f32 v2, $0.0e+00;
	v3 =	vsub.f32 $1.000000000e+00, v22;
	[tilespmem:s9+$0xE0] =	vst v1  }
0x43f: {  	v4 =	vmax.f32 v4, $0.0e+00;
	v2 =	vmul.f32 v2, v32;
	v1 =	vsub.f32 $1.000000000e+00, v17;
	[tilespmem:s9+$0x110] =	vst v5  }
0x440: {  	v4 =	vmul.f32 v4, v33;
	v5 =	vsub.f32 $1.000000000e+00, v12;
	[tilespmem:s20+$0x100] =	vst v0;
	v3 =	vmax.f32 v3, $0.0e+00  }
0x441: {  	[tilespmem:s9+$0xF0] =	vst v2;
	v2 =	vsub.f32 $1.000000000e+00, v11;
	v1 =	vmax.f32 v1, $0.0e+00;
	v3 =	vmul.f32 v3, v33  }
0x442: {  	v58 =	vsub.f32 $1.000000000e+00, v19;
	[tilespmem:s20+$0x130] =	vst v4;
	v5 =	vmax.f32 v5, $0.0e+00;
	v1 =	vmul.f32 v1, v33  }
0x443: {  	v4 =	vsub.f32 $1.000000000e+00, v16;
	v5 =	vmul.f32 v5, v33;
	v2 =	vmax.f32 v2, $0.0e+00;
	[tilespmem:s20+$0x140] =	vst v3  }
0x444: {  	s17 =	sadd.s32 $0x1, s17;
	v2 =	vmul.f32 v2, v33;
	v3 =	vmax.f32 v58, $0.0e+00;
	[tilespmem:s20+$0x150] =	vst v1  }
0x445: {  	p0 =	sne.s32 s17, $0xA2;
	v1 =	vmax.f32 v4, $0.0e+00;
	[tilespmem:s20+$0x170] =	vst v5;
	v3 =	vmul.f32 v3, v37  }
.Ltmp3:
0x446: {  	v1 =	vmul.f32 v1, v32;
	[tilespmem:s20+$0x160] =	vst v2;
	(pc) =	sbr.rel @p0 .LBB2_4-.Ltmp3, $4  }
0x447: {  	[tilespmem:s20+$0x0] =	vst v3  }
0x448: {  	[tilespmem:s20+$0x80] =	vst v1  }
0x449: {  	v2 =	vld [tilespmem:$0x1FF90]  }
0x44a: {  	[spmem:s14] =	stream.indirect.scatter.add.f32 [tilespmem:s7], [sflag:$0x6], $0x80, s6, s2, $0xb8;
	v3 =	vld [tilespmem:$0x1FFA0]  }
0x44b: {  	s8 =	simm.s32 $0x5  }
0x44c: {  	_ =	swait.ge [sflag:s8], $0x2000  }
0x44d: {  	[sflag:s8] =	ssyncset.done $0x0  }
0x44e: {  	s21 =	simm.s32 $0x6;
	[sflag:s8] =	ssyncadd.s32 $0xFFFFE000  }
0x44f: {  	_ =	swait.ge [sflag:s21], $0x2000  }
0x450: {  	[sflag:s21] =	ssyncset.done $0x0  }
0x451: {  	[sflag:s21] =	ssyncadd.s32 $0xFFFFE000  }
0x452: {  	[bflag:$0x0] =	sbarrier.arrive $0xFFFF  }
0x453: {  	s21 =	rddreg [dreg:$0xf]  }
0x454: {  	[tilespmem:s24], [sflag:$0x7] =	stream.linear.gather [spmem:s21], $0x2000, $0x38;
	[tilespmem:$0x1EA80] =	vst v63  }
0x455: {  	_ =	swait.ge [sflag:s25], $0x2000  }
0x456: {  	[sflag:s25] =	ssyncset.done $0x0  }
0x457: {  	s31 =	rddreg [dreg:$0x4];
	[sflag:s25] =	ssyncadd.s32 $0xFFFFE000  }
0x458: {  	[hbm4b:s31+s1] =	stream.linear.scatter [tilespmem:s24], [sflag:$0x7], $0x2000, $0x38;
	[tilespmem:$0x1EA80] =	vst v63  }
0x459: {  	_ =	swait.ge [sflag:s25], $0x2000  }
0x45a: {  	[sflag:s25] =	ssyncset.done $0x0  }
0x45b: {  	s9 =	rddreg [dreg:$0x16];
	[sflag:s25] =	ssyncadd.s32 $0xFFFFE000  }
0x45c: {  	[tilespmem:s24], [sflag:$0x7] =	stream.linear.gather [spmem:s9], $0x2000, $0x38;
	[tilespmem:$0x1EA80] =	vst v63  }
0x45d: {  	_ =	swait.ge [sflag:s25], $0x2000  }
0x45e: {  	[sflag:s25] =	ssyncset.done $0x0  }
0x45f: {  	s10 =	rddreg [dreg:$0x5];
	[sflag:s25] =	ssyncadd.s32 $0xFFFFE000  }
0x460: {  	[hbm4b:s10+s1] =	stream.linear.scatter [tilespmem:s24], [sflag:$0x7], $0x2000, $0x38;
	[tilespmem:$0x1EA80] =	vst v63  }
0x461: {  	_ =	swait.ge [sflag:s25], $0x2000  }
0x462: {  	[sflag:s25] =	ssyncset.done $0x0  }
0x463: {  	s17 =	rddreg [dreg:$0x17];
	[sflag:s25] =	ssyncadd.s32 $0xFFFFE000  }
0x464: {  	[tilespmem:s24], [sflag:$0x7] =	stream.linear.gather [spmem:s17], $0x2000, $0x38;
	[tilespmem:$0x1EA80] =	vst v63  }
0x465: {  	_ =	swait.ge [sflag:s25], $0x2000  }
0x466: {  	[sflag:s25] =	ssyncset.done $0x0  }
0x467: {  	s18 =	rddreg [dreg:$0x6];
	[sflag:s25] =	ssyncadd.s32 $0xFFFFE000  }
0x468: {  	[hbm4b:s18+s1] =	stream.linear.scatter [tilespmem:s24], [sflag:$0x7], $0x2000, $0x38;
	[tilespmem:$0x1EA80] =	vst v63  }
0x469: {  	_ =	swait.ge [sflag:s25], $0x2000  }
0x46a: {  	[sflag:s25] =	ssyncset.done $0x0  }
0x46b: {  	s19 =	rddreg [dreg:$0x18];
	[sflag:s25] =	ssyncadd.s32 $0xFFFFE000  }
0x46c: {  	[tilespmem:s24], [sflag:$0x7] =	stream.linear.gather [spmem:s19], $0x2000, $0x38;
	[tilespmem:$0x1EA80] =	vst v63  }
0x46d: {  	_ =	swait.ge [sflag:s25], $0x2000  }
0x46e: {  	[sflag:s25] =	ssyncset.done $0x0  }
0x46f: {  	s20 =	rddreg [dreg:$0x7];
	[sflag:s25] =	ssyncadd.s32 $0xFFFFE000  }
0x470: {  	[hbm4b:s20+s1] =	stream.linear.scatter [tilespmem:s24], [sflag:$0x7], $0x2000, $0x38;
	[tilespmem:$0x1EA80] =	vst v63  }
0x471: {  	_ =	swait.ge [sflag:s25], $0x2000  }
0x472: {  	[sflag:s25] =	ssyncset.done $0x0  }
0x473: {  	s31 =	rddreg [dreg:$0x19];
	[sflag:s25] =	ssyncadd.s32 $0xFFFFE000  }
0x474: {  	[tilespmem:s24], [sflag:$0x7] =	stream.linear.gather [spmem:s31], $0x2000, $0x38;
	[tilespmem:$0x1EA80] =	vst v63  }
0x475: {  	_ =	swait.ge [sflag:s25], $0x2000  }
0x476: {  	[sflag:s25] =	ssyncset.done $0x0  }
0x477: {  	s9 =	rddreg [dreg:$0x8];
	[sflag:s25] =	ssyncadd.s32 $0xFFFFE000  }
0x478: {  	[hbm4b:s9+s1] =	stream.linear.scatter [tilespmem:s24], [sflag:$0x7], $0x2000, $0x38;
	[tilespmem:$0x1EA80] =	vst v63  }
0x479: {  	_ =	swait.ge [sflag:s25], $0x2000  }
0x47a: {  	[sflag:s25] =	ssyncset.done $0x0  }
0x47b: {  	s10 =	rddreg [dreg:$0x1a];
	[sflag:s25] =	ssyncadd.s32 $0xFFFFE000  }
0x47c: {  	[tilespmem:s24], [sflag:$0x7] =	stream.linear.gather [spmem:s10], $0x2000, $0x38;
	[tilespmem:$0x1EA80] =	vst v63  }
0x47d: {  	_ =	swait.ge [sflag:s25], $0x2000  }
0x47e: {  	[sflag:s25] =	ssyncset.done $0x0  }
0x47f: {  	s17 =	rddreg [dreg:$0x9];
	[sflag:s25] =	ssyncadd.s32 $0xFFFFE000  }
0x480: {  	[hbm4b:s17+s1] =	stream.linear.scatter [tilespmem:s24], [sflag:$0x7], $0x2000, $0x38;
	[tilespmem:$0x1EA80] =	vst v63  }
0x481: {  	_ =	swait.ge [sflag:s25], $0x2000  }
0x482: {  	[sflag:s25] =	ssyncset.done $0x0  }
0x483: {  	s18 =	rddreg [dreg:$0x1b];
	[sflag:s25] =	ssyncadd.s32 $0xFFFFE000  }
0x484: {  	[tilespmem:s24], [sflag:$0x7] =	stream.linear.gather [spmem:s18], $0x2000, $0x38;
	[tilespmem:$0x1EA80] =	vst v63  }
0x485: {  	_ =	swait.ge [sflag:s25], $0x2000  }
0x486: {  	[sflag:s25] =	ssyncset.done $0x0  }
0x487: {  	s19 =	rddreg [dreg:$0xa];
	[sflag:s25] =	ssyncadd.s32 $0xFFFFE000  }
0x488: {  	[hbm4b:s19+s1] =	stream.linear.scatter [tilespmem:s24], [sflag:$0x7], $0x2000, $0x38;
	[tilespmem:$0x1EA80] =	vst v63  }
0x489: {  	_ =	swait.ge [sflag:s25], $0x2000  }
0x48a: {  	[sflag:s25] =	ssyncset.done $0x0  }
0x48b: {  	s20 =	rddreg [dreg:$0x1c];
	[sflag:s25] =	ssyncadd.s32 $0xFFFFE000  }
0x48c: {  	[tilespmem:s24], [sflag:$0x7] =	stream.linear.gather [spmem:s20], $0x2000, $0x38;
	[tilespmem:$0x1EA80] =	vst v63  }
0x48d: {  	_ =	swait.ge [sflag:s25], $0x2000  }
0x48e: {  	[sflag:s25] =	ssyncset.done $0x0  }
0x48f: {  	s31 =	rddreg [dreg:$0xb];
	[sflag:s25] =	ssyncadd.s32 $0xFFFFE000  }
0x490: {  	[hbm4b:s31+s1] =	stream.linear.scatter [tilespmem:s24], [sflag:$0x7], $0x2000, $0x38;
	[tilespmem:$0x1EA80] =	vst v63  }
0x491: {  	_ =	swait.ge [sflag:s25], $0x2000  }
0x492: {  	[sflag:s25] =	ssyncset.done $0x0  }
0x493: {  	s9 =	rddreg [dreg:$0x1d];
	[sflag:s25] =	ssyncadd.s32 $0xFFFFE000  }
0x494: {  	[tilespmem:s24], [sflag:$0x7] =	stream.linear.gather [spmem:s9], $0x2000, $0x38;
	[tilespmem:$0x1EA80] =	vst v63  }
0x495: {  	_ =	swait.ge [sflag:s25], $0x2000  }
0x496: {  	[sflag:s25] =	ssyncset.done $0x0  }
0x497: {  	s10 =	rddreg [dreg:$0xc];
	[sflag:s25] =	ssyncadd.s32 $0xFFFFE000  }
0x498: {  	[hbm4b:s10+s1] =	stream.linear.scatter [tilespmem:s24], [sflag:$0x7], $0x2000, $0x38;
	[tilespmem:$0x1EA80] =	vst v63  }
0x499: {  	_ =	swait.ge [sflag:s25], $0x2000  }
0x49a: {  	[sflag:s25] =	ssyncset.done $0x0  }
0x49b: {  	s17 =	rddreg [dreg:$0x1e];
	[sflag:s25] =	ssyncadd.s32 $0xFFFFE000  }
0x49c: {  	[tilespmem:s24], [sflag:$0x7] =	stream.linear.gather [spmem:s17], $0x2000, $0x38;
	[tilespmem:$0x1EA80] =	vst v63  }
0x49d: {  	_ =	swait.ge [sflag:s25], $0x2000  }
0x49e: {  	[sflag:s25] =	ssyncset.done $0x0  }
0x49f: {  	s18 =	rddreg [dreg:$0xd];
	[sflag:s25] =	ssyncadd.s32 $0xFFFFE000  }
0x4a0: {  	[hbm4b:s18+s1] =	stream.linear.scatter [tilespmem:s24], [sflag:$0x7], $0x2000, $0x38;
	[tilespmem:$0x1EA80] =	vst v63  }
0x4a1: {  	_ =	swait.ge [sflag:s25], $0x2000  }
0x4a2: {  	[sflag:s25] =	ssyncset.done $0x0  }
0x4a3: {  	s29 =	rddreg [dreg:$0x10];
	[sflag:s25] =	ssyncadd.s32 $0xFFFFE000  }
0x4a4: {  	[tilespmem:s24], [sflag:$0x7] =	stream.linear.gather [spmem:s29], $0x2000, $0x38;
	[tilespmem:$0x1EA80] =	vst v63  }
0x4a5: {  	_ =	swait.ge [sflag:s25], $0x2000  }
0x4a6: {  	[sflag:s25] =	ssyncset.done $0x0  }
0x4a7: {  	s19 =	rddreg [dreg:$0x13];
	[sflag:s25] =	ssyncadd.s32 $0xFFFFE000  }
0x4a8: {  	[hbm4b:s19+s1] =	stream.linear.scatter [tilespmem:s24], [sflag:$0x7], $0x2000, $0x38;
	[tilespmem:$0x1EA80] =	vst v63  }
0x4a9: {  	_ =	swait.ge [sflag:s25], $0x2000  }
0x4aa: {  	[sflag:s25] =	ssyncset.done $0x0  }
0x4ab: {  	s30 =	rddreg [dreg:$0x11];
	[sflag:s25] =	ssyncadd.s32 $0xFFFFE000  }
0x4ac: {  	[tilespmem:s24], [sflag:$0x7] =	stream.linear.gather [spmem:s30], $0x2000, $0x38;
	[tilespmem:$0x1EA80] =	vst v63  }
0x4ad: {  	_ =	swait.ge [sflag:s25], $0x2000  }
0x4ae: {  	[sflag:s25] =	ssyncset.done $0x0  }
0x4af: {  	s20 =	rddreg [dreg:$0x14];
	[sflag:s25] =	ssyncadd.s32 $0xFFFFE000  }
0x4b0: {  	[hbm4b:s20+s1] =	stream.linear.scatter [tilespmem:s24], [sflag:$0x7], $0x2000, $0x38;
	[tilespmem:$0x1EA80] =	vst v63  }
0x4b1: {  	_ =	swait.ge [sflag:s25], $0x2000  }
0x4b2: {  	s9 =	sld [smem:$0x7F5];
	_ =	sdelay $0x2  }
0x4b3: {  	s31 =	rddreg [dreg:$0x15];
	s9 =	sadd.s32 $0x1, s9  }
0x4b4: {  	p0 =	sne.s32 s9, s31  }
.Ltmp4:
0x4b5: {  	_ = 	snop;
	(pc) =	sbr.rel @p0 .LBB2_1-.Ltmp4, $3  }
0x4b6: {  	_ =	sdelay $0x1  }
0x4b7: {  	[sflag:s25] =	ssyncset.done $0x0  }
0x4b8: {  	v2 =	vimm.f32 $0.0e+00;
	[sflag:s25] =	ssyncadd.s32 $0xFFFFE000  }
0x4b9: {  	_ =	sfence.sel $0x180000  }
0x4ba: {  	[bflag:$0x0] =	sbarrier.arrive $0xFFFF  }
0x4bb: {  	_ =	strace $0x90000047  }
0x4bc: {  	s0 =	stileid.u32;
	[bflag:$0x2] =	sbarrier.arrive $0xFFFF  }
0x4bd: {  	p0 =	sne.s32 s0, $0x0;
	s0 =	rddreg [dreg:$0x3]  }
0x4be: {  	s0 =	sadd.s32 @!p0 $0x100000, s0  }
0x4bf: {  	[sflag:s0] =	ssyncadd.tile.s32 @!p0 $0x1;
	_ =	shalt  }
.Lfunc_end2:
_tile_overlayer_lowered:
.L_overlay_start_2:
0x4c0: {  	(tag) =	ssettag $0x2  }
0x4c1: {  	s0 =	rddreg [dreg:$0x0];
	s2 =	stileid.u32  }
0x4c2: {  	s1 =	rddreg [dreg:$0x1];
	p0 =	sne.s32 s2, $0x0  }
0x4c3: {  	s3 =	rddreg [dreg:$0x2];
	[bflag:$0x3] =	sbarrier.arrive $0xFFFF;
	s2 =	simm.s32 @!p0 $0x1C07  }
0x4c4: {  	[timem:s3], [sflag:s2] =	dma.local @!p0 [hbm:s0], s1  }
0x4c5: {  	s0 =	simm.s32 @!p0 $0x7  }
0x4c6: {  	_ =	swait.ge @!p0 [sflag:s0], s1  }
0x4c7: {  	s1 =	ssub.s32 @!p0 $0x0, s1;
	[sflag:s0] =	ssyncset.done @!p0 $0x0  }
0x4c8: {  	[sflag:s0] =	ssyncadd.s32 @!p0 s1  }
0x4c9: {  	[bflag:$0x3] =	sbarrier.arrive $0xFFFF  }
0x4ca: {  	_ =	shalt  }

</sc_bundles>
